<compile_context>
chip_gen: v7x
topology: tpu7x:2x2x1
jax: 0.10.2.dev20260603
libtpu: 0.0.44.dev20260713+nightly
codegen_flags: <defaults>
</compile_context>

<pallas_src>
import functools
import jax
import jax.numpy as jnp
from jax import lax
from jax.experimental import pallas as pl
from jax.experimental.pallas import tpu as pltpu
from jax.experimental.pallas import tpu_sc as plsc

D = 128
B = 4
H = 384
NC, NS, L = 2, 16, 16
NW = NC * NS
ROWS_PER_CHUNK = 16
CHUNKS_PER_B = H // ROWS_PER_CHUNK
NTASK = B * CHUNKS_PER_B
CHUNKS_PER_W = NTASK // NW
VPR = H // L

H0, S0, WIN0 = 96, 4, 6
H1, S1, WIN1 = 48, 8, 4
K0 = WIN0 * H0
K1 = WIN1 * H1
SLAB0 = D * K0
SLAB1 = D * K1
DEPW = ROWS_PER_CHUNK * H

STEP = 7.8125
INV_STEP = 0.128
TC_SUB = 8


def _sc_stage(depths_flat):
    mesh = plsc.VectorSubcoreMesh(
        core_axis_name="c", subcore_axis_name="s", num_cores=NC, num_subcores=NS
    )

    out_type = (
        jax.ShapeDtypeStruct((NTASK, SLAB0), jnp.float32),
        jax.ShapeDtypeStruct((NTASK, SLAB1), jnp.float32),
    )

    @functools.partial(
        pl.kernel,
        out_type=out_type,
        mesh=mesh,
        compiler_params=pltpu.CompilerParams(needs_layout_passes=False),
        scratch_types=[
            pltpu.VMEM((SLAB0,), jnp.float32),
            pltpu.VMEM((SLAB1,), jnp.float32),
            pltpu.VMEM((2, DEPW), jnp.float32),
            pltpu.SemaphoreType.DMA,
            pltpu.SemaphoreType.DMA,
            pltpu.SemaphoreType.DMA,
        ],
    )
    def sc_kernel(dep_hbm, out0_hbm, out1_hbm, slab0, slab1, dep2, sem0, sem1, semd):
        wid = lax.axis_index("s") * NC + lax.axis_index("c")

        zeros16 = jnp.zeros((L,), jnp.float32)
        lane = lax.iota(jnp.int32, L)
        lanef = lane.astype(jnp.float32)
        xi0a = lax.div(2 * lane + (S0 + 1), jnp.full((L,), 2 * S0, jnp.int32)) - 1
        fxa = lanef * (1.0 / S0) + (0.5 / S0 - 0.5) - xi0a.astype(jnp.float32)
        xi1a = xi0a + 1
        wx0a = 1.0 - fxa
        wx1a = fxa
        xi0b = lax.div(2 * lane + (S1 + 1), jnp.full((L,), 2 * S1, jnp.int32)) - 1
        fxb = lanef * (1.0 / S1) + (0.5 / S1 - 0.5) - xi0b.astype(jnp.float32)
        xi1b = xi0b + 1
        wx0b = 1.0 - fxb
        wx1b = fxb

        def dep_start(c):
            t = c * NW + wid
            b = t // CHUNKS_PER_B
            rc = t - b * CHUNKS_PER_B
            return pltpu.make_async_copy(
                dep_hbm.at[pl.ds(b * (H * H) + rc * DEPW, DEPW)],
                dep2.at[c % 2],
                semd,
            )

        dep_start(0).start()

        for c in range(CHUNKS_PER_W):
            t = c * NW + wid
            b = t // CHUNKS_PER_B
            rc = t - b * CHUNKS_PER_B
            base0 = jnp.maximum(S0 * rc - 1, 0)
            base1 = jnp.maximum(2 * rc - 1, 0)
            cb = c % 2

            if c == 0:
                @plsc.parallel_loop(0, SLAB0 // L, unroll=8)
                def _(i):
                    slab0[pl.ds(i * L, L)] = zeros16

                @plsc.parallel_loop(0, SLAB1 // L, unroll=8)
                def _(i):
                    slab1[pl.ds(i * L, L)] = zeros16

            dep_start(c).wait()
            if c + 1 < CHUNKS_PER_W:
                dep_start(c + 1).start()

            @plsc.parallel_loop(0, ROWS_PER_CHUNK, unroll=2)
            def row_body(r):
                y = rc * ROWS_PER_CHUNK + r
                yv = jnp.broadcast_to(y, (L,)).astype(jnp.float32)
                y0a = lax.div(2 * y + (S0 + 1), 2 * S0) - 1
                y0av = jnp.broadcast_to(y0a, (L,)).astype(jnp.float32)
                fya = yv * (1.0 / S0) + (0.5 / S0 - 0.5) - y0av
                ly0a = jnp.clip(y0a, 0, H0 - 1) - base0
                ly1a = jnp.clip(y0a + 1, 0, H0 - 1) - base0
                ha = jnp.broadcast_to(ly0a * H0, (L,))
                hb = jnp.broadcast_to(ly1a * H0, (L,))
                w00 = (1.0 - fya) * wx0a
                w01 = (1.0 - fya) * wx1a
                w10 = fya * wx0a
                w11 = fya * wx1a
                y0b = lax.div(2 * y + (S1 + 1), 2 * S1) - 1
                y0bv = jnp.broadcast_to(y0b, (L,)).astype(jnp.float32)
                fyb = yv * (1.0 / S1) + (0.5 / S1 - 0.5) - y0bv
                ly0b = jnp.clip(y0b, 0, H1 - 1) - base1
                ly1b = jnp.clip(y0b + 1, 0, H1 - 1) - base1
                hc = jnp.broadcast_to(ly0b * H1, (L,))
                hd = jnp.broadcast_to(ly1b * H1, (L,))
                v00 = (1.0 - fyb) * wx0b
                v01 = (1.0 - fyb) * wx1b
                v10 = fyb * wx0b
                v11 = fyb * wx1b

                @plsc.parallel_loop(0, VPR, unroll=4)
                def _(v):
                    d = dep2[cb, pl.ds((r * VPR + v) * L, L)]
                    q = d * INV_STEP
                    b0 = q.astype(jnp.int32)
                    b1 = jnp.where(b0.astype(jnp.float32) * STEP > d, b0 - 1, b0)
                    b2 = jnp.where(
                        (b1.astype(jnp.float32) + 1.0) * STEP <= d, b1 + 1, b1
                    )
                    bin_ = jnp.clip(b2, 0, D - 1)

                    ta = bin_ * K0
                    xsa = jnp.broadcast_to((L // S0) * v, (L,))
                    x0 = jnp.maximum(xi0a + xsa, 0) + ta
                    x1 = jnp.minimum(xi1a + xsa, H0 - 1) + ta
                    plsc.addupdate_scatter(slab0, [ha + x0], w00)
                    plsc.addupdate_scatter(slab0, [ha + x1], w01)
                    plsc.addupdate_scatter(slab0, [hb + x0], w10)
                    plsc.addupdate_scatter(slab0, [hb + x1], w11)

                    tb = bin_ * K1
                    xsb = jnp.broadcast_to((L // S1) * v, (L,))
                    xb0 = jnp.maximum(xi0b + xsb, 0) + tb
                    xb1 = jnp.minimum(xi1b + xsb, H1 - 1) + tb
                    plsc.addupdate_scatter(slab1, [hc + xb0], v00)
                    plsc.addupdate_scatter(slab1, [hc + xb1], v01)
                    plsc.addupdate_scatter(slab1, [hd + xb0], v10)
                    plsc.addupdate_scatter(slab1, [hd + xb1], v11)

            h0 = pltpu.make_async_copy(slab0, out0_hbm.at[t], sem0)
            h1 = pltpu.make_async_copy(slab1, out1_hbm.at[t], sem1)
            h0.start()
            h1.start()
            h0.wait()
            if c + 1 < CHUNKS_PER_W:
                @plsc.parallel_loop(0, SLAB0 // L, unroll=8)
                def _(i):
                    slab0[pl.ds(i * L, L)] = zeros16

            h1.wait()
            if c + 1 < CHUNKS_PER_W:
                @plsc.parallel_loop(0, SLAB1 // L, unroll=8)
                def _(i):
                    slab1[pl.ds(i * L, L)] = zeros16

    return sc_kernel(depths_flat)


def _tc_stage(slab0, slab1, f0t, f1t):
    C0, C1 = f0t.shape[-1], f1t.shape[-1]
    K = max(C0, C1)

    def body(slab0_ref, slab1_ref, f0_ref, f1_ref, out_ref, acc0, acc1, accc):
        t = pl.program_id(0)

        @pl.when(t == 0)
        def _():
            acc0[...] = jnp.zeros_like(acc0)
            acc1[...] = jnp.zeros_like(acc1)
            accc[...] = jnp.zeros_like(accc)

        for sub in range(TC_SUB):
            tt = TC_SUB * t + sub
            b = tt // CHUNKS_PER_B
            rc = tt - b * CHUNKS_PER_B
            base0 = jnp.maximum(S0 * rc - 1, 0)
            base1 = jnp.maximum(2 * rc - 1, 0)

            s0 = slab0_ref[sub]
            win0 = f0_ref[0, pl.ds(base0, WIN0)].reshape(K0, C0)
            win1 = f1_ref[0, pl.ds(base1, WIN1)].reshape(K1, C1)
            acc0[...] += jnp.dot(
                s0, win0,
                preferred_element_type=jnp.float32,
                precision=lax.Precision.HIGHEST,
            )
            acc1[...] += jnp.dot(
                slab1_ref[sub], win1,
                preferred_element_type=jnp.float32,
                precision=lax.Precision.HIGHEST,
            )
            accc[...] += jnp.sum(s0, axis=1, keepdims=True)

        @pl.when(t == NTASK // TC_SUB - 1)
        def _():
            counts = accc[...]
            denom = jnp.maximum(counts, 1.0)
            scale = jnp.where(counts > 0.0, 1.0 / denom, 0.0)
            out_ref[0, : C0, :] = (acc0[...] * scale).T
            out_ref[0, C0:, :] = jnp.zeros((K - C0, D), jnp.float32)
            out_ref[1, :, :] = (acc1[...] * scale).T

    return pl.pallas_call(
        body,
        grid=(NTASK // TC_SUB,),
        in_specs=[
            pl.BlockSpec((TC_SUB, D, K0), lambda t: (t, 0, 0)),
            pl.BlockSpec((TC_SUB, D, K1), lambda t: (t, 0, 0)),
            pl.BlockSpec(
                (1, H0, H0, C0),
                lambda t: ((TC_SUB * t) // CHUNKS_PER_B, 0, 0, 0),
            ),
            pl.BlockSpec(
                (1, H1, H1, C1),
                lambda t: ((TC_SUB * t) // CHUNKS_PER_B, 0, 0, 0),
            ),
        ],
        out_specs=pl.BlockSpec((2, K, D), lambda t: (0, 0, 0)),
        out_shape=jax.ShapeDtypeStruct((2, K, D), jnp.float32),
        scratch_shapes=[
            pltpu.VMEM((D, C0), jnp.float32),
            pltpu.VMEM((D, C1), jnp.float32),
            pltpu.VMEM((D, 1), jnp.float32),
        ],
    )(slab0, slab1, f0t, f1t)


def kernel(imgs, depths, fmap0, fmap1):
    del imgs
    f0t = jnp.transpose(fmap0, (0, 2, 3, 1))
    f1t = jnp.transpose(fmap1, (0, 2, 3, 1))
    depths_flat = depths.reshape(-1)
    slab0, slab1 = _sc_stage(depths_flat)
    slab0 = slab0.reshape(NTASK, D, K0)
    slab1 = slab1.reshape(NTASK, D, K1)
    return _tc_stage(slab0, slab1, f0t, f1t)

# --- scband reference (transcript-rebuilt; emitter-appended) ---
"""Pipeline reference for scband-response-compute-38259568673285 (READ-ONLY COPY).

The authoritative reference and input builder live on the scoring server;
editing this copy changes nothing except your own understanding.
"""

import jax, jax.numpy as jnp
import numpy as np

D_BINS = 128

def _bilinear_resize_nchw(x, H, W):
    B, C, _, _ = x.shape
    # jax.image.resize with 'bilinear' uses half-pixel centers, matching
    # torch F.interpolate(mode='bilinear', align_corners=False)
    return jax.image.resize(x, (B, C, H, W), method='bilinear')

def setup_inputs(seed: int = 0) -> dict:
    key = jax.random.key(seed)
    k1, k2, k3, k4 = jax.random.split(key, 4)
    imgs = jax.random.normal(k1, (4, 3, 384, 384), dtype=jnp.float32)
    # depths in [0, 1000) so they spread across the 128 histogram bins
    depths = jax.random.uniform(k2, (4, 1, 384, 384), dtype=jnp.float32) * 1000.0
    fmap0 = jax.random.normal(k3, (4, 96, 96, 96), dtype=jnp.float32)
    fmap1 = jax.random.normal(k4, (4, 192, 48, 48), dtype=jnp.float32)
    return {"imgs": imgs, "depths": depths, "fmap0": fmap0, "fmap1": fmap1}

def reference(imgs, depths, fmap0, fmap1):
    D = D_BINS
    fmap_list = [fmap0, fmap1]
    depths = depths[:, 0]  # squeeze(1) -> [B, H, W]
    channel_counts = [f.shape[1] for f in fmap_list]
    K = max(channel_counts)
    edges = jnp.linspace(0.0, 1000.0, D + 1)
    H, W = depths.shape[-2:]
    flat_depths = depths.reshape(-1)
    # torch.bucketize(..., right=True) - 1  ==  searchsorted(side='right') - 1
    bin_idx = jnp.searchsorted(edges, flat_depths, side='right') - 1
    bin_idx = jnp.clip(bin_idx, 0, D - 1)
    counts = jnp.bincount(bin_idx, length=D)  # [D]
    R_layers = []
    for fmap in fmap_list:
        A = _bilinear_resize_nchw(fmap, H, W)  # [B, C, H, W]
        C = A.shape[1]
        flat_A = jnp.transpose(A, (0, 2, 3, 1)).reshape(-1, C)  # [B*H*W, C]
        sums = jax.ops.segment_sum(flat_A, bin_idx, num_segments=D)  # [D, C]
        denom = jnp.maximum(counts, 1).astype(flat_A.dtype)[:, None]
        means = jnp.where(counts[:, None] > 0, sums / denom, 0.0)  # [D, C]
        Rl = means.T  # [C, D]
        Rl = jnp.pad(Rl, ((0, K - C), (0, 0)))  # pad channels up to K with zeros
        R_layers.append(Rl)
    return jnp.stack(R_layers, axis=0)  # [L, K, D]

if __name__ == "__main__":
    import jax
    _d = setup_inputs()
    print(jax.jit(kernel)(*tuple(_d.values())))

</pallas_src>

<mosaic_0001>
#map = affine_map<(d0, d1) -> (0)>
#map1 = affine_map<(d0, d1) -> (0, 0)>
module attributes {stable_mosaic.version = 14 : i64} {
  func.func @sc_kernel(%arg0: i32, %arg1: i32, %arg2: memref<589824xf32, #tpu.memory_space<hbm>>, %arg3: memref<96x73728xf32, #tpu.memory_space<hbm>>, %arg4: memref<96x24576xf32, #tpu.memory_space<hbm>>, %arg5: memref<73728xf32, #tpu.memory_space<vmem>>, %arg6: memref<24576xf32, #tpu.memory_space<vmem>>, %arg7: memref<2x6144xf32, #tpu.memory_space<vmem>>, %arg8: memref<!tpu.dma_semaphore, #tpu.memory_space<semaphore_mem>>, %arg9: memref<!tpu.dma_semaphore, #tpu.memory_space<semaphore_mem>>, %arg10: memref<!tpu.dma_semaphore, #tpu.memory_space<semaphore_mem>>) attributes {dimension_semantics = [#tpu.dimension_semantics<core_parallel>, #tpu.dimension_semantics<subcore_parallel>], iteration_bounds = array<i64: 2, 16>, scalar_prefetch = 0 : i64, scratch_operands = 6 : i64, tpu.core_type = #tpu.core_type<sc_vector_subcore>, window_params = [{transform_indices = #map}, {transform_indices = #map1}, {transform_indices = #map1}]} {
    %mul3A = arith.constant 2 : i32
    %mul3A_0 = arith.muli %arg1, %mul3A : i32
    %add3A = arith.addi %mul3A_0, %arg0 : i32
    %broadcast_in_dim3A = arith.constant 0.000000e+00 : f32
    %broadcast_in_dim3A_1 = vector.broadcast %broadcast_in_dim3A : f32 to vector<16xf32>
    %iota3A = tpu.iota {dimensions = array<i32: 0>} : vector<16xi32>
    %convert_element_type3A = arith.sitofp %iota3A : vector<16xi32> to vector<16xf32>
    %mul3A_2 = arith.constant 2 : i32
    %mul3A_3 = vector.broadcast %mul3A_2 : i32 to vector<16xi32>
    %mul3A_4 = arith.muli %mul3A_3, %iota3A : vector<16xi32>
    %add3A_5 = arith.constant 5 : i32
    %add3A_6 = vector.broadcast %add3A_5 : i32 to vector<16xi32>
    %add3A_7 = arith.addi %mul3A_4, %add3A_6 : vector<16xi32>
    %broadcast_in_dim3A_8 = arith.constant 8 : i32
    %broadcast_in_dim3A_9 = vector.broadcast %broadcast_in_dim3A_8 : i32 to vector<16xi32>
    %div3A = arith.divsi %add3A_7, %broadcast_in_dim3A_9 : vector<16xi32>
    %sub3A = arith.constant 1 : i32
    %sub3A_10 = vector.broadcast %sub3A : i32 to vector<16xi32>
    %sub3A_11 = arith.subi %div3A, %sub3A_10 : vector<16xi32>
    %mul3A_12 = arith.constant 2.500000e-01 : f32
    %mul3A_13 = vector.broadcast %mul3A_12 : f32 to vector<16xf32>
    %mul3A_14 = arith.mulf %convert_element_type3A, %mul3A_13 : vector<16xf32>
    %add3A_15 = arith.constant -3.750000e-01 : f32
    %add3A_16 = vector.broadcast %add3A_15 : f32 to vector<16xf32>
    %add3A_17 = arith.addf %mul3A_14, %add3A_16 : vector<16xf32>
    %convert_element_type3A_18 = arith.sitofp %sub3A_11 : vector<16xi32> to vector<16xf32>
    %sub3A_19 = arith.subf %add3A_17, %convert_element_type3A_18 : vector<16xf32>
    %add3A_20 = arith.constant 1 : i32
    %add3A_21 = vector.broadcast %add3A_20 : i32 to vector<16xi32>
    %add3A_22 = arith.addi %sub3A_11, %add3A_21 : vector<16xi32>
    %sub3A_23 = arith.constant 1.000000e+00 : f32
    %sub3A_24 = vector.broadcast %sub3A_23 : f32 to vector<16xf32>
    %sub3A_25 = arith.subf %sub3A_24, %sub3A_19 : vector<16xf32>
    %mul3A_26 = arith.constant 2 : i32
    %mul3A_27 = vector.broadcast %mul3A_26 : i32 to vector<16xi32>
    %mul3A_28 = arith.muli %mul3A_27, %iota3A : vector<16xi32>
    %add3A_29 = arith.constant 9 : i32
    %add3A_30 = vector.broadcast %add3A_29 : i32 to vector<16xi32>
    %add3A_31 = arith.addi %mul3A_28, %add3A_30 : vector<16xi32>
    %broadcast_in_dim3A_32 = arith.constant 16 : i32
    %broadcast_in_dim3A_33 = vector.broadcast %broadcast_in_dim3A_32 : i32 to vector<16xi32>
    %div3A_34 = arith.divsi %add3A_31, %broadcast_in_dim3A_33 : vector<16xi32>
    %sub3A_35 = arith.constant 1 : i32
    %sub3A_36 = vector.broadcast %sub3A_35 : i32 to vector<16xi32>
    %sub3A_37 = arith.subi %div3A_34, %sub3A_36 : vector<16xi32>
    %mul3A_38 = arith.constant 1.250000e-01 : f32
    %mul3A_39 = vector.broadcast %mul3A_38 : f32 to vector<16xf32>
    %mul3A_40 = arith.mulf %convert_element_type3A, %mul3A_39 : vector<16xf32>
    %add3A_41 = arith.constant -4.375000e-01 : f32
    %add3A_42 = vector.broadcast %add3A_41 : f32 to vector<16xf32>
    %add3A_43 = arith.addf %mul3A_40, %add3A_42 : vector<16xf32>
    %convert_element_type3A_44 = arith.sitofp %sub3A_37 : vector<16xi32> to vector<16xf32>
    %sub3A_45 = arith.subf %add3A_43, %convert_element_type3A_44 : vector<16xf32>
    %add3A_46 = arith.constant 1 : i32
    %add3A_47 = vector.broadcast %add3A_46 : i32 to vector<16xi32>
    %add3A_48 = arith.addi %sub3A_37, %add3A_47 : vector<16xi32>
    %sub3A_49 = arith.constant 1.000000e+00 : f32
    %sub3A_50 = vector.broadcast %sub3A_49 : f32 to vector<16xf32>
    %sub3A_51 = arith.subf %sub3A_50, %sub3A_45 : vector<16xf32>
    %add3A_52 = arith.constant 0 : i32
    %add3A_53 = arith.addi %add3A_52, %add3A : i32
    %jit3A = arith.constant 24 : i32
    %div3A_54 = arith.divsi %add3A_53, %jit3A : i32
    %sign3A = arith.constant 0 : i32
    %sign3A_55 = arith.cmpi sgt, %add3A_53, %sign3A : i32
    %sign3A_56 = arith.extui %sign3A_55 : i1 to i32
    %sign3A_57 = arith.constant 0 : i32
    %sign3A_58 = arith.cmpi slt, %add3A_53, %sign3A_57 : i32
    %sign3A_59 = arith.extui %sign3A_58 : i1 to i32
    %sign3A_60 = arith.subi %sign3A_56, %sign3A_59 : i32
    %sign3A_61 = arith.constant 0 : i32
    %sign3A_62 = arith.cmpi sgt, %jit3A, %sign3A_61 : i32
    %sign3A_63 = arith.extui %sign3A_62 : i1 to i32
    %sign3A_64 = arith.constant 0 : i32
    %sign3A_65 = arith.cmpi slt, %jit3A, %sign3A_64 : i32
    %sign3A_66 = arith.extui %sign3A_65 : i1 to i32
    %sign3A_67 = arith.subi %sign3A_63, %sign3A_66 : i32
    %ne3A = arith.cmpi ne, %sign3A_60, %sign3A_67 : i32
    %rem3A = arith.remsi %add3A_53, %jit3A : i32
    %ne3A_68 = arith.constant 0 : i32
    %ne3A_69 = arith.cmpi ne, %rem3A, %ne3A_68 : i32
    %and3A = arith.andi %ne3A, %ne3A_69 : i1
    %sub3A_70 = arith.constant 1 : i32
    %sub3A_71 = arith.subi %div3A_54, %sub3A_70 : i32
    %select_n3A = arith.select %and3A, %sub3A_71, %div3A_54 : i32
    %mul3A_72 = arith.constant 24 : i32
    %mul3A_73 = arith.muli %select_n3A, %mul3A_72 : i32
    %sub3A_74 = arith.subi %add3A_53, %mul3A_73 : i32
    %mul3A_75 = arith.constant 147456 : i32
    %mul3A_76 = arith.muli %select_n3A, %mul3A_75 : i32
    %mul3A_77 = arith.constant 6144 : i32
    %mul3A_78 = arith.muli %sub3A_74, %mul3A_77 : i32
    %add3A_79 = arith.addi %mul3A_76, %mul3A_78 : i32
    %dma_start3A = arith.constant 0 : i32
    %dma_start3A_80 = arith.constant 0 : i32
    %dma_start3A_81 = tpu.memref_slice %arg7[%dma_start3A, %dma_start3A_80] : memref<2x6144xf32, #tpu.memory_space<vmem>> -> memref<1x6144xf32, #tpu.memory_space<vmem>>
    %dma_start3A_82 = tpu.memref_squeeze %dma_start3A_81 : memref<1x6144xf32, #tpu.memory_space<vmem>> -> memref<6144xf32, #tpu.memory_space<vmem>>
    %dma_start3A_83 = tpu.memref_slice %arg2[%add3A_79] : memref<589824xf32, #tpu.memory_space<hbm>> -> memref<6144xf32, #tpu.memory_space<hbm>>
    %dma_start3A_84 = arith.constant 0 : i32
    %dma_start3A_85 = tpu.memref_slice %arg7[%dma_start3A, %dma_start3A_84] : memref<2x6144xf32, #tpu.memory_space<vmem>> -> memref<1x6144xf32, #tpu.memory_space<vmem>>
    %dma_start3A_86 = tpu.memref_squeeze %dma_start3A_85 : memref<1x6144xf32, #tpu.memory_space<vmem>> -> memref<6144xf32, #tpu.memory_space<vmem>>
    %dma_start3A_87 = tpu.memref_slice %arg2[%add3A_79] : memref<589824xf32, #tpu.memory_space<hbm>> -> memref<6144xf32, #tpu.memory_space<hbm>>
    tpu.enqueue_dma source(%dma_start3A_87 : memref<6144xf32, #tpu.memory_space<hbm>>) target(%dma_start3A_86 : memref<6144xf32, #tpu.memory_space<vmem>>) target_semaphore(%arg10 : memref<!tpu.dma_semaphore, #tpu.memory_space<semaphore_mem>>)
    %add3A_88 = arith.constant 0 : i32
    %add3A_89 = arith.addi %add3A_88, %add3A : i32
    %jit3A_90 = arith.constant 24 : i32
    %div3A_91 = arith.divsi %add3A_89, %jit3A_90 : i32
    %sign3A_92 = arith.constant 0 : i32
    %sign3A_93 = arith.cmpi sgt, %add3A_89, %sign3A_92 : i32
    %sign3A_94 = arith.extui %sign3A_93 : i1 to i32
    %sign3A_95 = arith.constant 0 : i32
    %sign3A_96 = arith.cmpi slt, %add3A_89, %sign3A_95 : i32
    %sign3A_97 = arith.extui %sign3A_96 : i1 to i32
    %sign3A_98 = arith.subi %sign3A_94, %sign3A_97 : i32
    %sign3A_99 = arith.constant 0 : i32
    %sign3A_100 = arith.cmpi sgt, %jit3A_90, %sign3A_99 : i32
    %sign3A_101 = arith.extui %sign3A_100 : i1 to i32
    %sign3A_102 = arith.constant 0 : i32
    %sign3A_103 = arith.cmpi slt, %jit3A_90, %sign3A_102 : i32
    %sign3A_104 = arith.extui %sign3A_103 : i1 to i32
    %sign3A_105 = arith.subi %sign3A_101, %sign3A_104 : i32
    %ne3A_106 = arith.cmpi ne, %sign3A_98, %sign3A_105 : i32
    %rem3A_107 = arith.remsi %add3A_89, %jit3A_90 : i32
    %ne3A_108 = arith.constant 0 : i32
    %ne3A_109 = arith.cmpi ne, %rem3A_107, %ne3A_108 : i32
    %and3A_110 = arith.andi %ne3A_106, %ne3A_109 : i1
    %sub3A_111 = arith.constant 1 : i32
    %sub3A_112 = arith.subi %div3A_91, %sub3A_111 : i32
    %select_n3A_113 = arith.select %and3A_110, %sub3A_112, %div3A_91 : i32
    %mul3A_114 = arith.constant 24 : i32
    %mul3A_115 = arith.muli %select_n3A_113, %mul3A_114 : i32
    %sub3A_116 = arith.subi %add3A_89, %mul3A_115 : i32
    %mul3A_117 = arith.constant 4 : i32
    %mul3A_118 = arith.muli %mul3A_117, %sub3A_116 : i32
    %sub3A_119 = arith.constant 1 : i32
    %sub3A_120 = arith.subi %mul3A_118, %sub3A_119 : i32
    %max3A = arith.constant 0 : i32
    %max3A_121 = arith.maxsi %sub3A_120, %max3A : i32
    %mul3A_122 = arith.constant 2 : i32
    %mul3A_123 = arith.muli %mul3A_122, %sub3A_116 : i32
    %sub3A_124 = arith.constant 1 : i32
    %sub3A_125 = arith.subi %mul3A_123, %sub3A_124 : i32
    %max3A_126 = arith.constant 0 : i32
    %max3A_127 = arith.maxsi %sub3A_125, %max3A_126 : i32
    %parallel_loop3A = arith.constant 0 : i32
    %parallel_loop3A_128 = arith.constant 4608 : i32
    %parallel_loop3A_129 = arith.constant 1 : i32
    scf.for %parallel_loop3A_522 = %parallel_loop3A to %parallel_loop3A_128 step %parallel_loop3A_129  : i32 {
      %parallel_loop3A_523 = arith.constant 16 : i32
      %parallel_loop3A_524 = arith.muli %parallel_loop3A_522, %parallel_loop3A_523 : i32
      %parallel_loop3A_525 = arith.index_cast %parallel_loop3A_524 : i32 to index
      %parallel_loop3A_526 = tpu.vector_load %arg5[%parallel_loop3A_525] {strides = array<i32>} : memref<73728xf32, #tpu.memory_space<vmem>>, vector<16xf32>,
      tpu.vector_store %arg5[%parallel_loop3A_525], %broadcast_in_dim3A_1 {strides = array<i32>} : memref<73728xf32, #tpu.memory_space<vmem>>, vector<16xf32>,
    } {sc.loop_unroll_factor = 8 : i64, sc.parallel_access}
    %parallel_loop3A_130 = arith.constant 0 : i32
    %parallel_loop3A_131 = arith.constant 1536 : i32
    %parallel_loop3A_132 = arith.constant 1 : i32
    scf.for %parallel_loop3A_522 = %parallel_loop3A_130 to %parallel_loop3A_131 step %parallel_loop3A_132  : i32 {
      %parallel_loop3A_523 = arith.constant 16 : i32
      %parallel_loop3A_524 = arith.muli %parallel_loop3A_522, %parallel_loop3A_523 : i32
      %parallel_loop3A_525 = arith.index_cast %parallel_loop3A_524 : i32 to index
      %parallel_loop3A_526 = tpu.vector_load %arg6[%parallel_loop3A_525] {strides = array<i32>} : memref<24576xf32, #tpu.memory_space<vmem>>, vector<16xf32>,
      tpu.vector_store %arg6[%parallel_loop3A_525], %broadcast_in_dim3A_1 {strides = array<i32>} : memref<24576xf32, #tpu.memory_space<vmem>>, vector<16xf32>,
    } {sc.loop_unroll_factor = 8 : i64, sc.parallel_access}
    %add3A_133 = arith.constant 0 : i32
    %add3A_134 = arith.addi %add3A_133, %add3A : i32
    %jit3A_135 = arith.constant 24 : i32
    %div3A_136 = arith.divsi %add3A_134, %jit3A_135 : i32
    %sign3A_137 = arith.constant 0 : i32
    %sign3A_138 = arith.cmpi sgt, %add3A_134, %sign3A_137 : i32
    %sign3A_139 = arith.extui %sign3A_138 : i1 to i32
    %sign3A_140 = arith.constant 0 : i32
    %sign3A_141 = arith.cmpi slt, %add3A_134, %sign3A_140 : i32
    %sign3A_142 = arith.extui %sign3A_141 : i1 to i32
    %sign3A_143 = arith.subi %sign3A_139, %sign3A_142 : i32
    %sign3A_144 = arith.constant 0 : i32
    %sign3A_145 = arith.cmpi sgt, %jit3A_135, %sign3A_144 : i32
    %sign3A_146 = arith.extui %sign3A_145 : i1 to i32
    %sign3A_147 = arith.constant 0 : i32
    %sign3A_148 = arith.cmpi slt, %jit3A_135, %sign3A_147 : i32
    %sign3A_149 = arith.extui %sign3A_148 : i1 to i32
    %sign3A_150 = arith.subi %sign3A_146, %sign3A_149 : i32
    %ne3A_151 = arith.cmpi ne, %sign3A_143, %sign3A_150 : i32
    %rem3A_152 = arith.remsi %add3A_134, %jit3A_135 : i32
    %ne3A_153 = arith.constant 0 : i32
    %ne3A_154 = arith.cmpi ne, %rem3A_152, %ne3A_153 : i32
    %and3A_155 = arith.andi %ne3A_151, %ne3A_154 : i1
    %sub3A_156 = arith.constant 1 : i32
    %sub3A_157 = arith.subi %div3A_136, %sub3A_156 : i32
    %select_n3A_158 = arith.select %and3A_155, %sub3A_157, %div3A_136 : i32
    %mul3A_159 = arith.constant 24 : i32
    %mul3A_160 = arith.muli %select_n3A_158, %mul3A_159 : i32
    %sub3A_161 = arith.subi %add3A_134, %mul3A_160 : i32
    %mul3A_162 = arith.constant 147456 : i32
    %mul3A_163 = arith.muli %select_n3A_158, %mul3A_162 : i32
    %mul3A_164 = arith.constant 6144 : i32
    %mul3A_165 = arith.muli %sub3A_161, %mul3A_164 : i32
    %add3A_166 = arith.addi %mul3A_163, %mul3A_165 : i32
    %dma_wait3A = arith.constant 0 : i32
    %dma_wait3A_167 = arith.constant 0 : i32
    %dma_wait3A_168 = tpu.memref_slice %arg7[%dma_wait3A, %dma_wait3A_167] : memref<2x6144xf32, #tpu.memory_space<vmem>> -> memref<1x6144xf32, #tpu.memory_space<vmem>>
    %dma_wait3A_169 = tpu.memref_squeeze %dma_wait3A_168 : memref<1x6144xf32, #tpu.memory_space<vmem>> -> memref<6144xf32, #tpu.memory_space<vmem>>
    %dma_wait3A_170 = tpu.memref_slice %arg2[%add3A_166] : memref<589824xf32, #tpu.memory_space<hbm>> -> memref<6144xf32, #tpu.memory_space<hbm>>
    %dma_wait3A_171 = arith.constant 0 : i32
    %dma_wait3A_172 = tpu.memref_slice %arg7[%dma_wait3A, %dma_wait3A_171] : memref<2x6144xf32, #tpu.memory_space<vmem>> -> memref<1x6144xf32, #tpu.memory_space<vmem>>
    %dma_wait3A_173 = tpu.memref_squeeze %dma_wait3A_172 : memref<1x6144xf32, #tpu.memory_space<vmem>> -> memref<6144xf32, #tpu.memory_space<vmem>>
    %dma_wait3A_174 = tpu.memref_slice %arg2[%add3A_166] : memref<589824xf32, #tpu.memory_space<hbm>> -> memref<6144xf32, #tpu.memory_space<hbm>>
    tpu.wait_dma2 semaphore(%arg10 : memref<!tpu.dma_semaphore, #tpu.memory_space<semaphore_mem>>) src(%dma_wait3A_174 : memref<6144xf32, #tpu.memory_space<hbm>>) dst(%dma_wait3A_173 : memref<6144xf32, #tpu.memory_space<vmem>>)
    %add3A_175 = arith.constant 32 : i32
    %add3A_176 = arith.addi %add3A_175, %add3A : i32
    %jit3A_177 = arith.constant 24 : i32
    %div3A_178 = arith.divsi %add3A_176, %jit3A_177 : i32
    %sign3A_179 = arith.constant 0 : i32
    %sign3A_180 = arith.cmpi sgt, %add3A_176, %sign3A_179 : i32
    %sign3A_181 = arith.extui %sign3A_180 : i1 to i32
    %sign3A_182 = arith.constant 0 : i32
    %sign3A_183 = arith.cmpi slt, %add3A_176, %sign3A_182 : i32
    %sign3A_184 = arith.extui %sign3A_183 : i1 to i32
    %sign3A_185 = arith.subi %sign3A_181, %sign3A_184 : i32
    %sign3A_186 = arith.constant 0 : i32
    %sign3A_187 = arith.cmpi sgt, %jit3A_177, %sign3A_186 : i32
    %sign3A_188 = arith.extui %sign3A_187 : i1 to i32
    %sign3A_189 = arith.constant 0 : i32
    %sign3A_190 = arith.cmpi slt, %jit3A_177, %sign3A_189 : i32
    %sign3A_191 = arith.extui %sign3A_190 : i1 to i32
    %sign3A_192 = arith.subi %sign3A_188, %sign3A_191 : i32
    %ne3A_193 = arith.cmpi ne, %sign3A_185, %sign3A_192 : i32
    %rem3A_194 = arith.remsi %add3A_176, %jit3A_177 : i32
    %ne3A_195 = arith.constant 0 : i32
    %ne3A_196 = arith.cmpi ne, %rem3A_194, %ne3A_195 : i32
    %and3A_197 = arith.andi %ne3A_193, %ne3A_196 : i1
    %sub3A_198 = arith.constant 1 : i32
    %sub3A_199 = arith.subi %div3A_178, %sub3A_198 : i32
    %select_n3A_200 = arith.select %and3A_197, %sub3A_199, %div3A_178 : i32
    %mul3A_201 = arith.constant 24 : i32
    %mul3A_202 = arith.muli %select_n3A_200, %mul3A_201 : i32
    %sub3A_203 = arith.subi %add3A_176, %mul3A_202 : i32
    %mul3A_204 = arith.constant 147456 : i32
    %mul3A_205 = arith.muli %select_n3A_200, %mul3A_204 : i32
    %mul3A_206 = arith.constant 6144 : i32
    %mul3A_207 = arith.muli %sub3A_203, %mul3A_206 : i32
    %add3A_208 = arith.addi %mul3A_205, %mul3A_207 : i32
    %dma_start3A_209 = arith.constant 1 : i32
    %dma_start3A_210 = arith.constant 0 : i32
    %dma_start3A_211 = tpu.memref_slice %arg7[%dma_start3A_209, %dma_start3A_210] : memref<2x6144xf32, #tpu.memory_space<vmem>> -> memref<1x6144xf32, #tpu.memory_space<vmem>>
    %dma_start3A_212 = tpu.memref_squeeze %dma_start3A_211 : memref<1x6144xf32, #tpu.memory_space<vmem>> -> memref<6144xf32, #tpu.memory_space<vmem>>
    %dma_start3A_213 = tpu.memref_slice %arg2[%add3A_208] : memref<589824xf32, #tpu.memory_space<hbm>> -> memref<6144xf32, #tpu.memory_space<hbm>>
    %dma_start3A_214 = arith.constant 0 : i32
    %dma_start3A_215 = tpu.memref_slice %arg7[%dma_start3A_209, %dma_start3A_214] : memref<2x6144xf32, #tpu.memory_space<vmem>> -> memref<1x6144xf32, #tpu.memory_space<vmem>>
    %dma_start3A_216 = tpu.memref_squeeze %dma_start3A_215 : memref<1x6144xf32, #tpu.memory_space<vmem>> -> memref<6144xf32, #tpu.memory_space<vmem>>
    %dma_start3A_217 = tpu.memref_slice %arg2[%add3A_208] : memref<589824xf32, #tpu.memory_space<hbm>> -> memref<6144xf32, #tpu.memory_space<hbm>>
    tpu.enqueue_dma source(%dma_start3A_217 : memref<6144xf32, #tpu.memory_space<hbm>>) target(%dma_start3A_216 : memref<6144xf32, #tpu.memory_space<vmem>>) target_semaphore(%arg10 : memref<!tpu.dma_semaphore, #tpu.memory_space<semaphore_mem>>)
    %parallel_loop3A_218 = arith.constant 0 : i32
    %parallel_loop3A_219 = arith.constant 16 : i32
    %parallel_loop3A_220 = arith.constant 1 : i32
    scf.for %parallel_loop3A_522 = %parallel_loop3A_218 to %parallel_loop3A_219 step %parallel_loop3A_220  : i32 {
      %parallel_loop3A_523 = arith.constant 16 : i32
      %parallel_loop3A_524 = arith.muli %sub3A_116, %parallel_loop3A_523 : i32
      %parallel_loop3A_525 = arith.addi %parallel_loop3A_524, %parallel_loop3A_522 : i32
      %parallel_loop3A_526 = vector.broadcast %parallel_loop3A_525 : i32 to vector<16xi32>
      %parallel_loop3A_527 = arith.sitofp %parallel_loop3A_526 : vector<16xi32> to vector<16xf32>
      %parallel_loop3A_528 = arith.constant 2 : i32
      %parallel_loop3A_529 = arith.muli %parallel_loop3A_528, %parallel_loop3A_525 : i32
      %parallel_loop3A_530 = arith.constant 5 : i32
      %parallel_loop3A_531 = arith.addi %parallel_loop3A_529, %parallel_loop3A_530 : i32
      %parallel_loop3A_532 = arith.constant 8 : i32
      %parallel_loop3A_533 = arith.divsi %parallel_loop3A_531, %parallel_loop3A_532 : i32
      %parallel_loop3A_534 = arith.constant 1 : i32
      %parallel_loop3A_535 = arith.subi %parallel_loop3A_533, %parallel_loop3A_534 : i32
      %parallel_loop3A_536 = vector.broadcast %parallel_loop3A_535 : i32 to vector<16xi32>
      %parallel_loop3A_537 = arith.sitofp %parallel_loop3A_536 : vector<16xi32> to vector<16xf32>
      %parallel_loop3A_538 = arith.constant 2.500000e-01 : f32
      %parallel_loop3A_539 = vector.broadcast %parallel_loop3A_538 : f32 to vector<16xf32>
      %parallel_loop3A_540 = arith.mulf %parallel_loop3A_527, %parallel_loop3A_539 : vector<16xf32>
      %parallel_loop3A_541 = arith.constant -3.750000e-01 : f32
      %parallel_loop3A_542 = vector.broadcast %parallel_loop3A_541 : f32 to vector<16xf32>
      %parallel_loop3A_543 = arith.addf %parallel_loop3A_540, %parallel_loop3A_542 : vector<16xf32>
      %parallel_loop3A_544 = arith.subf %parallel_loop3A_543, %parallel_loop3A_537 : vector<16xf32>
      %parallel_loop3A_545 = arith.constant 0 : i32
      %parallel_loop3A_546 = arith.constant 95 : i32
      %parallel_loop3A_547 = arith.maxsi %parallel_loop3A_545, %parallel_loop3A_535 : i32
      %parallel_loop3A_548 = arith.minsi %parallel_loop3A_546, %parallel_loop3A_547 : i32
      %parallel_loop3A_549 = arith.subi %parallel_loop3A_548, %max3A_121 : i32
      %parallel_loop3A_550 = arith.constant 1 : i32
      %parallel_loop3A_551 = arith.addi %parallel_loop3A_535, %parallel_loop3A_550 : i32
      %parallel_loop3A_552 = arith.constant 0 : i32
      %parallel_loop3A_553 = arith.constant 95 : i32
      %parallel_loop3A_554 = arith.maxsi %parallel_loop3A_552, %parallel_loop3A_551 : i32
      %parallel_loop3A_555 = arith.minsi %parallel_loop3A_553, %parallel_loop3A_554 : i32
      %parallel_loop3A_556 = arith.subi %parallel_loop3A_555, %max3A_121 : i32
      %parallel_loop3A_557 = arith.constant 96 : i32
      %parallel_loop3A_558 = arith.muli %parallel_loop3A_549, %parallel_loop3A_557 : i32
      %parallel_loop3A_559 = vector.broadcast %parallel_loop3A_558 : i32 to vector<16xi32>
      %parallel_loop3A_560 = arith.constant 96 : i32
      %parallel_loop3A_561 = arith.muli %parallel_loop3A_556, %parallel_loop3A_560 : i32
      %parallel_loop3A_562 = vector.broadcast %parallel_loop3A_561 : i32 to vector<16xi32>
      %parallel_loop3A_563 = arith.constant 1.000000e+00 : f32
      %parallel_loop3A_564 = vector.broadcast %parallel_loop3A_563 : f32 to vector<16xf32>
      %parallel_loop3A_565 = arith.subf %parallel_loop3A_564, %parallel_loop3A_544 : vector<16xf32>
      %parallel_loop3A_566 = arith.mulf %parallel_loop3A_565, %sub3A_25 : vector<16xf32>
      %parallel_loop3A_567 = arith.constant 1.000000e+00 : f32
      %parallel_loop3A_568 = vector.broadcast %parallel_loop3A_567 : f32 to vector<16xf32>
      %parallel_loop3A_569 = arith.subf %parallel_loop3A_568, %parallel_loop3A_544 : vector<16xf32>
      %parallel_loop3A_570 = arith.mulf %parallel_loop3A_569, %sub3A_19 : vector<16xf32>
      %parallel_loop3A_571 = arith.mulf %parallel_loop3A_544, %sub3A_25 : vector<16xf32>
      %parallel_loop3A_572 = arith.mulf %parallel_loop3A_544, %sub3A_19 : vector<16xf32>
      %parallel_loop3A_573 = arith.constant 2 : i32
      %parallel_loop3A_574 = arith.muli %parallel_loop3A_573, %parallel_loop3A_525 : i32
      %parallel_loop3A_575 = arith.constant 9 : i32
      %parallel_loop3A_576 = arith.addi %parallel_loop3A_574, %parallel_loop3A_575 : i32
      %parallel_loop3A_577 = arith.constant 16 : i32
      %parallel_loop3A_578 = arith.divsi %parallel_loop3A_576, %parallel_loop3A_577 : i32
      %parallel_loop3A_579 = arith.constant 1 : i32
      %parallel_loop3A_580 = arith.subi %parallel_loop3A_578, %parallel_loop3A_579 : i32
      %parallel_loop3A_581 = vector.broadcast %parallel_loop3A_580 : i32 to vector<16xi32>
      %parallel_loop3A_582 = arith.sitofp %parallel_loop3A_581 : vector<16xi32> to vector<16xf32>
      %parallel_loop3A_583 = arith.constant 1.250000e-01 : f32
      %parallel_loop3A_584 = vector.broadcast %parallel_loop3A_583 : f32 to vector<16xf32>
      %parallel_loop3A_585 = arith.mulf %parallel_loop3A_527, %parallel_loop3A_584 : vector<16xf32>
      %parallel_loop3A_586 = arith.constant -4.375000e-01 : f32
      %parallel_loop3A_587 = vector.broadcast %parallel_loop3A_586 : f32 to vector<16xf32>
      %parallel_loop3A_588 = arith.addf %parallel_loop3A_585, %parallel_loop3A_587 : vector<16xf32>
      %parallel_loop3A_589 = arith.subf %parallel_loop3A_588, %parallel_loop3A_582 : vector<16xf32>
      %parallel_loop3A_590 = arith.constant 0 : i32
      %parallel_loop3A_591 = arith.constant 47 : i32
      %parallel_loop3A_592 = arith.maxsi %parallel_loop3A_590, %parallel_loop3A_580 : i32
      %parallel_loop3A_593 = arith.minsi %parallel_loop3A_591, %parallel_loop3A_592 : i32
      %parallel_loop3A_594 = arith.subi %parallel_loop3A_593, %max3A_127 : i32
      %parallel_loop3A_595 = arith.constant 1 : i32
      %parallel_loop3A_596 = arith.addi %parallel_loop3A_580, %parallel_loop3A_595 : i32
      %parallel_loop3A_597 = arith.constant 0 : i32
      %parallel_loop3A_598 = arith.constant 47 : i32
      %parallel_loop3A_599 = arith.maxsi %parallel_loop3A_597, %parallel_loop3A_596 : i32
      %parallel_loop3A_600 = arith.minsi %parallel_loop3A_598, %parallel_loop3A_599 : i32
      %parallel_loop3A_601 = arith.subi %parallel_loop3A_600, %max3A_127 : i32
      %parallel_loop3A_602 = arith.constant 48 : i32
      %parallel_loop3A_603 = arith.muli %parallel_loop3A_594, %parallel_loop3A_602 : i32
      %parallel_loop3A_604 = vector.broadcast %parallel_loop3A_603 : i32 to vector<16xi32>
      %parallel_loop3A_605 = arith.constant 48 : i32
      %parallel_loop3A_606 = arith.muli %parallel_loop3A_601, %parallel_loop3A_605 : i32
      %parallel_loop3A_607 = vector.broadcast %parallel_loop3A_606 : i32 to vector<16xi32>
      %parallel_loop3A_608 = arith.constant 1.000000e+00 : f32
      %parallel_loop3A_609 = vector.broadcast %parallel_loop3A_608 : f32 to vector<16xf32>
      %parallel_loop3A_610 = arith.subf %parallel_loop3A_609, %parallel_loop3A_589 : vector<16xf32>
      %parallel_loop3A_611 = arith.mulf %parallel_loop3A_610, %sub3A_51 : vector<16xf32>
      %parallel_loop3A_612 = arith.constant 1.000000e+00 : f32
      %parallel_loop3A_613 = vector.broadcast %parallel_loop3A_612 : f32 to vector<16xf32>
      %parallel_loop3A_614 = arith.subf %parallel_loop3A_613, %parallel_loop3A_589 : vector<16xf32>
      %parallel_loop3A_615 = arith.mulf %parallel_loop3A_614, %sub3A_45 : vector<16xf32>
      %parallel_loop3A_616 = arith.mulf %parallel_loop3A_589, %sub3A_51 : vector<16xf32>
      %parallel_loop3A_617 = arith.mulf %parallel_loop3A_589, %sub3A_45 : vector<16xf32>
      %parallel_loop3A_618 = arith.constant 0 : i32
      %parallel_loop3A_619 = arith.constant 24 : i32
      %parallel_loop3A_620 = arith.constant 1 : i32
      scf.for %parallel_loop3A_621 = %parallel_loop3A_618 to %parallel_loop3A_619 step %parallel_loop3A_620  : i32 {
        %parallel_loop3A_622 = arith.constant 24 : i32
        %parallel_loop3A_623 = arith.muli %parallel_loop3A_522, %parallel_loop3A_622 : i32
        %parallel_loop3A_624 = arith.addi %parallel_loop3A_623, %parallel_loop3A_621 : i32
        %parallel_loop3A_625 = arith.constant 16 : i32
        %parallel_loop3A_626 = arith.muli %parallel_loop3A_624, %parallel_loop3A_625 : i32
        %parallel_loop3A_627 = arith.constant 0 : i32
        %parallel_loop3A_628 = arith.index_cast %parallel_loop3A_627 : i32 to index
        %parallel_loop3A_629 = arith.index_cast %parallel_loop3A_626 : i32 to index
        %parallel_loop3A_630 = tpu.vector_load %arg7[%parallel_loop3A_628, %parallel_loop3A_629] {strides = array<i32>} : memref<2x6144xf32, #tpu.memory_space<vmem>>, vector<16xf32>,
        %parallel_loop3A_631 = arith.constant 1.280000e-01 : f32
        %parallel_loop3A_632 = vector.broadcast %parallel_loop3A_631 : f32 to vector<16xf32>
        %parallel_loop3A_633 = arith.mulf %parallel_loop3A_630, %parallel_loop3A_632 : vector<16xf32>
        %parallel_loop3A_634 = arith.fptosi %parallel_loop3A_633 : vector<16xf32> to vector<16xi32>
        %parallel_loop3A_635 = arith.sitofp %parallel_loop3A_634 : vector<16xi32> to vector<16xf32>
        %parallel_loop3A_636 = arith.constant 7.812500e+00 : f32
        %parallel_loop3A_637 = vector.broadcast %parallel_loop3A_636 : f32 to vector<16xf32>
        %parallel_loop3A_638 = arith.mulf %parallel_loop3A_635, %parallel_loop3A_637 : vector<16xf32>
        %parallel_loop3A_639 = arith.cmpf ogt, %parallel_loop3A_638, %parallel_loop3A_630 : vector<16xf32>
        %parallel_loop3A_640 = arith.constant 1 : i32
        %parallel_loop3A_641 = vector.broadcast %parallel_loop3A_640 : i32 to vector<16xi32>
        %parallel_loop3A_642 = arith.subi %parallel_loop3A_634, %parallel_loop3A_641 : vector<16xi32>
        %parallel_loop3A_643 = arith.select %parallel_loop3A_639, %parallel_loop3A_642, %parallel_loop3A_634 : vector<16xi1>, vector<16xi32>
        %parallel_loop3A_644 = arith.sitofp %parallel_loop3A_643 : vector<16xi32> to vector<16xf32>
        %parallel_loop3A_645 = arith.constant 1.000000e+00 : f32
        %parallel_loop3A_646 = vector.broadcast %parallel_loop3A_645 : f32 to vector<16xf32>
        %parallel_loop3A_647 = arith.addf %parallel_loop3A_644, %parallel_loop3A_646 : vector<16xf32>
        %parallel_loop3A_648 = arith.constant 7.812500e+00 : f32
        %parallel_loop3A_649 = vector.broadcast %parallel_loop3A_648 : f32 to vector<16xf32>
        %parallel_loop3A_650 = arith.mulf %parallel_loop3A_647, %parallel_loop3A_649 : vector<16xf32>
        %parallel_loop3A_651 = arith.cmpf ole, %parallel_loop3A_650, %parallel_loop3A_630 : vector<16xf32>
        %parallel_loop3A_652 = arith.constant 1 : i32
        %parallel_loop3A_653 = vector.broadcast %parallel_loop3A_652 : i32 to vector<16xi32>
        %parallel_loop3A_654 = arith.addi %parallel_loop3A_643, %parallel_loop3A_653 : vector<16xi32>
        %parallel_loop3A_655 = arith.select %parallel_loop3A_651, %parallel_loop3A_654, %parallel_loop3A_643 : vector<16xi1>, vector<16xi32>
        %parallel_loop3A_656 = arith.constant 0 : i32
        %parallel_loop3A_657 = arith.constant 127 : i32
        %parallel_loop3A_658 = vector.broadcast %parallel_loop3A_656 : i32 to vector<16xi32>
        %parallel_loop3A_659 = arith.maxsi %parallel_loop3A_658, %parallel_loop3A_655 : vector<16xi32>
        %parallel_loop3A_660 = vector.broadcast %parallel_loop3A_657 : i32 to vector<16xi32>
        %parallel_loop3A_661 = arith.minsi %parallel_loop3A_660, %parallel_loop3A_659 : vector<16xi32>
        %parallel_loop3A_662 = arith.constant 576 : i32
        %parallel_loop3A_663 = vector.broadcast %parallel_loop3A_662 : i32 to vector<16xi32>
        %parallel_loop3A_664 = arith.muli %parallel_loop3A_661, %parallel_loop3A_663 : vector<16xi32>
        %parallel_loop3A_665 = arith.constant 4 : i32
        %parallel_loop3A_666 = arith.muli %parallel_loop3A_665, %parallel_loop3A_621 : i32
        %parallel_loop3A_667 = vector.broadcast %parallel_loop3A_666 : i32 to vector<16xi32>
        %parallel_loop3A_668 = arith.addi %sub3A_11, %parallel_loop3A_667 : vector<16xi32>
        %parallel_loop3A_669 = arith.constant 0 : i32
        %parallel_loop3A_670 = vector.broadcast %parallel_loop3A_669 : i32 to vector<16xi32>
        %parallel_loop3A_671 = arith.maxsi %parallel_loop3A_668, %parallel_loop3A_670 : vector<16xi32>
        %parallel_loop3A_672 = arith.addi %parallel_loop3A_671, %parallel_loop3A_664 : vector<16xi32>
        %parallel_loop3A_673 = arith.addi %add3A_22, %parallel_loop3A_667 : vector<16xi32>
        %parallel_loop3A_674 = arith.constant 95 : i32
        %parallel_loop3A_675 = vector.broadcast %parallel_loop3A_674 : i32 to vector<16xi32>
        %parallel_loop3A_676 = arith.minsi %parallel_loop3A_673, %parallel_loop3A_675 : vector<16xi32>
        %parallel_loop3A_677 = arith.addi %parallel_loop3A_676, %parallel_loop3A_664 : vector<16xi32>
        %parallel_loop3A_678 = arith.addi %parallel_loop3A_559, %parallel_loop3A_672 : vector<16xi32>
        tpu.vector_store_idx %arg5[%parallel_loop3A_678], %parallel_loop3A_566 {add = true} : memref<73728xf32, #tpu.memory_space<vmem>>[vector<16xi32>], vector<16xf32>,
        %parallel_loop3A_679 = arith.addi %parallel_loop3A_559, %parallel_loop3A_677 : vector<16xi32>
        tpu.vector_store_idx %arg5[%parallel_loop3A_679], %parallel_loop3A_570 {add = true} : memref<73728xf32, #tpu.memory_space<vmem>>[vector<16xi32>], vector<16xf32>,
        %parallel_loop3A_680 = arith.addi %parallel_loop3A_562, %parallel_loop3A_672 : vector<16xi32>
        tpu.vector_store_idx %arg5[%parallel_loop3A_680], %parallel_loop3A_571 {add = true} : memref<73728xf32, #tpu.memory_space<vmem>>[vector<16xi32>], vector<16xf32>,
        %parallel_loop3A_681 = arith.addi %parallel_loop3A_562, %parallel_loop3A_677 : vector<16xi32>
        tpu.vector_store_idx %arg5[%parallel_loop3A_681], %parallel_loop3A_572 {add = true} : memref<73728xf32, #tpu.memory_space<vmem>>[vector<16xi32>], vector<16xf32>,
        %parallel_loop3A_682 = arith.constant 192 : i32
        %parallel_loop3A_683 = vector.broadcast %parallel_loop3A_682 : i32 to vector<16xi32>
        %parallel_loop3A_684 = arith.muli %parallel_loop3A_661, %parallel_loop3A_683 : vector<16xi32>
        %parallel_loop3A_685 = arith.constant 2 : i32
        %parallel_loop3A_686 = arith.muli %parallel_loop3A_685, %parallel_loop3A_621 : i32
        %parallel_loop3A_687 = vector.broadcast %parallel_loop3A_686 : i32 to vector<16xi32>
        %parallel_loop3A_688 = arith.addi %sub3A_37, %parallel_loop3A_687 : vector<16xi32>
        %parallel_loop3A_689 = arith.constant 0 : i32
        %parallel_loop3A_690 = vector.broadcast %parallel_loop3A_689 : i32 to vector<16xi32>
        %parallel_loop3A_691 = arith.maxsi %parallel_loop3A_688, %parallel_loop3A_690 : vector<16xi32>
        %parallel_loop3A_692 = arith.addi %parallel_loop3A_691, %parallel_loop3A_684 : vector<16xi32>
        %parallel_loop3A_693 = arith.addi %add3A_48, %parallel_loop3A_687 : vector<16xi32>
        %parallel_loop3A_694 = arith.constant 47 : i32
        %parallel_loop3A_695 = vector.broadcast %parallel_loop3A_694 : i32 to vector<16xi32>
        %parallel_loop3A_696 = arith.minsi %parallel_loop3A_693, %parallel_loop3A_695 : vector<16xi32>
        %parallel_loop3A_697 = arith.addi %parallel_loop3A_696, %parallel_loop3A_684 : vector<16xi32>
        %parallel_loop3A_698 = arith.addi %parallel_loop3A_604, %parallel_loop3A_692 : vector<16xi32>
        tpu.vector_store_idx %arg6[%parallel_loop3A_698], %parallel_loop3A_611 {add = true} : memref<24576xf32, #tpu.memory_space<vmem>>[vector<16xi32>], vector<16xf32>,
        %parallel_loop3A_699 = arith.addi %parallel_loop3A_604, %parallel_loop3A_697 : vector<16xi32>
        tpu.vector_store_idx %arg6[%parallel_loop3A_699], %parallel_loop3A_615 {add = true} : memref<24576xf32, #tpu.memory_space<vmem>>[vector<16xi32>], vector<16xf32>,
        %parallel_loop3A_700 = arith.addi %parallel_loop3A_607, %parallel_loop3A_692 : vector<16xi32>
        tpu.vector_store_idx %arg6[%parallel_loop3A_700], %parallel_loop3A_616 {add = true} : memref<24576xf32, #tpu.memory_space<vmem>>[vector<16xi32>], vector<16xf32>,
        %parallel_loop3A_701 = arith.addi %parallel_loop3A_607, %parallel_loop3A_697 : vector<16xi32>
        tpu.vector_store_idx %arg6[%parallel_loop3A_701], %parallel_loop3A_617 {add = true} : memref<24576xf32, #tpu.memory_space<vmem>>[vector<16xi32>], vector<16xf32>,
      } {sc.loop_unroll_factor = 4 : i64, sc.parallel_access}
    } {sc.loop_unroll_factor = 2 : i64, sc.parallel_access}
    %dma_start3A_221 = arith.constant 0 : i32
    %dma_start3A_222 = tpu.memref_slice %arg3[%add3A_89, %dma_start3A_221] : memref<96x73728xf32, #tpu.memory_space<hbm>> -> memref<1x73728xf32, #tpu.memory_space<hbm>>
    %dma_start3A_223 = tpu.memref_squeeze %dma_start3A_222 : memref<1x73728xf32, #tpu.memory_space<hbm>> -> memref<73728xf32, #tpu.memory_space<hbm>>
    %dma_start3A_224 = arith.constant 0 : i32
    %dma_start3A_225 = tpu.memref_slice %arg3[%add3A_89, %dma_start3A_224] : memref<96x73728xf32, #tpu.memory_space<hbm>> -> memref<1x73728xf32, #tpu.memory_space<hbm>>
    %dma_start3A_226 = tpu.memref_squeeze %dma_start3A_225 : memref<1x73728xf32, #tpu.memory_space<hbm>> -> memref<73728xf32, #tpu.memory_space<hbm>>
    tpu.enqueue_dma source(%arg5 : memref<73728xf32, #tpu.memory_space<vmem>>) target(%dma_start3A_226 : memref<73728xf32, #tpu.memory_space<hbm>>) target_semaphore(%arg8 : memref<!tpu.dma_semaphore, #tpu.memory_space<semaphore_mem>>)
    %dma_start3A_227 = arith.constant 0 : i32
    %dma_start3A_228 = tpu.memref_slice %arg4[%add3A_89, %dma_start3A_227] : memref<96x24576xf32, #tpu.memory_space<hbm>> -> memref<1x24576xf32, #tpu.memory_space<hbm>>
    %dma_start3A_229 = tpu.memref_squeeze %dma_start3A_228 : memref<1x24576xf32, #tpu.memory_space<hbm>> -> memref<24576xf32, #tpu.memory_space<hbm>>
    %dma_start3A_230 = arith.constant 0 : i32
    %dma_start3A_231 = tpu.memref_slice %arg4[%add3A_89, %dma_start3A_230] : memref<96x24576xf32, #tpu.memory_space<hbm>> -> memref<1x24576xf32, #tpu.memory_space<hbm>>
    %dma_start3A_232 = tpu.memref_squeeze %dma_start3A_231 : memref<1x24576xf32, #tpu.memory_space<hbm>> -> memref<24576xf32, #tpu.memory_space<hbm>>
    tpu.enqueue_dma source(%arg6 : memref<24576xf32, #tpu.memory_space<vmem>>) target(%dma_start3A_232 : memref<24576xf32, #tpu.memory_space<hbm>>) target_semaphore(%arg9 : memref<!tpu.dma_semaphore, #tpu.memory_space<semaphore_mem>>)
    %dma_wait3A_233 = arith.constant 0 : i32
    %dma_wait3A_234 = tpu.memref_slice %arg3[%add3A_89, %dma_wait3A_233] : memref<96x73728xf32, #tpu.memory_space<hbm>> -> memref<1x73728xf32, #tpu.memory_space<hbm>>
    %dma_wait3A_235 = tpu.memref_squeeze %dma_wait3A_234 : memref<1x73728xf32, #tpu.memory_space<hbm>> -> memref<73728xf32, #tpu.memory_space<hbm>>
    %dma_wait3A_236 = arith.constant 0 : i32
    %dma_wait3A_237 = tpu.memref_slice %arg3[%add3A_89, %dma_wait3A_236] : memref<96x73728xf32, #tpu.memory_space<hbm>> -> memref<1x73728xf32, #tpu.memory_space<hbm>>
    %dma_wait3A_238 = tpu.memref_squeeze %dma_wait3A_237 : memref<1x73728xf32, #tpu.memory_space<hbm>> -> memref<73728xf32, #tpu.memory_space<hbm>>
    tpu.wait_dma2 semaphore(%arg8 : memref<!tpu.dma_semaphore, #tpu.memory_space<semaphore_mem>>) src(%arg5 : memref<73728xf32, #tpu.memory_space<vmem>>) dst(%dma_wait3A_238 : memref<73728xf32, #tpu.memory_space<hbm>>)
    %parallel_loop3A_239 = arith.constant 0 : i32
    %parallel_loop3A_240 = arith.constant 4608 : i32
    %parallel_loop3A_241 = arith.constant 1 : i32
    scf.for %parallel_loop3A_522 = %parallel_loop3A_239 to %parallel_loop3A_240 step %parallel_loop3A_241  : i32 {
      %parallel_loop3A_523 = arith.constant 16 : i32
      %parallel_loop3A_524 = arith.muli %parallel_loop3A_522, %parallel_loop3A_523 : i32
      %parallel_loop3A_525 = arith.index_cast %parallel_loop3A_524 : i32 to index
      %parallel_loop3A_526 = tpu.vector_load %arg5[%parallel_loop3A_525] {strides = array<i32>} : memref<73728xf32, #tpu.memory_space<vmem>>, vector<16xf32>,
      tpu.vector_store %arg5[%parallel_loop3A_525], %broadcast_in_dim3A_1 {strides = array<i32>} : memref<73728xf32, #tpu.memory_space<vmem>>, vector<16xf32>,
    } {sc.loop_unroll_factor = 8 : i64, sc.parallel_access}
    %dma_wait3A_242 = arith.constant 0 : i32
    %dma_wait3A_243 = tpu.memref_slice %arg4[%add3A_89, %dma_wait3A_242] : memref<96x24576xf32, #tpu.memory_space<hbm>> -> memref<1x24576xf32, #tpu.memory_space<hbm>>
    %dma_wait3A_244 = tpu.memref_squeeze %dma_wait3A_243 : memref<1x24576xf32, #tpu.memory_space<hbm>> -> memref<24576xf32, #tpu.memory_space<hbm>>
    %dma_wait3A_245 = arith.constant 0 : i32
    %dma_wait3A_246 = tpu.memref_slice %arg4[%add3A_89, %dma_wait3A_245] : memref<96x24576xf32, #tpu.memory_space<hbm>> -> memref<1x24576xf32, #tpu.memory_space<hbm>>
    %dma_wait3A_247 = tpu.memref_squeeze %dma_wait3A_246 : memref<1x24576xf32, #tpu.memory_space<hbm>> -> memref<24576xf32, #tpu.memory_space<hbm>>
    tpu.wait_dma2 semaphore(%arg9 : memref<!tpu.dma_semaphore, #tpu.memory_space<semaphore_mem>>) src(%arg6 : memref<24576xf32, #tpu.memory_space<vmem>>) dst(%dma_wait3A_247 : memref<24576xf32, #tpu.memory_space<hbm>>)
    %parallel_loop3A_248 = arith.constant 0 : i32
    %parallel_loop3A_249 = arith.constant 1536 : i32
    %parallel_loop3A_250 = arith.constant 1 : i32
    scf.for %parallel_loop3A_522 = %parallel_loop3A_248 to %parallel_loop3A_249 step %parallel_loop3A_250  : i32 {
      %parallel_loop3A_523 = arith.constant 16 : i32
      %parallel_loop3A_524 = arith.muli %parallel_loop3A_522, %parallel_loop3A_523 : i32
      %parallel_loop3A_525 = arith.index_cast %parallel_loop3A_524 : i32 to index
      %parallel_loop3A_526 = tpu.vector_load %arg6[%parallel_loop3A_525] {strides = array<i32>} : memref<24576xf32, #tpu.memory_space<vmem>>, vector<16xf32>,
      tpu.vector_store %arg6[%parallel_loop3A_525], %broadcast_in_dim3A_1 {strides = array<i32>} : memref<24576xf32, #tpu.memory_space<vmem>>, vector<16xf32>,
    } {sc.loop_unroll_factor = 8 : i64, sc.parallel_access}
    %add3A_251 = arith.constant 32 : i32
    %add3A_252 = arith.addi %add3A_251, %add3A : i32
    %jit3A_253 = arith.constant 24 : i32
    %div3A_254 = arith.divsi %add3A_252, %jit3A_253 : i32
    %sign3A_255 = arith.constant 0 : i32
    %sign3A_256 = arith.cmpi sgt, %add3A_252, %sign3A_255 : i32
    %sign3A_257 = arith.extui %sign3A_256 : i1 to i32
    %sign3A_258 = arith.constant 0 : i32
    %sign3A_259 = arith.cmpi slt, %add3A_252, %sign3A_258 : i32
    %sign3A_260 = arith.extui %sign3A_259 : i1 to i32
    %sign3A_261 = arith.subi %sign3A_257, %sign3A_260 : i32
    %sign3A_262 = arith.constant 0 : i32
    %sign3A_263 = arith.cmpi sgt, %jit3A_253, %sign3A_262 : i32
    %sign3A_264 = arith.extui %sign3A_263 : i1 to i32
    %sign3A_265 = arith.constant 0 : i32
    %sign3A_266 = arith.cmpi slt, %jit3A_253, %sign3A_265 : i32
    %sign3A_267 = arith.extui %sign3A_266 : i1 to i32
    %sign3A_268 = arith.subi %sign3A_264, %sign3A_267 : i32
    %ne3A_269 = arith.cmpi ne, %sign3A_261, %sign3A_268 : i32
    %rem3A_270 = arith.remsi %add3A_252, %jit3A_253 : i32
    %ne3A_271 = arith.constant 0 : i32
    %ne3A_272 = arith.cmpi ne, %rem3A_270, %ne3A_271 : i32
    %and3A_273 = arith.andi %ne3A_269, %ne3A_272 : i1
    %sub3A_274 = arith.constant 1 : i32
    %sub3A_275 = arith.subi %div3A_254, %sub3A_274 : i32
    %select_n3A_276 = arith.select %and3A_273, %sub3A_275, %div3A_254 : i32
    %mul3A_277 = arith.constant 24 : i32
    %mul3A_278 = arith.muli %select_n3A_276, %mul3A_277 : i32
    %sub3A_279 = arith.subi %add3A_252, %mul3A_278 : i32
    %mul3A_280 = arith.constant 4 : i32
    %mul3A_281 = arith.muli %mul3A_280, %sub3A_279 : i32
    %sub3A_282 = arith.constant 1 : i32
    %sub3A_283 = arith.subi %mul3A_281, %sub3A_282 : i32
    %max3A_284 = arith.constant 0 : i32
    %max3A_285 = arith.maxsi %sub3A_283, %max3A_284 : i32
    %mul3A_286 = arith.constant 2 : i32
    %mul3A_287 = arith.muli %mul3A_286, %sub3A_279 : i32
    %sub3A_288 = arith.constant 1 : i32
    %sub3A_289 = arith.subi %mul3A_287, %sub3A_288 : i32
    %max3A_290 = arith.constant 0 : i32
    %max3A_291 = arith.maxsi %sub3A_289, %max3A_290 : i32
    %add3A_292 = arith.constant 32 : i32
    %add3A_293 = arith.addi %add3A_292, %add3A : i32
    %jit3A_294 = arith.constant 24 : i32
    %div3A_295 = arith.divsi %add3A_293, %jit3A_294 : i32
    %sign3A_296 = arith.constant 0 : i32
    %sign3A_297 = arith.cmpi sgt, %add3A_293, %sign3A_296 : i32
    %sign3A_298 = arith.extui %sign3A_297 : i1 to i32
    %sign3A_299 = arith.constant 0 : i32
    %sign3A_300 = arith.cmpi slt, %add3A_293, %sign3A_299 : i32
    %sign3A_301 = arith.extui %sign3A_300 : i1 to i32
    %sign3A_302 = arith.subi %sign3A_298, %sign3A_301 : i32
    %sign3A_303 = arith.constant 0 : i32
    %sign3A_304 = arith.cmpi sgt, %jit3A_294, %sign3A_303 : i32
    %sign3A_305 = arith.extui %sign3A_304 : i1 to i32
    %sign3A_306 = arith.constant 0 : i32
    %sign3A_307 = arith.cmpi slt, %jit3A_294, %sign3A_306 : i32
    %sign3A_308 = arith.extui %sign3A_307 : i1 to i32
    %sign3A_309 = arith.subi %sign3A_305, %sign3A_308 : i32
    %ne3A_310 = arith.cmpi ne, %sign3A_302, %sign3A_309 : i32
    %rem3A_311 = arith.remsi %add3A_293, %jit3A_294 : i32
    %ne3A_312 = arith.constant 0 : i32
    %ne3A_313 = arith.cmpi ne, %rem3A_311, %ne3A_312 : i32
    %and3A_314 = arith.andi %ne3A_310, %ne3A_313 : i1
    %sub3A_315 = arith.constant 1 : i32
    %sub3A_316 = arith.subi %div3A_295, %sub3A_315 : i32
    %select_n3A_317 = arith.select %and3A_314, %sub3A_316, %div3A_295 : i32
    %mul3A_318 = arith.constant 24 : i32
    %mul3A_319 = arith.muli %select_n3A_317, %mul3A_318 : i32
    %sub3A_320 = arith.subi %add3A_293, %mul3A_319 : i32
    %mul3A_321 = arith.constant 147456 : i32
    %mul3A_322 = arith.muli %select_n3A_317, %mul3A_321 : i32
    %mul3A_323 = arith.constant 6144 : i32
    %mul3A_324 = arith.muli %sub3A_320, %mul3A_323 : i32
    %add3A_325 = arith.addi %mul3A_322, %mul3A_324 : i32
    %dma_wait3A_326 = arith.constant 1 : i32
    %dma_wait3A_327 = arith.constant 0 : i32
    %dma_wait3A_328 = tpu.memref_slice %arg7[%dma_wait3A_326, %dma_wait3A_327] : memref<2x6144xf32, #tpu.memory_space<vmem>> -> memref<1x6144xf32, #tpu.memory_space<vmem>>
    %dma_wait3A_329 = tpu.memref_squeeze %dma_wait3A_328 : memref<1x6144xf32, #tpu.memory_space<vmem>> -> memref<6144xf32, #tpu.memory_space<vmem>>
    %dma_wait3A_330 = tpu.memref_slice %arg2[%add3A_325] : memref<589824xf32, #tpu.memory_space<hbm>> -> memref<6144xf32, #tpu.memory_space<hbm>>
    %dma_wait3A_331 = arith.constant 0 : i32
    %dma_wait3A_332 = tpu.memref_slice %arg7[%dma_wait3A_326, %dma_wait3A_331] : memref<2x6144xf32, #tpu.memory_space<vmem>> -> memref<1x6144xf32, #tpu.memory_space<vmem>>
    %dma_wait3A_333 = tpu.memref_squeeze %dma_wait3A_332 : memref<1x6144xf32, #tpu.memory_space<vmem>> -> memref<6144xf32, #tpu.memory_space<vmem>>
    %dma_wait3A_334 = tpu.memref_slice %arg2[%add3A_325] : memref<589824xf32, #tpu.memory_space<hbm>> -> memref<6144xf32, #tpu.memory_space<hbm>>
    tpu.wait_dma2 semaphore(%arg10 : memref<!tpu.dma_semaphore, #tpu.memory_space<semaphore_mem>>) src(%dma_wait3A_334 : memref<6144xf32, #tpu.memory_space<hbm>>) dst(%dma_wait3A_333 : memref<6144xf32, #tpu.memory_space<vmem>>)
    %add3A_335 = arith.constant 64 : i32
    %add3A_336 = arith.addi %add3A_335, %add3A : i32
    %jit3A_337 = arith.constant 24 : i32
    %div3A_338 = arith.divsi %add3A_336, %jit3A_337 : i32
    %sign3A_339 = arith.constant 0 : i32
    %sign3A_340 = arith.cmpi sgt, %add3A_336, %sign3A_339 : i32
    %sign3A_341 = arith.extui %sign3A_340 : i1 to i32
    %sign3A_342 = arith.constant 0 : i32
    %sign3A_343 = arith.cmpi slt, %add3A_336, %sign3A_342 : i32
    %sign3A_344 = arith.extui %sign3A_343 : i1 to i32
    %sign3A_345 = arith.subi %sign3A_341, %sign3A_344 : i32
    %sign3A_346 = arith.constant 0 : i32
    %sign3A_347 = arith.cmpi sgt, %jit3A_337, %sign3A_346 : i32
    %sign3A_348 = arith.extui %sign3A_347 : i1 to i32
    %sign3A_349 = arith.constant 0 : i32
    %sign3A_350 = arith.cmpi slt, %jit3A_337, %sign3A_349 : i32
    %sign3A_351 = arith.extui %sign3A_350 : i1 to i32
    %sign3A_352 = arith.subi %sign3A_348, %sign3A_351 : i32
    %ne3A_353 = arith.cmpi ne, %sign3A_345, %sign3A_352 : i32
    %rem3A_354 = arith.remsi %add3A_336, %jit3A_337 : i32
    %ne3A_355 = arith.constant 0 : i32
    %ne3A_356 = arith.cmpi ne, %rem3A_354, %ne3A_355 : i32
    %and3A_357 = arith.andi %ne3A_353, %ne3A_356 : i1
    %sub3A_358 = arith.constant 1 : i32
    %sub3A_359 = arith.subi %div3A_338, %sub3A_358 : i32
    %select_n3A_360 = arith.select %and3A_357, %sub3A_359, %div3A_338 : i32
    %mul3A_361 = arith.constant 24 : i32
    %mul3A_362 = arith.muli %select_n3A_360, %mul3A_361 : i32
    %sub3A_363 = arith.subi %add3A_336, %mul3A_362 : i32
    %mul3A_364 = arith.constant 147456 : i32
    %mul3A_365 = arith.muli %select_n3A_360, %mul3A_364 : i32
    %mul3A_366 = arith.constant 6144 : i32
    %mul3A_367 = arith.muli %sub3A_363, %mul3A_366 : i32
    %add3A_368 = arith.addi %mul3A_365, %mul3A_367 : i32
    %dma_start3A_369 = arith.constant 0 : i32
    %dma_start3A_370 = arith.constant 0 : i32
    %dma_start3A_371 = tpu.memref_slice %arg7[%dma_start3A_369, %dma_start3A_370] : memref<2x6144xf32, #tpu.memory_space<vmem>> -> memref<1x6144xf32, #tpu.memory_space<vmem>>
    %dma_start3A_372 = tpu.memref_squeeze %dma_start3A_371 : memref<1x6144xf32, #tpu.memory_space<vmem>> -> memref<6144xf32, #tpu.memory_space<vmem>>
    %dma_start3A_373 = tpu.memref_slice %arg2[%add3A_368] : memref<589824xf32, #tpu.memory_space<hbm>> -> memref<6144xf32, #tpu.memory_space<hbm>>
    %dma_start3A_374 = arith.constant 0 : i32
    %dma_start3A_375 = tpu.memref_slice %arg7[%dma_start3A_369, %dma_start3A_374] : memref<2x6144xf32, #tpu.memory_space<vmem>> -> memref<1x6144xf32, #tpu.memory_space<vmem>>
    %dma_start3A_376 = tpu.memref_squeeze %dma_start3A_375 : memref<1x6144xf32, #tpu.memory_space<vmem>> -> memref<6144xf32, #tpu.memory_space<vmem>>
    %dma_start3A_377 = tpu.memref_slice %arg2[%add3A_368] : memref<589824xf32, #tpu.memory_space<hbm>> -> memref<6144xf32, #tpu.memory_space<hbm>>
    tpu.enqueue_dma source(%dma_start3A_377 : memref<6144xf32, #tpu.memory_space<hbm>>) target(%dma_start3A_376 : memref<6144xf32, #tpu.memory_space<vmem>>) target_semaphore(%arg10 : memref<!tpu.dma_semaphore, #tpu.memory_space<semaphore_mem>>)
    %parallel_loop3A_378 = arith.constant 0 : i32
    %parallel_loop3A_379 = arith.constant 16 : i32
    %parallel_loop3A_380 = arith.constant 1 : i32
    scf.for %parallel_loop3A_522 = %parallel_loop3A_378 to %parallel_loop3A_379 step %parallel_loop3A_380  : i32 {
      %parallel_loop3A_523 = arith.constant 16 : i32
      %parallel_loop3A_524 = arith.muli %sub3A_279, %parallel_loop3A_523 : i32
      %parallel_loop3A_525 = arith.addi %parallel_loop3A_524, %parallel_loop3A_522 : i32
      %parallel_loop3A_526 = vector.broadcast %parallel_loop3A_525 : i32 to vector<16xi32>
      %parallel_loop3A_527 = arith.sitofp %parallel_loop3A_526 : vector<16xi32> to vector<16xf32>
      %parallel_loop3A_528 = arith.constant 2 : i32
      %parallel_loop3A_529 = arith.muli %parallel_loop3A_528, %parallel_loop3A_525 : i32
      %parallel_loop3A_530 = arith.constant 5 : i32
      %parallel_loop3A_531 = arith.addi %parallel_loop3A_529, %parallel_loop3A_530 : i32
      %parallel_loop3A_532 = arith.constant 8 : i32
      %parallel_loop3A_533 = arith.divsi %parallel_loop3A_531, %parallel_loop3A_532 : i32
      %parallel_loop3A_534 = arith.constant 1 : i32
      %parallel_loop3A_535 = arith.subi %parallel_loop3A_533, %parallel_loop3A_534 : i32
      %parallel_loop3A_536 = vector.broadcast %parallel_loop3A_535 : i32 to vector<16xi32>
      %parallel_loop3A_537 = arith.sitofp %parallel_loop3A_536 : vector<16xi32> to vector<16xf32>
      %parallel_loop3A_538 = arith.constant 2.500000e-01 : f32
      %parallel_loop3A_539 = vector.broadcast %parallel_loop3A_538 : f32 to vector<16xf32>
      %parallel_loop3A_540 = arith.mulf %parallel_loop3A_527, %parallel_loop3A_539 : vector<16xf32>
      %parallel_loop3A_541 = arith.constant -3.750000e-01 : f32
      %parallel_loop3A_542 = vector.broadcast %parallel_loop3A_541 : f32 to vector<16xf32>
      %parallel_loop3A_543 = arith.addf %parallel_loop3A_540, %parallel_loop3A_542 : vector<16xf32>
      %parallel_loop3A_544 = arith.subf %parallel_loop3A_543, %parallel_loop3A_537 : vector<16xf32>
      %parallel_loop3A_545 = arith.constant 0 : i32
      %parallel_loop3A_546 = arith.constant 95 : i32
      %parallel_loop3A_547 = arith.maxsi %parallel_loop3A_545, %parallel_loop3A_535 : i32
      %parallel_loop3A_548 = arith.minsi %parallel_loop3A_546, %parallel_loop3A_547 : i32
      %parallel_loop3A_549 = arith.subi %parallel_loop3A_548, %max3A_285 : i32
      %parallel_loop3A_550 = arith.constant 1 : i32
      %parallel_loop3A_551 = arith.addi %parallel_loop3A_535, %parallel_loop3A_550 : i32
      %parallel_loop3A_552 = arith.constant 0 : i32
      %parallel_loop3A_553 = arith.constant 95 : i32
      %parallel_loop3A_554 = arith.maxsi %parallel_loop3A_552, %parallel_loop3A_551 : i32
      %parallel_loop3A_555 = arith.minsi %parallel_loop3A_553, %parallel_loop3A_554 : i32
      %parallel_loop3A_556 = arith.subi %parallel_loop3A_555, %max3A_285 : i32
      %parallel_loop3A_557 = arith.constant 96 : i32
      %parallel_loop3A_558 = arith.muli %parallel_loop3A_549, %parallel_loop3A_557 : i32
      %parallel_loop3A_559 = vector.broadcast %parallel_loop3A_558 : i32 to vector<16xi32>
      %parallel_loop3A_560 = arith.constant 96 : i32
      %parallel_loop3A_561 = arith.muli %parallel_loop3A_556, %parallel_loop3A_560 : i32
      %parallel_loop3A_562 = vector.broadcast %parallel_loop3A_561 : i32 to vector<16xi32>
      %parallel_loop3A_563 = arith.constant 1.000000e+00 : f32
      %parallel_loop3A_564 = vector.broadcast %parallel_loop3A_563 : f32 to vector<16xf32>
      %parallel_loop3A_565 = arith.subf %parallel_loop3A_564, %parallel_loop3A_544 : vector<16xf32>
      %parallel_loop3A_566 = arith.mulf %parallel_loop3A_565, %sub3A_25 : vector<16xf32>
      %parallel_loop3A_567 = arith.constant 1.000000e+00 : f32
      %parallel_loop3A_568 = vector.broadcast %parallel_loop3A_567 : f32 to vector<16xf32>
      %parallel_loop3A_569 = arith.subf %parallel_loop3A_568, %parallel_loop3A_544 : vector<16xf32>
      %parallel_loop3A_570 = arith.mulf %parallel_loop3A_569, %sub3A_19 : vector<16xf32>
      %parallel_loop3A_571 = arith.mulf %parallel_loop3A_544, %sub3A_25 : vector<16xf32>
      %parallel_loop3A_572 = arith.mulf %parallel_loop3A_544, %sub3A_19 : vector<16xf32>
      %parallel_loop3A_573 = arith.constant 2 : i32
      %parallel_loop3A_574 = arith.muli %parallel_loop3A_573, %parallel_loop3A_525 : i32
      %parallel_loop3A_575 = arith.constant 9 : i32
      %parallel_loop3A_576 = arith.addi %parallel_loop3A_574, %parallel_loop3A_575 : i32
      %parallel_loop3A_577 = arith.constant 16 : i32
      %parallel_loop3A_578 = arith.divsi %parallel_loop3A_576, %parallel_loop3A_577 : i32
      %parallel_loop3A_579 = arith.constant 1 : i32
      %parallel_loop3A_580 = arith.subi %parallel_loop3A_578, %parallel_loop3A_579 : i32
      %parallel_loop3A_581 = vector.broadcast %parallel_loop3A_580 : i32 to vector<16xi32>
      %parallel_loop3A_582 = arith.sitofp %parallel_loop3A_581 : vector<16xi32> to vector<16xf32>
      %parallel_loop3A_583 = arith.constant 1.250000e-01 : f32
      %parallel_loop3A_584 = vector.broadcast %parallel_loop3A_583 : f32 to vector<16xf32>
      %parallel_loop3A_585 = arith.mulf %parallel_loop3A_527, %parallel_loop3A_584 : vector<16xf32>
      %parallel_loop3A_586 = arith.constant -4.375000e-01 : f32
      %parallel_loop3A_587 = vector.broadcast %parallel_loop3A_586 : f32 to vector<16xf32>
      %parallel_loop3A_588 = arith.addf %parallel_loop3A_585, %parallel_loop3A_587 : vector<16xf32>
      %parallel_loop3A_589 = arith.subf %parallel_loop3A_588, %parallel_loop3A_582 : vector<16xf32>
      %parallel_loop3A_590 = arith.constant 0 : i32
      %parallel_loop3A_591 = arith.constant 47 : i32
      %parallel_loop3A_592 = arith.maxsi %parallel_loop3A_590, %parallel_loop3A_580 : i32
      %parallel_loop3A_593 = arith.minsi %parallel_loop3A_591, %parallel_loop3A_592 : i32
      %parallel_loop3A_594 = arith.subi %parallel_loop3A_593, %max3A_291 : i32
      %parallel_loop3A_595 = arith.constant 1 : i32
      %parallel_loop3A_596 = arith.addi %parallel_loop3A_580, %parallel_loop3A_595 : i32
      %parallel_loop3A_597 = arith.constant 0 : i32
      %parallel_loop3A_598 = arith.constant 47 : i32
      %parallel_loop3A_599 = arith.maxsi %parallel_loop3A_597, %parallel_loop3A_596 : i32
      %parallel_loop3A_600 = arith.minsi %parallel_loop3A_598, %parallel_loop3A_599 : i32
      %parallel_loop3A_601 = arith.subi %parallel_loop3A_600, %max3A_291 : i32
      %parallel_loop3A_602 = arith.constant 48 : i32
      %parallel_loop3A_603 = arith.muli %parallel_loop3A_594, %parallel_loop3A_602 : i32
      %parallel_loop3A_604 = vector.broadcast %parallel_loop3A_603 : i32 to vector<16xi32>
      %parallel_loop3A_605 = arith.constant 48 : i32
      %parallel_loop3A_606 = arith.muli %parallel_loop3A_601, %parallel_loop3A_605 : i32
      %parallel_loop3A_607 = vector.broadcast %parallel_loop3A_606 : i32 to vector<16xi32>
      %parallel_loop3A_608 = arith.constant 1.000000e+00 : f32
      %parallel_loop3A_609 = vector.broadcast %parallel_loop3A_608 : f32 to vector<16xf32>
      %parallel_loop3A_610 = arith.subf %parallel_loop3A_609, %parallel_loop3A_589 : vector<16xf32>
      %parallel_loop3A_611 = arith.mulf %parallel_loop3A_610, %sub3A_51 : vector<16xf32>
      %parallel_loop3A_612 = arith.constant 1.000000e+00 : f32
      %parallel_loop3A_613 = vector.broadcast %parallel_loop3A_612 : f32 to vector<16xf32>
      %parallel_loop3A_614 = arith.subf %parallel_loop3A_613, %parallel_loop3A_589 : vector<16xf32>
      %parallel_loop3A_615 = arith.mulf %parallel_loop3A_614, %sub3A_45 : vector<16xf32>
      %parallel_loop3A_616 = arith.mulf %parallel_loop3A_589, %sub3A_51 : vector<16xf32>
      %parallel_loop3A_617 = arith.mulf %parallel_loop3A_589, %sub3A_45 : vector<16xf32>
      %parallel_loop3A_618 = arith.constant 0 : i32
      %parallel_loop3A_619 = arith.constant 24 : i32
      %parallel_loop3A_620 = arith.constant 1 : i32
      scf.for %parallel_loop3A_621 = %parallel_loop3A_618 to %parallel_loop3A_619 step %parallel_loop3A_620  : i32 {
        %parallel_loop3A_622 = arith.constant 24 : i32
        %parallel_loop3A_623 = arith.muli %parallel_loop3A_522, %parallel_loop3A_622 : i32
        %parallel_loop3A_624 = arith.addi %parallel_loop3A_623, %parallel_loop3A_621 : i32
        %parallel_loop3A_625 = arith.constant 16 : i32
        %parallel_loop3A_626 = arith.muli %parallel_loop3A_624, %parallel_loop3A_625 : i32
        %parallel_loop3A_627 = arith.constant 1 : i32
        %parallel_loop3A_628 = arith.index_cast %parallel_loop3A_627 : i32 to index
        %parallel_loop3A_629 = arith.index_cast %parallel_loop3A_626 : i32 to index
        %parallel_loop3A_630 = tpu.vector_load %arg7[%parallel_loop3A_628, %parallel_loop3A_629] {strides = array<i32>} : memref<2x6144xf32, #tpu.memory_space<vmem>>, vector<16xf32>,
        %parallel_loop3A_631 = arith.constant 1.280000e-01 : f32
        %parallel_loop3A_632 = vector.broadcast %parallel_loop3A_631 : f32 to vector<16xf32>
        %parallel_loop3A_633 = arith.mulf %parallel_loop3A_630, %parallel_loop3A_632 : vector<16xf32>
        %parallel_loop3A_634 = arith.fptosi %parallel_loop3A_633 : vector<16xf32> to vector<16xi32>
        %parallel_loop3A_635 = arith.sitofp %parallel_loop3A_634 : vector<16xi32> to vector<16xf32>
        %parallel_loop3A_636 = arith.constant 7.812500e+00 : f32
        %parallel_loop3A_637 = vector.broadcast %parallel_loop3A_636 : f32 to vector<16xf32>
        %parallel_loop3A_638 = arith.mulf %parallel_loop3A_635, %parallel_loop3A_637 : vector<16xf32>
        %parallel_loop3A_639 = arith.cmpf ogt, %parallel_loop3A_638, %parallel_loop3A_630 : vector<16xf32>
        %parallel_loop3A_640 = arith.constant 1 : i32
        %parallel_loop3A_641 = vector.broadcast %parallel_loop3A_640 : i32 to vector<16xi32>
        %parallel_loop3A_642 = arith.subi %parallel_loop3A_634, %parallel_loop3A_641 : vector<16xi32>
        %parallel_loop3A_643 = arith.select %parallel_loop3A_639, %parallel_loop3A_642, %parallel_loop3A_634 : vector<16xi1>, vector<16xi32>
        %parallel_loop3A_644 = arith.sitofp %parallel_loop3A_643 : vector<16xi32> to vector<16xf32>
        %parallel_loop3A_645 = arith.constant 1.000000e+00 : f32
        %parallel_loop3A_646 = vector.broadcast %parallel_loop3A_645 : f32 to vector<16xf32>
        %parallel_loop3A_647 = arith.addf %parallel_loop3A_644, %parallel_loop3A_646 : vector<16xf32>
        %parallel_loop3A_648 = arith.constant 7.812500e+00 : f32
        %parallel_loop3A_649 = vector.broadcast %parallel_loop3A_648 : f32 to vector<16xf32>
        %parallel_loop3A_650 = arith.mulf %parallel_loop3A_647, %parallel_loop3A_649 : vector<16xf32>
        %parallel_loop3A_651 = arith.cmpf ole, %parallel_loop3A_650, %parallel_loop3A_630 : vector<16xf32>
        %parallel_loop3A_652 = arith.constant 1 : i32
        %parallel_loop3A_653 = vector.broadcast %parallel_loop3A_652 : i32 to vector<16xi32>
        %parallel_loop3A_654 = arith.addi %parallel_loop3A_643, %parallel_loop3A_653 : vector<16xi32>
        %parallel_loop3A_655 = arith.select %parallel_loop3A_651, %parallel_loop3A_654, %parallel_loop3A_643 : vector<16xi1>, vector<16xi32>
        %parallel_loop3A_656 = arith.constant 0 : i32
        %parallel_loop3A_657 = arith.constant 127 : i32
        %parallel_loop3A_658 = vector.broadcast %parallel_loop3A_656 : i32 to vector<16xi32>
        %parallel_loop3A_659 = arith.maxsi %parallel_loop3A_658, %parallel_loop3A_655 : vector<16xi32>
        %parallel_loop3A_660 = vector.broadcast %parallel_loop3A_657 : i32 to vector<16xi32>
        %parallel_loop3A_661 = arith.minsi %parallel_loop3A_660, %parallel_loop3A_659 : vector<16xi32>
        %parallel_loop3A_662 = arith.constant 576 : i32
        %parallel_loop3A_663 = vector.broadcast %parallel_loop3A_662 : i32 to vector<16xi32>
        %parallel_loop3A_664 = arith.muli %parallel_loop3A_661, %parallel_loop3A_663 : vector<16xi32>
        %parallel_loop3A_665 = arith.constant 4 : i32
        %parallel_loop3A_666 = arith.muli %parallel_loop3A_665, %parallel_loop3A_621 : i32
        %parallel_loop3A_667 = vector.broadcast %parallel_loop3A_666 : i32 to vector<16xi32>
        %parallel_loop3A_668 = arith.addi %sub3A_11, %parallel_loop3A_667 : vector<16xi32>
        %parallel_loop3A_669 = arith.constant 0 : i32
        %parallel_loop3A_670 = vector.broadcast %parallel_loop3A_669 : i32 to vector<16xi32>
        %parallel_loop3A_671 = arith.maxsi %parallel_loop3A_668, %parallel_loop3A_670 : vector<16xi32>
        %parallel_loop3A_672 = arith.addi %parallel_loop3A_671, %parallel_loop3A_664 : vector<16xi32>
        %parallel_loop3A_673 = arith.addi %add3A_22, %parallel_loop3A_667 : vector<16xi32>
        %parallel_loop3A_674 = arith.constant 95 : i32
        %parallel_loop3A_675 = vector.broadcast %parallel_loop3A_674 : i32 to vector<16xi32>
        %parallel_loop3A_676 = arith.minsi %parallel_loop3A_673, %parallel_loop3A_675 : vector<16xi32>
        %parallel_loop3A_677 = arith.addi %parallel_loop3A_676, %parallel_loop3A_664 : vector<16xi32>
        %parallel_loop3A_678 = arith.addi %parallel_loop3A_559, %parallel_loop3A_672 : vector<16xi32>
        tpu.vector_store_idx %arg5[%parallel_loop3A_678], %parallel_loop3A_566 {add = true} : memref<73728xf32, #tpu.memory_space<vmem>>[vector<16xi32>], vector<16xf32>,
        %parallel_loop3A_679 = arith.addi %parallel_loop3A_559, %parallel_loop3A_677 : vector<16xi32>
        tpu.vector_store_idx %arg5[%parallel_loop3A_679], %parallel_loop3A_570 {add = true} : memref<73728xf32, #tpu.memory_space<vmem>>[vector<16xi32>], vector<16xf32>,
        %parallel_loop3A_680 = arith.addi %parallel_loop3A_562, %parallel_loop3A_672 : vector<16xi32>
        tpu.vector_store_idx %arg5[%parallel_loop3A_680], %parallel_loop3A_571 {add = true} : memref<73728xf32, #tpu.memory_space<vmem>>[vector<16xi32>], vector<16xf32>,
        %parallel_loop3A_681 = arith.addi %parallel_loop3A_562, %parallel_loop3A_677 : vector<16xi32>
        tpu.vector_store_idx %arg5[%parallel_loop3A_681], %parallel_loop3A_572 {add = true} : memref<73728xf32, #tpu.memory_space<vmem>>[vector<16xi32>], vector<16xf32>,
        %parallel_loop3A_682 = arith.constant 192 : i32
        %parallel_loop3A_683 = vector.broadcast %parallel_loop3A_682 : i32 to vector<16xi32>
        %parallel_loop3A_684 = arith.muli %parallel_loop3A_661, %parallel_loop3A_683 : vector<16xi32>
        %parallel_loop3A_685 = arith.constant 2 : i32
        %parallel_loop3A_686 = arith.muli %parallel_loop3A_685, %parallel_loop3A_621 : i32
        %parallel_loop3A_687 = vector.broadcast %parallel_loop3A_686 : i32 to vector<16xi32>
        %parallel_loop3A_688 = arith.addi %sub3A_37, %parallel_loop3A_687 : vector<16xi32>
        %parallel_loop3A_689 = arith.constant 0 : i32
        %parallel_loop3A_690 = vector.broadcast %parallel_loop3A_689 : i32 to vector<16xi32>
        %parallel_loop3A_691 = arith.maxsi %parallel_loop3A_688, %parallel_loop3A_690 : vector<16xi32>
        %parallel_loop3A_692 = arith.addi %parallel_loop3A_691, %parallel_loop3A_684 : vector<16xi32>
        %parallel_loop3A_693 = arith.addi %add3A_48, %parallel_loop3A_687 : vector<16xi32>
        %parallel_loop3A_694 = arith.constant 47 : i32
        %parallel_loop3A_695 = vector.broadcast %parallel_loop3A_694 : i32 to vector<16xi32>
        %parallel_loop3A_696 = arith.minsi %parallel_loop3A_693, %parallel_loop3A_695 : vector<16xi32>
        %parallel_loop3A_697 = arith.addi %parallel_loop3A_696, %parallel_loop3A_684 : vector<16xi32>
        %parallel_loop3A_698 = arith.addi %parallel_loop3A_604, %parallel_loop3A_692 : vector<16xi32>
        tpu.vector_store_idx %arg6[%parallel_loop3A_698], %parallel_loop3A_611 {add = true} : memref<24576xf32, #tpu.memory_space<vmem>>[vector<16xi32>], vector<16xf32>,
        %parallel_loop3A_699 = arith.addi %parallel_loop3A_604, %parallel_loop3A_697 : vector<16xi32>
        tpu.vector_store_idx %arg6[%parallel_loop3A_699], %parallel_loop3A_615 {add = true} : memref<24576xf32, #tpu.memory_space<vmem>>[vector<16xi32>], vector<16xf32>,
        %parallel_loop3A_700 = arith.addi %parallel_loop3A_607, %parallel_loop3A_692 : vector<16xi32>
        tpu.vector_store_idx %arg6[%parallel_loop3A_700], %parallel_loop3A_616 {add = true} : memref<24576xf32, #tpu.memory_space<vmem>>[vector<16xi32>], vector<16xf32>,
        %parallel_loop3A_701 = arith.addi %parallel_loop3A_607, %parallel_loop3A_697 : vector<16xi32>
        tpu.vector_store_idx %arg6[%parallel_loop3A_701], %parallel_loop3A_617 {add = true} : memref<24576xf32, #tpu.memory_space<vmem>>[vector<16xi32>], vector<16xf32>,
      } {sc.loop_unroll_factor = 4 : i64, sc.parallel_access}
    } {sc.loop_unroll_factor = 2 : i64, sc.parallel_access}
    %dma_start3A_381 = arith.constant 0 : i32
    %dma_start3A_382 = tpu.memref_slice %arg3[%add3A_252, %dma_start3A_381] : memref<96x73728xf32, #tpu.memory_space<hbm>> -> memref<1x73728xf32, #tpu.memory_space<hbm>>
    %dma_start3A_383 = tpu.memref_squeeze %dma_start3A_382 : memref<1x73728xf32, #tpu.memory_space<hbm>> -> memref<73728xf32, #tpu.memory_space<hbm>>
    %dma_start3A_384 = arith.constant 0 : i32
    %dma_start3A_385 = tpu.memref_slice %arg3[%add3A_252, %dma_start3A_384] : memref<96x73728xf32, #tpu.memory_space<hbm>> -> memref<1x73728xf32, #tpu.memory_space<hbm>>
    %dma_start3A_386 = tpu.memref_squeeze %dma_start3A_385 : memref<1x73728xf32, #tpu.memory_space<hbm>> -> memref<73728xf32, #tpu.memory_space<hbm>>
    tpu.enqueue_dma source(%arg5 : memref<73728xf32, #tpu.memory_space<vmem>>) target(%dma_start3A_386 : memref<73728xf32, #tpu.memory_space<hbm>>) target_semaphore(%arg8 : memref<!tpu.dma_semaphore, #tpu.memory_space<semaphore_mem>>)
    %dma_start3A_387 = arith.constant 0 : i32
    %dma_start3A_388 = tpu.memref_slice %arg4[%add3A_252, %dma_start3A_387] : memref<96x24576xf32, #tpu.memory_space<hbm>> -> memref<1x24576xf32, #tpu.memory_space<hbm>>
    %dma_start3A_389 = tpu.memref_squeeze %dma_start3A_388 : memref<1x24576xf32, #tpu.memory_space<hbm>> -> memref<24576xf32, #tpu.memory_space<hbm>>
    %dma_start3A_390 = arith.constant 0 : i32
    %dma_start3A_391 = tpu.memref_slice %arg4[%add3A_252, %dma_start3A_390] : memref<96x24576xf32, #tpu.memory_space<hbm>> -> memref<1x24576xf32, #tpu.memory_space<hbm>>
    %dma_start3A_392 = tpu.memref_squeeze %dma_start3A_391 : memref<1x24576xf32, #tpu.memory_space<hbm>> -> memref<24576xf32, #tpu.memory_space<hbm>>
    tpu.enqueue_dma source(%arg6 : memref<24576xf32, #tpu.memory_space<vmem>>) target(%dma_start3A_392 : memref<24576xf32, #tpu.memory_space<hbm>>) target_semaphore(%arg9 : memref<!tpu.dma_semaphore, #tpu.memory_space<semaphore_mem>>)
    %dma_wait3A_393 = arith.constant 0 : i32
    %dma_wait3A_394 = tpu.memref_slice %arg3[%add3A_252, %dma_wait3A_393] : memref<96x73728xf32, #tpu.memory_space<hbm>> -> memref<1x73728xf32, #tpu.memory_space<hbm>>
    %dma_wait3A_395 = tpu.memref_squeeze %dma_wait3A_394 : memref<1x73728xf32, #tpu.memory_space<hbm>> -> memref<73728xf32, #tpu.memory_space<hbm>>
    %dma_wait3A_396 = arith.constant 0 : i32
    %dma_wait3A_397 = tpu.memref_slice %arg3[%add3A_252, %dma_wait3A_396] : memref<96x73728xf32, #tpu.memory_space<hbm>> -> memref<1x73728xf32, #tpu.memory_space<hbm>>
    %dma_wait3A_398 = tpu.memref_squeeze %dma_wait3A_397 : memref<1x73728xf32, #tpu.memory_space<hbm>> -> memref<73728xf32, #tpu.memory_space<hbm>>
    tpu.wait_dma2 semaphore(%arg8 : memref<!tpu.dma_semaphore, #tpu.memory_space<semaphore_mem>>) src(%arg5 : memref<73728xf32, #tpu.memory_space<vmem>>) dst(%dma_wait3A_398 : memref<73728xf32, #tpu.memory_space<hbm>>)
    %parallel_loop3A_399 = arith.constant 0 : i32
    %parallel_loop3A_400 = arith.constant 4608 : i32
    %parallel_loop3A_401 = arith.constant 1 : i32
    scf.for %parallel_loop3A_522 = %parallel_loop3A_399 to %parallel_loop3A_400 step %parallel_loop3A_401  : i32 {
      %parallel_loop3A_523 = arith.constant 16 : i32
      %parallel_loop3A_524 = arith.muli %parallel_loop3A_522, %parallel_loop3A_523 : i32
      %parallel_loop3A_525 = arith.index_cast %parallel_loop3A_524 : i32 to index
      %parallel_loop3A_526 = tpu.vector_load %arg5[%parallel_loop3A_525] {strides = array<i32>} : memref<73728xf32, #tpu.memory_space<vmem>>, vector<16xf32>,
      tpu.vector_store %arg5[%parallel_loop3A_525], %broadcast_in_dim3A_1 {strides = array<i32>} : memref<73728xf32, #tpu.memory_space<vmem>>, vector<16xf32>,
    } {sc.loop_unroll_factor = 8 : i64, sc.parallel_access}
    %dma_wait3A_402 = arith.constant 0 : i32
    %dma_wait3A_403 = tpu.memref_slice %arg4[%add3A_252, %dma_wait3A_402] : memref<96x24576xf32, #tpu.memory_space<hbm>> -> memref<1x24576xf32, #tpu.memory_space<hbm>>
    %dma_wait3A_404 = tpu.memref_squeeze %dma_wait3A_403 : memref<1x24576xf32, #tpu.memory_space<hbm>> -> memref<24576xf32, #tpu.memory_space<hbm>>
    %dma_wait3A_405 = arith.constant 0 : i32
    %dma_wait3A_406 = tpu.memref_slice %arg4[%add3A_252, %dma_wait3A_405] : memref<96x24576xf32, #tpu.memory_space<hbm>> -> memref<1x24576xf32, #tpu.memory_space<hbm>>
    %dma_wait3A_407 = tpu.memref_squeeze %dma_wait3A_406 : memref<1x24576xf32, #tpu.memory_space<hbm>> -> memref<24576xf32, #tpu.memory_space<hbm>>
    tpu.wait_dma2 semaphore(%arg9 : memref<!tpu.dma_semaphore, #tpu.memory_space<semaphore_mem>>) src(%arg6 : memref<24576xf32, #tpu.memory_space<vmem>>) dst(%dma_wait3A_407 : memref<24576xf32, #tpu.memory_space<hbm>>)
    %parallel_loop3A_408 = arith.constant 0 : i32
    %parallel_loop3A_409 = arith.constant 1536 : i32
    %parallel_loop3A_410 = arith.constant 1 : i32
    scf.for %parallel_loop3A_522 = %parallel_loop3A_408 to %parallel_loop3A_409 step %parallel_loop3A_410  : i32 {
      %parallel_loop3A_523 = arith.constant 16 : i32
      %parallel_loop3A_524 = arith.muli %parallel_loop3A_522, %parallel_loop3A_523 : i32
      %parallel_loop3A_525 = arith.index_cast %parallel_loop3A_524 : i32 to index
      %parallel_loop3A_526 = tpu.vector_load %arg6[%parallel_loop3A_525] {strides = array<i32>} : memref<24576xf32, #tpu.memory_space<vmem>>, vector<16xf32>,
      tpu.vector_store %arg6[%parallel_loop3A_525], %broadcast_in_dim3A_1 {strides = array<i32>} : memref<24576xf32, #tpu.memory_space<vmem>>, vector<16xf32>,
    } {sc.loop_unroll_factor = 8 : i64, sc.parallel_access}
    %add3A_411 = arith.constant 64 : i32
    %add3A_412 = arith.addi %add3A_411, %add3A : i32
    %jit3A_413 = arith.constant 24 : i32
    %div3A_414 = arith.divsi %add3A_412, %jit3A_413 : i32
    %sign3A_415 = arith.constant 0 : i32
    %sign3A_416 = arith.cmpi sgt, %add3A_412, %sign3A_415 : i32
    %sign3A_417 = arith.extui %sign3A_416 : i1 to i32
    %sign3A_418 = arith.constant 0 : i32
    %sign3A_419 = arith.cmpi slt, %add3A_412, %sign3A_418 : i32
    %sign3A_420 = arith.extui %sign3A_419 : i1 to i32
    %sign3A_421 = arith.subi %sign3A_417, %sign3A_420 : i32
    %sign3A_422 = arith.constant 0 : i32
    %sign3A_423 = arith.cmpi sgt, %jit3A_413, %sign3A_422 : i32
    %sign3A_424 = arith.extui %sign3A_423 : i1 to i32
    %sign3A_425 = arith.constant 0 : i32
    %sign3A_426 = arith.cmpi slt, %jit3A_413, %sign3A_425 : i32
    %sign3A_427 = arith.extui %sign3A_426 : i1 to i32
    %sign3A_428 = arith.subi %sign3A_424, %sign3A_427 : i32
    %ne3A_429 = arith.cmpi ne, %sign3A_421, %sign3A_428 : i32
    %rem3A_430 = arith.remsi %add3A_412, %jit3A_413 : i32
    %ne3A_431 = arith.constant 0 : i32
    %ne3A_432 = arith.cmpi ne, %rem3A_430, %ne3A_431 : i32
    %and3A_433 = arith.andi %ne3A_429, %ne3A_432 : i1
    %sub3A_434 = arith.constant 1 : i32
    %sub3A_435 = arith.subi %div3A_414, %sub3A_434 : i32
    %select_n3A_436 = arith.select %and3A_433, %sub3A_435, %div3A_414 : i32
    %mul3A_437 = arith.constant 24 : i32
    %mul3A_438 = arith.muli %select_n3A_436, %mul3A_437 : i32
    %sub3A_439 = arith.subi %add3A_412, %mul3A_438 : i32
    %mul3A_440 = arith.constant 4 : i32
    %mul3A_441 = arith.muli %mul3A_440, %sub3A_439 : i32
    %sub3A_442 = arith.constant 1 : i32
    %sub3A_443 = arith.subi %mul3A_441, %sub3A_442 : i32
    %max3A_444 = arith.constant 0 : i32
    %max3A_445 = arith.maxsi %sub3A_443, %max3A_444 : i32
    %mul3A_446 = arith.constant 2 : i32
    %mul3A_447 = arith.muli %mul3A_446, %sub3A_439 : i32
    %sub3A_448 = arith.constant 1 : i32
    %sub3A_449 = arith.subi %mul3A_447, %sub3A_448 : i32
    %max3A_450 = arith.constant 0 : i32
    %max3A_451 = arith.maxsi %sub3A_449, %max3A_450 : i32
    %add3A_452 = arith.constant 64 : i32
    %add3A_453 = arith.addi %add3A_452, %add3A : i32
    %jit3A_454 = arith.constant 24 : i32
    %div3A_455 = arith.divsi %add3A_453, %jit3A_454 : i32
    %sign3A_456 = arith.constant 0 : i32
    %sign3A_457 = arith.cmpi sgt, %add3A_453, %sign3A_456 : i32
    %sign3A_458 = arith.extui %sign3A_457 : i1 to i32
    %sign3A_459 = arith.constant 0 : i32
    %sign3A_460 = arith.cmpi slt, %add3A_453, %sign3A_459 : i32
    %sign3A_461 = arith.extui %sign3A_460 : i1 to i32
    %sign3A_462 = arith.subi %sign3A_458, %sign3A_461 : i32
    %sign3A_463 = arith.constant 0 : i32
    %sign3A_464 = arith.cmpi sgt, %jit3A_454, %sign3A_463 : i32
    %sign3A_465 = arith.extui %sign3A_464 : i1 to i32
    %sign3A_466 = arith.constant 0 : i32
    %sign3A_467 = arith.cmpi slt, %jit3A_454, %sign3A_466 : i32
    %sign3A_468 = arith.extui %sign3A_467 : i1 to i32
    %sign3A_469 = arith.subi %sign3A_465, %sign3A_468 : i32
    %ne3A_470 = arith.cmpi ne, %sign3A_462, %sign3A_469 : i32
    %rem3A_471 = arith.remsi %add3A_453, %jit3A_454 : i32
    %ne3A_472 = arith.constant 0 : i32
    %ne3A_473 = arith.cmpi ne, %rem3A_471, %ne3A_472 : i32
    %and3A_474 = arith.andi %ne3A_470, %ne3A_473 : i1
    %sub3A_475 = arith.constant 1 : i32
    %sub3A_476 = arith.subi %div3A_455, %sub3A_475 : i32
    %select_n3A_477 = arith.select %and3A_474, %sub3A_476, %div3A_455 : i32
    %mul3A_478 = arith.constant 24 : i32
    %mul3A_479 = arith.muli %select_n3A_477, %mul3A_478 : i32
    %sub3A_480 = arith.subi %add3A_453, %mul3A_479 : i32
    %mul3A_481 = arith.constant 147456 : i32
    %mul3A_482 = arith.muli %select_n3A_477, %mul3A_481 : i32
    %mul3A_483 = arith.constant 6144 : i32
    %mul3A_484 = arith.muli %sub3A_480, %mul3A_483 : i32
    %add3A_485 = arith.addi %mul3A_482, %mul3A_484 : i32
    %dma_wait3A_486 = arith.constant 0 : i32
    %dma_wait3A_487 = arith.constant 0 : i32
    %dma_wait3A_488 = tpu.memref_slice %arg7[%dma_wait3A_486, %dma_wait3A_487] : memref<2x6144xf32, #tpu.memory_space<vmem>> -> memref<1x6144xf32, #tpu.memory_space<vmem>>
    %dma_wait3A_489 = tpu.memref_squeeze %dma_wait3A_488 : memref<1x6144xf32, #tpu.memory_space<vmem>> -> memref<6144xf32, #tpu.memory_space<vmem>>
    %dma_wait3A_490 = tpu.memref_slice %arg2[%add3A_485] : memref<589824xf32, #tpu.memory_space<hbm>> -> memref<6144xf32, #tpu.memory_space<hbm>>
    %dma_wait3A_491 = arith.constant 0 : i32
    %dma_wait3A_492 = tpu.memref_slice %arg7[%dma_wait3A_486, %dma_wait3A_491] : memref<2x6144xf32, #tpu.memory_space<vmem>> -> memref<1x6144xf32, #tpu.memory_space<vmem>>
    %dma_wait3A_493 = tpu.memref_squeeze %dma_wait3A_492 : memref<1x6144xf32, #tpu.memory_space<vmem>> -> memref<6144xf32, #tpu.memory_space<vmem>>
    %dma_wait3A_494 = tpu.memref_slice %arg2[%add3A_485] : memref<589824xf32, #tpu.memory_space<hbm>> -> memref<6144xf32, #tpu.memory_space<hbm>>
    tpu.wait_dma2 semaphore(%arg10 : memref<!tpu.dma_semaphore, #tpu.memory_space<semaphore_mem>>) src(%dma_wait3A_494 : memref<6144xf32, #tpu.memory_space<hbm>>) dst(%dma_wait3A_493 : memref<6144xf32, #tpu.memory_space<vmem>>)
    %parallel_loop3A_495 = arith.constant 0 : i32
    %parallel_loop3A_496 = arith.constant 16 : i32
    %parallel_loop3A_497 = arith.constant 1 : i32
    scf.for %parallel_loop3A_522 = %parallel_loop3A_495 to %parallel_loop3A_496 step %parallel_loop3A_497  : i32 {
      %parallel_loop3A_523 = arith.constant 16 : i32
      %parallel_loop3A_524 = arith.muli %sub3A_439, %parallel_loop3A_523 : i32
      %parallel_loop3A_525 = arith.addi %parallel_loop3A_524, %parallel_loop3A_522 : i32
      %parallel_loop3A_526 = vector.broadcast %parallel_loop3A_525 : i32 to vector<16xi32>
      %parallel_loop3A_527 = arith.sitofp %parallel_loop3A_526 : vector<16xi32> to vector<16xf32>
      %parallel_loop3A_528 = arith.constant 2 : i32
      %parallel_loop3A_529 = arith.muli %parallel_loop3A_528, %parallel_loop3A_525 : i32
      %parallel_loop3A_530 = arith.constant 5 : i32
      %parallel_loop3A_531 = arith.addi %parallel_loop3A_529, %parallel_loop3A_530 : i32
      %parallel_loop3A_532 = arith.constant 8 : i32
      %parallel_loop3A_533 = arith.divsi %parallel_loop3A_531, %parallel_loop3A_532 : i32
      %parallel_loop3A_534 = arith.constant 1 : i32
      %parallel_loop3A_535 = arith.subi %parallel_loop3A_533, %parallel_loop3A_534 : i32
      %parallel_loop3A_536 = vector.broadcast %parallel_loop3A_535 : i32 to vector<16xi32>
      %parallel_loop3A_537 = arith.sitofp %parallel_loop3A_536 : vector<16xi32> to vector<16xf32>
      %parallel_loop3A_538 = arith.constant 2.500000e-01 : f32
      %parallel_loop3A_539 = vector.broadcast %parallel_loop3A_538 : f32 to vector<16xf32>
      %parallel_loop3A_540 = arith.mulf %parallel_loop3A_527, %parallel_loop3A_539 : vector<16xf32>
      %parallel_loop3A_541 = arith.constant -3.750000e-01 : f32
      %parallel_loop3A_542 = vector.broadcast %parallel_loop3A_541 : f32 to vector<16xf32>
      %parallel_loop3A_543 = arith.addf %parallel_loop3A_540, %parallel_loop3A_542 : vector<16xf32>
      %parallel_loop3A_544 = arith.subf %parallel_loop3A_543, %parallel_loop3A_537 : vector<16xf32>
      %parallel_loop3A_545 = arith.constant 0 : i32
      %parallel_loop3A_546 = arith.constant 95 : i32
      %parallel_loop3A_547 = arith.maxsi %parallel_loop3A_545, %parallel_loop3A_535 : i32
      %parallel_loop3A_548 = arith.minsi %parallel_loop3A_546, %parallel_loop3A_547 : i32
      %parallel_loop3A_549 = arith.subi %parallel_loop3A_548, %max3A_445 : i32
      %parallel_loop3A_550 = arith.constant 1 : i32
      %parallel_loop3A_551 = arith.addi %parallel_loop3A_535, %parallel_loop3A_550 : i32
      %parallel_loop3A_552 = arith.constant 0 : i32
      %parallel_loop3A_553 = arith.constant 95 : i32
      %parallel_loop3A_554 = arith.maxsi %parallel_loop3A_552, %parallel_loop3A_551 : i32
      %parallel_loop3A_555 = arith.minsi %parallel_loop3A_553, %parallel_loop3A_554 : i32
      %parallel_loop3A_556 = arith.subi %parallel_loop3A_555, %max3A_445 : i32
      %parallel_loop3A_557 = arith.constant 96 : i32
      %parallel_loop3A_558 = arith.muli %parallel_loop3A_549, %parallel_loop3A_557 : i32
      %parallel_loop3A_559 = vector.broadcast %parallel_loop3A_558 : i32 to vector<16xi32>
      %parallel_loop3A_560 = arith.constant 96 : i32
      %parallel_loop3A_561 = arith.muli %parallel_loop3A_556, %parallel_loop3A_560 : i32
      %parallel_loop3A_562 = vector.broadcast %parallel_loop3A_561 : i32 to vector<16xi32>
      %parallel_loop3A_563 = arith.constant 1.000000e+00 : f32
      %parallel_loop3A_564 = vector.broadcast %parallel_loop3A_563 : f32 to vector<16xf32>
      %parallel_loop3A_565 = arith.subf %parallel_loop3A_564, %parallel_loop3A_544 : vector<16xf32>
      %parallel_loop3A_566 = arith.mulf %parallel_loop3A_565, %sub3A_25 : vector<16xf32>
      %parallel_loop3A_567 = arith.constant 1.000000e+00 : f32
      %parallel_loop3A_568 = vector.broadcast %parallel_loop3A_567 : f32 to vector<16xf32>
      %parallel_loop3A_569 = arith.subf %parallel_loop3A_568, %parallel_loop3A_544 : vector<16xf32>
      %parallel_loop3A_570 = arith.mulf %parallel_loop3A_569, %sub3A_19 : vector<16xf32>
      %parallel_loop3A_571 = arith.mulf %parallel_loop3A_544, %sub3A_25 : vector<16xf32>
      %parallel_loop3A_572 = arith.mulf %parallel_loop3A_544, %sub3A_19 : vector<16xf32>
      %parallel_loop3A_573 = arith.constant 2 : i32
      %parallel_loop3A_574 = arith.muli %parallel_loop3A_573, %parallel_loop3A_525 : i32
      %parallel_loop3A_575 = arith.constant 9 : i32
      %parallel_loop3A_576 = arith.addi %parallel_loop3A_574, %parallel_loop3A_575 : i32
      %parallel_loop3A_577 = arith.constant 16 : i32
      %parallel_loop3A_578 = arith.divsi %parallel_loop3A_576, %parallel_loop3A_577 : i32
      %parallel_loop3A_579 = arith.constant 1 : i32
      %parallel_loop3A_580 = arith.subi %parallel_loop3A_578, %parallel_loop3A_579 : i32
      %parallel_loop3A_581 = vector.broadcast %parallel_loop3A_580 : i32 to vector<16xi32>
      %parallel_loop3A_582 = arith.sitofp %parallel_loop3A_581 : vector<16xi32> to vector<16xf32>
      %parallel_loop3A_583 = arith.constant 1.250000e-01 : f32
      %parallel_loop3A_584 = vector.broadcast %parallel_loop3A_583 : f32 to vector<16xf32>
      %parallel_loop3A_585 = arith.mulf %parallel_loop3A_527, %parallel_loop3A_584 : vector<16xf32>
      %parallel_loop3A_586 = arith.constant -4.375000e-01 : f32
      %parallel_loop3A_587 = vector.broadcast %parallel_loop3A_586 : f32 to vector<16xf32>
      %parallel_loop3A_588 = arith.addf %parallel_loop3A_585, %parallel_loop3A_587 : vector<16xf32>
      %parallel_loop3A_589 = arith.subf %parallel_loop3A_588, %parallel_loop3A_582 : vector<16xf32>
      %parallel_loop3A_590 = arith.constant 0 : i32
      %parallel_loop3A_591 = arith.constant 47 : i32
      %parallel_loop3A_592 = arith.maxsi %parallel_loop3A_590, %parallel_loop3A_580 : i32
      %parallel_loop3A_593 = arith.minsi %parallel_loop3A_591, %parallel_loop3A_592 : i32
      %parallel_loop3A_594 = arith.subi %parallel_loop3A_593, %max3A_451 : i32
      %parallel_loop3A_595 = arith.constant 1 : i32
      %parallel_loop3A_596 = arith.addi %parallel_loop3A_580, %parallel_loop3A_595 : i32
      %parallel_loop3A_597 = arith.constant 0 : i32
      %parallel_loop3A_598 = arith.constant 47 : i32
      %parallel_loop3A_599 = arith.maxsi %parallel_loop3A_597, %parallel_loop3A_596 : i32
      %parallel_loop3A_600 = arith.minsi %parallel_loop3A_598, %parallel_loop3A_599 : i32
      %parallel_loop3A_601 = arith.subi %parallel_loop3A_600, %max3A_451 : i32
      %parallel_loop3A_602 = arith.constant 48 : i32
      %parallel_loop3A_603 = arith.muli %parallel_loop3A_594, %parallel_loop3A_602 : i32
      %parallel_loop3A_604 = vector.broadcast %parallel_loop3A_603 : i32 to vector<16xi32>
      %parallel_loop3A_605 = arith.constant 48 : i32
      %parallel_loop3A_606 = arith.muli %parallel_loop3A_601, %parallel_loop3A_605 : i32
      %parallel_loop3A_607 = vector.broadcast %parallel_loop3A_606 : i32 to vector<16xi32>
      %parallel_loop3A_608 = arith.constant 1.000000e+00 : f32
      %parallel_loop3A_609 = vector.broadcast %parallel_loop3A_608 : f32 to vector<16xf32>
      %parallel_loop3A_610 = arith.subf %parallel_loop3A_609, %parallel_loop3A_589 : vector<16xf32>
      %parallel_loop3A_611 = arith.mulf %parallel_loop3A_610, %sub3A_51 : vector<16xf32>
      %parallel_loop3A_612 = arith.constant 1.000000e+00 : f32
      %parallel_loop3A_613 = vector.broadcast %parallel_loop3A_612 : f32 to vector<16xf32>
      %parallel_loop3A_614 = arith.subf %parallel_loop3A_613, %parallel_loop3A_589 : vector<16xf32>
      %parallel_loop3A_615 = arith.mulf %parallel_loop3A_614, %sub3A_45 : vector<16xf32>
      %parallel_loop3A_616 = arith.mulf %parallel_loop3A_589, %sub3A_51 : vector<16xf32>
      %parallel_loop3A_617 = arith.mulf %parallel_loop3A_589, %sub3A_45 : vector<16xf32>
      %parallel_loop3A_618 = arith.constant 0 : i32
      %parallel_loop3A_619 = arith.constant 24 : i32
      %parallel_loop3A_620 = arith.constant 1 : i32
      scf.for %parallel_loop3A_621 = %parallel_loop3A_618 to %parallel_loop3A_619 step %parallel_loop3A_620  : i32 {
        %parallel_loop3A_622 = arith.constant 24 : i32
        %parallel_loop3A_623 = arith.muli %parallel_loop3A_522, %parallel_loop3A_622 : i32
        %parallel_loop3A_624 = arith.addi %parallel_loop3A_623, %parallel_loop3A_621 : i32
        %parallel_loop3A_625 = arith.constant 16 : i32
        %parallel_loop3A_626 = arith.muli %parallel_loop3A_624, %parallel_loop3A_625 : i32
        %parallel_loop3A_627 = arith.constant 0 : i32
        %parallel_loop3A_628 = arith.index_cast %parallel_loop3A_627 : i32 to index
        %parallel_loop3A_629 = arith.index_cast %parallel_loop3A_626 : i32 to index
        %parallel_loop3A_630 = tpu.vector_load %arg7[%parallel_loop3A_628, %parallel_loop3A_629] {strides = array<i32>} : memref<2x6144xf32, #tpu.memory_space<vmem>>, vector<16xf32>,
        %parallel_loop3A_631 = arith.constant 1.280000e-01 : f32
        %parallel_loop3A_632 = vector.broadcast %parallel_loop3A_631 : f32 to vector<16xf32>
        %parallel_loop3A_633 = arith.mulf %parallel_loop3A_630, %parallel_loop3A_632 : vector<16xf32>
        %parallel_loop3A_634 = arith.fptosi %parallel_loop3A_633 : vector<16xf32> to vector<16xi32>
        %parallel_loop3A_635 = arith.sitofp %parallel_loop3A_634 : vector<16xi32> to vector<16xf32>
        %parallel_loop3A_636 = arith.constant 7.812500e+00 : f32
        %parallel_loop3A_637 = vector.broadcast %parallel_loop3A_636 : f32 to vector<16xf32>
        %parallel_loop3A_638 = arith.mulf %parallel_loop3A_635, %parallel_loop3A_637 : vector<16xf32>
        %parallel_loop3A_639 = arith.cmpf ogt, %parallel_loop3A_638, %parallel_loop3A_630 : vector<16xf32>
        %parallel_loop3A_640 = arith.constant 1 : i32
        %parallel_loop3A_641 = vector.broadcast %parallel_loop3A_640 : i32 to vector<16xi32>
        %parallel_loop3A_642 = arith.subi %parallel_loop3A_634, %parallel_loop3A_641 : vector<16xi32>
        %parallel_loop3A_643 = arith.select %parallel_loop3A_639, %parallel_loop3A_642, %parallel_loop3A_634 : vector<16xi1>, vector<16xi32>
        %parallel_loop3A_644 = arith.sitofp %parallel_loop3A_643 : vector<16xi32> to vector<16xf32>
        %parallel_loop3A_645 = arith.constant 1.000000e+00 : f32
        %parallel_loop3A_646 = vector.broadcast %parallel_loop3A_645 : f32 to vector<16xf32>
        %parallel_loop3A_647 = arith.addf %parallel_loop3A_644, %parallel_loop3A_646 : vector<16xf32>
        %parallel_loop3A_648 = arith.constant 7.812500e+00 : f32
        %parallel_loop3A_649 = vector.broadcast %parallel_loop3A_648 : f32 to vector<16xf32>
        %parallel_loop3A_650 = arith.mulf %parallel_loop3A_647, %parallel_loop3A_649 : vector<16xf32>
        %parallel_loop3A_651 = arith.cmpf ole, %parallel_loop3A_650, %parallel_loop3A_630 : vector<16xf32>
        %parallel_loop3A_652 = arith.constant 1 : i32
        %parallel_loop3A_653 = vector.broadcast %parallel_loop3A_652 : i32 to vector<16xi32>
        %parallel_loop3A_654 = arith.addi %parallel_loop3A_643, %parallel_loop3A_653 : vector<16xi32>
        %parallel_loop3A_655 = arith.select %parallel_loop3A_651, %parallel_loop3A_654, %parallel_loop3A_643 : vector<16xi1>, vector<16xi32>
        %parallel_loop3A_656 = arith.constant 0 : i32
        %parallel_loop3A_657 = arith.constant 127 : i32
        %parallel_loop3A_658 = vector.broadcast %parallel_loop3A_656 : i32 to vector<16xi32>
        %parallel_loop3A_659 = arith.maxsi %parallel_loop3A_658, %parallel_loop3A_655 : vector<16xi32>
        %parallel_loop3A_660 = vector.broadcast %parallel_loop3A_657 : i32 to vector<16xi32>
        %parallel_loop3A_661 = arith.minsi %parallel_loop3A_660, %parallel_loop3A_659 : vector<16xi32>
        %parallel_loop3A_662 = arith.constant 576 : i32
        %parallel_loop3A_663 = vector.broadcast %parallel_loop3A_662 : i32 to vector<16xi32>
        %parallel_loop3A_664 = arith.muli %parallel_loop3A_661, %parallel_loop3A_663 : vector<16xi32>
        %parallel_loop3A_665 = arith.constant 4 : i32
        %parallel_loop3A_666 = arith.muli %parallel_loop3A_665, %parallel_loop3A_621 : i32
        %parallel_loop3A_667 = vector.broadcast %parallel_loop3A_666 : i32 to vector<16xi32>
        %parallel_loop3A_668 = arith.addi %sub3A_11, %parallel_loop3A_667 : vector<16xi32>
        %parallel_loop3A_669 = arith.constant 0 : i32
        %parallel_loop3A_670 = vector.broadcast %parallel_loop3A_669 : i32 to vector<16xi32>
        %parallel_loop3A_671 = arith.maxsi %parallel_loop3A_668, %parallel_loop3A_670 : vector<16xi32>
        %parallel_loop3A_672 = arith.addi %parallel_loop3A_671, %parallel_loop3A_664 : vector<16xi32>
        %parallel_loop3A_673 = arith.addi %add3A_22, %parallel_loop3A_667 : vector<16xi32>
        %parallel_loop3A_674 = arith.constant 95 : i32
        %parallel_loop3A_675 = vector.broadcast %parallel_loop3A_674 : i32 to vector<16xi32>
        %parallel_loop3A_676 = arith.minsi %parallel_loop3A_673, %parallel_loop3A_675 : vector<16xi32>
        %parallel_loop3A_677 = arith.addi %parallel_loop3A_676, %parallel_loop3A_664 : vector<16xi32>
        %parallel_loop3A_678 = arith.addi %parallel_loop3A_559, %parallel_loop3A_672 : vector<16xi32>
        tpu.vector_store_idx %arg5[%parallel_loop3A_678], %parallel_loop3A_566 {add = true} : memref<73728xf32, #tpu.memory_space<vmem>>[vector<16xi32>], vector<16xf32>,
        %parallel_loop3A_679 = arith.addi %parallel_loop3A_559, %parallel_loop3A_677 : vector<16xi32>
        tpu.vector_store_idx %arg5[%parallel_loop3A_679], %parallel_loop3A_570 {add = true} : memref<73728xf32, #tpu.memory_space<vmem>>[vector<16xi32>], vector<16xf32>,
        %parallel_loop3A_680 = arith.addi %parallel_loop3A_562, %parallel_loop3A_672 : vector<16xi32>
        tpu.vector_store_idx %arg5[%parallel_loop3A_680], %parallel_loop3A_571 {add = true} : memref<73728xf32, #tpu.memory_space<vmem>>[vector<16xi32>], vector<16xf32>,
        %parallel_loop3A_681 = arith.addi %parallel_loop3A_562, %parallel_loop3A_677 : vector<16xi32>
        tpu.vector_store_idx %arg5[%parallel_loop3A_681], %parallel_loop3A_572 {add = true} : memref<73728xf32, #tpu.memory_space<vmem>>[vector<16xi32>], vector<16xf32>,
        %parallel_loop3A_682 = arith.constant 192 : i32
        %parallel_loop3A_683 = vector.broadcast %parallel_loop3A_682 : i32 to vector<16xi32>
        %parallel_loop3A_684 = arith.muli %parallel_loop3A_661, %parallel_loop3A_683 : vector<16xi32>
        %parallel_loop3A_685 = arith.constant 2 : i32
        %parallel_loop3A_686 = arith.muli %parallel_loop3A_685, %parallel_loop3A_621 : i32
        %parallel_loop3A_687 = vector.broadcast %parallel_loop3A_686 : i32 to vector<16xi32>
        %parallel_loop3A_688 = arith.addi %sub3A_37, %parallel_loop3A_687 : vector<16xi32>
        %parallel_loop3A_689 = arith.constant 0 : i32
        %parallel_loop3A_690 = vector.broadcast %parallel_loop3A_689 : i32 to vector<16xi32>
        %parallel_loop3A_691 = arith.maxsi %parallel_loop3A_688, %parallel_loop3A_690 : vector<16xi32>
        %parallel_loop3A_692 = arith.addi %parallel_loop3A_691, %parallel_loop3A_684 : vector<16xi32>
        %parallel_loop3A_693 = arith.addi %add3A_48, %parallel_loop3A_687 : vector<16xi32>
        %parallel_loop3A_694 = arith.constant 47 : i32
        %parallel_loop3A_695 = vector.broadcast %parallel_loop3A_694 : i32 to vector<16xi32>
        %parallel_loop3A_696 = arith.minsi %parallel_loop3A_693, %parallel_loop3A_695 : vector<16xi32>
        %parallel_loop3A_697 = arith.addi %parallel_loop3A_696, %parallel_loop3A_684 : vector<16xi32>
        %parallel_loop3A_698 = arith.addi %parallel_loop3A_604, %parallel_loop3A_692 : vector<16xi32>
        tpu.vector_store_idx %arg6[%parallel_loop3A_698], %parallel_loop3A_611 {add = true} : memref<24576xf32, #tpu.memory_space<vmem>>[vector<16xi32>], vector<16xf32>,
        %parallel_loop3A_699 = arith.addi %parallel_loop3A_604, %parallel_loop3A_697 : vector<16xi32>
        tpu.vector_store_idx %arg6[%parallel_loop3A_699], %parallel_loop3A_615 {add = true} : memref<24576xf32, #tpu.memory_space<vmem>>[vector<16xi32>], vector<16xf32>,
        %parallel_loop3A_700 = arith.addi %parallel_loop3A_607, %parallel_loop3A_692 : vector<16xi32>
        tpu.vector_store_idx %arg6[%parallel_loop3A_700], %parallel_loop3A_616 {add = true} : memref<24576xf32, #tpu.memory_space<vmem>>[vector<16xi32>], vector<16xf32>,
        %parallel_loop3A_701 = arith.addi %parallel_loop3A_607, %parallel_loop3A_697 : vector<16xi32>
        tpu.vector_store_idx %arg6[%parallel_loop3A_701], %parallel_loop3A_617 {add = true} : memref<24576xf32, #tpu.memory_space<vmem>>[vector<16xi32>], vector<16xf32>,
      } {sc.loop_unroll_factor = 4 : i64, sc.parallel_access}
    } {sc.loop_unroll_factor = 2 : i64, sc.parallel_access}
    %dma_start3A_498 = arith.constant 0 : i32
    %dma_start3A_499 = tpu.memref_slice %arg3[%add3A_412, %dma_start3A_498] : memref<96x73728xf32, #tpu.memory_space<hbm>> -> memref<1x73728xf32, #tpu.memory_space<hbm>>
    %dma_start3A_500 = tpu.memref_squeeze %dma_start3A_499 : memref<1x73728xf32, #tpu.memory_space<hbm>> -> memref<73728xf32, #tpu.memory_space<hbm>>
    %dma_start3A_501 = arith.constant 0 : i32
    %dma_start3A_502 = tpu.memref_slice %arg3[%add3A_412, %dma_start3A_501] : memref<96x73728xf32, #tpu.memory_space<hbm>> -> memref<1x73728xf32, #tpu.memory_space<hbm>>
    %dma_start3A_503 = tpu.memref_squeeze %dma_start3A_502 : memref<1x73728xf32, #tpu.memory_space<hbm>> -> memref<73728xf32, #tpu.memory_space<hbm>>
    tpu.enqueue_dma source(%arg5 : memref<73728xf32, #tpu.memory_space<vmem>>) target(%dma_start3A_503 : memref<73728xf32, #tpu.memory_space<hbm>>) target_semaphore(%arg8 : memref<!tpu.dma_semaphore, #tpu.memory_space<semaphore_mem>>)
    %dma_start3A_504 = arith.constant 0 : i32
    %dma_start3A_505 = tpu.memref_slice %arg4[%add3A_412, %dma_start3A_504] : memref<96x24576xf32, #tpu.memory_space<hbm>> -> memref<1x24576xf32, #tpu.memory_space<hbm>>
    %dma_start3A_506 = tpu.memref_squeeze %dma_start3A_505 : memref<1x24576xf32, #tpu.memory_space<hbm>> -> memref<24576xf32, #tpu.memory_space<hbm>>
    %dma_start3A_507 = arith.constant 0 : i32
    %dma_start3A_508 = tpu.memref_slice %arg4[%add3A_412, %dma_start3A_507] : memref<96x24576xf32, #tpu.memory_space<hbm>> -> memref<1x24576xf32, #tpu.memory_space<hbm>>
    %dma_start3A_509 = tpu.memref_squeeze %dma_start3A_508 : memref<1x24576xf32, #tpu.memory_space<hbm>> -> memref<24576xf32, #tpu.memory_space<hbm>>
    tpu.enqueue_dma source(%arg6 : memref<24576xf32, #tpu.memory_space<vmem>>) target(%dma_start3A_509 : memref<24576xf32, #tpu.memory_space<hbm>>) target_semaphore(%arg9 : memref<!tpu.dma_semaphore, #tpu.memory_space<semaphore_mem>>)
    %dma_wait3A_510 = arith.constant 0 : i32
    %dma_wait3A_511 = tpu.memref_slice %arg3[%add3A_412, %dma_wait3A_510] : memref<96x73728xf32, #tpu.memory_space<hbm>> -> memref<1x73728xf32, #tpu.memory_space<hbm>>
    %dma_wait3A_512 = tpu.memref_squeeze %dma_wait3A_511 : memref<1x73728xf32, #tpu.memory_space<hbm>> -> memref<73728xf32, #tpu.memory_space<hbm>>
    %dma_wait3A_513 = arith.constant 0 : i32
    %dma_wait3A_514 = tpu.memref_slice %arg3[%add3A_412, %dma_wait3A_513] : memref<96x73728xf32, #tpu.memory_space<hbm>> -> memref<1x73728xf32, #tpu.memory_space<hbm>>
    %dma_wait3A_515 = tpu.memref_squeeze %dma_wait3A_514 : memref<1x73728xf32, #tpu.memory_space<hbm>> -> memref<73728xf32, #tpu.memory_space<hbm>>
    tpu.wait_dma2 semaphore(%arg8 : memref<!tpu.dma_semaphore, #tpu.memory_space<semaphore_mem>>) src(%arg5 : memref<73728xf32, #tpu.memory_space<vmem>>) dst(%dma_wait3A_515 : memref<73728xf32, #tpu.memory_space<hbm>>)
    %dma_wait3A_516 = arith.constant 0 : i32
    %dma_wait3A_517 = tpu.memref_slice %arg4[%add3A_412, %dma_wait3A_516] : memref<96x24576xf32, #tpu.memory_space<hbm>> -> memref<1x24576xf32, #tpu.memory_space<hbm>>
    %dma_wait3A_518 = tpu.memref_squeeze %dma_wait3A_517 : memref<1x24576xf32, #tpu.memory_space<hbm>> -> memref<24576xf32, #tpu.memory_space<hbm>>
    %dma_wait3A_519 = arith.constant 0 : i32
    %dma_wait3A_520 = tpu.memref_slice %arg4[%add3A_412, %dma_wait3A_519] : memref<96x24576xf32, #tpu.memory_space<hbm>> -> memref<1x24576xf32, #tpu.memory_space<hbm>>
    %dma_wait3A_521 = tpu.memref_squeeze %dma_wait3A_520 : memref<1x24576xf32, #tpu.memory_space<hbm>> -> memref<24576xf32, #tpu.memory_space<hbm>>
    tpu.wait_dma2 semaphore(%arg9 : memref<!tpu.dma_semaphore, #tpu.memory_space<semaphore_mem>>) src(%arg6 : memref<24576xf32, #tpu.memory_space<vmem>>) dst(%dma_wait3A_521 : memref<24576xf32, #tpu.memory_space<hbm>>)
    return
  }
}

module attributes {stable_mosaic.version = 14 : i64} {
  func.func @body(%arg0: i32, %arg1: memref<8x128x576xf32, #tpu.memory_space<vmem>>, %arg2: memref<8x128x192xf32, #tpu.memory_space<vmem>>, %arg3: memref<1x96x96x96xf32, #tpu.memory_space<vmem>>, %arg4: memref<1x48x48x192xf32, #tpu.memory_space<vmem>>, %arg5: memref<2x192x128xf32, #tpu.memory_space<vmem>>, %arg6: memref<128x96xf32, #tpu.memory_space<vmem>>, %arg7: memref<128x192xf32, #tpu.memory_space<vmem>>, %arg8: memref<128x1xf32, #tpu.memory_space<vmem>>) attributes {dimension_semantics = [#tpu.dimension_semantics<arbitrary>], iteration_bounds = array<i64: 12>, scalar_prefetch = 0 : i64, scratch_operands = 3 : i64, tpu.core_type = #tpu.core_type<tc>, window_params = [{transform_indices = @transform_0, window_bounds = array<i64: 8, 128, 576>}, {transform_indices = @transform_1, window_bounds = array<i64: 8, 128, 192>}, {transform_indices = @transform_2, window_bounds = array<i64: 1, 96, 96, 96>}, {transform_indices = @transform_3, window_bounds = array<i64: 1, 48, 48, 192>}, {pipeline_mode = #tpu.pipeline_mode<synchronous>, transform_indices = @transform_4, window_bounds = array<i64: 2, 192, 128>}]} {
    %eq3A = arith.constant 0 : i32
    %eq3A_0 = arith.cmpi eq, %arg0, %eq3A : i32
    %convert_element_type3A = arith.extui %eq3A_0 : i1 to i32
    %cond3A = arith.constant 0 : i32
    %cond3A_1 = arith.cmpi ne, %convert_element_type3A, %cond3A : i32
    scf.if %cond3A_1 {
      %broadcast_in_dim3A_750 = arith.constant 0.000000e+00 : f32
      %broadcast_in_dim3A_751 = vector.broadcast %broadcast_in_dim3A_750 : f32 to vector<128x96xf32>
      %swap3A_752 = arith.constant 0 : index
      %swap3A_753 = arith.constant 0 : index
      %swap3A_754 = vector.load %arg6[%swap3A_752, %swap3A_753] : memref<128x96xf32, #tpu.memory_space<vmem>>, vector<128x96xf32>
      tpu.vector_store %arg6[%swap3A_752, %swap3A_753], %broadcast_in_dim3A_751 {strides = array<i32>} : memref<128x96xf32, #tpu.memory_space<vmem>>, vector<128x96xf32>,
      %broadcast_in_dim3A_755 = arith.constant 0.000000e+00 : f32
      %broadcast_in_dim3A_756 = vector.broadcast %broadcast_in_dim3A_755 : f32 to vector<128x192xf32>
      %swap3A_757 = arith.constant 0 : index
      %swap3A_758 = arith.constant 0 : index
      %swap3A_759 = vector.load %arg7[%swap3A_757, %swap3A_758] : memref<128x192xf32, #tpu.memory_space<vmem>>, vector<128x192xf32>
      tpu.vector_store %arg7[%swap3A_757, %swap3A_758], %broadcast_in_dim3A_756 {strides = array<i32>} : memref<128x192xf32, #tpu.memory_space<vmem>>, vector<128x192xf32>,
      %broadcast_in_dim3A_760 = arith.constant 0.000000e+00 : f32
      %broadcast_in_dim3A_761 = vector.broadcast %broadcast_in_dim3A_760 : f32 to vector<128x1xf32>
      %swap3A_762 = arith.constant 0 : index
      %swap3A_763 = arith.constant 0 : index
      %swap3A_764 = vector.load %arg8[%swap3A_762, %swap3A_763] : memref<128x1xf32, #tpu.memory_space<vmem>>, vector<128x1xf32>
      tpu.vector_store %arg8[%swap3A_762, %swap3A_763], %broadcast_in_dim3A_761 {strides = array<i32>} : memref<128x1xf32, #tpu.memory_space<vmem>>, vector<128x1xf32>,
    } else {
    }
    %mul3A = arith.constant 8 : i32
    %mul3A_2 = arith.muli %mul3A, %arg0 : i32
    %add3A = arith.constant 0 : i32
    %add3A_3 = arith.addi %mul3A_2, %add3A : i32
    %jit3A = arith.constant 24 : i32
    %div3A = arith.divsi %add3A_3, %jit3A : i32
    %sign3A = arith.constant 0 : i32
    %sign3A_4 = arith.cmpi sgt, %add3A_3, %sign3A : i32
    %sign3A_5 = arith.extui %sign3A_4 : i1 to i32
    %sign3A_6 = arith.constant 0 : i32
    %sign3A_7 = arith.cmpi slt, %add3A_3, %sign3A_6 : i32
    %sign3A_8 = arith.extui %sign3A_7 : i1 to i32
    %sign3A_9 = arith.subi %sign3A_5, %sign3A_8 : i32
    %sign3A_10 = arith.constant 0 : i32
    %sign3A_11 = arith.cmpi sgt, %jit3A, %sign3A_10 : i32
    %sign3A_12 = arith.extui %sign3A_11 : i1 to i32
    %sign3A_13 = arith.constant 0 : i32
    %sign3A_14 = arith.cmpi slt, %jit3A, %sign3A_13 : i32
    %sign3A_15 = arith.extui %sign3A_14 : i1 to i32
    %sign3A_16 = arith.subi %sign3A_12, %sign3A_15 : i32
    %ne3A = arith.cmpi ne, %sign3A_9, %sign3A_16 : i32
    %rem3A = arith.remsi %add3A_3, %jit3A : i32
    %ne3A_17 = arith.constant 0 : i32
    %ne3A_18 = arith.cmpi ne, %rem3A, %ne3A_17 : i32
    %and3A = arith.andi %ne3A, %ne3A_18 : i1
    %sub3A = arith.constant 1 : i32
    %sub3A_19 = arith.subi %div3A, %sub3A : i32
    %select_n3A = arith.select %and3A, %sub3A_19, %div3A : i32
    %mul3A_20 = arith.constant 24 : i32
    %mul3A_21 = arith.muli %select_n3A, %mul3A_20 : i32
    %sub3A_22 = arith.subi %add3A_3, %mul3A_21 : i32
    %mul3A_23 = arith.constant 4 : i32
    %mul3A_24 = arith.muli %mul3A_23, %sub3A_22 : i32
    %sub3A_25 = arith.constant 1 : i32
    %sub3A_26 = arith.subi %mul3A_24, %sub3A_25 : i32
    %max3A = arith.constant 0 : i32
    %max3A_27 = arith.maxsi %sub3A_26, %max3A : i32
    %mul3A_28 = arith.constant 2 : i32
    %mul3A_29 = arith.muli %mul3A_28, %sub3A_22 : i32
    %sub3A_30 = arith.constant 1 : i32
    %sub3A_31 = arith.subi %mul3A_29, %sub3A_30 : i32
    %max3A_32 = arith.constant 0 : i32
    %max3A_33 = arith.maxsi %sub3A_31, %max3A_32 : i32
    %get3A = arith.constant 0 : index
    %get3A_34 = arith.constant 0 : index
    %get3A_35 = arith.constant 0 : index
    %get3A_36 = vector.load %arg1[%get3A, %get3A_34, %get3A_35] : memref<8x128x576xf32, #tpu.memory_space<vmem>>, vector<1x128x576xf32>
    %get3A_37 = vector.shape_cast %get3A_36 : vector<1x128x576xf32> to vector<128x576xf32>
    %get3A_38 = arith.constant 0 : index
    %get3A_39 = arith.index_cast %max3A_27 : i32 to index
    %get3A_40 = arith.constant 0 : index
    %get3A_41 = arith.constant 0 : index
    %get3A_42 = vector.load %arg3[%get3A_38, %get3A_39, %get3A_40, %get3A_41] : memref<1x96x96x96xf32, #tpu.memory_space<vmem>>, vector<1x6x96x96xf32>
    %get3A_43 = vector.shape_cast %get3A_42 : vector<1x6x96x96xf32> to vector<6x96x96xf32>
    %reshape3A = vector.shape_cast %get3A_43 : vector<6x96x96xf32> to vector<576x96xf32>
    %get3A_44 = arith.constant 0 : index
    %get3A_45 = arith.index_cast %max3A_33 : i32 to index
    %get3A_46 = arith.constant 0 : index
    %get3A_47 = arith.constant 0 : index
    %get3A_48 = vector.load %arg4[%get3A_44, %get3A_45, %get3A_46, %get3A_47] : memref<1x48x48x192xf32, #tpu.memory_space<vmem>>, vector<1x4x48x192xf32>
    %get3A_49 = vector.shape_cast %get3A_48 : vector<1x4x48x192xf32> to vector<4x48x192xf32>
    %reshape3A_50 = vector.shape_cast %get3A_49 : vector<4x48x192xf32> to vector<192x192xf32>
    %get3A_51 = arith.constant 0 : index
    %get3A_52 = arith.constant 0 : index
    %get3A_53 = vector.load %arg6[%get3A_51, %get3A_52] : memref<128x96xf32, #tpu.memory_space<vmem>>, vector<128x96xf32>
    %dot_general3A = arith.constant dense<0.000000e+00> : vector<128x96xf32>
    %dot_general3A_54 = tpu.matmul %get3A_37, %reshape3A, %dot_general3A {dimension_numbers = #tpu.dot_dimension_numbers<[1], [0], [0], [1], [0, 0, 1, 1], [], []>, precision = #tpu.contract_precision<fp32>, transpose_lhs_hint = false} : vector<128x576xf32>, vector<576x96xf32>, vector<128x96xf32> -> vector<128x96xf32>
    %add3A_55 = arith.addf %get3A_53, %dot_general3A_54 : vector<128x96xf32>
    %swap3A = arith.constant 0 : index
    %swap3A_56 = arith.constant 0 : index
    %swap3A_57 = vector.load %arg6[%swap3A, %swap3A_56] : memref<128x96xf32, #tpu.memory_space<vmem>>, vector<128x96xf32>
    tpu.vector_store %arg6[%swap3A, %swap3A_56], %add3A_55 {strides = array<i32>} : memref<128x96xf32, #tpu.memory_space<vmem>>, vector<128x96xf32>,
    %get3A_58 = arith.constant 0 : index
    %get3A_59 = arith.constant 0 : index
    %get3A_60 = vector.load %arg7[%get3A_58, %get3A_59] : memref<128x192xf32, #tpu.memory_space<vmem>>, vector<128x192xf32>
    %get3A_61 = arith.constant 0 : index
    %get3A_62 = arith.constant 0 : index
    %get3A_63 = arith.constant 0 : index
    %get3A_64 = vector.load %arg2[%get3A_61, %get3A_62, %get3A_63] : memref<8x128x192xf32, #tpu.memory_space<vmem>>, vector<1x128x192xf32>
    %get3A_65 = vector.shape_cast %get3A_64 : vector<1x128x192xf32> to vector<128x192xf32>
    %dot_general3A_66 = arith.constant dense<0.000000e+00> : vector<128x192xf32>
    %dot_general3A_67 = tpu.matmul %get3A_65, %reshape3A_50, %dot_general3A_66 {dimension_numbers = #tpu.dot_dimension_numbers<[1], [0], [0], [1], [0, 0, 1, 1], [], []>, precision = #tpu.contract_precision<fp32>, transpose_lhs_hint = false} : vector<128x192xf32>, vector<192x192xf32>, vector<128x192xf32> -> vector<128x192xf32>
    %add3A_68 = arith.addf %get3A_60, %dot_general3A_67 : vector<128x192xf32>
    %swap3A_69 = arith.constant 0 : index
    %swap3A_70 = arith.constant 0 : index
    %swap3A_71 = vector.load %arg7[%swap3A_69, %swap3A_70] : memref<128x192xf32, #tpu.memory_space<vmem>>, vector<128x192xf32>
    tpu.vector_store %arg7[%swap3A_69, %swap3A_70], %add3A_68 {strides = array<i32>} : memref<128x192xf32, #tpu.memory_space<vmem>>, vector<128x192xf32>,
    %get3A_72 = arith.constant 0 : index
    %get3A_73 = arith.constant 0 : index
    %get3A_74 = vector.load %arg8[%get3A_72, %get3A_73] : memref<128x1xf32, #tpu.memory_space<vmem>>, vector<128x1xf32>
    %reduce_sum3A = arith.constant dense<0.000000e+00> : vector<128xf32>
    %reduce_sum3A_75 = vector.multi_reduction <add>, %get3A_37, %reduce_sum3A [1] : vector<128x576xf32> to vector<128xf32>
    %broadcast_in_dim3A = vector.shape_cast %reduce_sum3A_75 : vector<128xf32> to vector<128x1xf32>
    %add3A_76 = arith.addf %get3A_74, %broadcast_in_dim3A : vector<128x1xf32>
    %swap3A_77 = arith.constant 0 : index
    %swap3A_78 = arith.constant 0 : index
    %swap3A_79 = vector.load %arg8[%swap3A_77, %swap3A_78] : memref<128x1xf32, #tpu.memory_space<vmem>>, vector<128x1xf32>
    tpu.vector_store %arg8[%swap3A_77, %swap3A_78], %add3A_76 {strides = array<i32>} : memref<128x1xf32, #tpu.memory_space<vmem>>, vector<128x1xf32>,
    %mul3A_80 = arith.constant 8 : i32
    %mul3A_81 = arith.muli %mul3A_80, %arg0 : i32
    %add3A_82 = arith.constant 1 : i32
    %add3A_83 = arith.addi %mul3A_81, %add3A_82 : i32
    %jit3A_84 = arith.constant 24 : i32
    %div3A_85 = arith.divsi %add3A_83, %jit3A_84 : i32
    %sign3A_86 = arith.constant 0 : i32
    %sign3A_87 = arith.cmpi sgt, %add3A_83, %sign3A_86 : i32
    %sign3A_88 = arith.extui %sign3A_87 : i1 to i32
    %sign3A_89 = arith.constant 0 : i32
    %sign3A_90 = arith.cmpi slt, %add3A_83, %sign3A_89 : i32
    %sign3A_91 = arith.extui %sign3A_90 : i1 to i32
    %sign3A_92 = arith.subi %sign3A_88, %sign3A_91 : i32
    %sign3A_93 = arith.constant 0 : i32
    %sign3A_94 = arith.cmpi sgt, %jit3A_84, %sign3A_93 : i32
    %sign3A_95 = arith.extui %sign3A_94 : i1 to i32
    %sign3A_96 = arith.constant 0 : i32
    %sign3A_97 = arith.cmpi slt, %jit3A_84, %sign3A_96 : i32
    %sign3A_98 = arith.extui %sign3A_97 : i1 to i32
    %sign3A_99 = arith.subi %sign3A_95, %sign3A_98 : i32
    %ne3A_100 = arith.cmpi ne, %sign3A_92, %sign3A_99 : i32
    %rem3A_101 = arith.remsi %add3A_83, %jit3A_84 : i32
    %ne3A_102 = arith.constant 0 : i32
    %ne3A_103 = arith.cmpi ne, %rem3A_101, %ne3A_102 : i32
    %and3A_104 = arith.andi %ne3A_100, %ne3A_103 : i1
    %sub3A_105 = arith.constant 1 : i32
    %sub3A_106 = arith.subi %div3A_85, %sub3A_105 : i32
    %select_n3A_107 = arith.select %and3A_104, %sub3A_106, %div3A_85 : i32
    %mul3A_108 = arith.constant 24 : i32
    %mul3A_109 = arith.muli %select_n3A_107, %mul3A_108 : i32
    %sub3A_110 = arith.subi %add3A_83, %mul3A_109 : i32
    %mul3A_111 = arith.constant 4 : i32
    %mul3A_112 = arith.muli %mul3A_111, %sub3A_110 : i32
    %sub3A_113 = arith.constant 1 : i32
    %sub3A_114 = arith.subi %mul3A_112, %sub3A_113 : i32
    %max3A_115 = arith.constant 0 : i32
    %max3A_116 = arith.maxsi %sub3A_114, %max3A_115 : i32
    %mul3A_117 = arith.constant 2 : i32
    %mul3A_118 = arith.muli %mul3A_117, %sub3A_110 : i32
    %sub3A_119 = arith.constant 1 : i32
    %sub3A_120 = arith.subi %mul3A_118, %sub3A_119 : i32
    %max3A_121 = arith.constant 0 : i32
    %max3A_122 = arith.maxsi %sub3A_120, %max3A_121 : i32
    %get3A_123 = arith.constant 1 : index
    %get3A_124 = arith.constant 0 : index
    %get3A_125 = arith.constant 0 : index
    %get3A_126 = vector.load %arg1[%get3A_123, %get3A_124, %get3A_125] : memref<8x128x576xf32, #tpu.memory_space<vmem>>, vector<1x128x576xf32>
    %get3A_127 = vector.shape_cast %get3A_126 : vector<1x128x576xf32> to vector<128x576xf32>
    %get3A_128 = arith.constant 0 : index
    %get3A_129 = arith.index_cast %max3A_116 : i32 to index
    %get3A_130 = arith.constant 0 : index
    %get3A_131 = arith.constant 0 : index
    %get3A_132 = vector.load %arg3[%get3A_128, %get3A_129, %get3A_130, %get3A_131] : memref<1x96x96x96xf32, #tpu.memory_space<vmem>>, vector<1x6x96x96xf32>
    %get3A_133 = vector.shape_cast %get3A_132 : vector<1x6x96x96xf32> to vector<6x96x96xf32>
    %reshape3A_134 = vector.shape_cast %get3A_133 : vector<6x96x96xf32> to vector<576x96xf32>
    %get3A_135 = arith.constant 0 : index
    %get3A_136 = arith.index_cast %max3A_122 : i32 to index
    %get3A_137 = arith.constant 0 : index
    %get3A_138 = arith.constant 0 : index
    %get3A_139 = vector.load %arg4[%get3A_135, %get3A_136, %get3A_137, %get3A_138] : memref<1x48x48x192xf32, #tpu.memory_space<vmem>>, vector<1x4x48x192xf32>
    %get3A_140 = vector.shape_cast %get3A_139 : vector<1x4x48x192xf32> to vector<4x48x192xf32>
    %reshape3A_141 = vector.shape_cast %get3A_140 : vector<4x48x192xf32> to vector<192x192xf32>
    %get3A_142 = arith.constant 0 : index
    %get3A_143 = arith.constant 0 : index
    %get3A_144 = vector.load %arg6[%get3A_142, %get3A_143] : memref<128x96xf32, #tpu.memory_space<vmem>>, vector<128x96xf32>
    %dot_general3A_145 = arith.constant dense<0.000000e+00> : vector<128x96xf32>
    %dot_general3A_146 = tpu.matmul %get3A_127, %reshape3A_134, %dot_general3A_145 {dimension_numbers = #tpu.dot_dimension_numbers<[1], [0], [0], [1], [0, 0, 1, 1], [], []>, precision = #tpu.contract_precision<fp32>, transpose_lhs_hint = false} : vector<128x576xf32>, vector<576x96xf32>, vector<128x96xf32> -> vector<128x96xf32>
    %add3A_147 = arith.addf %get3A_144, %dot_general3A_146 : vector<128x96xf32>
    %swap3A_148 = arith.constant 0 : index
    %swap3A_149 = arith.constant 0 : index
    %swap3A_150 = vector.load %arg6[%swap3A_148, %swap3A_149] : memref<128x96xf32, #tpu.memory_space<vmem>>, vector<128x96xf32>
    tpu.vector_store %arg6[%swap3A_148, %swap3A_149], %add3A_147 {strides = array<i32>} : memref<128x96xf32, #tpu.memory_space<vmem>>, vector<128x96xf32>,
    %get3A_151 = arith.constant 0 : index
    %get3A_152 = arith.constant 0 : index
    %get3A_153 = vector.load %arg7[%get3A_151, %get3A_152] : memref<128x192xf32, #tpu.memory_space<vmem>>, vector<128x192xf32>
    %get3A_154 = arith.constant 1 : index
    %get3A_155 = arith.constant 0 : index
    %get3A_156 = arith.constant 0 : index
    %get3A_157 = vector.load %arg2[%get3A_154, %get3A_155, %get3A_156] : memref<8x128x192xf32, #tpu.memory_space<vmem>>, vector<1x128x192xf32>
    %get3A_158 = vector.shape_cast %get3A_157 : vector<1x128x192xf32> to vector<128x192xf32>
    %dot_general3A_159 = arith.constant dense<0.000000e+00> : vector<128x192xf32>
    %dot_general3A_160 = tpu.matmul %get3A_158, %reshape3A_141, %dot_general3A_159 {dimension_numbers = #tpu.dot_dimension_numbers<[1], [0], [0], [1], [0, 0, 1, 1], [], []>, precision = #tpu.contract_precision<fp32>, transpose_lhs_hint = false} : vector<128x192xf32>, vector<192x192xf32>, vector<128x192xf32> -> vector<128x192xf32>
    %add3A_161 = arith.addf %get3A_153, %dot_general3A_160 : vector<128x192xf32>
    %swap3A_162 = arith.constant 0 : index
    %swap3A_163 = arith.constant 0 : index
    %swap3A_164 = vector.load %arg7[%swap3A_162, %swap3A_163] : memref<128x192xf32, #tpu.memory_space<vmem>>, vector<128x192xf32>
    tpu.vector_store %arg7[%swap3A_162, %swap3A_163], %add3A_161 {strides = array<i32>} : memref<128x192xf32, #tpu.memory_space<vmem>>, vector<128x192xf32>,
    %get3A_165 = arith.constant 0 : index
    %get3A_166 = arith.constant 0 : index
    %get3A_167 = vector.load %arg8[%get3A_165, %get3A_166] : memref<128x1xf32, #tpu.memory_space<vmem>>, vector<128x1xf32>
    %reduce_sum3A_168 = arith.constant dense<0.000000e+00> : vector<128xf32>
    %reduce_sum3A_169 = vector.multi_reduction <add>, %get3A_127, %reduce_sum3A_168 [1] : vector<128x576xf32> to vector<128xf32>
    %broadcast_in_dim3A_170 = vector.shape_cast %reduce_sum3A_169 : vector<128xf32> to vector<128x1xf32>
    %add3A_171 = arith.addf %get3A_167, %broadcast_in_dim3A_170 : vector<128x1xf32>
    %swap3A_172 = arith.constant 0 : index
    %swap3A_173 = arith.constant 0 : index
    %swap3A_174 = vector.load %arg8[%swap3A_172, %swap3A_173] : memref<128x1xf32, #tpu.memory_space<vmem>>, vector<128x1xf32>
    tpu.vector_store %arg8[%swap3A_172, %swap3A_173], %add3A_171 {strides = array<i32>} : memref<128x1xf32, #tpu.memory_space<vmem>>, vector<128x1xf32>,
    %mul3A_175 = arith.constant 8 : i32
    %mul3A_176 = arith.muli %mul3A_175, %arg0 : i32
    %add3A_177 = arith.constant 2 : i32
    %add3A_178 = arith.addi %mul3A_176, %add3A_177 : i32
    %jit3A_179 = arith.constant 24 : i32
    %div3A_180 = arith.divsi %add3A_178, %jit3A_179 : i32
    %sign3A_181 = arith.constant 0 : i32
    %sign3A_182 = arith.cmpi sgt, %add3A_178, %sign3A_181 : i32
    %sign3A_183 = arith.extui %sign3A_182 : i1 to i32
    %sign3A_184 = arith.constant 0 : i32
    %sign3A_185 = arith.cmpi slt, %add3A_178, %sign3A_184 : i32
    %sign3A_186 = arith.extui %sign3A_185 : i1 to i32
    %sign3A_187 = arith.subi %sign3A_183, %sign3A_186 : i32
    %sign3A_188 = arith.constant 0 : i32
    %sign3A_189 = arith.cmpi sgt, %jit3A_179, %sign3A_188 : i32
    %sign3A_190 = arith.extui %sign3A_189 : i1 to i32
    %sign3A_191 = arith.constant 0 : i32
    %sign3A_192 = arith.cmpi slt, %jit3A_179, %sign3A_191 : i32
    %sign3A_193 = arith.extui %sign3A_192 : i1 to i32
    %sign3A_194 = arith.subi %sign3A_190, %sign3A_193 : i32
    %ne3A_195 = arith.cmpi ne, %sign3A_187, %sign3A_194 : i32
    %rem3A_196 = arith.remsi %add3A_178, %jit3A_179 : i32
    %ne3A_197 = arith.constant 0 : i32
    %ne3A_198 = arith.cmpi ne, %rem3A_196, %ne3A_197 : i32
    %and3A_199 = arith.andi %ne3A_195, %ne3A_198 : i1
    %sub3A_200 = arith.constant 1 : i32
    %sub3A_201 = arith.subi %div3A_180, %sub3A_200 : i32
    %select_n3A_202 = arith.select %and3A_199, %sub3A_201, %div3A_180 : i32
    %mul3A_203 = arith.constant 24 : i32
    %mul3A_204 = arith.muli %select_n3A_202, %mul3A_203 : i32
    %sub3A_205 = arith.subi %add3A_178, %mul3A_204 : i32
    %mul3A_206 = arith.constant 4 : i32
    %mul3A_207 = arith.muli %mul3A_206, %sub3A_205 : i32
    %sub3A_208 = arith.constant 1 : i32
    %sub3A_209 = arith.subi %mul3A_207, %sub3A_208 : i32
    %max3A_210 = arith.constant 0 : i32
    %max3A_211 = arith.maxsi %sub3A_209, %max3A_210 : i32
    %mul3A_212 = arith.constant 2 : i32
    %mul3A_213 = arith.muli %mul3A_212, %sub3A_205 : i32
    %sub3A_214 = arith.constant 1 : i32
    %sub3A_215 = arith.subi %mul3A_213, %sub3A_214 : i32
    %max3A_216 = arith.constant 0 : i32
    %max3A_217 = arith.maxsi %sub3A_215, %max3A_216 : i32
    %get3A_218 = arith.constant 2 : index
    %get3A_219 = arith.constant 0 : index
    %get3A_220 = arith.constant 0 : index
    %get3A_221 = vector.load %arg1[%get3A_218, %get3A_219, %get3A_220] : memref<8x128x576xf32, #tpu.memory_space<vmem>>, vector<1x128x576xf32>
    %get3A_222 = vector.shape_cast %get3A_221 : vector<1x128x576xf32> to vector<128x576xf32>
    %get3A_223 = arith.constant 0 : index
    %get3A_224 = arith.index_cast %max3A_211 : i32 to index
    %get3A_225 = arith.constant 0 : index
    %get3A_226 = arith.constant 0 : index
    %get3A_227 = vector.load %arg3[%get3A_223, %get3A_224, %get3A_225, %get3A_226] : memref<1x96x96x96xf32, #tpu.memory_space<vmem>>, vector<1x6x96x96xf32>
    %get3A_228 = vector.shape_cast %get3A_227 : vector<1x6x96x96xf32> to vector<6x96x96xf32>
    %reshape3A_229 = vector.shape_cast %get3A_228 : vector<6x96x96xf32> to vector<576x96xf32>
    %get3A_230 = arith.constant 0 : index
    %get3A_231 = arith.index_cast %max3A_217 : i32 to index
    %get3A_232 = arith.constant 0 : index
    %get3A_233 = arith.constant 0 : index
    %get3A_234 = vector.load %arg4[%get3A_230, %get3A_231, %get3A_232, %get3A_233] : memref<1x48x48x192xf32, #tpu.memory_space<vmem>>, vector<1x4x48x192xf32>
    %get3A_235 = vector.shape_cast %get3A_234 : vector<1x4x48x192xf32> to vector<4x48x192xf32>
    %reshape3A_236 = vector.shape_cast %get3A_235 : vector<4x48x192xf32> to vector<192x192xf32>
    %get3A_237 = arith.constant 0 : index
    %get3A_238 = arith.constant 0 : index
    %get3A_239 = vector.load %arg6[%get3A_237, %get3A_238] : memref<128x96xf32, #tpu.memory_space<vmem>>, vector<128x96xf32>
    %dot_general3A_240 = arith.constant dense<0.000000e+00> : vector<128x96xf32>
    %dot_general3A_241 = tpu.matmul %get3A_222, %reshape3A_229, %dot_general3A_240 {dimension_numbers = #tpu.dot_dimension_numbers<[1], [0], [0], [1], [0, 0, 1, 1], [], []>, precision = #tpu.contract_precision<fp32>, transpose_lhs_hint = false} : vector<128x576xf32>, vector<576x96xf32>, vector<128x96xf32> -> vector<128x96xf32>
    %add3A_242 = arith.addf %get3A_239, %dot_general3A_241 : vector<128x96xf32>
    %swap3A_243 = arith.constant 0 : index
    %swap3A_244 = arith.constant 0 : index
    %swap3A_245 = vector.load %arg6[%swap3A_243, %swap3A_244] : memref<128x96xf32, #tpu.memory_space<vmem>>, vector<128x96xf32>
    tpu.vector_store %arg6[%swap3A_243, %swap3A_244], %add3A_242 {strides = array<i32>} : memref<128x96xf32, #tpu.memory_space<vmem>>, vector<128x96xf32>,
    %get3A_246 = arith.constant 0 : index
    %get3A_247 = arith.constant 0 : index
    %get3A_248 = vector.load %arg7[%get3A_246, %get3A_247] : memref<128x192xf32, #tpu.memory_space<vmem>>, vector<128x192xf32>
    %get3A_249 = arith.constant 2 : index
    %get3A_250 = arith.constant 0 : index
    %get3A_251 = arith.constant 0 : index
    %get3A_252 = vector.load %arg2[%get3A_249, %get3A_250, %get3A_251] : memref<8x128x192xf32, #tpu.memory_space<vmem>>, vector<1x128x192xf32>
    %get3A_253 = vector.shape_cast %get3A_252 : vector<1x128x192xf32> to vector<128x192xf32>
    %dot_general3A_254 = arith.constant dense<0.000000e+00> : vector<128x192xf32>
    %dot_general3A_255 = tpu.matmul %get3A_253, %reshape3A_236, %dot_general3A_254 {dimension_numbers = #tpu.dot_dimension_numbers<[1], [0], [0], [1], [0, 0, 1, 1], [], []>, precision = #tpu.contract_precision<fp32>, transpose_lhs_hint = false} : vector<128x192xf32>, vector<192x192xf32>, vector<128x192xf32> -> vector<128x192xf32>
    %add3A_256 = arith.addf %get3A_248, %dot_general3A_255 : vector<128x192xf32>
    %swap3A_257 = arith.constant 0 : index
    %swap3A_258 = arith.constant 0 : index
    %swap3A_259 = vector.load %arg7[%swap3A_257, %swap3A_258] : memref<128x192xf32, #tpu.memory_space<vmem>>, vector<128x192xf32>
    tpu.vector_store %arg7[%swap3A_257, %swap3A_258], %add3A_256 {strides = array<i32>} : memref<128x192xf32, #tpu.memory_space<vmem>>, vector<128x192xf32>,
    %get3A_260 = arith.constant 0 : index
    %get3A_261 = arith.constant 0 : index
    %get3A_262 = vector.load %arg8[%get3A_260, %get3A_261] : memref<128x1xf32, #tpu.memory_space<vmem>>, vector<128x1xf32>
    %reduce_sum3A_263 = arith.constant dense<0.000000e+00> : vector<128xf32>
    %reduce_sum3A_264 = vector.multi_reduction <add>, %get3A_222, %reduce_sum3A_263 [1] : vector<128x576xf32> to vector<128xf32>
    %broadcast_in_dim3A_265 = vector.shape_cast %reduce_sum3A_264 : vector<128xf32> to vector<128x1xf32>
    %add3A_266 = arith.addf %get3A_262, %broadcast_in_dim3A_265 : vector<128x1xf32>
    %swap3A_267 = arith.constant 0 : index
    %swap3A_268 = arith.constant 0 : index
    %swap3A_269 = vector.load %arg8[%swap3A_267, %swap3A_268] : memref<128x1xf32, #tpu.memory_space<vmem>>, vector<128x1xf32>
    tpu.vector_store %arg8[%swap3A_267, %swap3A_268], %add3A_266 {strides = array<i32>} : memref<128x1xf32, #tpu.memory_space<vmem>>, vector<128x1xf32>,
    %mul3A_270 = arith.constant 8 : i32
    %mul3A_271 = arith.muli %mul3A_270, %arg0 : i32
    %add3A_272 = arith.constant 3 : i32
    %add3A_273 = arith.addi %mul3A_271, %add3A_272 : i32
    %jit3A_274 = arith.constant 24 : i32
    %div3A_275 = arith.divsi %add3A_273, %jit3A_274 : i32
    %sign3A_276 = arith.constant 0 : i32
    %sign3A_277 = arith.cmpi sgt, %add3A_273, %sign3A_276 : i32
    %sign3A_278 = arith.extui %sign3A_277 : i1 to i32
    %sign3A_279 = arith.constant 0 : i32
    %sign3A_280 = arith.cmpi slt, %add3A_273, %sign3A_279 : i32
    %sign3A_281 = arith.extui %sign3A_280 : i1 to i32
    %sign3A_282 = arith.subi %sign3A_278, %sign3A_281 : i32
    %sign3A_283 = arith.constant 0 : i32
    %sign3A_284 = arith.cmpi sgt, %jit3A_274, %sign3A_283 : i32
    %sign3A_285 = arith.extui %sign3A_284 : i1 to i32
    %sign3A_286 = arith.constant 0 : i32
    %sign3A_287 = arith.cmpi slt, %jit3A_274, %sign3A_286 : i32
    %sign3A_288 = arith.extui %sign3A_287 : i1 to i32
    %sign3A_289 = arith.subi %sign3A_285, %sign3A_288 : i32
    %ne3A_290 = arith.cmpi ne, %sign3A_282, %sign3A_289 : i32
    %rem3A_291 = arith.remsi %add3A_273, %jit3A_274 : i32
    %ne3A_292 = arith.constant 0 : i32
    %ne3A_293 = arith.cmpi ne, %rem3A_291, %ne3A_292 : i32
    %and3A_294 = arith.andi %ne3A_290, %ne3A_293 : i1
    %sub3A_295 = arith.constant 1 : i32
    %sub3A_296 = arith.subi %div3A_275, %sub3A_295 : i32
    %select_n3A_297 = arith.select %and3A_294, %sub3A_296, %div3A_275 : i32
    %mul3A_298 = arith.constant 24 : i32
    %mul3A_299 = arith.muli %select_n3A_297, %mul3A_298 : i32
    %sub3A_300 = arith.subi %add3A_273, %mul3A_299 : i32
    %mul3A_301 = arith.constant 4 : i32
    %mul3A_302 = arith.muli %mul3A_301, %sub3A_300 : i32
    %sub3A_303 = arith.constant 1 : i32
    %sub3A_304 = arith.subi %mul3A_302, %sub3A_303 : i32
    %max3A_305 = arith.constant 0 : i32
    %max3A_306 = arith.maxsi %sub3A_304, %max3A_305 : i32
    %mul3A_307 = arith.constant 2 : i32
    %mul3A_308 = arith.muli %mul3A_307, %sub3A_300 : i32
    %sub3A_309 = arith.constant 1 : i32
    %sub3A_310 = arith.subi %mul3A_308, %sub3A_309 : i32
    %max3A_311 = arith.constant 0 : i32
    %max3A_312 = arith.maxsi %sub3A_310, %max3A_311 : i32
    %get3A_313 = arith.constant 3 : index
    %get3A_314 = arith.constant 0 : index
    %get3A_315 = arith.constant 0 : index
    %get3A_316 = vector.load %arg1[%get3A_313, %get3A_314, %get3A_315] : memref<8x128x576xf32, #tpu.memory_space<vmem>>, vector<1x128x576xf32>
    %get3A_317 = vector.shape_cast %get3A_316 : vector<1x128x576xf32> to vector<128x576xf32>
    %get3A_318 = arith.constant 0 : index
    %get3A_319 = arith.index_cast %max3A_306 : i32 to index
    %get3A_320 = arith.constant 0 : index
    %get3A_321 = arith.constant 0 : index
    %get3A_322 = vector.load %arg3[%get3A_318, %get3A_319, %get3A_320, %get3A_321] : memref<1x96x96x96xf32, #tpu.memory_space<vmem>>, vector<1x6x96x96xf32>
    %get3A_323 = vector.shape_cast %get3A_322 : vector<1x6x96x96xf32> to vector<6x96x96xf32>
    %reshape3A_324 = vector.shape_cast %get3A_323 : vector<6x96x96xf32> to vector<576x96xf32>
    %get3A_325 = arith.constant 0 : index
    %get3A_326 = arith.index_cast %max3A_312 : i32 to index
    %get3A_327 = arith.constant 0 : index
    %get3A_328 = arith.constant 0 : index
    %get3A_329 = vector.load %arg4[%get3A_325, %get3A_326, %get3A_327, %get3A_328] : memref<1x48x48x192xf32, #tpu.memory_space<vmem>>, vector<1x4x48x192xf32>
    %get3A_330 = vector.shape_cast %get3A_329 : vector<1x4x48x192xf32> to vector<4x48x192xf32>
    %reshape3A_331 = vector.shape_cast %get3A_330 : vector<4x48x192xf32> to vector<192x192xf32>
    %get3A_332 = arith.constant 0 : index
    %get3A_333 = arith.constant 0 : index
    %get3A_334 = vector.load %arg6[%get3A_332, %get3A_333] : memref<128x96xf32, #tpu.memory_space<vmem>>, vector<128x96xf32>
    %dot_general3A_335 = arith.constant dense<0.000000e+00> : vector<128x96xf32>
    %dot_general3A_336 = tpu.matmul %get3A_317, %reshape3A_324, %dot_general3A_335 {dimension_numbers = #tpu.dot_dimension_numbers<[1], [0], [0], [1], [0, 0, 1, 1], [], []>, precision = #tpu.contract_precision<fp32>, transpose_lhs_hint = false} : vector<128x576xf32>, vector<576x96xf32>, vector<128x96xf32> -> vector<128x96xf32>
    %add3A_337 = arith.addf %get3A_334, %dot_general3A_336 : vector<128x96xf32>
    %swap3A_338 = arith.constant 0 : index
    %swap3A_339 = arith.constant 0 : index
    %swap3A_340 = vector.load %arg6[%swap3A_338, %swap3A_339] : memref<128x96xf32, #tpu.memory_space<vmem>>, vector<128x96xf32>
    tpu.vector_store %arg6[%swap3A_338, %swap3A_339], %add3A_337 {strides = array<i32>} : memref<128x96xf32, #tpu.memory_space<vmem>>, vector<128x96xf32>,
    %get3A_341 = arith.constant 0 : index
    %get3A_342 = arith.constant 0 : index
    %get3A_343 = vector.load %arg7[%get3A_341, %get3A_342] : memref<128x192xf32, #tpu.memory_space<vmem>>, vector<128x192xf32>
    %get3A_344 = arith.constant 3 : index
    %get3A_345 = arith.constant 0 : index
    %get3A_346 = arith.constant 0 : index
    %get3A_347 = vector.load %arg2[%get3A_344, %get3A_345, %get3A_346] : memref<8x128x192xf32, #tpu.memory_space<vmem>>, vector<1x128x192xf32>
    %get3A_348 = vector.shape_cast %get3A_347 : vector<1x128x192xf32> to vector<128x192xf32>
    %dot_general3A_349 = arith.constant dense<0.000000e+00> : vector<128x192xf32>
    %dot_general3A_350 = tpu.matmul %get3A_348, %reshape3A_331, %dot_general3A_349 {dimension_numbers = #tpu.dot_dimension_numbers<[1], [0], [0], [1], [0, 0, 1, 1], [], []>, precision = #tpu.contract_precision<fp32>, transpose_lhs_hint = false} : vector<128x192xf32>, vector<192x192xf32>, vector<128x192xf32> -> vector<128x192xf32>
    %add3A_351 = arith.addf %get3A_343, %dot_general3A_350 : vector<128x192xf32>
    %swap3A_352 = arith.constant 0 : index
    %swap3A_353 = arith.constant 0 : index
    %swap3A_354 = vector.load %arg7[%swap3A_352, %swap3A_353] : memref<128x192xf32, #tpu.memory_space<vmem>>, vector<128x192xf32>
    tpu.vector_store %arg7[%swap3A_352, %swap3A_353], %add3A_351 {strides = array<i32>} : memref<128x192xf32, #tpu.memory_space<vmem>>, vector<128x192xf32>,
    %get3A_355 = arith.constant 0 : index
    %get3A_356 = arith.constant 0 : index
    %get3A_357 = vector.load %arg8[%get3A_355, %get3A_356] : memref<128x1xf32, #tpu.memory_space<vmem>>, vector<128x1xf32>
    %reduce_sum3A_358 = arith.constant dense<0.000000e+00> : vector<128xf32>
    %reduce_sum3A_359 = vector.multi_reduction <add>, %get3A_317, %reduce_sum3A_358 [1] : vector<128x576xf32> to vector<128xf32>
    %broadcast_in_dim3A_360 = vector.shape_cast %reduce_sum3A_359 : vector<128xf32> to vector<128x1xf32>
    %add3A_361 = arith.addf %get3A_357, %broadcast_in_dim3A_360 : vector<128x1xf32>
    %swap3A_362 = arith.constant 0 : index
    %swap3A_363 = arith.constant 0 : index
    %swap3A_364 = vector.load %arg8[%swap3A_362, %swap3A_363] : memref<128x1xf32, #tpu.memory_space<vmem>>, vector<128x1xf32>
    tpu.vector_store %arg8[%swap3A_362, %swap3A_363], %add3A_361 {strides = array<i32>} : memref<128x1xf32, #tpu.memory_space<vmem>>, vector<128x1xf32>,
    %mul3A_365 = arith.constant 8 : i32
    %mul3A_366 = arith.muli %mul3A_365, %arg0 : i32
    %add3A_367 = arith.constant 4 : i32
    %add3A_368 = arith.addi %mul3A_366, %add3A_367 : i32
    %jit3A_369 = arith.constant 24 : i32
    %div3A_370 = arith.divsi %add3A_368, %jit3A_369 : i32
    %sign3A_371 = arith.constant 0 : i32
    %sign3A_372 = arith.cmpi sgt, %add3A_368, %sign3A_371 : i32
    %sign3A_373 = arith.extui %sign3A_372 : i1 to i32
    %sign3A_374 = arith.constant 0 : i32
    %sign3A_375 = arith.cmpi slt, %add3A_368, %sign3A_374 : i32
    %sign3A_376 = arith.extui %sign3A_375 : i1 to i32
    %sign3A_377 = arith.subi %sign3A_373, %sign3A_376 : i32
    %sign3A_378 = arith.constant 0 : i32
    %sign3A_379 = arith.cmpi sgt, %jit3A_369, %sign3A_378 : i32
    %sign3A_380 = arith.extui %sign3A_379 : i1 to i32
    %sign3A_381 = arith.constant 0 : i32
    %sign3A_382 = arith.cmpi slt, %jit3A_369, %sign3A_381 : i32
    %sign3A_383 = arith.extui %sign3A_382 : i1 to i32
    %sign3A_384 = arith.subi %sign3A_380, %sign3A_383 : i32
    %ne3A_385 = arith.cmpi ne, %sign3A_377, %sign3A_384 : i32
    %rem3A_386 = arith.remsi %add3A_368, %jit3A_369 : i32
    %ne3A_387 = arith.constant 0 : i32
    %ne3A_388 = arith.cmpi ne, %rem3A_386, %ne3A_387 : i32
    %and3A_389 = arith.andi %ne3A_385, %ne3A_388 : i1
    %sub3A_390 = arith.constant 1 : i32
    %sub3A_391 = arith.subi %div3A_370, %sub3A_390 : i32
    %select_n3A_392 = arith.select %and3A_389, %sub3A_391, %div3A_370 : i32
    %mul3A_393 = arith.constant 24 : i32
    %mul3A_394 = arith.muli %select_n3A_392, %mul3A_393 : i32
    %sub3A_395 = arith.subi %add3A_368, %mul3A_394 : i32
    %mul3A_396 = arith.constant 4 : i32
    %mul3A_397 = arith.muli %mul3A_396, %sub3A_395 : i32
    %sub3A_398 = arith.constant 1 : i32
    %sub3A_399 = arith.subi %mul3A_397, %sub3A_398 : i32
    %max3A_400 = arith.constant 0 : i32
    %max3A_401 = arith.maxsi %sub3A_399, %max3A_400 : i32
    %mul3A_402 = arith.constant 2 : i32
    %mul3A_403 = arith.muli %mul3A_402, %sub3A_395 : i32
    %sub3A_404 = arith.constant 1 : i32
    %sub3A_405 = arith.subi %mul3A_403, %sub3A_404 : i32
    %max3A_406 = arith.constant 0 : i32
    %max3A_407 = arith.maxsi %sub3A_405, %max3A_406 : i32
    %get3A_408 = arith.constant 4 : index
    %get3A_409 = arith.constant 0 : index
    %get3A_410 = arith.constant 0 : index
    %get3A_411 = vector.load %arg1[%get3A_408, %get3A_409, %get3A_410] : memref<8x128x576xf32, #tpu.memory_space<vmem>>, vector<1x128x576xf32>
    %get3A_412 = vector.shape_cast %get3A_411 : vector<1x128x576xf32> to vector<128x576xf32>
    %get3A_413 = arith.constant 0 : index
    %get3A_414 = arith.index_cast %max3A_401 : i32 to index
    %get3A_415 = arith.constant 0 : index
    %get3A_416 = arith.constant 0 : index
    %get3A_417 = vector.load %arg3[%get3A_413, %get3A_414, %get3A_415, %get3A_416] : memref<1x96x96x96xf32, #tpu.memory_space<vmem>>, vector<1x6x96x96xf32>
    %get3A_418 = vector.shape_cast %get3A_417 : vector<1x6x96x96xf32> to vector<6x96x96xf32>
    %reshape3A_419 = vector.shape_cast %get3A_418 : vector<6x96x96xf32> to vector<576x96xf32>
    %get3A_420 = arith.constant 0 : index
    %get3A_421 = arith.index_cast %max3A_407 : i32 to index
    %get3A_422 = arith.constant 0 : index
    %get3A_423 = arith.constant 0 : index
    %get3A_424 = vector.load %arg4[%get3A_420, %get3A_421, %get3A_422, %get3A_423] : memref<1x48x48x192xf32, #tpu.memory_space<vmem>>, vector<1x4x48x192xf32>
    %get3A_425 = vector.shape_cast %get3A_424 : vector<1x4x48x192xf32> to vector<4x48x192xf32>
    %reshape3A_426 = vector.shape_cast %get3A_425 : vector<4x48x192xf32> to vector<192x192xf32>
    %get3A_427 = arith.constant 0 : index
    %get3A_428 = arith.constant 0 : index
    %get3A_429 = vector.load %arg6[%get3A_427, %get3A_428] : memref<128x96xf32, #tpu.memory_space<vmem>>, vector<128x96xf32>
    %dot_general3A_430 = arith.constant dense<0.000000e+00> : vector<128x96xf32>
    %dot_general3A_431 = tpu.matmul %get3A_412, %reshape3A_419, %dot_general3A_430 {dimension_numbers = #tpu.dot_dimension_numbers<[1], [0], [0], [1], [0, 0, 1, 1], [], []>, precision = #tpu.contract_precision<fp32>, transpose_lhs_hint = false} : vector<128x576xf32>, vector<576x96xf32>, vector<128x96xf32> -> vector<128x96xf32>
    %add3A_432 = arith.addf %get3A_429, %dot_general3A_431 : vector<128x96xf32>
    %swap3A_433 = arith.constant 0 : index
    %swap3A_434 = arith.constant 0 : index
    %swap3A_435 = vector.load %arg6[%swap3A_433, %swap3A_434] : memref<128x96xf32, #tpu.memory_space<vmem>>, vector<128x96xf32>
    tpu.vector_store %arg6[%swap3A_433, %swap3A_434], %add3A_432 {strides = array<i32>} : memref<128x96xf32, #tpu.memory_space<vmem>>, vector<128x96xf32>,
    %get3A_436 = arith.constant 0 : index
    %get3A_437 = arith.constant 0 : index
    %get3A_438 = vector.load %arg7[%get3A_436, %get3A_437] : memref<128x192xf32, #tpu.memory_space<vmem>>, vector<128x192xf32>
    %get3A_439 = arith.constant 4 : index
    %get3A_440 = arith.constant 0 : index
    %get3A_441 = arith.constant 0 : index
    %get3A_442 = vector.load %arg2[%get3A_439, %get3A_440, %get3A_441] : memref<8x128x192xf32, #tpu.memory_space<vmem>>, vector<1x128x192xf32>
    %get3A_443 = vector.shape_cast %get3A_442 : vector<1x128x192xf32> to vector<128x192xf32>
    %dot_general3A_444 = arith.constant dense<0.000000e+00> : vector<128x192xf32>
    %dot_general3A_445 = tpu.matmul %get3A_443, %reshape3A_426, %dot_general3A_444 {dimension_numbers = #tpu.dot_dimension_numbers<[1], [0], [0], [1], [0, 0, 1, 1], [], []>, precision = #tpu.contract_precision<fp32>, transpose_lhs_hint = false} : vector<128x192xf32>, vector<192x192xf32>, vector<128x192xf32> -> vector<128x192xf32>
    %add3A_446 = arith.addf %get3A_438, %dot_general3A_445 : vector<128x192xf32>
    %swap3A_447 = arith.constant 0 : index
    %swap3A_448 = arith.constant 0 : index
    %swap3A_449 = vector.load %arg7[%swap3A_447, %swap3A_448] : memref<128x192xf32, #tpu.memory_space<vmem>>, vector<128x192xf32>
    tpu.vector_store %arg7[%swap3A_447, %swap3A_448], %add3A_446 {strides = array<i32>} : memref<128x192xf32, #tpu.memory_space<vmem>>, vector<128x192xf32>,
    %get3A_450 = arith.constant 0 : index
    %get3A_451 = arith.constant 0 : index
    %get3A_452 = vector.load %arg8[%get3A_450, %get3A_451] : memref<128x1xf32, #tpu.memory_space<vmem>>, vector<128x1xf32>
    %reduce_sum3A_453 = arith.constant dense<0.000000e+00> : vector<128xf32>
    %reduce_sum3A_454 = vector.multi_reduction <add>, %get3A_412, %reduce_sum3A_453 [1] : vector<128x576xf32> to vector<128xf32>
    %broadcast_in_dim3A_455 = vector.shape_cast %reduce_sum3A_454 : vector<128xf32> to vector<128x1xf32>
    %add3A_456 = arith.addf %get3A_452, %broadcast_in_dim3A_455 : vector<128x1xf32>
    %swap3A_457 = arith.constant 0 : index
    %swap3A_458 = arith.constant 0 : index
    %swap3A_459 = vector.load %arg8[%swap3A_457, %swap3A_458] : memref<128x1xf32, #tpu.memory_space<vmem>>, vector<128x1xf32>
    tpu.vector_store %arg8[%swap3A_457, %swap3A_458], %add3A_456 {strides = array<i32>} : memref<128x1xf32, #tpu.memory_space<vmem>>, vector<128x1xf32>,
    %mul3A_460 = arith.constant 8 : i32
    %mul3A_461 = arith.muli %mul3A_460, %arg0 : i32
    %add3A_462 = arith.constant 5 : i32
    %add3A_463 = arith.addi %mul3A_461, %add3A_462 : i32
    %jit3A_464 = arith.constant 24 : i32
    %div3A_465 = arith.divsi %add3A_463, %jit3A_464 : i32
    %sign3A_466 = arith.constant 0 : i32
    %sign3A_467 = arith.cmpi sgt, %add3A_463, %sign3A_466 : i32
    %sign3A_468 = arith.extui %sign3A_467 : i1 to i32
    %sign3A_469 = arith.constant 0 : i32
    %sign3A_470 = arith.cmpi slt, %add3A_463, %sign3A_469 : i32
    %sign3A_471 = arith.extui %sign3A_470 : i1 to i32
    %sign3A_472 = arith.subi %sign3A_468, %sign3A_471 : i32
    %sign3A_473 = arith.constant 0 : i32
    %sign3A_474 = arith.cmpi sgt, %jit3A_464, %sign3A_473 : i32
    %sign3A_475 = arith.extui %sign3A_474 : i1 to i32
    %sign3A_476 = arith.constant 0 : i32
    %sign3A_477 = arith.cmpi slt, %jit3A_464, %sign3A_476 : i32
    %sign3A_478 = arith.extui %sign3A_477 : i1 to i32
    %sign3A_479 = arith.subi %sign3A_475, %sign3A_478 : i32
    %ne3A_480 = arith.cmpi ne, %sign3A_472, %sign3A_479 : i32
    %rem3A_481 = arith.remsi %add3A_463, %jit3A_464 : i32
    %ne3A_482 = arith.constant 0 : i32
    %ne3A_483 = arith.cmpi ne, %rem3A_481, %ne3A_482 : i32
    %and3A_484 = arith.andi %ne3A_480, %ne3A_483 : i1
    %sub3A_485 = arith.constant 1 : i32
    %sub3A_486 = arith.subi %div3A_465, %sub3A_485 : i32
    %select_n3A_487 = arith.select %and3A_484, %sub3A_486, %div3A_465 : i32
    %mul3A_488 = arith.constant 24 : i32
    %mul3A_489 = arith.muli %select_n3A_487, %mul3A_488 : i32
    %sub3A_490 = arith.subi %add3A_463, %mul3A_489 : i32
    %mul3A_491 = arith.constant 4 : i32
    %mul3A_492 = arith.muli %mul3A_491, %sub3A_490 : i32
    %sub3A_493 = arith.constant 1 : i32
    %sub3A_494 = arith.subi %mul3A_492, %sub3A_493 : i32
    %max3A_495 = arith.constant 0 : i32
    %max3A_496 = arith.maxsi %sub3A_494, %max3A_495 : i32
    %mul3A_497 = arith.constant 2 : i32
    %mul3A_498 = arith.muli %mul3A_497, %sub3A_490 : i32
    %sub3A_499 = arith.constant 1 : i32
    %sub3A_500 = arith.subi %mul3A_498, %sub3A_499 : i32
    %max3A_501 = arith.constant 0 : i32
    %max3A_502 = arith.maxsi %sub3A_500, %max3A_501 : i32
    %get3A_503 = arith.constant 5 : index
    %get3A_504 = arith.constant 0 : index
    %get3A_505 = arith.constant 0 : index
    %get3A_506 = vector.load %arg1[%get3A_503, %get3A_504, %get3A_505] : memref<8x128x576xf32, #tpu.memory_space<vmem>>, vector<1x128x576xf32>
    %get3A_507 = vector.shape_cast %get3A_506 : vector<1x128x576xf32> to vector<128x576xf32>
    %get3A_508 = arith.constant 0 : index
    %get3A_509 = arith.index_cast %max3A_496 : i32 to index
    %get3A_510 = arith.constant 0 : index
    %get3A_511 = arith.constant 0 : index
    %get3A_512 = vector.load %arg3[%get3A_508, %get3A_509, %get3A_510, %get3A_511] : memref<1x96x96x96xf32, #tpu.memory_space<vmem>>, vector<1x6x96x96xf32>
    %get3A_513 = vector.shape_cast %get3A_512 : vector<1x6x96x96xf32> to vector<6x96x96xf32>
    %reshape3A_514 = vector.shape_cast %get3A_513 : vector<6x96x96xf32> to vector<576x96xf32>
    %get3A_515 = arith.constant 0 : index
    %get3A_516 = arith.index_cast %max3A_502 : i32 to index
    %get3A_517 = arith.constant 0 : index
    %get3A_518 = arith.constant 0 : index
    %get3A_519 = vector.load %arg4[%get3A_515, %get3A_516, %get3A_517, %get3A_518] : memref<1x48x48x192xf32, #tpu.memory_space<vmem>>, vector<1x4x48x192xf32>
    %get3A_520 = vector.shape_cast %get3A_519 : vector<1x4x48x192xf32> to vector<4x48x192xf32>
    %reshape3A_521 = vector.shape_cast %get3A_520 : vector<4x48x192xf32> to vector<192x192xf32>
    %get3A_522 = arith.constant 0 : index
    %get3A_523 = arith.constant 0 : index
    %get3A_524 = vector.load %arg6[%get3A_522, %get3A_523] : memref<128x96xf32, #tpu.memory_space<vmem>>, vector<128x96xf32>
    %dot_general3A_525 = arith.constant dense<0.000000e+00> : vector<128x96xf32>
    %dot_general3A_526 = tpu.matmul %get3A_507, %reshape3A_514, %dot_general3A_525 {dimension_numbers = #tpu.dot_dimension_numbers<[1], [0], [0], [1], [0, 0, 1, 1], [], []>, precision = #tpu.contract_precision<fp32>, transpose_lhs_hint = false} : vector<128x576xf32>, vector<576x96xf32>, vector<128x96xf32> -> vector<128x96xf32>
    %add3A_527 = arith.addf %get3A_524, %dot_general3A_526 : vector<128x96xf32>
    %swap3A_528 = arith.constant 0 : index
    %swap3A_529 = arith.constant 0 : index
    %swap3A_530 = vector.load %arg6[%swap3A_528, %swap3A_529] : memref<128x96xf32, #tpu.memory_space<vmem>>, vector<128x96xf32>
    tpu.vector_store %arg6[%swap3A_528, %swap3A_529], %add3A_527 {strides = array<i32>} : memref<128x96xf32, #tpu.memory_space<vmem>>, vector<128x96xf32>,
    %get3A_531 = arith.constant 0 : index
    %get3A_532 = arith.constant 0 : index
    %get3A_533 = vector.load %arg7[%get3A_531, %get3A_532] : memref<128x192xf32, #tpu.memory_space<vmem>>, vector<128x192xf32>
    %get3A_534 = arith.constant 5 : index
    %get3A_535 = arith.constant 0 : index
    %get3A_536 = arith.constant 0 : index
    %get3A_537 = vector.load %arg2[%get3A_534, %get3A_535, %get3A_536] : memref<8x128x192xf32, #tpu.memory_space<vmem>>, vector<1x128x192xf32>
    %get3A_538 = vector.shape_cast %get3A_537 : vector<1x128x192xf32> to vector<128x192xf32>
    %dot_general3A_539 = arith.constant dense<0.000000e+00> : vector<128x192xf32>
    %dot_general3A_540 = tpu.matmul %get3A_538, %reshape3A_521, %dot_general3A_539 {dimension_numbers = #tpu.dot_dimension_numbers<[1], [0], [0], [1], [0, 0, 1, 1], [], []>, precision = #tpu.contract_precision<fp32>, transpose_lhs_hint = false} : vector<128x192xf32>, vector<192x192xf32>, vector<128x192xf32> -> vector<128x192xf32>
    %add3A_541 = arith.addf %get3A_533, %dot_general3A_540 : vector<128x192xf32>
    %swap3A_542 = arith.constant 0 : index
    %swap3A_543 = arith.constant 0 : index
    %swap3A_544 = vector.load %arg7[%swap3A_542, %swap3A_543] : memref<128x192xf32, #tpu.memory_space<vmem>>, vector<128x192xf32>
    tpu.vector_store %arg7[%swap3A_542, %swap3A_543], %add3A_541 {strides = array<i32>} : memref<128x192xf32, #tpu.memory_space<vmem>>, vector<128x192xf32>,
    %get3A_545 = arith.constant 0 : index
    %get3A_546 = arith.constant 0 : index
    %get3A_547 = vector.load %arg8[%get3A_545, %get3A_546] : memref<128x1xf32, #tpu.memory_space<vmem>>, vector<128x1xf32>
    %reduce_sum3A_548 = arith.constant dense<0.000000e+00> : vector<128xf32>
    %reduce_sum3A_549 = vector.multi_reduction <add>, %get3A_507, %reduce_sum3A_548 [1] : vector<128x576xf32> to vector<128xf32>
    %broadcast_in_dim3A_550 = vector.shape_cast %reduce_sum3A_549 : vector<128xf32> to vector<128x1xf32>
    %add3A_551 = arith.addf %get3A_547, %broadcast_in_dim3A_550 : vector<128x1xf32>
    %swap3A_552 = arith.constant 0 : index
    %swap3A_553 = arith.constant 0 : index
    %swap3A_554 = vector.load %arg8[%swap3A_552, %swap3A_553] : memref<128x1xf32, #tpu.memory_space<vmem>>, vector<128x1xf32>
    tpu.vector_store %arg8[%swap3A_552, %swap3A_553], %add3A_551 {strides = array<i32>} : memref<128x1xf32, #tpu.memory_space<vmem>>, vector<128x1xf32>,
    %mul3A_555 = arith.constant 8 : i32
    %mul3A_556 = arith.muli %mul3A_555, %arg0 : i32
    %add3A_557 = arith.constant 6 : i32
    %add3A_558 = arith.addi %mul3A_556, %add3A_557 : i32
    %jit3A_559 = arith.constant 24 : i32
    %div3A_560 = arith.divsi %add3A_558, %jit3A_559 : i32
    %sign3A_561 = arith.constant 0 : i32
    %sign3A_562 = arith.cmpi sgt, %add3A_558, %sign3A_561 : i32
    %sign3A_563 = arith.extui %sign3A_562 : i1 to i32
    %sign3A_564 = arith.constant 0 : i32
    %sign3A_565 = arith.cmpi slt, %add3A_558, %sign3A_564 : i32
    %sign3A_566 = arith.extui %sign3A_565 : i1 to i32
    %sign3A_567 = arith.subi %sign3A_563, %sign3A_566 : i32
    %sign3A_568 = arith.constant 0 : i32
    %sign3A_569 = arith.cmpi sgt, %jit3A_559, %sign3A_568 : i32
    %sign3A_570 = arith.extui %sign3A_569 : i1 to i32
    %sign3A_571 = arith.constant 0 : i32
    %sign3A_572 = arith.cmpi slt, %jit3A_559, %sign3A_571 : i32
    %sign3A_573 = arith.extui %sign3A_572 : i1 to i32
    %sign3A_574 = arith.subi %sign3A_570, %sign3A_573 : i32
    %ne3A_575 = arith.cmpi ne, %sign3A_567, %sign3A_574 : i32
    %rem3A_576 = arith.remsi %add3A_558, %jit3A_559 : i32
    %ne3A_577 = arith.constant 0 : i32
    %ne3A_578 = arith.cmpi ne, %rem3A_576, %ne3A_577 : i32
    %and3A_579 = arith.andi %ne3A_575, %ne3A_578 : i1
    %sub3A_580 = arith.constant 1 : i32
    %sub3A_581 = arith.subi %div3A_560, %sub3A_580 : i32
    %select_n3A_582 = arith.select %and3A_579, %sub3A_581, %div3A_560 : i32
    %mul3A_583 = arith.constant 24 : i32
    %mul3A_584 = arith.muli %select_n3A_582, %mul3A_583 : i32
    %sub3A_585 = arith.subi %add3A_558, %mul3A_584 : i32
    %mul3A_586 = arith.constant 4 : i32
    %mul3A_587 = arith.muli %mul3A_586, %sub3A_585 : i32
    %sub3A_588 = arith.constant 1 : i32
    %sub3A_589 = arith.subi %mul3A_587, %sub3A_588 : i32
    %max3A_590 = arith.constant 0 : i32
    %max3A_591 = arith.maxsi %sub3A_589, %max3A_590 : i32
    %mul3A_592 = arith.constant 2 : i32
    %mul3A_593 = arith.muli %mul3A_592, %sub3A_585 : i32
    %sub3A_594 = arith.constant 1 : i32
    %sub3A_595 = arith.subi %mul3A_593, %sub3A_594 : i32
    %max3A_596 = arith.constant 0 : i32
    %max3A_597 = arith.maxsi %sub3A_595, %max3A_596 : i32
    %get3A_598 = arith.constant 6 : index
    %get3A_599 = arith.constant 0 : index
    %get3A_600 = arith.constant 0 : index
    %get3A_601 = vector.load %arg1[%get3A_598, %get3A_599, %get3A_600] : memref<8x128x576xf32, #tpu.memory_space<vmem>>, vector<1x128x576xf32>
    %get3A_602 = vector.shape_cast %get3A_601 : vector<1x128x576xf32> to vector<128x576xf32>
    %get3A_603 = arith.constant 0 : index
    %get3A_604 = arith.index_cast %max3A_591 : i32 to index
    %get3A_605 = arith.constant 0 : index
    %get3A_606 = arith.constant 0 : index
    %get3A_607 = vector.load %arg3[%get3A_603, %get3A_604, %get3A_605, %get3A_606] : memref<1x96x96x96xf32, #tpu.memory_space<vmem>>, vector<1x6x96x96xf32>
    %get3A_608 = vector.shape_cast %get3A_607 : vector<1x6x96x96xf32> to vector<6x96x96xf32>
    %reshape3A_609 = vector.shape_cast %get3A_608 : vector<6x96x96xf32> to vector<576x96xf32>
    %get3A_610 = arith.constant 0 : index
    %get3A_611 = arith.index_cast %max3A_597 : i32 to index
    %get3A_612 = arith.constant 0 : index
    %get3A_613 = arith.constant 0 : index
    %get3A_614 = vector.load %arg4[%get3A_610, %get3A_611, %get3A_612, %get3A_613] : memref<1x48x48x192xf32, #tpu.memory_space<vmem>>, vector<1x4x48x192xf32>
    %get3A_615 = vector.shape_cast %get3A_614 : vector<1x4x48x192xf32> to vector<4x48x192xf32>
    %reshape3A_616 = vector.shape_cast %get3A_615 : vector<4x48x192xf32> to vector<192x192xf32>
    %get3A_617 = arith.constant 0 : index
    %get3A_618 = arith.constant 0 : index
    %get3A_619 = vector.load %arg6[%get3A_617, %get3A_618] : memref<128x96xf32, #tpu.memory_space<vmem>>, vector<128x96xf32>
    %dot_general3A_620 = arith.constant dense<0.000000e+00> : vector<128x96xf32>
    %dot_general3A_621 = tpu.matmul %get3A_602, %reshape3A_609, %dot_general3A_620 {dimension_numbers = #tpu.dot_dimension_numbers<[1], [0], [0], [1], [0, 0, 1, 1], [], []>, precision = #tpu.contract_precision<fp32>, transpose_lhs_hint = false} : vector<128x576xf32>, vector<576x96xf32>, vector<128x96xf32> -> vector<128x96xf32>
    %add3A_622 = arith.addf %get3A_619, %dot_general3A_621 : vector<128x96xf32>
    %swap3A_623 = arith.constant 0 : index
    %swap3A_624 = arith.constant 0 : index
    %swap3A_625 = vector.load %arg6[%swap3A_623, %swap3A_624] : memref<128x96xf32, #tpu.memory_space<vmem>>, vector<128x96xf32>
    tpu.vector_store %arg6[%swap3A_623, %swap3A_624], %add3A_622 {strides = array<i32>} : memref<128x96xf32, #tpu.memory_space<vmem>>, vector<128x96xf32>,
    %get3A_626 = arith.constant 0 : index
    %get3A_627 = arith.constant 0 : index
    %get3A_628 = vector.load %arg7[%get3A_626, %get3A_627] : memref<128x192xf32, #tpu.memory_space<vmem>>, vector<128x192xf32>
    %get3A_629 = arith.constant 6 : index
    %get3A_630 = arith.constant 0 : index
    %get3A_631 = arith.constant 0 : index
    %get3A_632 = vector.load %arg2[%get3A_629, %get3A_630, %get3A_631] : memref<8x128x192xf32, #tpu.memory_space<vmem>>, vector<1x128x192xf32>
    %get3A_633 = vector.shape_cast %get3A_632 : vector<1x128x192xf32> to vector<128x192xf32>
    %dot_general3A_634 = arith.constant dense<0.000000e+00> : vector<128x192xf32>
    %dot_general3A_635 = tpu.matmul %get3A_633, %reshape3A_616, %dot_general3A_634 {dimension_numbers = #tpu.dot_dimension_numbers<[1], [0], [0], [1], [0, 0, 1, 1], [], []>, precision = #tpu.contract_precision<fp32>, transpose_lhs_hint = false} : vector<128x192xf32>, vector<192x192xf32>, vector<128x192xf32> -> vector<128x192xf32>
    %add3A_636 = arith.addf %get3A_628, %dot_general3A_635 : vector<128x192xf32>
    %swap3A_637 = arith.constant 0 : index
    %swap3A_638 = arith.constant 0 : index
    %swap3A_639 = vector.load %arg7[%swap3A_637, %swap3A_638] : memref<128x192xf32, #tpu.memory_space<vmem>>, vector<128x192xf32>
    tpu.vector_store %arg7[%swap3A_637, %swap3A_638], %add3A_636 {strides = array<i32>} : memref<128x192xf32, #tpu.memory_space<vmem>>, vector<128x192xf32>,
    %get3A_640 = arith.constant 0 : index
    %get3A_641 = arith.constant 0 : index
    %get3A_642 = vector.load %arg8[%get3A_640, %get3A_641] : memref<128x1xf32, #tpu.memory_space<vmem>>, vector<128x1xf32>
    %reduce_sum3A_643 = arith.constant dense<0.000000e+00> : vector<128xf32>
    %reduce_sum3A_644 = vector.multi_reduction <add>, %get3A_602, %reduce_sum3A_643 [1] : vector<128x576xf32> to vector<128xf32>
    %broadcast_in_dim3A_645 = vector.shape_cast %reduce_sum3A_644 : vector<128xf32> to vector<128x1xf32>
    %add3A_646 = arith.addf %get3A_642, %broadcast_in_dim3A_645 : vector<128x1xf32>
    %swap3A_647 = arith.constant 0 : index
    %swap3A_648 = arith.constant 0 : index
    %swap3A_649 = vector.load %arg8[%swap3A_647, %swap3A_648] : memref<128x1xf32, #tpu.memory_space<vmem>>, vector<128x1xf32>
    tpu.vector_store %arg8[%swap3A_647, %swap3A_648], %add3A_646 {strides = array<i32>} : memref<128x1xf32, #tpu.memory_space<vmem>>, vector<128x1xf32>,
    %mul3A_650 = arith.constant 8 : i32
    %mul3A_651 = arith.muli %mul3A_650, %arg0 : i32
    %add3A_652 = arith.constant 7 : i32
    %add3A_653 = arith.addi %mul3A_651, %add3A_652 : i32
    %jit3A_654 = arith.constant 24 : i32
    %div3A_655 = arith.divsi %add3A_653, %jit3A_654 : i32
    %sign3A_656 = arith.constant 0 : i32
    %sign3A_657 = arith.cmpi sgt, %add3A_653, %sign3A_656 : i32
    %sign3A_658 = arith.extui %sign3A_657 : i1 to i32
    %sign3A_659 = arith.constant 0 : i32
    %sign3A_660 = arith.cmpi slt, %add3A_653, %sign3A_659 : i32
    %sign3A_661 = arith.extui %sign3A_660 : i1 to i32
    %sign3A_662 = arith.subi %sign3A_658, %sign3A_661 : i32
    %sign3A_663 = arith.constant 0 : i32
    %sign3A_664 = arith.cmpi sgt, %jit3A_654, %sign3A_663 : i32
    %sign3A_665 = arith.extui %sign3A_664 : i1 to i32
    %sign3A_666 = arith.constant 0 : i32
    %sign3A_667 = arith.cmpi slt, %jit3A_654, %sign3A_666 : i32
    %sign3A_668 = arith.extui %sign3A_667 : i1 to i32
    %sign3A_669 = arith.subi %sign3A_665, %sign3A_668 : i32
    %ne3A_670 = arith.cmpi ne, %sign3A_662, %sign3A_669 : i32
    %rem3A_671 = arith.remsi %add3A_653, %jit3A_654 : i32
    %ne3A_672 = arith.constant 0 : i32
    %ne3A_673 = arith.cmpi ne, %rem3A_671, %ne3A_672 : i32
    %and3A_674 = arith.andi %ne3A_670, %ne3A_673 : i1
    %sub3A_675 = arith.constant 1 : i32
    %sub3A_676 = arith.subi %div3A_655, %sub3A_675 : i32
    %select_n3A_677 = arith.select %and3A_674, %sub3A_676, %div3A_655 : i32
    %mul3A_678 = arith.constant 24 : i32
    %mul3A_679 = arith.muli %select_n3A_677, %mul3A_678 : i32
    %sub3A_680 = arith.subi %add3A_653, %mul3A_679 : i32
    %mul3A_681 = arith.constant 4 : i32
    %mul3A_682 = arith.muli %mul3A_681, %sub3A_680 : i32
    %sub3A_683 = arith.constant 1 : i32
    %sub3A_684 = arith.subi %mul3A_682, %sub3A_683 : i32
    %max3A_685 = arith.constant 0 : i32
    %max3A_686 = arith.maxsi %sub3A_684, %max3A_685 : i32
    %mul3A_687 = arith.constant 2 : i32
    %mul3A_688 = arith.muli %mul3A_687, %sub3A_680 : i32
    %sub3A_689 = arith.constant 1 : i32
    %sub3A_690 = arith.subi %mul3A_688, %sub3A_689 : i32
    %max3A_691 = arith.constant 0 : i32
    %max3A_692 = arith.maxsi %sub3A_690, %max3A_691 : i32
    %get3A_693 = arith.constant 7 : index
    %get3A_694 = arith.constant 0 : index
    %get3A_695 = arith.constant 0 : index
    %get3A_696 = vector.load %arg1[%get3A_693, %get3A_694, %get3A_695] : memref<8x128x576xf32, #tpu.memory_space<vmem>>, vector<1x128x576xf32>
    %get3A_697 = vector.shape_cast %get3A_696 : vector<1x128x576xf32> to vector<128x576xf32>
    %get3A_698 = arith.constant 0 : index
    %get3A_699 = arith.index_cast %max3A_686 : i32 to index
    %get3A_700 = arith.constant 0 : index
    %get3A_701 = arith.constant 0 : index
    %get3A_702 = vector.load %arg3[%get3A_698, %get3A_699, %get3A_700, %get3A_701] : memref<1x96x96x96xf32, #tpu.memory_space<vmem>>, vector<1x6x96x96xf32>
    %get3A_703 = vector.shape_cast %get3A_702 : vector<1x6x96x96xf32> to vector<6x96x96xf32>
    %reshape3A_704 = vector.shape_cast %get3A_703 : vector<6x96x96xf32> to vector<576x96xf32>
    %get3A_705 = arith.constant 0 : index
    %get3A_706 = arith.index_cast %max3A_692 : i32 to index
    %get3A_707 = arith.constant 0 : index
    %get3A_708 = arith.constant 0 : index
    %get3A_709 = vector.load %arg4[%get3A_705, %get3A_706, %get3A_707, %get3A_708] : memref<1x48x48x192xf32, #tpu.memory_space<vmem>>, vector<1x4x48x192xf32>
    %get3A_710 = vector.shape_cast %get3A_709 : vector<1x4x48x192xf32> to vector<4x48x192xf32>
    %reshape3A_711 = vector.shape_cast %get3A_710 : vector<4x48x192xf32> to vector<192x192xf32>
    %get3A_712 = arith.constant 0 : index
    %get3A_713 = arith.constant 0 : index
    %get3A_714 = vector.load %arg6[%get3A_712, %get3A_713] : memref<128x96xf32, #tpu.memory_space<vmem>>, vector<128x96xf32>
    %dot_general3A_715 = arith.constant dense<0.000000e+00> : vector<128x96xf32>
    %dot_general3A_716 = tpu.matmul %get3A_697, %reshape3A_704, %dot_general3A_715 {dimension_numbers = #tpu.dot_dimension_numbers<[1], [0], [0], [1], [0, 0, 1, 1], [], []>, precision = #tpu.contract_precision<fp32>, transpose_lhs_hint = false} : vector<128x576xf32>, vector<576x96xf32>, vector<128x96xf32> -> vector<128x96xf32>
    %add3A_717 = arith.addf %get3A_714, %dot_general3A_716 : vector<128x96xf32>
    %swap3A_718 = arith.constant 0 : index
    %swap3A_719 = arith.constant 0 : index
    %swap3A_720 = vector.load %arg6[%swap3A_718, %swap3A_719] : memref<128x96xf32, #tpu.memory_space<vmem>>, vector<128x96xf32>
    tpu.vector_store %arg6[%swap3A_718, %swap3A_719], %add3A_717 {strides = array<i32>} : memref<128x96xf32, #tpu.memory_space<vmem>>, vector<128x96xf32>,
    %get3A_721 = arith.constant 0 : index
    %get3A_722 = arith.constant 0 : index
    %get3A_723 = vector.load %arg7[%get3A_721, %get3A_722] : memref<128x192xf32, #tpu.memory_space<vmem>>, vector<128x192xf32>
    %get3A_724 = arith.constant 7 : index
    %get3A_725 = arith.constant 0 : index
    %get3A_726 = arith.constant 0 : index
    %get3A_727 = vector.load %arg2[%get3A_724, %get3A_725, %get3A_726] : memref<8x128x192xf32, #tpu.memory_space<vmem>>, vector<1x128x192xf32>
    %get3A_728 = vector.shape_cast %get3A_727 : vector<1x128x192xf32> to vector<128x192xf32>
    %dot_general3A_729 = arith.constant dense<0.000000e+00> : vector<128x192xf32>
    %dot_general3A_730 = tpu.matmul %get3A_728, %reshape3A_711, %dot_general3A_729 {dimension_numbers = #tpu.dot_dimension_numbers<[1], [0], [0], [1], [0, 0, 1, 1], [], []>, precision = #tpu.contract_precision<fp32>, transpose_lhs_hint = false} : vector<128x192xf32>, vector<192x192xf32>, vector<128x192xf32> -> vector<128x192xf32>
    %add3A_731 = arith.addf %get3A_723, %dot_general3A_730 : vector<128x192xf32>
    %swap3A_732 = arith.constant 0 : index
    %swap3A_733 = arith.constant 0 : index
    %swap3A_734 = vector.load %arg7[%swap3A_732, %swap3A_733] : memref<128x192xf32, #tpu.memory_space<vmem>>, vector<128x192xf32>
    tpu.vector_store %arg7[%swap3A_732, %swap3A_733], %add3A_731 {strides = array<i32>} : memref<128x192xf32, #tpu.memory_space<vmem>>, vector<128x192xf32>,
    %get3A_735 = arith.constant 0 : index
    %get3A_736 = arith.constant 0 : index
    %get3A_737 = vector.load %arg8[%get3A_735, %get3A_736] : memref<128x1xf32, #tpu.memory_space<vmem>>, vector<128x1xf32>
    %reduce_sum3A_738 = arith.constant dense<0.000000e+00> : vector<128xf32>
    %reduce_sum3A_739 = vector.multi_reduction <add>, %get3A_697, %reduce_sum3A_738 [1] : vector<128x576xf32> to vector<128xf32>
    %broadcast_in_dim3A_740 = vector.shape_cast %reduce_sum3A_739 : vector<128xf32> to vector<128x1xf32>
    %add3A_741 = arith.addf %get3A_737, %broadcast_in_dim3A_740 : vector<128x1xf32>
    %swap3A_742 = arith.constant 0 : index
    %swap3A_743 = arith.constant 0 : index
    %swap3A_744 = vector.load %arg8[%swap3A_742, %swap3A_743] : memref<128x1xf32, #tpu.memory_space<vmem>>, vector<128x1xf32>
    tpu.vector_store %arg8[%swap3A_742, %swap3A_743], %add3A_741 {strides = array<i32>} : memref<128x1xf32, #tpu.memory_space<vmem>>, vector<128x1xf32>,
    %eq3A_745 = arith.constant 11 : i32
    %eq3A_746 = arith.cmpi eq, %arg0, %eq3A_745 : i32
    %convert_element_type3A_747 = arith.extui %eq3A_746 : i1 to i32
    %cond3A_748 = arith.constant 0 : i32
    %cond3A_749 = arith.cmpi ne, %convert_element_type3A_747, %cond3A_748 : i32
    scf.if %cond3A_749 {
      %get3A_750 = arith.constant 0 : index
      %get3A_751 = arith.constant 0 : index
      %get3A_752 = vector.load %arg8[%get3A_750, %get3A_751] : memref<128x1xf32, #tpu.memory_space<vmem>>, vector<128x1xf32>
      %max3A_753 = arith.constant 1.000000e+00 : f32
      %max3A_754 = vector.broadcast %max3A_753 : f32 to vector<128x1xf32>
      %max3A_755 = arith.maximumf %get3A_752, %max3A_754 : vector<128x1xf32>
      %gt3A = arith.constant 0.000000e+00 : f32
      %gt3A_756 = vector.broadcast %gt3A : f32 to vector<128x1xf32>
      %gt3A_757 = arith.cmpf ogt, %get3A_752, %gt3A_756 : vector<128x1xf32>
      %div3A_758 = arith.constant 1.000000e+00 : f32
      %div3A_759 = vector.broadcast %div3A_758 : f32 to vector<128x1xf32>
      %div3A_760 = arith.divf %div3A_759, %max3A_755 : vector<128x1xf32>
      %jit3A_761 = arith.constant 0.000000e+00 : f32
      %broadcast_in_dim3A_762 = vector.broadcast %jit3A_761 : f32 to vector<128x1xf32>
      %select_n3A_763 = arith.select %gt3A_757, %div3A_760, %broadcast_in_dim3A_762 : vector<128x1xi1>, vector<128x1xf32>
      %get3A_764 = arith.constant 0 : index
      %get3A_765 = arith.constant 0 : index
      %get3A_766 = vector.load %arg6[%get3A_764, %get3A_765] : memref<128x96xf32, #tpu.memory_space<vmem>>, vector<128x96xf32>
      %mul3A_767 = vector.broadcast %select_n3A_763 : vector<128x1xf32> to vector<128x96xf32>
      %mul3A_768 = arith.mulf %get3A_766, %mul3A_767 : vector<128x96xf32>
      %transpose3A = tpu.transpose %mul3A_768, [1, 0] : vector<128x96xf32> -> vector<96x128xf32>
      %swap3A_769 = arith.constant 0 : index
      %swap3A_770 = arith.constant 0 : index
      %swap3A_771 = arith.constant 0 : index
      %swap3A_772 = vector.load %arg5[%swap3A_769, %swap3A_770, %swap3A_771] : memref<2x192x128xf32, #tpu.memory_space<vmem>>, vector<1x96x128xf32>
      %swap3A_773 = vector.shape_cast %swap3A_772 : vector<1x96x128xf32> to vector<96x128xf32>
      %swap3A_774 = vector.shape_cast %transpose3A : vector<96x128xf32> to vector<1x96x128xf32>
      tpu.vector_store %arg5[%swap3A_769, %swap3A_770, %swap3A_771], %swap3A_774 {strides = array<i32>} : memref<2x192x128xf32, #tpu.memory_space<vmem>>, vector<1x96x128xf32>,
      %broadcast_in_dim3A_775 = arith.constant 0.000000e+00 : f32
      %broadcast_in_dim3A_776 = vector.broadcast %broadcast_in_dim3A_775 : f32 to vector<96x128xf32>
      %swap3A_777 = arith.constant 0 : index
      %swap3A_778 = arith.constant 96 : index
      %swap3A_779 = arith.constant 0 : index
      %swap3A_780 = vector.load %arg5[%swap3A_777, %swap3A_778, %swap3A_779] : memref<2x192x128xf32, #tpu.memory_space<vmem>>, vector<1x96x128xf32>
      %swap3A_781 = vector.shape_cast %swap3A_780 : vector<1x96x128xf32> to vector<96x128xf32>
      %swap3A_782 = vector.shape_cast %broadcast_in_dim3A_776 : vector<96x128xf32> to vector<1x96x128xf32>
      tpu.vector_store %arg5[%swap3A_777, %swap3A_778, %swap3A_779], %swap3A_782 {strides = array<i32>} : memref<2x192x128xf32, #tpu.memory_space<vmem>>, vector<1x96x128xf32>,
      %get3A_783 = arith.constant 0 : index
      %get3A_784 = arith.constant 0 : index
      %get3A_785 = vector.load %arg7[%get3A_783, %get3A_784] : memref<128x192xf32, #tpu.memory_space<vmem>>, vector<128x192xf32>
      %mul3A_786 = vector.broadcast %select_n3A_763 : vector<128x1xf32> to vector<128x192xf32>
      %mul3A_787 = arith.mulf %get3A_785, %mul3A_786 : vector<128x192xf32>
      %transpose3A_788 = tpu.transpose %mul3A_787, [1, 0] : vector<128x192xf32> -> vector<192x128xf32>
      %swap3A_789 = arith.constant 1 : index
      %swap3A_790 = arith.constant 0 : index
      %swap3A_791 = arith.constant 0 : index
      %swap3A_792 = vector.load %arg5[%swap3A_789, %swap3A_790, %swap3A_791] : memref<2x192x128xf32, #tpu.memory_space<vmem>>, vector<1x192x128xf32>
      %swap3A_793 = vector.shape_cast %swap3A_792 : vector<1x192x128xf32> to vector<192x128xf32>
      %swap3A_794 = vector.shape_cast %transpose3A_788 : vector<192x128xf32> to vector<1x192x128xf32>
      tpu.vector_store %arg5[%swap3A_789, %swap3A_790, %swap3A_791], %swap3A_794 {strides = array<i32>} : memref<2x192x128xf32, #tpu.memory_space<vmem>>, vector<1x192x128xf32>,
    } else {
    }
    return
  }
  func.func @transform_0(%arg0: i32) -> (i32, i32, i32) {
    %c0_i32 = arith.constant 0 : i32
    %c0_i32_0 = arith.constant 0 : i32
    %c0_i32_1 = arith.constant 0 : i32
    return %arg0, %c0_i32, %c0_i32_0 : i32, i32, i32
  }
  func.func @transform_1(%arg0: i32) -> (i32, i32, i32) {
    %c0_i32 = arith.constant 0 : i32
    %c0_i32_0 = arith.constant 0 : i32
    %c0_i32_1 = arith.constant 0 : i32
    return %arg0, %c0_i32, %c0_i32_0 : i32, i32, i32
  }
  func.func @transform_2(%arg0: i32) -> (i32, i32, i32, i32) {
    %mul3A = arith.constant 8 : i32
    %mul3A_0 = arith.muli %mul3A, %arg0 : i32
    %jit3A = arith.constant 24 : i32
    %div3A = arith.divsi %mul3A_0, %jit3A : i32
    %sign3A = arith.constant 0 : i32
    %sign3A_1 = arith.cmpi sgt, %mul3A_0, %sign3A : i32
    %sign3A_2 = arith.extui %sign3A_1 : i1 to i32
    %sign3A_3 = arith.constant 0 : i32
    %sign3A_4 = arith.cmpi slt, %mul3A_0, %sign3A_3 : i32
    %sign3A_5 = arith.extui %sign3A_4 : i1 to i32
    %sign3A_6 = arith.subi %sign3A_2, %sign3A_5 : i32
    %sign3A_7 = arith.constant 0 : i32
    %sign3A_8 = arith.cmpi sgt, %jit3A, %sign3A_7 : i32
    %sign3A_9 = arith.extui %sign3A_8 : i1 to i32
    %sign3A_10 = arith.constant 0 : i32
    %sign3A_11 = arith.cmpi slt, %jit3A, %sign3A_10 : i32
    %sign3A_12 = arith.extui %sign3A_11 : i1 to i32
    %sign3A_13 = arith.subi %sign3A_9, %sign3A_12 : i32
    %ne3A = arith.cmpi ne, %sign3A_6, %sign3A_13 : i32
    %rem3A = arith.remsi %mul3A_0, %jit3A : i32
    %ne3A_14 = arith.constant 0 : i32
    %ne3A_15 = arith.cmpi ne, %rem3A, %ne3A_14 : i32
    %and3A = arith.andi %ne3A, %ne3A_15 : i1
    %sub3A = arith.constant 1 : i32
    %sub3A_16 = arith.subi %div3A, %sub3A : i32
    %select_n3A = arith.select %and3A, %sub3A_16, %div3A : i32
    %c0_i32 = arith.constant 0 : i32
    %c0_i32_17 = arith.constant 0 : i32
    %c0_i32_18 = arith.constant 0 : i32
    %c0_i32_19 = arith.constant 0 : i32
    return %select_n3A, %c0_i32, %c0_i32_17, %c0_i32_18 : i32, i32, i32, i32
  }
  func.func @transform_3(%arg0: i32) -> (i32, i32, i32, i32) {
    %mul3A = arith.constant 8 : i32
    %mul3A_0 = arith.muli %mul3A, %arg0 : i32
    %jit3A = arith.constant 24 : i32
    %div3A = arith.divsi %mul3A_0, %jit3A : i32
    %sign3A = arith.constant 0 : i32
    %sign3A_1 = arith.cmpi sgt, %mul3A_0, %sign3A : i32
    %sign3A_2 = arith.extui %sign3A_1 : i1 to i32
    %sign3A_3 = arith.constant 0 : i32
    %sign3A_4 = arith.cmpi slt, %mul3A_0, %sign3A_3 : i32
    %sign3A_5 = arith.extui %sign3A_4 : i1 to i32
    %sign3A_6 = arith.subi %sign3A_2, %sign3A_5 : i32
    %sign3A_7 = arith.constant 0 : i32
    %sign3A_8 = arith.cmpi sgt, %jit3A, %sign3A_7 : i32
    %sign3A_9 = arith.extui %sign3A_8 : i1 to i32
    %sign3A_10 = arith.constant 0 : i32
    %sign3A_11 = arith.cmpi slt, %jit3A, %sign3A_10 : i32
    %sign3A_12 = arith.extui %sign3A_11 : i1 to i32
    %sign3A_13 = arith.subi %sign3A_9, %sign3A_12 : i32
    %ne3A = arith.cmpi ne, %sign3A_6, %sign3A_13 : i32
    %rem3A = arith.remsi %mul3A_0, %jit3A : i32
    %ne3A_14 = arith.constant 0 : i32
    %ne3A_15 = arith.cmpi ne, %rem3A, %ne3A_14 : i32
    %and3A = arith.andi %ne3A, %ne3A_15 : i1
    %sub3A = arith.constant 1 : i32
    %sub3A_16 = arith.subi %div3A, %sub3A : i32
    %select_n3A = arith.select %and3A, %sub3A_16, %div3A : i32
    %c0_i32 = arith.constant 0 : i32
    %c0_i32_17 = arith.constant 0 : i32
    %c0_i32_18 = arith.constant 0 : i32
    %c0_i32_19 = arith.constant 0 : i32
    return %select_n3A, %c0_i32, %c0_i32_17, %c0_i32_18 : i32, i32, i32, i32
  }
  func.func @transform_4(%arg0: i32) -> (i32, i32, i32) {
    %c0_i32 = arith.constant 0 : i32
    %c0_i32_0 = arith.constant 0 : i32
    %c0_i32_1 = arith.constant 0 : i32
    %c0_i32_2 = arith.constant 0 : i32
    return %c0_i32, %c0_i32_0, %c0_i32_1 : i32, i32, i32
  }
}

</mosaic_0001>

<sc_bundles>
// kernel: kernel.4.cloned.1.call-start
scs
__scs_entry_jumppad:
0x0: {  	(pc) =	sbr.rel $0x88, $3  }
0x1: {  	(tag) =	ssettag $0x0;
	lr =	simm.s32 $0x1  }
0x2: {  	[smem:$0x3F9E] =	sst lr;
	_ =	strace $0xD0000000  }
0x3: {  	_ = 	snop  }
0x4: {  	_ = 	snop  }
0x5: {  	_ = 	snop  }
0x6: {  	_ = 	snop  }
0x7: {  	_ = 	snop  }
__scs_overlays_trampoline_lowered:
0x8: {  	[smem:$0x3FAD] =	sst s0  }
0x9: {  	[smem:$0x3FAE] =	sst s1  }
0xa: {  	[smem:$0x3FAF] =	sst s2  }
0xb: {  	[smem:$0x3FB0] =	sst s3  }
0xc: {  	[smem:$0x3FB1] =	sst s4  }
0xd: {  	[smem:$0x3FB2] =	sst s5  }
0xe: {  	[smem:$0x3FB3] =	sst s6  }
0xf: {  	[smem:$0x3FB4] =	sst s7  }
0x10: {  	[smem:$0x3FB5] =	sst s8  }
0x11: {  	[smem:$0x3FB6] =	sst s9;
	s0 =	simm.s32 @!p0 $0x0  }
0x12: {  	s1 =	sld [smem:$0x3F9C];
	s0 =	simm.s32 @p0 $0x1  }
0x13: {  	[smem:$0x3FB7] =	sst s0;
	s0 =	simm.s32 @!p1 $0x0  }
0x14: {  	s2 =	sld [smem:$0x3F9B];
	s0 =	simm.s32 @p1 $0x1  }
0x15: {  	[smem:$0x3FB8] =	sst s0;
	s0 =	simm.s32 @!p2 $0x0  }
0x16: {  	s3 =	sld [smem:$0x3FDB];
	s0 =	simm.s32 @p2 $0x1  }
0x17: {  	s4 =	simm.s32 $0x1BF5;
	[smem:$0x3FBA] =	sst s0  }
0x18: {  	s0 =	sld [smem:$0x3F9D];
	_ =	swait.ge [sflag:s4], $0x0  }
0x19: {  	s7 =	sld [smem:$0x3F9E]  }
0x1a: {  	s8 =	sadd.s32 $0xFFFFE003, lr  }
0x1b: {  	s9 =	sadd.s32 $0xFFFFFEF7, lr;
	s5 =	simm.s32 $0xFFFFFFFF;
	p2 =	slt.u32 s8, $0xFFFFF086  }
0x1c: {  	p1 =	slt.u32 s9, $0xF7A;
	s5 =	simm.s32 @!p2 $0x0  }
0x1d: {  	s5 =	simm.s32 @p1 $0x1;
	p0 =	seq.s32 s7, s2  }
0x1e: {  	s7 =	smul.u32 @!p0 $0xF7A, s2;
	p2 =	seq.s32 @!p0 s5, $0x0  }
0x1f: {  	s9 =	smul.u32 $0xF7A, s1;
	s8 =	simm.s32 @!p0 $0x1BF5;
	p2 =	por !p2, p0  }
0x20: {  	[sflag:s8] =	ssyncset.s32 @!p0 $0xFFFFF086;
	s6 =	sadd.s32 @!p0 s3, s7;
	s7 =	simm.s32 @!p0 $0x108  }
0x21: {  	s3 =	sadd.s32 s3, s9;
	s6 =	sadd.s32 @!p0 $0x88, s6;
	s7 =	simm.s32 @p2 $0x1082  }
0x22: {  	[simem:s7], [sflag:s8] =	dma.local @!p0 [hbm:s6], $0xF7A  }
0x23: {  	s9 =	sor.u32 $0xD0000000, s2;
	s6 =	simm.s32 $0x108;
	_ =	swait.ge @!p0 [sflag:s8], $0x0  }
0x24: {  	s3 =	sadd.s32 $0x88, s3;
	s6 =	simm.s32 @!p1 $0x1082;
	[sflag:s4] =	ssyncset.s32 $0xFFFFF086  }
0x25: {  	[simem:s6], [sflag:s4] =	dma.local [hbm:s3], $0xF7A  }
0x26: {  	[smem:$0x3F9E] =	sst s1;
	(tag) =	ssettag s2;
	_ =	strace s9  }
0x27: {  	s1 =	sld [smem:$0x3FAE]  }
0x28: {  	s2 =	sld [smem:$0x3FAF]  }
0x29: {  	s4 =	sld [smem:$0x3FB1]  }
0x2a: {  	p0 =	seq.s32 s5, $0x0;
	s5 =	sld [smem:$0x3FB2]  }
0x2b: {  	s6 =	sld [smem:$0x3FB3]  }
0x2c: {  	s7 =	sld [smem:$0x3FB4]  }
0x2d: {  	s3 =	simm.s32 $0x108;
	s8 =	sld [smem:$0x3FB5]  }
0x2e: {  	s3 =	simm.s32 @!p0 $0x1082;
	s9 =	sld [smem:$0x3FB6]  }
0x2f: {  	lr =	sadd.s32 s0, s3;
	s0 =	sld [smem:$0x3FAD]  }
0x30: {  	s3 =	sld [smem:$0x3FB0]  }
0x31: {  	[smem:$0x3FB9] =	sst s10  }
0x32: {  	s10 =	sld [smem:$0x3FB7];
	_ =	sdelay $0x3  }
0x33: {  	p0 =	seq.s32 s10, $0x1;
	s10 =	sld [smem:$0x3FB9];
	_ =	sdelay $0x3  }
0x34: {  	[smem:$0x3FB9] =	sst s10  }
0x35: {  	s10 =	sld [smem:$0x3FB8];
	_ =	sdelay $0x3  }
0x36: {  	p1 =	seq.s32 s10, $0x1;
	s10 =	sld [smem:$0x3FB9];
	_ =	sdelay $0x3  }
0x37: {  	[smem:$0x3FB9] =	sst s10  }
0x38: {  	s10 =	sld [smem:$0x3FBA]  }
0x39: {  	_ = 	snop;
	(pc) =	sbr.ind lr, $3  }
0x3a: {  	_ = 	snop  }
0x3b: {  	_ = 	snop  }
0x3c: {  	p2 =	seq.s32 s10, $0x1;
	s10 =	sld [smem:$0x3FB9]  }
0x3d: {  	_ =	shalt  }
0x3e: {  	_ =	shalt  }
0x3f: {  	_ =	shalt  }
0x40: {  	_ =	shalt  }
0x41: {  	_ =	shalt  }
0x42: {  	_ =	shalt  }
0x43: {  	_ =	shalt  }
0x44: {  	_ =	shalt  }
0x45: {  	_ =	shalt  }
0x46: {  	_ =	shalt  }
0x47: {  	_ =	shalt  }
0x48: {  	_ =	shalt  }
0x49: {  	_ =	shalt  }
0x4a: {  	_ =	shalt  }
0x4b: {  	_ =	shalt  }
0x4c: {  	_ =	shalt  }
0x4d: {  	_ =	shalt  }
0x4e: {  	_ =	shalt  }
0x4f: {  	_ =	shalt  }
0x50: {  	_ =	shalt  }
0x51: {  	_ =	shalt  }
0x52: {  	_ =	shalt  }
0x53: {  	_ =	shalt  }
0x54: {  	_ =	shalt  }
0x55: {  	_ =	shalt  }
0x56: {  	_ =	shalt  }
0x57: {  	_ =	shalt  }
0x58: {  	_ =	shalt  }
0x59: {  	_ =	shalt  }
0x5a: {  	_ =	shalt  }
0x5b: {  	_ =	shalt  }
0x5c: {  	_ =	shalt  }
0x5d: {  	_ =	shalt  }
0x5e: {  	_ =	shalt  }
0x5f: {  	_ =	shalt  }
0x60: {  	_ =	shalt  }
0x61: {  	_ =	shalt  }
0x62: {  	_ =	shalt  }
0x63: {  	_ =	shalt  }
0x64: {  	_ =	shalt  }
0x65: {  	_ =	shalt  }
0x66: {  	_ =	shalt  }
0x67: {  	_ =	shalt  }
0x68: {  	_ =	shalt  }
0x69: {  	_ =	shalt  }
0x6a: {  	_ =	shalt  }
0x6b: {  	_ =	shalt  }
0x6c: {  	_ =	shalt  }
0x6d: {  	_ =	shalt  }
0x6e: {  	_ =	shalt  }
0x6f: {  	_ =	shalt  }
0x70: {  	_ =	shalt  }
0x71: {  	_ =	shalt  }
0x72: {  	_ =	shalt  }
0x73: {  	_ =	shalt  }
0x74: {  	_ =	shalt  }
0x75: {  	_ =	shalt  }
0x76: {  	_ =	shalt  }
0x77: {  	_ =	shalt  }
0x78: {  	_ =	shalt  }
0x79: {  	_ =	shalt  }
0x7a: {  	_ =	shalt  }
0x7b: {  	_ =	shalt  }
0x7c: {  	_ =	shalt  }
0x7d: {  	_ =	shalt  }
0x7e: {  	_ =	shalt  }
0x7f: {  	_ =	shalt  }
0x80: {  	_ =	shalt  }
0x81: {  	_ =	shalt  }
0x82: {  	_ =	shalt  }
0x83: {  	_ =	shalt  }
0x84: {  	_ =	shalt  }
0x85: {  	_ =	shalt  }
0x86: {  	_ =	shalt  }
0x87: {  	_ =	shalt  }
.Lfunc_end0:
.L_simem_size_0:
called_computation_lowered:
.L_overlay_start_0:
0x88: {  	s2 =	sld [smem:$0x3FD9]  }
0x89: {  	s3 =	sld [smem:$0x3FFE];
	_ =	sdelay $0x1  }
0x8a: {  	s1 =	srdreg.scid  }
0x8b: {  	s0 =	sand.u32 $0x1, s1  }
0x8c: {  	s16 =	sshll.u32 s0, $0xA;
	s2 =	sadd.s32 s3, s2  }
0x8d: {  	s2 =	sadd.s32 s2, s16  }
0x8e: {  	[smem:$0x3FC5] =	sst s2  }
0x8f: {  	_ = 	snop  }
0x90: {  	(tm) =	ssettm $0x1  }
0x91: {  	s17 =	sld [smem:$0x3FFB];
	_ =	sdelay $0x3  }
0x92: {  	_ =	strace s17  }
0x93: {  	s2 =	sld [smem:$0x3FFC];
	_ =	sdelay $0x3  }
0x94: {  	_ =	strace s2  }
0x95: {  	s2 =	sld [smem:$0x3FFD];
	_ =	sdelay $0x3  }
0x96: {  	_ =	strace s2  }
0x97: {  	_ =	strace $0x8FFFFFFF  }
0x98: {  	s18 =	sld [smem:$0x3FDB];
	_ =	sdelay $0x1  }
0x99: {  	s19 =	simm.s32 $_scs_section_size  }
0x9a: {  	s4 =	simm.s32 $_size__tile_overlayer_lowered;
	s5 =	simm.s32 $_tile_overlayer_lowered  }
0x9b: {  	s22 =	simm.s32 $0x1BFF;
	s21 =	sshll.u32 s5, $0x1;
	s2 =	sadd.s32 s19, s18  }
0x9c: {  	s6 =	simm.s32 $0x0;
	s20 =	sshll.u32 s4, $0x1;
	s4 =	sadd.s32 s21, s2  }
0x9d: {  	[timem:s6], [sflag:s22] =	dma.local [hbm:s4], s20  }
0x9e: {  	_ =	swait.ge [sflag:s22], s20  }
0x9f: {  	s3 =	ssub.s32 $0x0, s20;
	[sflag:s22] =	ssyncset.done $0x0  }
0xa0: {  	[sflag:s22] =	ssyncadd.s32 s3;
	_ =	sdelay $0x1  }
0xa1: {  	s23 =	simm.s32 $0x1B8B  }
0xa2: {  	_ =	swait.ge [sflag:s23], $0x1  }
0xa3: {  	[sflag:s23] =	ssyncset.done $0x0  }
0xa4: {  	s25 =	simm.s32 $0x1B8E;
	s24 =	sld [smem:$0x3FFE];
	[sflag:s23] =	ssyncadd.s32 $0xFFFFFFFF  }
0xa5: {  	s26 =	simm.s32 $execute0_lowered;
	[smem:$0x3FD2] =	sst s25  }
0xa6: {  	s4 =	sshll.u32 s26, $0x1;
	_ =	strace $0x80000046;
	[dreg:$0x1] =	wrdreg $0xFFFFFFFF  }
0xa7: {  	s28 =	simm.s32 $_size_execute0_lowered;
	s2 =	sadd.s32 s2, s4;
	[dreg:$0x0] =	wrdreg $0x0  }
0xa8: {  	s4 =	sshll.u32 s28, $0x1;
	[dreg:$0x2] =	wrdreg s2  }
0xa9: {  	[dreg:$0x3] =	wrdreg s4  }
0xaa: {  	[dreg:$0x4] =	wrdreg $0xC0  }
0xab: {  	_ =	task [dreg:s6], $0x5FFFF  }
0xac: {  	[dreg:$0x1] =	wrdreg $0xFFFFFFFF  }
0xad: {  	[dreg:$0x0] =	wrdreg $0x60  }
0xae: {  	[dreg:$0x2] =	wrdreg s24  }
0xaf: {  	[dreg:$0x3] =	wrdreg $0x9  }
0xb0: {  	_ =	task.clear_ibuf [dreg:s6], $0x4FFFF;
	_ =	strace $0x90000046  }
0xb1: {  	s29 =	simm.s32 $0x9;
	_ =	strace $0x80000048  }
0xb2: {  	_ =	swait.ge [sflag:s29], $0x1  }
0xb3: {  	[sflag:s29] =	ssyncadd.s32 $0xFFFFFFFF  }
0xb4: {  	_ =	strace $0x90000048  }
0xb5: {  	_ =	sfence  }
0xb6: {  	s30 =	sld [smem:$0x0];
	_ =	sdelay $0x2  }
0xb7: {  	s31 =	sshll.u32 s1, $0xD;
	s1 =	sshrl.u32 s1, $0x2  }
0xb8: {  	s3 =	sand.u32 $0x4000, s31;
	s1 =	sadd.s32 s1, s30  }
0xb9: {  	s0 =	sor.u32 s3, s0;
	s1 =	sshll.u32 s1, $0x11  }
0xba: {  	s0 =	sor.u32 s1, s0  }
0xbb: {  	s0 =	sadd.s32 $0x8F2B, s0  }
0xbc: {  	[sflag:s0] =	ssyncadd.remote.s32 $0x1  }
0xbd: {  	_ =	sfence.sel $0xFFFF  }
0xbe: {  	[dreg:$0x0] =	wrdreg $0xFFFFFFFF;
	(pc) =	sbr.abs _section_cstart, $3  }
0xbf: {  	[dreg:$0x1] =	wrdreg $0xFFFFFFFF  }
0xc0: {  	_ =	task.clear_ibuf [dreg:s6], $0x2FFFF;
	_ =	strace $0x9FFFFFFF  }
0xc1: {  	(tm) =	ssettm $0x7FFFFFFF  }
tec
execute0_lowered:
.L_overlay_start_1:
0x0: {  	(tag) =	ssettag $0x1  }
0x1: {  	s1 =	rddreg [dreg:$0x0];
	s0 =	srdreg.scid  }
0x2: {  	s2 =	simm.s32 $0x0;
	s16 =	stileid.u32;
	s4 =	simm.s32 $0xFFFFFFE8  }
0x3: {  	s5 =	simm.s32 $0x24000;
	s28 =	simm.s32 $0x3;
	s29 =	simm.s32 $0x80  }
0x4: {  	vm10 =	vcmask $0x300;
	v0 =	vimm.f32 $6.250000000e-01;
	s3 =	sand.u32 $0x1, s0;
	s20 =	sshll.u32 s16, $0x1;
	p0 =	sgt.u32 s16, $0xB  }
0x5: {  	vm11 =	vcmask $0x704;
	v0 =	vsel vm10, $0x3EC00000, v0;
	[smem:$0x7FF] =	sst s2;
	s9 =	sadd.s32 $0x1600, s1;
	s0 =	sadd.s32 $0x13600, s1  }
0x6: {  	vm9 =	vcmask $0xB08;
	s1 =	sadd.s32 $0xEB600, s1;
	s22 =	sshrl.u32 s16, $0x2;
	s6 =	sor.u32 s3, s20;
	v0 =	vsel vm11, $0x3E000000, v0  }
0x7: {  	vm8 =	vcmask $0x1310;
	s4 =	simm.s32 @!p0 $0x0;
	_ =	strace $0x80000047;
	s3 =	ssub.s32 $0x2, s3;
	v0 =	vsel vm9, $0x3F600000, v0  }
0x8: {  	vm7 =	vcmask $0x1714;
	s5 =	simm.s32 @!p0 $0x0;
	s16 =	smul.u32 $0x90000, s22;
	s7 =	sadd.s32 s6, s4;
	v0 =	vsel vm8, $0x3EC00000, v0  }
0x9: {  	vm6 =	vcmask $0x1B18;
	s10 =	sor.u32 $0x20, s6;
	s11 =	sshrl.u32 s3, $0x1;
	s4 =	smul.u32 $0x1800, s7;
	v0 =	vsel vm7, $0x3E000000, v0  }
0xa: {  	vm5 =	vcmask $0x2320;
	vm3 =	vcmask $0x2724;
	s8 =	smul.u32 $0x2B, s10;
	s12 =	sshll.u32 s7, $0x2;
	s19 =	sshrl.u32 s10, $0x3;
	v0 =	vsel vm6, $0x3F600000, v0  }
0xb: {  	vm4 =	vcmask $0x2B28;
	vm0 =	vcmask $0x3330;
	s24 =	sshll.u32 s6, $0x7;
	p0 =	sgt.s32 s12, $0x1;
	s31 =	smul.u32 $0x90000, s19;
	v0 =	vsel vm5, $0x3EC00000, v0  }
0xc: {  	v1 =	vimm.f32 $3.750000000e-01;
	vm1 =	vcmask $0x3734;
	s19 =	smul.u32 $0x30000, s19;
	s4 =	sadd.s32 s5, s4;
	s21 =	sshrl.u32 s8, $0xA;
	v0 =	vsel vm3, $0x3E000000, v0  }
0xd: {  	vm2 =	vcmask $0x3B38;
	v3 =	vimm.f32 $5.625000000e-01;
	s8 =	ssub.s32 s3, s11;
	s11 =	sshll.u32 s7, $0x1;
	s13 =	smul.u32 $0xFFFFFFE8, s21;
	v0 =	vsel vm4, $0x3F600000, v0  }
0xe: {  	vm12 =	vcmask $0xF0C;
	v1 =	vsel vm10, $0x3F200000, v1;
	s12 =	simm.s32 @!p0 $0x1;
	s7 =	sshll.u32 s7, $0x4;
	s4 =	sshrl.u32 s4, $0x3;
	v2 =	vsel vm0, $0x3EC00000, v0  }
0xf: {  	v4 =	vimm.s32 $0xFFAA550;
	v1 =	vsel vm11, $0x3F600000, v1;
	s14 =	smul.u32 $0x24000, s21;
	p0 =	sgt.s32 s11, $0x1;
	s13 =	sadd.s32 s10, s13;
	v2 =	vsel vm1, $0x3E000000, v2  }
0x10: {  	v1 =	vsel vm9, $0x3E000000, v1;
	s3 =	sadd.s32 s9, s4;
	s4 =	sadd.s32 $0xFFFFFFFF, s12;
	s15 =	smul.u32 $0x1800, s13;
	v57 =	vsel vm2, $0x3F600000, v2;
	v2 =	vsel vm10, $0x3EE00000, v3  }
0x11: {  	v1 =	vsel vm8, $0x3F200000, v1;
	s11 =	simm.s32 @!p0 $0x1;
	s12 =	smul.u32 $0x30000, s22;
	s17 =	sshll.u32 s13, $0x2;
	v3 =	vimm.f32 $4.375000000e-01;
	v2 =	vsel vm11, $0x3EA00000, v2  }
0x12: {  	v1 =	vsel vm7, $0x3F600000, v1;
	s5 =	sadd.s32 $0xFFFFFFFF, s11;
	p0 =	sgt.s32 s17, $0x1;
	s23 =	sadd.s32 s14, s15;
	v3 =	vsel vm10, $0x3F100000, v3;
	v2 =	vsel vm9, $0x3E400000, v2  }
0x13: {  	v1 =	vsel vm6, $0x3E000000, v1;
	s15 =	sor.u32 $0x40, s6;
	s14 =	sand.u32 $0x380, s24;
	s17 =	simm.s32 @!p0 $0x1;
	v3 =	vsel vm11, $0x3F300000, v3;
	v2 =	vsel vm12, $0x3D800000, v2  }
0x14: {  	v1 =	vsel vm5, $0x3F200000, v1;
	s25 =	sshrl.u32 s23, $0x3;
	s26 =	smul.u32 $0x2B, s15;
	s16 =	sor.u32 s16, s14;
	v3 =	vsel vm9, $0x3F500000, v3;
	v2 =	vsel vm8, $0x3F700000, v2  }
0x15: {  	v1 =	vsel vm3, $0x3F600000, v1;
	s12 =	sor.u32 s12, s14;
	s10 =	sadd.s32 $0xFFFFFFFF, s17;
	s21 =	sor.u32 s14, s31;
	v3 =	vsel vm12, $0x3F700000, v3;
	v2 =	vsel vm7, $0x3F500000, v2  }
0x16: {  	v1 =	vsel vm4, $0x3E000000, v1;
	s23 =	sor.u32 s14, s19;
	s31 =	smax.u32 s8, $0x1;
	s11 =	sshrl.u32 s26, $0xA;
	v3 =	vsel vm8, $0x3D800000, v3;
	v2 =	vsel vm6, $0x3F300000, v2  }
0x17: {  	v1 =	vsel vm0, $0x3F200000, v1;
	s8 =	simm.s32 $0x0;
	s6 =	sadd.s32 s9, s25;
	s18 =	smul.u32 $0xFFFFFFE8, s11;
	v3 =	vsel vm7, $0x3E400000, v3;
	v2 =	vsel vm5, $0x3EE00000, v2  }
0x18: {  	v1 =	vsel vm1, $0x3F600000, v1;
	s16 =	sshrl.u32 s16, $0x3;
	s12 =	sshrl.u32 s12, $0x3;
	s22 =	sshrl.u32 s21, $0x3;
	v3 =	vsel vm6, $0x3EA00000, v3;
	v2 =	vsel vm3, $0x3EA00000, v2  }
0x19: {  	s24 =	sshrl.u32 s23, $0x3;
	vm9 =	vcmask $0x2F2C;
	s11 =	smul.u32 $0x24000, s11;
	s18 =	sadd.s32 s15, s18;
	v3 =	vsel vm5, $0x3F100000, v3;
	v2 =	vsel vm4, $0x3E400000, v2  }
0x1a: {  	v59 =	vsel vm2, $0x3E000000, v1;
	[dreg:$0x8] =	wrdreg s31;
	s12 =	sadd.s32 s1, s12;
	s30 =	smul.u32 $0x1800, s18;
	v1 =	vsel vm9, $0x3D800000, v2;
	v2 =	vsel vm3, $0x3F300000, v3  }
0x1b: {  	vm13 =	vcmask $0xF00;
	s16 =	sadd.s32 s0, s16;
	[dreg:$0x3] =	wrdreg s12;
	s12 =	sshll.u32 s13, $0x1;
	v3 =	vimm.s32 $0x110000FF;
	v2 =	vsel vm4, $0x3F500000, v2  }
0x1c: {  	[dreg:$0x2] =	wrdreg s16;
	p0 =	sgt.s32 s12, $0x1;
	s16 =	sadd.s32 s11, s30;
	v1 =	vsel vm0, $0x3F700000, v1;
	v3 =	vunpack.c.l.s4.s8 v3;
	v2 =	vsel vm9, $0x3F700000, v2  }
0x1d: {  	v4 =	vunpack.c.l.s2.s4 v4;
	s23 =	simm.s32 $0x12000;
	s12 =	simm.s32 @!p0 $0x1;
	s20 =	sshrl.u32 s16, $0x3;
	v1 =	vsel vm1, $0x3F500000, v1;
	v2 =	vsel vm0, $0x3D800000, v2  }
0x1e: {  	s11 =	sadd.s32 $0xFFFFFFFF, s12;
	s12 =	sadd.s32 s9, s20;
	s9 =	sadd.s32 s0, s22;
	v60 =	vsel vm2, $0x3F300000, v1;
	v1 =	vsel vm1, $0x3E400000, v2;
	v2 =	vunpack.c.0.s8.s32 v3  }
0x1f: {  	v5 =	vunpack.c.l.s4.s8 v4;
	vm10 =	vcmask $0x1F00;
	s15 =	sshrl.u32 s15, $0x3;
	[dreg:$0x4] =	wrdreg s9;
	s9 =	sadd.s32 s1, s24;
	v3 =	vimm.s32 $0x2020101  }
0x20: {  	s25 =	smul.u32 $0x90000, s15;
	[dreg:$0x5] =	wrdreg s9;
	s9 =	sshll.u32 s18, $0x2;
	v61 =	vsel vm2, $0x3EA00000, v1;
	v1 =	vnsel vm10, $0x3, v2;
	v2 =	vunpack.c.0.s8.s32 v3  }
0x21: {  	vm11 =	vcmask $0x2F20;
	s13 =	sshll.u32 s13, $0x4;
	s15 =	smul.u32 $0x30000, s15;
	p0 =	sgt.s32 s9, $0x1;
	v3 =	vunpack.c.0.s8.s32 v5;
	v5 =	vimm.s32 $0x550000FF  }
0x22: {  	vm12 =	vcmask $0x3730;
	s17 =	sshll.u32 s18, $0x1;
	s26 =	sor.u32 s14, s25;
	s9 =	simm.s32 @!p0 $0x1;
	v1 =	vsel vm11, v2, v1;
	v2 =	vunpack.c.l.s2.s4 v5  }
0x23: {  	vm14 =	vcmask $0x3700;
	vm15 =	vcmask $0x2F10;
	[tilespmem:$0x1FFC0] =	vst v57;
	s14 =	sor.u32 s14, s15;
	s16 =	sadd.s32 $0xFFFFFFFF, s9;
	s9 =	sshrl.u32 s26, $0x3;
	v6 =	vsel vm12, $0x2, v1  }
0x24: {  	[tilespmem:$0x1FFD0] =	vst v59;
	s30 =	sshrl.u32 s14, $0x3;
	p0 =	sgt.s32 s17, $0x1;
	s0 =	sadd.s32 s0, s9;
	v1 =	vand.u32 $0x3, v3;
	v3 =	vimm.s32 $0x2;
	v2 =	vunpack.c.l.s4.s8 v2  }
0x25: {  	v0 =	vimm.f32 $0.0e+00;
	[tilespmem:$0x1FFE0] =	vst v60;
	s17 =	simm.s32 @!p0 $0x1;
	[dreg:$0x6] =	wrdreg s0;
	v5 =	vimm.s32 $0x0;
	s0 =	sadd.s32 s1, s30;
	v3 =	vsel vm13, $0x0, v3  }
0x26: {  	s18 =	sshll.u32 s18, $0x4;
	[tilespmem:$0x1FFF0] =	vst v61;
	s17 =	sadd.s32 $0xFFFFFFFF, s17;
	[dreg:$0x7] =	wrdreg s0;
	v7 =	vnsel vm14, $0x4, v1;
	v9 =	vsel vm15, $0x1, v3;
	v8 =	vunpack.c.0.s8.s32 v2  }
.LBB2_1:
0x27: {  	[dreg:$0x9] =	wrdreg s8;
	s0 =	simm.s32 $0x18000;
	s1 =	simm.s32 $0x0  }
.LBB2_2:
0x28: {  	p0 =	sne.s32 s1, $0x2F0  }
.Ltmp0:
0x29: {  	_ = 	snop;
	(pc) =	sbr.rel @p0 .LBB2_2-.Ltmp0, $4  }
0x2a: {  	_ = 	snop  }
0x2b: {  	s8 =	sadd.s32 s1, s3  }
0x2c: {  	[tilespmem:s0], [sflag:$0x3] =	stream.linear.gather [hbm4b:s8+s2], $0x80, $0x38;
	[tilespmem:$0x1B000] =	vst v63  }
0x2d: {  	s1 =	sadd.s32 $0x10, s1;
	s0 =	sadd.s32 $0x100, s0  }
0x2e: {  	s1 =	simm.s32 $0x40  }
0x2f: {  	[tilespmem:s1+$0xFFFFFFC0] =	vst v0  }
0x30: {  	[tilespmem:s1+$0x30] =	vst v0  }
0x31: {  	[tilespmem:s1+$0x20] =	vst v0  }
0x32: {  	[tilespmem:s1+$0x10] =	vst v0  }
0x33: {  	[tilespmem:s1+$0x0] =	vst v0  }
0x34: {  	[tilespmem:s1+$0xFFFFFFF0] =	vst v0  }
0x35: {  	s8 =	simm.s32 $0x0;
	[tilespmem:s1+$0xFFFFFFE0] =	vst v0  }
.LBB2_4:
0x36: {  	s8 =	sadd.s32 $0x8, s8;
	[tilespmem:s1+$0xFFFFFFD0] =	vst v0;
	s1 =	sadd.s32 $0x80, s1;
	s0 =	simm.s32 $0x12040  }
0x37: {  	[tilespmem:s1+$0xFFFFFFC0] =	vst v0;
	p0 =	slt.u32 s8, $0x11F8  }
0x38: {  	[tilespmem:s1+$0x30] =	vst v0  }
.Ltmp1:
0x39: {  	[tilespmem:s1+$0x20] =	vst v0;
	(pc) =	sbr.rel @p0 .LBB2_4-.Ltmp1, $4  }
0x3a: {  	[tilespmem:s1+$0x10] =	vst v0  }
0x3b: {  	[tilespmem:s1+$0x0] =	vst v0  }
0x3c: {  	[tilespmem:s1+$0xFFFFFFF0] =	vst v0  }
0x3d: {  	[tilespmem:s1+$0xFFFFFFE0] =	vst v0  }
0x3e: {  	[tilespmem:s1+$0xFFFFFFD0] =	vst v0  }
0x3f: {  	[tilespmem:s0+$0xFFFFFFC0] =	vst v0  }
0x40: {  	[tilespmem:s0+$0x30] =	vst v0  }
0x41: {  	[tilespmem:s0+$0x20] =	vst v0  }
0x42: {  	[tilespmem:s0+$0x10] =	vst v0  }
0x43: {  	[tilespmem:s0+$0x0] =	vst v0  }
0x44: {  	[tilespmem:s0+$0xFFFFFFF0] =	vst v0  }
0x45: {  	s1 =	simm.s32 $0x0;
	[tilespmem:s0+$0xFFFFFFE0] =	vst v0  }
.LBB2_6:
0x46: {  	s1 =	sadd.s32 $0x8, s1;
	[tilespmem:s0+$0xFFFFFFD0] =	vst v0;
	s0 =	sadd.s32 $0x80, s0  }
0x47: {  	[tilespmem:s0+$0xFFFFFFC0] =	vst v0;
	p0 =	slt.u32 s1, $0x5F8  }
0x48: {  	[tilespmem:s0+$0x30] =	vst v0  }
.Ltmp2:
0x49: {  	[tilespmem:s0+$0x20] =	vst v0;
	(pc) =	sbr.rel @p0 .LBB2_6-.Ltmp2, $4  }
0x4a: {  	[tilespmem:s0+$0x10] =	vst v0  }
0x4b: {  	[tilespmem:s0+$0x0] =	vst v0  }
0x4c: {  	[tilespmem:s0+$0xFFFFFFF0] =	vst v0  }
0x4d: {  	[tilespmem:s0+$0xFFFFFFE0] =	vst v0  }
0x4e: {  	[tilespmem:s0+$0xFFFFFFD0] =	vst v0  }
0x4f: {  	_ =	swait.ge [sflag:s28], $0x1800  }
0x50: {  	s0 =	simm.s32 $0x0;
	[sflag:s28] =	ssyncset.done $0x0  }
0x51: {  	s1 =	simm.s32 $0x18080;
	s8 =	simm.s32 $0x0;
	[sflag:s28] =	ssyncadd.s32 $0xFFFFE800  }
.LBB2_8:
0x52: {  	p0 =	sne.s32 s8, $0x2F0  }
.Ltmp3:
0x53: {  	_ = 	snop;
	(pc) =	sbr.rel @p0 .LBB2_8-.Ltmp3, $4  }
0x54: {  	_ = 	snop  }
0x55: {  	s9 =	sadd.s32 s8, s6  }
0x56: {  	[tilespmem:s1], [sflag:$0x3] =	stream.linear.gather [hbm4b:s9+s0], $0x80, $0x38;
	[tilespmem:$0x1B000] =	vst v63  }
0x57: {  	s8 =	sadd.s32 $0x10, s8;
	s1 =	sadd.s32 $0x100, s1  }
0x58: {  	s30 =	simm.s32 $0x300;
	s31 =	simm.s32 $0x0  }
.LBB2_10:
0x59: {  	s8 =	sor.u32 s7, s0  }
0x5a: {  	s1 =	sshll.u32 s8, $0x1  }
0x5b: {  	s9 =	sadd.s32 $0x5, s1  }
0x5c: {  	s14 =	sshra.s32 s9, $0x1F  }
0x5d: {  	v1 =	vmov s8;
	s14 =	sshrl.u32 s14, $0x1D  }
0x5e: {  	v1 =	vcvt.s32.f32 v1;
	s9 =	sadd.s32 s14, s9  }
0x5f: {  	s9 =	sshra.s32 s9, $0x3  }
0x60: {  	v1 =	vbroadcast v1, $0x0;
	s14 =	sadd.s32 $0xFFFFFFFF, s9  }
0x61: {  	s19 =	sand.u32 $0x7F00, s31;
	s22 =	simm.s32 $0x0;
	s26 =	simm.s32 $0x10;
	v2 =	vmov s14  }
0x62: {  	s24 =	simm.s32 $0x20;
	s15 =	sadd.s32 $0x9, s1;
	s1 =	simm.s32 $0x30;
	v3 =	vmul.f32 $2.500000000e-01, v1;
	v2 =	vcvt.s32.f32 v2  }
0x63: {  	s19 =	sor.u32 $0x18000, s19;
	s20 =	sshra.s32 s15, $0x1F;
	s21 =	sand.u32 $0x70, s1  }
0x64: {  	s25 =	sand.u32 $0x40, s22;
	s20 =	sshrl.u32 s20, $0x1C;
	s21 =	sor.u32 s21, s19;
	v3 =	vadd.f32 $-3.750000000e-01, v3;
	v2 =	vbroadcast v2, $0x0  }
0x65: {  	s15 =	sadd.s32 s20, s15;
	s20 =	sor.u32 s25, s19;
	s25 =	sand.u32 $0x60, s24  }
0x66: {  	s24 =	simm.s32 $0x2;
	s15 =	sshra.s32 s15, $0x4;
	v22 =	vld [tilespmem:s20+$0x0];
	p0 =	sgt.s32 s14, $0x0;
	v2 =	vsub.f32 v3, v2  }
0x67: {  	v1 =	vmul.f32 $1.250000000e-01, v1;
	s20 =	simm.s32 $0x0;
	s22 =	sadd.s32 $0xFFFFFFFF, s15;
	s14 =	simm.s32 @!p0 $0x0;
	v3 =	vld [tilespmem:s21+$0x0]  }
0x68: {  	v45 =	vadd.s32 s24, v8;
	v11 =	vmov s22;
	p0 =	sgt.s32 s9, $0x0;
	s14 =	smin.u32 s14, $0x5F;
	s21 =	sand.u32 $0x50, s26;
	v10 =	vsub.f32 $1.000000000e+00, v2  }
0x69: {  	v36 =	vadd.s32 s20, v6;
	v13 =	vcvt.s32.f32 v11;
	s9 =	simm.s32 @!p0 $0x0;
	p0 =	sgt.s32 s22, $0x0;
	s21 =	sor.u32 s21, s19;
	v11 =	vmul.f32 v59, v2  }
0x6a: {  	v39 =	vor.u32 s20, v7;
	s14 =	ssub.s32 s14, s4;
	s9 =	smin.u32 s9, $0x5F;
	s19 =	sor.u32 s25, s19;
	v23 =	vld [tilespmem:s21+$0x0];
	v12 =	vmul.f32 v57, v10;
	v14 =	vmul.f32 v59, v10  }
0x6b: {  	vm9 =	vgt.s32 v45, $0x0;
	s22 =	simm.s32 @!p0 $0x0;
	s14 =	smul.u32 $0x60, s14;
	s9 =	ssub.s32 s9, s4;
	v24 =	vld [tilespmem:s19+$0x0];
	v10 =	vmul.f32 v57, v2;
	v2 =	vbroadcast v13, $0x0  }
0x6c: {  	v1 =	vadd.f32 $-4.375000000e-01, v1;
	s9 =	smul.u32 $0x60, s9;
	s26 =	smin.u32 s22, $0x2F;
	s22 =	simm.s32 $0x4;
	v13 =	vmul.f32 $1.280000060e-01, v22;
	v15 =	vmul.f32 $1.280000060e-01, v3  }
0x6d: {  	v21 =	vmov s14;
	v43 =	vadd.s32 s22, v6;
	v44 =	vadd.s32 s22, v7  }
0x6e: {  	v20 =	vmov s9;
	v13 =	vtrunc.f32 v13;
	v15 =	vtrunc.f32 v15  }
0x6f: {  	vm7 =	vgt.s32 v43, $0x0;
	v16 =	vmul.f32 $1.280000060e-01, v23;
	v15 =	vcvt.f32.s32 v15  }
0x70: {  	s21 =	simm.s32 $0x0;
	vm8 =	vlt.s32 v44, $0x5F;
	v17 =	vmul.f32 $1.280000060e-01, v24;
	v25 =	vcvt.f32.s32 v13  }
0x71: {  	v40 =	vadd.s32 s21, v8;
	v16 =	vtrunc.f32 v16;
	v18 =	vcvt.s32.f32 v15  }
0x72: {  	v1 =	vsub.f32 v1, v2;
	v2 =	vcvt.f32.s32 v16;
	v16 =	vtrunc.f32 v17  }
0x73: {  	v41 =	vor.u32 s21, v9;
	v17 =	vcvt.s32.f32 v25;
	v13 =	vmul.f32 $7.812500000e+00, v18  }
0x74: {  	vm5 =	vgt.s32 v40, $0x0;
	vm6 =	vlt.s32 v41, $0x2F;
	v16 =	vcvt.f32.s32 v16  }
0x75: {  	v19 =	vcvt.s32.f32 v2;
	v17 =	vmul.f32 $7.812500000e+00, v17;
	vm0 =	vgt.f32 v13, v3  }
0x76: {  	s14 =	ssub.s32 s26, s5;
	v26 =	vsub.f32 $1.000000000e+00, v1;
	v27 =	vcvt.s32.f32 v16;
	v13 =	vsel vm0, $0xFFFFFFFF, v5  }
0x77: {  	s14 =	smul.u32 $0x30, s14;
	v28 =	vmul.f32 $7.812500000e+00, v19;
	vm0 =	vgt.f32 v17, v22;
	v29 =	vadd.s32 v15, v13  }
0x78: {  	p0 =	sgt.s32 s15, $0x0;
	v17 =	vmul.f32 $7.812500000e+00, v27;
	v27 =	vsel vm0, $0xFFFFFFFF, v5;
	v15 =	vcvt.s32.f32 v29  }
0x79: {  	s15 =	simm.s32 @!p0 $0x0;
	v18 =	vmov s14;
	vm1 =	vgt.f32 v28, v23;
	v25 =	vadd.s32 v25, v27  }
0x7a: {  	s15 =	smin.u32 s15, $0x2F;
	v28 =	vsel vm1, $0xFFFFFFFF, v5;
	v27 =	vcvt.s32.f32 v25;
	v15 =	vadd.f32 $1.000000000e+00, v15  }
0x7b: {  	s19 =	ssub.s32 s15, s5;
	v13 =	vmul.f32 v60, v26;
	vm0 =	vgt.f32 v17, v24;
	v2 =	vadd.s32 v2, v28  }
0x7c: {  	s9 =	smul.u32 $0x30, s19;
	v17 =	vsel vm0, $0xFFFFFFFF, v5;
	v27 =	vadd.f32 $1.000000000e+00, v27;
	v28 =	vmul.f32 $7.812500000e+00, v15  }
0x7d: {  	v15 =	vmul.f32 v61, v26;
	v26 =	vadd.s32 v16, v17;
	v17 =	vcvt.s32.f32 v2  }
0x7e: {  	v19 =	vmov s9;
	v30 =	vcvt.s32.f32 v26;
	v27 =	vmul.f32 $7.812500000e+00, v27  }
0x7f: {  	v16 =	vmul.f32 v60, v1;
	vm0 =	vle.f32 v28, v3;
	v3 =	vadd.f32 $1.000000000e+00, v17  }
0x80: {  	v17 =	vsel vm0, $0x1, v5;
	v28 =	vadd.f32 $1.000000000e+00, v30;
	vm1 =	vle.f32 v27, v22  }
0x81: {  	s9 =	simm.s32 $0xC;
	v29 =	vadd.s32 v17, v29;
	v17 =	vmul.f32 v61, v1;
	v1 =	vmul.f32 $7.812500000e+00, v3  }
0x82: {  	s25 =	simm.s32 $0x8;
	v27 =	vadd.s32 s9, v7;
	vm0 =	vgt.s32 v29, $0x0;
	v3 =	vmul.f32 $7.812500000e+00, v28  }
0x83: {  	v28 =	vadd.s32 s25, v6;
	v22 =	vnsel vm0, $0x0, v29;
	vm0 =	vle.f32 v1, v23  }
0x84: {  	v29 =	vor.u32 s25, v7;
	v1 =	vmin.u32 v22, $0x7F;
	v22 =	vadd.s32 s9, v6  }
0x85: {  	s14 =	simm.s32 $0x6;
	vm3 =	vle.f32 v3, v24;
	v23 =	vmul.u32 $0x240, v1;
	vm2 =	vgt.s32 v22, $0x0  }
0x86: {  	v24 =	vadd.s32 s14, v8;
	vm4 =	vlt.s32 v29, $0x5F;
	v3 =	vnsel vm2, $0x0, v22  }
0x87: {  	v1 =	vmul.u32 $0xC0, v1;
	vm2 =	vlt.s32 v27, $0x5F;
	v3 =	vadd.s32 v3, v23  }
0x88: {  	v22 =	vnsel vm2, $0x5F, v27;
	vm2 =	vgt.s32 v24, $0x0;
	v27 =	vadd.s32 s24, v9  }
0x89: {  	v22 =	vadd.s32 v22, v23;
	v30 =	vadd.s32 v21, v3;
	v23 =	vadd.s32 s14, v9  }
0x8a: {  	v32 =	vadd.s32 v20, v3;
	v3 =	vnsel vm2, $0x0, v24;
	v24 =	vsel vm3, $0x1, v5  }
0x8b: {  	vm3 =	vgt.s32 v28, $0x0;
	v31 =	vadd.s32 v21, v22;
	vm2 =	vlt.s32 v23, $0x2F  }
0x8c: {  	v33 =	vadd.s32 v20, v22;
	v3 =	vadd.s32 v3, v1;
	v22 =	vnsel vm2, $0x2F, v23  }
0x8d: {  	s26 =	simm.s32 $0x4;
	v23 =	vsel vm1, $0x1, v5;
	v34 =	vadd.s32 v18, v3;
	v37 =	vadd.s32 v19, v3  }
0x8e: {  	v3 =	vadd.s32 v24, v26;
	v26 =	vor.u32 s26, v9;
	vm1 =	vlt.s32 v39, $0x5F  }
0x8f: {  	vm2 =	vlt.s32 v27, $0x2F;
	v1 =	vor.u32 v22, v1;
	v22 =	vsel vm0, $0x1, v5  }
0x90: {  	v23 =	vadd.s32 v23, v25;
	v25 =	vadd.s32 s26, v8;
	v35 =	vadd.s32 v18, v1  }
0x91: {  	vm0 =	vgt.s32 v23, $0x0;
	v2 =	vadd.s32 v22, v2;
	v38 =	vadd.s32 v19, v1  }
0x92: {  	v1 =	vnsel vm0, $0x0, v23;
	vm0 =	vgt.s32 v2, $0x0;
	[tilespmem:v30+s2+$0x0] =	vst.idx.add.f32.msk $0xffff, v12;
	v30 =	vnsel vm9, $0x0, v45  }
0x93: {  	v1 =	vmin.u32 v1, $0x7F;
	v2 =	vnsel vm0, $0x0, v2;
	vm0 =	vgt.s32 v3, $0x0;
	[tilespmem:v31+s2+$0x0] =	vst.idx.add.f32.msk $0xffff, v14  }
0x94: {  	v31 =	vnsel vm1, $0x5F, v39;
	vm1 =	vlt.s32 v26, $0x2F;
	v2 =	vmin.u32 v2, $0x7F;
	[tilespmem:v32+s2+$0x0] =	vst.idx.add.f32.msk $0xffff, v10  }
0x95: {  	v3 =	vnsel vm0, $0x0, v3;
	v23 =	vmul.u32 $0x240, v1;
	v24 =	vmul.u32 $0xC0, v1;
	[tilespmem:v33+s2+$0x0] =	vst.idx.add.f32.msk $0xffff, v11  }
0x96: {  	vm0 =	vgt.s32 v36, $0x0;
	v32 =	vnsel vm7, $0x0, v43;
	v42 =	vmin.u32 v3, $0x7F;
	[tilespmem:v34+s23+$0x0] =	vst.idx.add.f32.msk $0xffff, v13  }
0x97: {  	v22 =	vmul.u32 $0x240, v2;
	v2 =	vmul.u32 $0xC0, v2;
	v36 =	vnsel vm0, $0x0, v36;
	[tilespmem:v35+s23+$0x0] =	vst.idx.add.f32.msk $0xffff, v15  }
0x98: {  	vm0 =	vgt.s32 v25, $0x0;
	v33 =	vnsel vm8, $0x5F, v44;
	v3 =	vmul.u32 $0x240, v42;
	[tilespmem:v37+s23+$0x0] =	vst.idx.add.f32.msk $0xffff, v16  }
0x99: {  	s15 =	simm.s32 $0x0;
	s19 =	sadd.s32 $0x80, s31;
	v1 =	vmul.u32 $0xC0, v42;
	v34 =	vnsel vm5, $0x0, v40;
	v35 =	vnsel vm6, $0x2F, v41;
	[tilespmem:v38+s23+$0x0] =	vst.idx.add.f32.msk $0xffff, v17  }
.LBB2_11:
0x9a: {  	s20 =	sand.u32 $0x7F00, s19;
	v27 =	vnsel vm2, $0x2F, v27;
	v28 =	vnsel vm3, $0x0, v28;
	v29 =	vnsel vm4, $0x5F, v29;
	s1 =	sadd.s32 $0x40, s1  }
0x9b: {  	v36 =	vadd.s32 v36, v23;
	v25 =	vnsel vm0, $0x0, v25;
	v26 =	vnsel vm1, $0x2F, v26;
	s20 =	sor.u32 $0x18000, s20;
	s21 =	sadd.s32 $0xFFFFFFE0, s1;
	s22 =	sand.u32 $0x70, s1  }
0x9c: {  	v23 =	vadd.s32 v31, v23;
	v31 =	vadd.s32 v34, v24;
	v24 =	vor.u32 v35, v24;
	s24 =	sadd.s32 $0xFFFFFFD0, s1;
	s25 =	sadd.s32 $0xFFFFFFF0, s1;
	s22 =	sor.u32 s22, s20  }
0x9d: {  	v32 =	vadd.s32 v32, v22;
	v22 =	vadd.s32 v33, v22;
	v30 =	vadd.s32 v30, v2;
	s24 =	sand.u32 $0x40, s24;
	s21 =	sand.u32 $0x50, s21;
	s25 =	sand.u32 $0x60, s25;
	v34 =	vld [tilespmem:s22+$0x0]  }
0x9e: {  	v2 =	vor.u32 v27, v2;
	v27 =	vadd.s32 v28, v3;
	v3 =	vadd.s32 v29, v3;
	s22 =	sor.u32 s24, s20;
	s21 =	sor.u32 s21, s20;
	s20 =	sor.u32 s25, s20  }
0x9f: {  	v29 =	vadd.s32 v21, v36;
	v25 =	vadd.s32 v25, v1;
	v26 =	vor.u32 v26, v1;
	v28 =	vld [tilespmem:s22+$0x0]  }
0xa0: {  	v35 =	vadd.s32 v21, v23;
	v36 =	vadd.s32 v20, v36;
	v23 =	vadd.s32 v20, v23;
	v33 =	vld [tilespmem:s21+$0x0]  }
0xa1: {  	s15 =	sadd.s32 $0x4, s15;
	v37 =	vadd.s32 v18, v31;
	v38 =	vadd.s32 v18, v24;
	v31 =	vadd.s32 v19, v31;
	v1 =	vld [tilespmem:s20+$0x0]  }
0xa2: {  	p0 =	slt.u32 s15, $0x14;
	v24 =	vadd.s32 v19, v24;
	v40 =	vadd.s32 v21, v32;
	v39 =	vmul.f32 $1.280000060e-01, v34  }
0xa3: {  	v41 =	vadd.s32 v21, v22;
	v32 =	vadd.s32 v20, v32;
	v22 =	vadd.s32 v20, v22  }
0xa4: {  	v42 =	vmul.f32 $1.280000060e-01, v28;
	v39 =	vtrunc.f32 v39;
	[tilespmem:v29+s2+$0x0] =	vst.idx.add.f32.msk $0xffff, v12;
	v29 =	vadd.s32 v18, v30  }
0xa5: {  	v43 =	vmul.f32 $1.280000060e-01, v33;
	v39 =	vcvt.f32.s32 v39;
	[tilespmem:v35+s2+$0x0] =	vst.idx.add.f32.msk $0xffff, v14;
	v35 =	vadd.s32 v18, v2  }
0xa6: {  	v30 =	vadd.s32 v19, v30;
	v42 =	vtrunc.f32 v42;
	v44 =	vmul.f32 $1.280000060e-01, v1;
	[tilespmem:v36+s2+$0x0] =	vst.idx.add.f32.msk $0xffff, v10  }
0xa7: {  	v2 =	vadd.s32 v19, v2;
	v36 =	vtrunc.f32 v43;
	v43 =	vcvt.s32.f32 v39;
	[tilespmem:v23+s2+$0x0] =	vst.idx.add.f32.msk $0xffff, v11  }
0xa8: {  	v23 =	vcvt.f32.s32 v42;
	v42 =	vtrunc.f32 v44;
	[tilespmem:v37+s23+$0x0] =	vst.idx.add.f32.msk $0xffff, v13;
	v37 =	vadd.s32 v21, v27  }
0xa9: {  	v36 =	vcvt.f32.s32 v36;
	v43 =	vmul.f32 $7.812500000e+00, v43;
	[tilespmem:v38+s23+$0x0] =	vst.idx.add.f32.msk $0xffff, v15;
	v38 =	vadd.s32 v21, v3  }
0xaa: {  	v27 =	vadd.s32 v20, v27;
	v44 =	vcvt.s32.f32 v23;
	v42 =	vcvt.f32.s32 v42;
	[tilespmem:v31+s23+$0x0] =	vst.idx.add.f32.msk $0xffff, v16  }
0xab: {  	v3 =	vadd.s32 v20, v3;
	v31 =	vcvt.s32.f32 v36;
	vm0 =	vgt.f32 v43, v34;
	[tilespmem:v24+s23+$0x0] =	vst.idx.add.f32.msk $0xffff, v17  }
0xac: {  	v24 =	vmul.f32 $7.812500000e+00, v44;
	v43 =	vcvt.s32.f32 v42;
	v44 =	vsel vm0, $0xFFFFFFFF, v5;
	[tilespmem:v40+s2+$0x0] =	vst.idx.add.f32.msk $0xffff, v12  }
0xad: {  	v31 =	vmul.f32 $7.812500000e+00, v31;
	v40 =	vadd.s32 v18, v25;
	v39 =	vadd.s32 v39, v44;
	[tilespmem:v41+s2+$0x0] =	vst.idx.add.f32.msk $0xffff, v14  }
0xae: {  	vm0 =	vgt.f32 v24, v28;
	v24 =	vmul.f32 $7.812500000e+00, v43;
	v41 =	vcvt.s32.f32 v39;
	[tilespmem:v32+s2+$0x0] =	vst.idx.add.f32.msk $0xffff, v10  }
0xaf: {  	v32 =	vsel vm0, $0xFFFFFFFF, v5;
	vm0 =	vgt.f32 v31, v33;
	[tilespmem:v22+s2+$0x0] =	vst.idx.add.f32.msk $0xffff, v11;
	v22 =	vadd.s32 v18, v26  }
0xb0: {  	v31 =	vsel vm0, $0xFFFFFFFF, v5;
	vm0 =	vgt.f32 v24, v1;
	v24 =	vadd.f32 $1.000000000e+00, v41;
	[tilespmem:v29+s23+$0x0] =	vst.idx.add.f32.msk $0xffff, v13  }
0xb1: {  	v23 =	vadd.s32 v23, v32;
	v29 =	vadd.s32 v36, v31;
	v31 =	vsel vm0, $0xFFFFFFFF, v5;
	[tilespmem:v35+s23+$0x0] =	vst.idx.add.f32.msk $0xffff, v15  }
0xb2: {  	v32 =	vcvt.s32.f32 v23;
	v31 =	vadd.s32 v42, v31;
	v24 =	vmul.f32 $7.812500000e+00, v24;
	[tilespmem:v30+s23+$0x0] =	vst.idx.add.f32.msk $0xffff, v16  }
0xb3: {  	v30 =	vcvt.s32.f32 v29;
	v35 =	vcvt.s32.f32 v31;
	[tilespmem:v2+s23+$0x0] =	vst.idx.add.f32.msk $0xffff, v17;
	v2 =	vadd.s32 v19, v25  }
0xb4: {  	v25 =	vadd.f32 $1.000000000e+00, v32;
	vm0 =	vle.f32 v24, v34;
	[tilespmem:v37+s2+$0x0] =	vst.idx.add.f32.msk $0xffff, v12;
	v24 =	vadd.s32 v19, v26  }
0xb5: {  	v26 =	vadd.f32 $1.000000000e+00, v30;
	v30 =	vadd.f32 $1.000000000e+00, v35;
	v32 =	vsel vm0, $0x1, v5;
	[tilespmem:v38+s2+$0x0] =	vst.idx.add.f32.msk $0xffff, v14  }
0xb6: {  	v25 =	vmul.f32 $7.812500000e+00, v25;
	v32 =	vadd.s32 v32, v39;
	[tilespmem:v27+s2+$0x0] =	vst.idx.add.f32.msk $0xffff, v10  }
0xb7: {  	v26 =	vmul.f32 $7.812500000e+00, v26;
	v27 =	vmul.f32 $7.812500000e+00, v30;
	vm1 =	vgt.s32 v32, $0x0;
	[tilespmem:v3+s2+$0x0] =	vst.idx.add.f32.msk $0xffff, v11  }
0xb8: {  	s9 =	sadd.s32 $0x10, s9;
	vm0 =	vle.f32 v25, v28;
	v3 =	vnsel vm1, $0x0, v32;
	[tilespmem:v40+s23+$0x0] =	vst.idx.add.f32.msk $0xffff, v13  }
0xb9: {  	s24 =	sadd.s32 $0xFFFFFFF4, s9;
	s21 =	sadd.s32 $0xFFFFFFF8, s9;
	s20 =	sadd.s32 $0xFFFFFFFC, s9;
	v25 =	vadd.s32 s9, v6;
	vm1 =	vle.f32 v26, v33;
	v3 =	vmin.u32 v3, $0x7F;
	[tilespmem:v22+s23+$0x0] =	vst.idx.add.f32.msk $0xffff, v15  }
0xba: {  	vm3 =	vgt.s32 v25, $0x0;
	v26 =	vadd.s32 s9, v7;
	v22 =	vmul.u32 $0x240, v3;
	[tilespmem:v2+s23+$0x0] =	vst.idx.add.f32.msk $0xffff, v16  }
0xbb: {  	s14 =	sadd.s32 $0x8, s14;
	vm2 =	vle.f32 v27, v1;
	v1 =	vnsel vm3, $0x0, v25;
	vm3 =	vlt.s32 v26, $0x5F;
	[tilespmem:v24+s23+$0x0] =	vst.idx.add.f32.msk $0xffff, v17  }
0xbc: {  	s26 =	sadd.s32 $0xFFFFFFFA, s14;
	s25 =	sadd.s32 $0xFFFFFFFE, s14;
	s22 =	sadd.s32 $0xFFFFFFFC, s14;
	v2 =	vnsel vm3, $0x5F, v26;
	v24 =	vadd.s32 s14, v8;
	v1 =	vadd.s32 v1, v22  }
0xbd: {  	v25 =	vadd.s32 s14, v9;
	v2 =	vadd.s32 v2, v22;
	v22 =	vadd.s32 v21, v1  }
0xbe: {  	v3 =	vmul.u32 $0xC0, v3;
	vm3 =	vgt.s32 v24, $0x0;
	v26 =	vadd.s32 v21, v2  }
0xbf: {  	v1 =	vadd.s32 v20, v1;
	v24 =	vnsel vm3, $0x0, v24;
	vm3 =	vlt.s32 v25, $0x2F  }
0xc0: {  	v2 =	vadd.s32 v20, v2;
	v24 =	vadd.s32 v24, v3;
	v25 =	vnsel vm3, $0x2F, v25  }
0xc1: {  	v27 =	vsel vm0, $0x1, v5;
	v3 =	vor.u32 v25, v3;
	v25 =	vadd.s32 v18, v24  }
0xc2: {  	v28 =	vsel vm1, $0x1, v5;
	v30 =	vsel vm2, $0x1, v5;
	[tilespmem:v22+s2+$0x0] =	vst.idx.add.f32.msk $0xffff, v12;
	v22 =	vadd.s32 v18, v3  }
0xc3: {  	v32 =	vadd.s32 s24, v6;
	v23 =	vadd.s32 v27, v23;
	v24 =	vadd.s32 v19, v24;
	[tilespmem:v26+s2+$0x0] =	vst.idx.add.f32.msk $0xffff, v14  }
0xc4: {  	vm0 =	vgt.s32 v23, $0x0;
	v26 =	vadd.s32 v28, v29;
	[tilespmem:v1+s2+$0x0] =	vst.idx.add.f32.msk $0xffff, v10;
	v1 =	vadd.s32 v19, v3  }
0xc5: {  	v3 =	vnsel vm0, $0x0, v23;
	vm0 =	vgt.s32 v26, $0x0;
	v23 =	vadd.s32 v30, v31;
	[tilespmem:v2+s2+$0x0] =	vst.idx.add.f32.msk $0xffff, v11  }
0xc6: {  	v2 =	vmin.u32 v3, $0x7F;
	v3 =	vnsel vm0, $0x0, v26;
	vm0 =	vgt.s32 v23, $0x0;
	[tilespmem:v25+s23+$0x0] =	vst.idx.add.f32.msk $0xffff, v13  }
0xc7: {  	v30 =	vor.u32 s24, v7;
	v3 =	vmin.u32 v3, $0x7F;
	v23 =	vnsel vm0, $0x0, v23;
	[tilespmem:v22+s23+$0x0] =	vst.idx.add.f32.msk $0xffff, v15  }
0xc8: {  	v35 =	vor.u32 s26, v9;
	v33 =	vadd.s32 s26, v8;
	v31 =	vmin.u32 v23, $0x7F;
	[tilespmem:v24+s23+$0x0] =	vst.idx.add.f32.msk $0xffff, v16  }
0xc9: {  	v37 =	vadd.s32 s21, v6;
	v38 =	vadd.s32 s21, v7;
	v39 =	vadd.s32 s22, v8;
	[tilespmem:v1+s23+$0x0] =	vst.idx.add.f32.msk $0xffff, v17  }
0xca: {  	v27 =	vadd.s32 s22, v9;
	v28 =	vadd.s32 s20, v6;
	v29 =	vor.u32 s20, v7  }
0xcb: {  	v26 =	vor.u32 s25, v9;
	v25 =	vadd.s32 s25, v8;
	v23 =	vmul.u32 $0x240, v2  }
0xcc: {  	v22 =	vmul.u32 $0x240, v3;
	v24 =	vmul.u32 $0xC0, v2;
	v2 =	vmul.u32 $0xC0, v3  }
0xcd: {  	vm0 =	vgt.s32 v32, $0x0;
	v3 =	vmul.u32 $0x240, v31;
	v1 =	vmul.u32 $0xC0, v31  }
0xce: {  	vm7 =	vlt.s32 v35, $0x2F;
	vm6 =	vgt.s32 v33, $0x0;
	vm5 =	vlt.s32 v30, $0x5F  }
.Ltmp4:
0xcf: {  	vm8 =	vgt.s32 v37, $0x0;
	vm9 =	vlt.s32 v38, $0x5F;
	vm10 =	vgt.s32 v39, $0x0;
	(pc) =	sbr.rel @p0 .LBB2_11-.Ltmp4, $4  }
0xd0: {  	vm2 =	vlt.s32 v27, $0x2F;
	vm3 =	vgt.s32 v28, $0x0;
	vm4 =	vlt.s32 v29, $0x5F  }
0xd1: {  	vm1 =	vlt.s32 v26, $0x2F;
	v36 =	vnsel vm0, $0x0, v32;
	vm0 =	vgt.s32 v25, $0x0  }
0xd2: {  	v35 =	vnsel vm7, $0x2F, v35;
	v34 =	vnsel vm6, $0x0, v33;
	v31 =	vnsel vm5, $0x5F, v30  }
0xd3: {  	s19 =	sadd.s32 $0x80, s19;
	v33 =	vnsel vm9, $0x5F, v38;
	v32 =	vnsel vm8, $0x0, v37;
	v30 =	vnsel vm10, $0x0, v39  }
0xd4: {  	s1 =	simm.s32 $0x30;
	s9 =	sand.u32 $0x7F00, s30  }
0xd5: {  	s9 =	sor.u32 $0x18000, s9;
	s14 =	sand.u32 $0x70, s1  }
0xd6: {  	s15 =	simm.s32 $0x0;
	v27 =	vnsel vm2, $0x2F, v27;
	v28 =	vnsel vm3, $0x0, v28;
	v29 =	vnsel vm4, $0x5F, v29;
	s14 =	sor.u32 s14, s9  }
0xd7: {  	v36 =	vadd.s32 v36, v23;
	v25 =	vnsel vm0, $0x0, v25;
	v26 =	vnsel vm1, $0x2F, v26;
	s20 =	sand.u32 $0x40, s15;
	v37 =	vld [tilespmem:s14+$0x0]  }
0xd8: {  	s21 =	simm.s32 $0x10;
	v23 =	vadd.s32 v31, v23;
	v31 =	vadd.s32 v34, v24;
	v24 =	vor.u32 v35, v24;
	s14 =	sor.u32 s20, s9  }
0xd9: {  	v32 =	vadd.s32 v32, v22;
	v22 =	vadd.s32 v33, v22;
	v62 =	vadd.s32 v30, v2;
	s22 =	sand.u32 $0x50, s21;
	v38 =	vld [tilespmem:s14+$0x0]  }
0xda: {  	v2 =	vor.u32 v27, v2;
	v27 =	vadd.s32 v28, v3;
	v3 =	vadd.s32 v29, v3;
	s14 =	sor.u32 s22, s9  }
0xdb: {  	v40 =	vadd.s32 v21, v36;
	v25 =	vadd.s32 v25, v1;
	v26 =	vor.u32 v26, v1;
	v39 =	vld [tilespmem:s14+$0x0]  }
0xdc: {  	v41 =	vadd.s32 v21, v23;
	v36 =	vadd.s32 v20, v36;
	v58 =	vmul.f32 $1.280000060e-01, v37  }
0xdd: {  	v42 =	vadd.s32 v20, v23;
	v43 =	vadd.s32 v18, v31;
	v30 =	vadd.s32 v18, v24  }
0xde: {  	v44 =	vadd.s32 v21, v32;
	v29 =	vmul.f32 $1.280000060e-01, v38;
	v28 =	vtrunc.f32 v58  }
0xdf: {  	s8 =	sor.u32 $0x1, s8;
	v45 =	vadd.s32 v21, v22;
	v32 =	vadd.s32 v20, v32;
	v33 =	vcvt.f32.s32 v28  }
0xe0: {  	v49 =	vmov s8;
	v1 =	vtrunc.f32 v29;
	v29 =	vmul.f32 $1.280000060e-01, v39  }
0xe1: {  	s24 =	simm.s32 $0x20;
	v35 =	vadd.s32 v19, v62;
	v63 =	vcvt.f32.s32 v1;
	v23 =	vcvt.s32.f32 v33  }
0xe2: {  	v48 =	vadd.s32 v21, v27;
	s14 =	sand.u32 $0x60, s24;
	v1 =	vadd.s32 v19, v24;
	v24 =	vtrunc.f32 v29  }
0xe3: {  	v50 =	vadd.s32 v21, v3;
	s9 =	sor.u32 s14, s9;
	v29 =	vcvt.s32.f32 v63;
	v23 =	vmul.f32 $7.812500000e+00, v23  }
0xe4: {  	v21 =	vcvt.s32.f32 v49;
	v34 =	vadd.s32 v20, v3;
	v46 =	vld [tilespmem:s9+$0x0];
	v24 =	vcvt.f32.s32 v24  }
0xe5: {  	v3 =	vadd.s32 v18, v62;
	vm0 =	vgt.f32 v23, v37;
	v23 =	vmul.f32 $7.812500000e+00, v29  }
0xe6: {  	v28 =	vadd.s32 v19, v31;
	v31 =	vcvt.s32.f32 v24;
	v29 =	vsel vm0, $0xFFFFFFFF, v5  }
0xe7: {  	s25 =	sshll.u32 s8, $0x1;
	v47 =	vadd.s32 v33, v29;
	v33 =	vadd.s32 v20, v22;
	vm0 =	vgt.f32 v23, v38  }
0xe8: {  	s26 =	sadd.s32 $0x5, s25;
	v23 =	vmul.f32 $7.812500000e+00, v31;
	v22 =	vcvt.s32.f32 v47;
	v29 =	vsel vm0, $0xFFFFFFFF, v5  }
0xe9: {  	v51 =	vadd.s32 v18, v25;
	s15 =	sshra.s32 s26, $0x1F;
	[tilespmem:v40+s2+$0x0] =	vst.idx.add.f32.msk $0xffff, v12;
	v52 =	vmul.f32 $1.280000060e-01, v46;
	v31 =	vadd.s32 v63, v29  }
0xea: {  	s8 =	sshrl.u32 s15, $0x1D;
	[tilespmem:v44+s2+$0x0] =	vst.idx.add.f32.msk $0xffff, v12;
	vm0 =	vgt.f32 v23, v39;
	v22 =	vadd.f32 $1.000000000e+00, v22;
	v23 =	vcvt.s32.f32 v31  }
0xeb: {  	v21 =	vbroadcast v21, $0x0;
	s8 =	sadd.s32 s8, s26;
	v40 =	vadd.s32 v19, v25;
	[tilespmem:v41+s2+$0x0] =	vst.idx.add.f32.msk $0xffff, v14;
	v29 =	vadd.s32 v20, v27  }
0xec: {  	s21 =	simm.s32 $0x0;
	s8 =	sshra.s32 s8, $0x3;
	[tilespmem:v48+s2+$0x0] =	vst.idx.add.f32.msk $0xffff, v12;
	v27 =	vtrunc.f32 v52;
	v22 =	vmul.f32 $7.812500000e+00, v22;
	v23 =	vadd.f32 $1.000000000e+00, v23  }
0xed: {  	s14 =	sadd.s32 $0xFFFFFFFF, s8;
	[tilespmem:v50+s2+$0x0] =	vst.idx.add.f32.msk $0xffff, v14;
	v50 =	vadd.s32 s21, v6;
	v27 =	vcvt.f32.s32 v27;
	v53 =	vsel vm0, $0xFFFFFFFF, v5  }
0xee: {  	[tilespmem:v45+s2+$0x0] =	vst.idx.add.f32.msk $0xffff, v14;
	vm2 =	vle.f32 v22, v37;
	v22 =	vmov s14;
	v23 =	vmul.f32 $7.812500000e+00, v23  }
0xef: {  	[tilespmem:v36+s2+$0x0] =	vst.idx.add.f32.msk $0xffff, v10;
	v37 =	vadd.s32 v24, v53;
	v24 =	vcvt.s32.f32 v27;
	v22 =	vcvt.s32.f32 v22  }
0xf0: {  	s26 =	simm.s32 $0x4;
	s9 =	sadd.s32 $0x9, s25;
	[tilespmem:v32+s2+$0x0] =	vst.idx.add.f32.msk $0xffff, v10;
	v54 =	vcvt.s32.f32 v37;
	vm0 =	vle.f32 v23, v38;
	v23 =	vmul.f32 $2.500000000e-01, v21  }
0xf1: {  	s19 =	sshra.s32 s9, $0x1F;
	v52 =	vadd.s32 v19, v26;
	[tilespmem:v29+s2+$0x0] =	vst.idx.add.f32.msk $0xffff, v10;
	v10 =	vadd.s32 s26, v8;
	v20 =	vmul.f32 $7.812500000e+00, v24  }
0xf2: {  	p0 =	sgt.s32 s14, $0x0;
	s15 =	sshrl.u32 s19, $0x1C;
	[tilespmem:v33+s2+$0x0] =	vst.idx.add.f32.msk $0xffff, v11;
	v22 =	vbroadcast v22, $0x0;
	v24 =	vadd.f32 $1.000000000e+00, v54;
	v23 =	vadd.f32 $-3.750000000e-01, v23  }
0xf3: {  	s9 =	sadd.s32 s15, s9;
	[tilespmem:v3+s23+$0x0] =	vst.idx.add.f32.msk $0xffff, v13;
	s14 =	simm.s32 @!p0 $0x0;
	p0 =	sgt.s32 s8, $0x0;
	v38 =	vadd.s32 v18, v2;
	v3 =	vsel vm0, $0x1, v5;
	vm1 =	vgt.f32 v20, v46  }
0xf4: {  	s25 =	simm.s32 $0x8;
	[tilespmem:v42+s2+$0x0] =	vst.idx.add.f32.msk $0xffff, v11;
	s9 =	sshra.s32 s9, $0x4;
	s8 =	simm.s32 @!p0 $0x0;
	v20 =	vsel vm1, $0xFFFFFFFF, v5;
	v22 =	vsub.f32 v23, v22;
	v23 =	vmul.f32 $7.812500000e+00, v24  }
0xf5: {  	s15 =	sadd.s32 $0xFFFFFFFF, s9;
	s14 =	smin.u32 s14, $0x5F;
	v2 =	vadd.s32 v19, v2;
	s8 =	smin.u32 s8, $0x5F;
	v3 =	vadd.s32 v3, v31;
	v49 =	vadd.s32 v27, v20  }
0xf6: {  	[tilespmem:v43+s23+$0x0] =	vst.idx.add.f32.msk $0xffff, v13;
	p0 =	sgt.s32 s15, $0x0;
	s14 =	ssub.s32 s14, s4;
	s8 =	ssub.s32 s8, s4;
	v20 =	vmov s15;
	vm1 =	vle.f32 v23, v39;
	v23 =	vcvt.s32.f32 v49  }
0xf7: {  	[tilespmem:v34+s2+$0x0] =	vst.idx.add.f32.msk $0xffff, v11;
	s14 =	smul.u32 $0x60, s14;
	s15 =	simm.s32 @!p0 $0x0;
	p0 =	sgt.s32 s9, $0x0;
	v39 =	vadd.s32 v18, v26;
	v18 =	vcvt.s32.f32 v20;
	v20 =	vmul.f32 $1.250000000e-01, v21  }
0xf8: {  	[tilespmem:v51+s23+$0x0] =	vst.idx.add.f32.msk $0xffff, v13;
	v13 =	vor.u32 s25, v7;
	s8 =	smul.u32 $0x60, s8;
	vm0 =	vgt.s32 v3, $0x0;
	s15 =	smin.u32 s15, $0x2F;
	s9 =	simm.s32 @!p0 $0x0;
	v19 =	vadd.f32 $1.000000000e+00, v23  }
0xf9: {  	v21 =	vsub.f32 $1.000000000e+00, v22;
	s20 =	ssub.s32 s15, s5;
	s9 =	smin.u32 s9, $0x2F;
	v18 =	vbroadcast v18, $0x0;
	v24 =	vadd.f32 $-4.375000000e-01, v20  }
0xfa: {  	s9 =	ssub.s32 s9, s5;
	v23 =	vmov s14;
	v20 =	vmov s8;
	s8 =	smul.u32 $0x30, s20;
	v25 =	vmul.f32 $7.812500000e+00, v19  }
0xfb: {  	s9 =	smul.u32 $0x30, s9;
	v55 =	vsub.f32 v24, v18;
	v19 =	vmul.f32 v57, v21;
	v18 =	vmul.f32 v59, v21  }
0xfc: {  	[tilespmem:v30+s23+$0x0] =	vst.idx.add.f32.msk $0xffff, v15;
	v21 =	vmul.f32 v57, v22;
	v24 =	vsel vm2, $0x1, v5;
	v22 =	vmul.f32 v59, v22  }
0xfd: {  	[tilespmem:v38+s23+$0x0] =	vst.idx.add.f32.msk $0xffff, v15;
	v27 =	vmov s8;
	s8 =	simm.s32 $0xC;
	v56 =	vadd.s32 v24, v47;
	v24 =	vmov s9  }
0xfe: {  	v58 =	vadd.s32 s8, v6;
	v63 =	vadd.s32 s8, v7;
	[tilespmem:v39+s23+$0x0] =	vst.idx.add.f32.msk $0xffff, v15;
	v15 =	vadd.s32 s25, v6  }
0xff: {  	[tilespmem:v28+s23+$0x0] =	vst.idx.add.f32.msk $0xffff, v16;
	s9 =	simm.s32 $0x6;
	vm3 =	vle.f32 v25, v46;
	v26 =	vsub.f32 $1.000000000e+00, v55;
	vm2 =	vgt.s32 v56, $0x0  }
0x100: {  	s22 =	simm.s32 $0x0;
	s19 =	simm.s32 $0x2;
	[tilespmem:v35+s23+$0x0] =	vst.idx.add.f32.msk $0xffff, v16;
	v12 =	vmul.f32 v60, v55;
	v14 =	vmul.f32 v61, v55;
	v46 =	vadd.s32 s9, v8  }
0x101: {  	v55 =	vor.u32 s22, v9;
	[tilespmem:v40+s23+$0x0] =	vst.idx.add.f32.msk $0xffff, v16;
	v16 =	vadd.s32 s19, v9;
	v41 =	vnsel vm2, $0x0, v56  }
0x102: {  	vm2 =	vgt.s32 v58, $0x0;
	v31 =	vsel vm3, $0x1, v5;
	vm6 =	vlt.s32 v55, $0x2F  }
0x103: {  	vm4 =	vlt.s32 v16, $0x2F;
	vm3 =	vgt.s32 v15, $0x0;
	v25 =	vmul.f32 v60, v26  }
0x104: {  	s24 =	simm.s32 $0x4;
	v26 =	vmul.f32 v61, v26;
	v41 =	vmin.u32 v41, $0x7F;
	v30 =	vnsel vm2, $0x0, v58  }
0x105: {  	vm2 =	vlt.s32 v63, $0x5F;
	v58 =	vadd.s32 s24, v6;
	v62 =	vmul.u32 $0x240, v41  }
0x106: {  	v31 =	vadd.s32 v31, v49;
	v47 =	vmul.u32 $0xC0, v41;
	vm7 =	vgt.s32 v58, $0x0  }
0x107: {  	v32 =	vnsel vm7, $0x0, v58;
	v28 =	vadd.s32 v30, v62;
	v30 =	vnsel vm2, $0x5F, v63  }
0x108: {  	[tilespmem:v1+s23+$0x0] =	vst.idx.add.f32.msk $0xffff, v17;
	vm2 =	vgt.s32 v46, $0x0;
	v63 =	vadd.s32 s19, v8;
	v1 =	vadd.s32 v30, v62  }
0x109: {  	v30 =	vadd.s32 s9, v9;
	v36 =	vnsel vm2, $0x0, v46;
	v33 =	vadd.s32 v23, v28  }
0x10a: {  	v42 =	vadd.s32 v20, v28;
	v62 =	vadd.s32 s24, v7;
	vm9 =	vgt.s32 v63, $0x0  }
0x10b: {  	vm2 =	vlt.s32 v30, $0x2F;
	v41 =	vadd.s32 v23, v1;
	v43 =	vadd.s32 v20, v1  }
0x10c: {  	v1 =	vadd.s32 v36, v47;
	vm8 =	vlt.s32 v62, $0x5F;
	v30 =	vnsel vm2, $0x2F, v30  }
0x10d: {  	v48 =	vadd.s32 v27, v1;
	v53 =	vadd.s32 v24, v1;
	v1 =	vnsel vm0, $0x0, v3  }
0x10e: {  	vm2 =	vlt.s32 v13, $0x5F;
	v28 =	vor.u32 v30, v47;
	v30 =	vsel vm1, $0x1, v5  }
0x10f: {  	[tilespmem:v2+s23+$0x0] =	vst.idx.add.f32.msk $0xffff, v17;
	v1 =	vmin.u32 v1, $0x7F;
	v30 =	vadd.s32 v30, v37;
	v49 =	vadd.s32 v27, v28  }
0x110: {  	[tilespmem:v52+s23+$0x0] =	vst.idx.add.f32.msk $0xffff, v17;
	v54 =	vadd.s32 v24, v28;
	v28 =	vmul.u32 $0x240, v1;
	vm0 =	vgt.s32 v30, $0x0  }
0x111: {  	v29 =	vmul.u32 $0xC0, v1;
	[tilespmem:v33+s2+$0x0] =	vst.idx.add.f32.msk $0xffff, v19;
	v33 =	vnsel vm6, $0x2F, v55;
	v2 =	vnsel vm0, $0x0, v30  }
0x112: {  	vm0 =	vgt.s32 v31, $0x0;
	v30 =	vor.u32 s21, v7;
	[tilespmem:v41+s2+$0x0] =	vst.idx.add.f32.msk $0xffff, v18;
	v3 =	vmin.u32 v2, $0x7F  }
0x113: {  	v2 =	vnsel vm0, $0x0, v31;
	v31 =	vadd.s32 s22, v8;
	vm0 =	vgt.s32 v50, $0x0;
	[tilespmem:v42+s2+$0x0] =	vst.idx.add.f32.msk $0xffff, v21  }
0x114: {  	vm1 =	vlt.s32 v30, $0x5F;
	v56 =	vmin.u32 v2, $0x7F;
	v2 =	vor.u32 s26, v9;
	[tilespmem:v43+s2+$0x0] =	vst.idx.add.f32.msk $0xffff, v22  }
0x115: {  	v17 =	vmul.u32 $0x240, v3;
	v11 =	vmul.u32 $0xC0, v3;
	vm5 =	vgt.s32 v31, $0x0;
	[tilespmem:v48+s23+$0x0] =	vst.idx.add.f32.msk $0xffff, v25  }
0x116: {  	v34 =	vnsel vm0, $0x0, v50;
	v35 =	vnsel vm1, $0x5F, v30;
	vm1 =	vgt.s32 v10, $0x0;
	[tilespmem:v49+s23+$0x0] =	vst.idx.add.f32.msk $0xffff, v26  }
0x117: {  	v30 =	vnsel vm9, $0x0, v63;
	v3 =	vmul.u32 $0x240, v56;
	v1 =	vmul.u32 $0xC0, v56;
	[tilespmem:v53+s23+$0x0] =	vst.idx.add.f32.msk $0xffff, v12  }
0x118: {  	s15 =	sadd.s32 $0x80, s30;
	s14 =	simm.s32 $0x0;
	vm0 =	vlt.s32 v2, $0x2F;
	v36 =	vnsel vm5, $0x0, v31;
	v31 =	vnsel vm8, $0x5F, v62;
	[tilespmem:v54+s23+$0x0] =	vst.idx.add.f32.msk $0xffff, v14  }
.LBB2_13:
0x119: {  	s19 =	sand.u32 $0x7F00, s15;
	v16 =	vnsel vm4, $0x2F, v16;
	v15 =	vnsel vm3, $0x0, v15;
	v13 =	vnsel vm2, $0x5F, v13;
	s1 =	sadd.s32 $0x40, s1  }
0x11a: {  	v34 =	vadd.s32 v34, v28;
	v10 =	vnsel vm1, $0x0, v10;
	v2 =	vnsel vm0, $0x2F, v2;
	s19 =	sor.u32 $0x18000, s19;
	s20 =	sadd.s32 $0xFFFFFFE0, s1;
	s21 =	sand.u32 $0x70, s1  }
0x11b: {  	v28 =	vadd.s32 v35, v28;
	v35 =	vadd.s32 v36, v29;
	v29 =	vor.u32 v33, v29;
	s22 =	sadd.s32 $0xFFFFFFD0, s1;
	s24 =	sadd.s32 $0xFFFFFFF0, s1;
	s21 =	sor.u32 s21, s19  }
0x11c: {  	v32 =	vadd.s32 v32, v17;
	v17 =	vadd.s32 v31, v17;
	v30 =	vadd.s32 v30, v11;
	s22 =	sand.u32 $0x40, s22;
	s20 =	sand.u32 $0x50, s20;
	s24 =	sand.u32 $0x60, s24;
	v33 =	vld [tilespmem:s21+$0x0]  }
0x11d: {  	v11 =	vor.u32 v16, v11;
	v15 =	vadd.s32 v15, v3;
	v3 =	vadd.s32 v13, v3;
	s21 =	sor.u32 s22, s19;
	s20 =	sor.u32 s20, s19;
	s19 =	sor.u32 s24, s19  }
0x11e: {  	v16 =	vadd.s32 v23, v34;
	v10 =	vadd.s32 v10, v1;
	v2 =	vor.u32 v2, v1;
	v13 =	vld [tilespmem:s21+$0x0]  }
0x11f: {  	v36 =	vadd.s32 v23, v28;
	v34 =	vadd.s32 v20, v34;
	v28 =	vadd.s32 v20, v28;
	v31 =	vld [tilespmem:s20+$0x0]  }
0x120: {  	s14 =	sadd.s32 $0x4, s14;
	v37 =	vadd.s32 v27, v35;
	v38 =	vadd.s32 v27, v29;
	v35 =	vadd.s32 v24, v35;
	v1 =	vld [tilespmem:s19+$0x0]  }
0x121: {  	p0 =	slt.u32 s14, $0x14;
	v29 =	vadd.s32 v24, v29;
	v40 =	vadd.s32 v23, v32;
	v39 =	vmul.f32 $1.280000060e-01, v33  }
0x122: {  	v41 =	vadd.s32 v23, v17;
	v32 =	vadd.s32 v20, v32;
	v17 =	vadd.s32 v20, v17  }
0x123: {  	v42 =	vmul.f32 $1.280000060e-01, v13;
	v39 =	vtrunc.f32 v39;
	[tilespmem:v16+s2+$0x0] =	vst.idx.add.f32.msk $0xffff, v19;
	v16 =	vadd.s32 v27, v30  }
0x124: {  	v43 =	vmul.f32 $1.280000060e-01, v31;
	v39 =	vcvt.f32.s32 v39;
	[tilespmem:v36+s2+$0x0] =	vst.idx.add.f32.msk $0xffff, v18;
	v36 =	vadd.s32 v27, v11  }
0x125: {  	v30 =	vadd.s32 v24, v30;
	v42 =	vtrunc.f32 v42;
	v44 =	vmul.f32 $1.280000060e-01, v1;
	[tilespmem:v34+s2+$0x0] =	vst.idx.add.f32.msk $0xffff, v21  }
0x126: {  	v11 =	vadd.s32 v24, v11;
	v34 =	vtrunc.f32 v43;
	v43 =	vcvt.s32.f32 v39;
	[tilespmem:v28+s2+$0x0] =	vst.idx.add.f32.msk $0xffff, v22  }
0x127: {  	v28 =	vcvt.f32.s32 v42;
	v42 =	vtrunc.f32 v44;
	[tilespmem:v37+s23+$0x0] =	vst.idx.add.f32.msk $0xffff, v25;
	v37 =	vadd.s32 v23, v15  }
0x128: {  	v34 =	vcvt.f32.s32 v34;
	v43 =	vmul.f32 $7.812500000e+00, v43;
	[tilespmem:v38+s23+$0x0] =	vst.idx.add.f32.msk $0xffff, v26;
	v38 =	vadd.s32 v23, v3  }
0x129: {  	v15 =	vadd.s32 v20, v15;
	v44 =	vcvt.s32.f32 v28;
	v42 =	vcvt.f32.s32 v42;
	[tilespmem:v35+s23+$0x0] =	vst.idx.add.f32.msk $0xffff, v12  }
0x12a: {  	v3 =	vadd.s32 v20, v3;
	v35 =	vcvt.s32.f32 v34;
	vm0 =	vgt.f32 v43, v33;
	[tilespmem:v29+s23+$0x0] =	vst.idx.add.f32.msk $0xffff, v14  }
0x12b: {  	v29 =	vmul.f32 $7.812500000e+00, v44;
	v43 =	vcvt.s32.f32 v42;
	v44 =	vsel vm0, $0xFFFFFFFF, v5;
	[tilespmem:v40+s2+$0x0] =	vst.idx.add.f32.msk $0xffff, v19  }
0x12c: {  	v35 =	vmul.f32 $7.812500000e+00, v35;
	v40 =	vadd.s32 v27, v10;
	v39 =	vadd.s32 v39, v44;
	[tilespmem:v41+s2+$0x0] =	vst.idx.add.f32.msk $0xffff, v18  }
0x12d: {  	vm0 =	vgt.f32 v29, v13;
	v29 =	vmul.f32 $7.812500000e+00, v43;
	v41 =	vcvt.s32.f32 v39;
	[tilespmem:v32+s2+$0x0] =	vst.idx.add.f32.msk $0xffff, v21  }
0x12e: {  	v32 =	vsel vm0, $0xFFFFFFFF, v5;
	vm0 =	vgt.f32 v35, v31;
	[tilespmem:v17+s2+$0x0] =	vst.idx.add.f32.msk $0xffff, v22;
	v17 =	vadd.s32 v27, v2  }
0x12f: {  	v35 =	vsel vm0, $0xFFFFFFFF, v5;
	vm0 =	vgt.f32 v29, v1;
	v29 =	vadd.f32 $1.000000000e+00, v41;
	[tilespmem:v16+s23+$0x0] =	vst.idx.add.f32.msk $0xffff, v25  }
0x130: {  	v16 =	vadd.s32 v28, v32;
	v28 =	vadd.s32 v34, v35;
	v32 =	vsel vm0, $0xFFFFFFFF, v5;
	[tilespmem:v36+s23+$0x0] =	vst.idx.add.f32.msk $0xffff, v26  }
0x131: {  	v34 =	vcvt.s32.f32 v16;
	v32 =	vadd.s32 v42, v32;
	v29 =	vmul.f32 $7.812500000e+00, v29;
	[tilespmem:v30+s23+$0x0] =	vst.idx.add.f32.msk $0xffff, v12  }
0x132: {  	v10 =	vadd.s32 v24, v10;
	v30 =	vcvt.s32.f32 v28;
	v35 =	vcvt.s32.f32 v32;
	[tilespmem:v11+s23+$0x0] =	vst.idx.add.f32.msk $0xffff, v14  }
0x133: {  	v2 =	vadd.s32 v24, v2;
	v11 =	vadd.f32 $1.000000000e+00, v34;
	vm0 =	vle.f32 v29, v33;
	[tilespmem:v37+s2+$0x0] =	vst.idx.add.f32.msk $0xffff, v19  }
0x134: {  	v29 =	vadd.f32 $1.000000000e+00, v30;
	v30 =	vadd.f32 $1.000000000e+00, v35;
	v33 =	vsel vm0, $0x1, v5;
	[tilespmem:v38+s2+$0x0] =	vst.idx.add.f32.msk $0xffff, v18  }
0x135: {  	v11 =	vmul.f32 $7.812500000e+00, v11;
	v33 =	vadd.s32 v33, v39;
	[tilespmem:v15+s2+$0x0] =	vst.idx.add.f32.msk $0xffff, v21  }
0x136: {  	v15 =	vmul.f32 $7.812500000e+00, v29;
	v29 =	vmul.f32 $7.812500000e+00, v30;
	vm1 =	vgt.s32 v33, $0x0;
	[tilespmem:v3+s2+$0x0] =	vst.idx.add.f32.msk $0xffff, v22  }
0x137: {  	s8 =	sadd.s32 $0x10, s8;
	vm0 =	vle.f32 v11, v13;
	v3 =	vnsel vm1, $0x0, v33;
	[tilespmem:v40+s23+$0x0] =	vst.idx.add.f32.msk $0xffff, v25  }
0x138: {  	s21 =	sadd.s32 $0xFFFFFFF4, s8;
	s20 =	sadd.s32 $0xFFFFFFF8, s8;
	s19 =	sadd.s32 $0xFFFFFFFC, s8;
	v11 =	vadd.s32 s8, v6;
	vm1 =	vle.f32 v15, v31;
	v3 =	vmin.u32 v3, $0x7F;
	[tilespmem:v17+s23+$0x0] =	vst.idx.add.f32.msk $0xffff, v26  }
0x139: {  	vm3 =	vgt.s32 v11, $0x0;
	v15 =	vadd.s32 s8, v7;
	v13 =	vmul.u32 $0x240, v3;
	[tilespmem:v10+s23+$0x0] =	vst.idx.add.f32.msk $0xffff, v12  }
0x13a: {  	s9 =	sadd.s32 $0x8, s9;
	vm2 =	vle.f32 v29, v1;
	v1 =	vnsel vm3, $0x0, v11;
	vm3 =	vlt.s32 v15, $0x5F;
	[tilespmem:v2+s23+$0x0] =	vst.idx.add.f32.msk $0xffff, v14  }
0x13b: {  	s25 =	sadd.s32 $0xFFFFFFFA, s9;
	s22 =	sadd.s32 $0xFFFFFFFC, s9;
	s24 =	sadd.s32 $0xFFFFFFFE, s9;
	v10 =	vadd.s32 s9, v8;
	v2 =	vnsel vm3, $0x5F, v15;
	v1 =	vadd.s32 v1, v13  }
0x13c: {  	v2 =	vadd.s32 v2, v13;
	v13 =	vadd.s32 s9, v9;
	v11 =	vadd.s32 v23, v1  }
0x13d: {  	v3 =	vmul.u32 $0xC0, v3;
	vm3 =	vgt.s32 v10, $0x0;
	v15 =	vadd.s32 v23, v2  }
0x13e: {  	v10 =	vnsel vm3, $0x0, v10;
	v1 =	vadd.s32 v20, v1;
	vm3 =	vlt.s32 v13, $0x2F  }
0x13f: {  	v2 =	vadd.s32 v20, v2;
	v10 =	vadd.s32 v10, v3;
	v13 =	vnsel vm3, $0x2F, v13  }
0x140: {  	v17 =	vsel vm0, $0x1, v5;
	v3 =	vor.u32 v13, v3;
	v13 =	vadd.s32 v27, v10  }
0x141: {  	v29 =	vsel vm1, $0x1, v5;
	v30 =	vsel vm2, $0x1, v5;
	[tilespmem:v11+s2+$0x0] =	vst.idx.add.f32.msk $0xffff, v19;
	v11 =	vadd.s32 v27, v3  }
0x142: {  	v31 =	vadd.s32 s21, v6;
	v16 =	vadd.s32 v17, v16;
	v10 =	vadd.s32 v24, v10;
	[tilespmem:v15+s2+$0x0] =	vst.idx.add.f32.msk $0xffff, v18  }
0x143: {  	vm0 =	vgt.s32 v16, $0x0;
	v15 =	vadd.s32 v29, v28;
	[tilespmem:v1+s2+$0x0] =	vst.idx.add.f32.msk $0xffff, v21;
	v1 =	vadd.s32 v24, v3  }
0x144: {  	v3 =	vnsel vm0, $0x0, v16;
	vm0 =	vgt.s32 v15, $0x0;
	v16 =	vadd.s32 v30, v32;
	[tilespmem:v2+s2+$0x0] =	vst.idx.add.f32.msk $0xffff, v22  }
0x145: {  	v3 =	vmin.u32 v3, $0x7F;
	v2 =	vnsel vm0, $0x0, v15;
	vm0 =	vgt.s32 v16, $0x0;
	[tilespmem:v13+s23+$0x0] =	vst.idx.add.f32.msk $0xffff, v25  }
0x146: {  	v30 =	vor.u32 s21, v7;
	v32 =	vmin.u32 v2, $0x7F;
	v2 =	vnsel vm0, $0x0, v16;
	[tilespmem:v11+s23+$0x0] =	vst.idx.add.f32.msk $0xffff, v26  }
0x147: {  	v37 =	vor.u32 s25, v9;
	v33 =	vadd.s32 s25, v8;
	v34 =	vmin.u32 v2, $0x7F;
	[tilespmem:v10+s23+$0x0] =	vst.idx.add.f32.msk $0xffff, v12  }
0x148: {  	v38 =	vadd.s32 s20, v6;
	v39 =	vadd.s32 s20, v7;
	v40 =	vadd.s32 s22, v8;
	[tilespmem:v1+s23+$0x0] =	vst.idx.add.f32.msk $0xffff, v14  }
0x149: {  	v15 =	vadd.s32 s19, v6;
	v16 =	vadd.s32 s22, v9;
	v13 =	vor.u32 s19, v7  }
0x14a: {  	v28 =	vmul.u32 $0x240, v3;
	v2 =	vor.u32 s24, v9;
	v10 =	vadd.s32 s24, v8  }
0x14b: {  	v29 =	vmul.u32 $0xC0, v3;
	v17 =	vmul.u32 $0x240, v32;
	v11 =	vmul.u32 $0xC0, v32  }
0x14c: {  	vm0 =	vgt.s32 v31, $0x0;
	v3 =	vmul.u32 $0x240, v34;
	v1 =	vmul.u32 $0xC0, v34  }
0x14d: {  	vm7 =	vlt.s32 v37, $0x2F;
	vm6 =	vgt.s32 v33, $0x0;
	vm5 =	vlt.s32 v30, $0x5F  }
.Ltmp5:
0x14e: {  	vm8 =	vgt.s32 v38, $0x0;
	vm9 =	vlt.s32 v39, $0x5F;
	vm10 =	vgt.s32 v40, $0x0;
	(pc) =	sbr.rel @p0 .LBB2_13-.Ltmp5, $4  }
0x14f: {  	vm3 =	vgt.s32 v15, $0x0;
	vm4 =	vlt.s32 v16, $0x2F;
	vm2 =	vlt.s32 v13, $0x5F  }
0x150: {  	v34 =	vnsel vm0, $0x0, v31;
	vm1 =	vgt.s32 v10, $0x0;
	vm0 =	vlt.s32 v2, $0x2F  }
0x151: {  	v36 =	vnsel vm6, $0x0, v33;
	v33 =	vnsel vm7, $0x2F, v37;
	v35 =	vnsel vm5, $0x5F, v30  }
0x152: {  	s15 =	sadd.s32 $0x80, s15;
	v30 =	vnsel vm10, $0x0, v40;
	v32 =	vnsel vm8, $0x0, v38;
	v31 =	vnsel vm9, $0x5F, v39  }
0x153: {  	v34 =	vadd.s32 v34, v28  }
0x154: {  	v32 =	vadd.s32 v32, v17;
	v49 =	vadd.s32 v23, v34  }
0x155: {  	v48 =	vadd.s32 v35, v28;
	v54 =	vadd.s32 v23, v32  }
0x156: {  	v53 =	vadd.s32 v31, v17;
	v15 =	vnsel vm3, $0x0, v15;
	v37 =	vadd.s32 v23, v48  }
0x157: {  	v55 =	vadd.s32 v23, v53;
	v15 =	vadd.s32 v15, v3  }
0x158: {  	v62 =	vadd.s32 v23, v15  }
0x159: {  	v13 =	vnsel vm2, $0x5F, v13;
	v34 =	vadd.s32 v20, v34;
	[tilespmem:v49+s2+$0x0] =	vst.idx.add.f32.msk $0xffff, v19  }
0x15a: {  	v32 =	vadd.s32 v20, v32;
	v3 =	vadd.s32 v13, v3;
	[tilespmem:v54+s2+$0x0] =	vst.idx.add.f32.msk $0xffff, v19  }
0x15b: {  	v63 =	vadd.s32 v23, v3;
	[tilespmem:v37+s2+$0x0] =	vst.idx.add.f32.msk $0xffff, v18  }
0x15c: {  	v28 =	vadd.s32 v20, v48;
	[tilespmem:v55+s2+$0x0] =	vst.idx.add.f32.msk $0xffff, v18  }
0x15d: {  	v17 =	vadd.s32 v20, v53;
	[tilespmem:v62+s2+$0x0] =	vst.idx.add.f32.msk $0xffff, v19  }
0x15e: {  	v36 =	vadd.s32 v36, v29;
	v15 =	vadd.s32 v20, v15;
	[tilespmem:v34+s2+$0x0] =	vst.idx.add.f32.msk $0xffff, v21  }
0x15f: {  	v30 =	vadd.s32 v30, v11;
	v51 =	vadd.s32 v27, v36;
	[tilespmem:v32+s2+$0x0] =	vst.idx.add.f32.msk $0xffff, v21  }
0x160: {  	v16 =	vnsel vm4, $0x2F, v16;
	v56 =	vadd.s32 v27, v30;
	[tilespmem:v63+s2+$0x0] =	vst.idx.add.f32.msk $0xffff, v18  }
0x161: {  	v11 =	vor.u32 v16, v11;
	v3 =	vadd.s32 v20, v3;
	[tilespmem:v28+s2+$0x0] =	vst.idx.add.f32.msk $0xffff, v22  }
0x162: {  	v58 =	vadd.s32 v27, v11;
	[tilespmem:v17+s2+$0x0] =	vst.idx.add.f32.msk $0xffff, v22  }
0x163: {  	v30 =	vadd.s32 v24, v30;
	[tilespmem:v15+s2+$0x0] =	vst.idx.add.f32.msk $0xffff, v21  }
0x164: {  	v50 =	vor.u32 v33, v29;
	v10 =	vnsel vm1, $0x0, v10;
	v11 =	vadd.s32 v24, v11;
	[tilespmem:v51+s23+$0x0] =	vst.idx.add.f32.msk $0xffff, v25  }
0x165: {  	v2 =	vnsel vm0, $0x2F, v2;
	v52 =	vadd.s32 v27, v50;
	v10 =	vadd.s32 v10, v1;
	[tilespmem:v56+s23+$0x0] =	vst.idx.add.f32.msk $0xffff, v25  }
0x166: {  	v1 =	vor.u32 v2, v1;
	v2 =	vadd.s32 v27, v10;
	[tilespmem:v3+s2+$0x0] =	vst.idx.add.f32.msk $0xffff, v22  }
0x167: {  	v36 =	vadd.s32 v24, v36;
	[tilespmem:v58+s23+$0x0] =	vst.idx.add.f32.msk $0xffff, v26  }
0x168: {  	v29 =	vadd.s32 v24, v50;
	[tilespmem:v30+s23+$0x0] =	vst.idx.add.f32.msk $0xffff, v12  }
0x169: {  	[tilespmem:v11+s23+$0x0] =	vst.idx.add.f32.msk $0xffff, v14;
	v11 =	vadd.s32 v27, v1  }
0x16a: {  	v10 =	vadd.s32 v24, v10;
	[tilespmem:v52+s23+$0x0] =	vst.idx.add.f32.msk $0xffff, v26  }
0x16b: {  	p0 =	slt.u32 s0, $0xE;
	[tilespmem:v2+s23+$0x0] =	vst.idx.add.f32.msk $0xffff, v25;
	v1 =	vadd.s32 v24, v1  }
.Ltmp6:
0x16c: {  	[tilespmem:v36+s23+$0x0] =	vst.idx.add.f32.msk $0xffff, v12;
	(pc) =	sbr.rel @p0 .LBB2_10-.Ltmp6, $4  }
0x16d: {  	[tilespmem:v29+s23+$0x0] =	vst.idx.add.f32.msk $0xffff, v14  }
0x16e: {  	[tilespmem:v11+s23+$0x0] =	vst.idx.add.f32.msk $0xffff, v26  }
0x16f: {  	s1 =	sadd.s32 $0x2, s0;
	[tilespmem:v10+s23+$0x0] =	vst.idx.add.f32.msk $0xffff, v12  }
0x170: {  	s31 =	sadd.s32 $0x600, s31;
	s30 =	sadd.s32 $0x600, s30;
	s0 =	smov.u32 s1;
	[tilespmem:v1+s23+$0x0] =	vst.idx.add.f32.msk $0xffff, v14  }
0x171: {  	s0 =	rddreg [dreg:$0x2];
	s1 =	simm.s32 $0x400  }
0x172: {  	[hbm4b:s0+s29] =	stream.strided.scatter [tilespmem:s2], [sflag:$0x1], $0x12000, s1, s29, $0x38;
	[tilespmem:$0x1B000] =	vst v63  }
0x173: {  	s30 =	rddreg [dreg:$0x3];
	s31 =	simm.s32 $0x1  }
0x174: {  	[hbm4b:s30+s29] =	stream.strided.scatter [tilespmem:s23], [sflag:$0x2], $0x6000, s1, s29, $0x38;
	[tilespmem:$0x1B000] =	vst v63  }
0x175: {  	_ =	swait.ge [sflag:s31], $0x12000  }
0x176: {  	[sflag:s31] =	ssyncset.done $0x0  }
0x177: {  	s0 =	simm.s32 $0x40;
	[sflag:s31] =	ssyncadd.s32 $0xFFFEE000  }
0x178: {  	[tilespmem:s0+$0xFFFFFFC0] =	vst v0  }
0x179: {  	[tilespmem:s0+$0x30] =	vst v0  }
0x17a: {  	[tilespmem:s0+$0x20] =	vst v0  }
0x17b: {  	[tilespmem:s0+$0x10] =	vst v0  }
0x17c: {  	[tilespmem:s0+$0x0] =	vst v0  }
0x17d: {  	[tilespmem:s0+$0xFFFFFFF0] =	vst v0  }
0x17e: {  	s1 =	simm.s32 $0x0;
	[tilespmem:s0+$0xFFFFFFE0] =	vst v0  }
.LBB2_16:
0x17f: {  	s1 =	sadd.s32 $0x8, s1;
	[tilespmem:s0+$0xFFFFFFD0] =	vst v0;
	s0 =	sadd.s32 $0x80, s0  }
0x180: {  	[tilespmem:s0+$0xFFFFFFC0] =	vst v0;
	p0 =	slt.u32 s1, $0x11F8  }
0x181: {  	[tilespmem:s0+$0x30] =	vst v0  }
.Ltmp7:
0x182: {  	[tilespmem:s0+$0x20] =	vst v0;
	(pc) =	sbr.rel @p0 .LBB2_16-.Ltmp7, $4  }
0x183: {  	[tilespmem:s0+$0x10] =	vst v0  }
0x184: {  	[tilespmem:s0+$0x0] =	vst v0  }
0x185: {  	[tilespmem:s0+$0xFFFFFFF0] =	vst v0  }
0x186: {  	[tilespmem:s0+$0xFFFFFFE0] =	vst v0  }
0x187: {  	[tilespmem:s0+$0xFFFFFFD0] =	vst v0;
	s31 =	simm.s32 $0x2  }
0x188: {  	_ =	swait.ge [sflag:s31], $0x6000  }
0x189: {  	[sflag:s31] =	ssyncset.done $0x0  }
0x18a: {  	s0 =	simm.s32 $0x12040;
	[sflag:s31] =	ssyncadd.s32 $0xFFFFA000  }
0x18b: {  	[tilespmem:s0+$0xFFFFFFC0] =	vst v0  }
0x18c: {  	[tilespmem:s0+$0x30] =	vst v0  }
0x18d: {  	[tilespmem:s0+$0x20] =	vst v0  }
0x18e: {  	[tilespmem:s0+$0x10] =	vst v0  }
0x18f: {  	[tilespmem:s0+$0x0] =	vst v0  }
0x190: {  	[tilespmem:s0+$0xFFFFFFF0] =	vst v0  }
0x191: {  	s1 =	simm.s32 $0x0;
	[tilespmem:s0+$0xFFFFFFE0] =	vst v0  }
.LBB2_18:
0x192: {  	s1 =	sadd.s32 $0x8, s1;
	[tilespmem:s0+$0xFFFFFFD0] =	vst v0;
	s0 =	sadd.s32 $0x80, s0  }
0x193: {  	[tilespmem:s0+$0xFFFFFFC0] =	vst v0;
	p0 =	slt.u32 s1, $0x5F8  }
0x194: {  	[tilespmem:s0+$0x30] =	vst v0  }
.Ltmp8:
0x195: {  	[tilespmem:s0+$0x20] =	vst v0;
	(pc) =	sbr.rel @p0 .LBB2_18-.Ltmp8, $4  }
0x196: {  	[tilespmem:s0+$0x10] =	vst v0  }
0x197: {  	[tilespmem:s0+$0x0] =	vst v0  }
0x198: {  	[tilespmem:s0+$0xFFFFFFF0] =	vst v0  }
0x199: {  	[tilespmem:s0+$0xFFFFFFE0] =	vst v0  }
0x19a: {  	[tilespmem:s0+$0xFFFFFFD0] =	vst v0  }
0x19b: {  	_ =	swait.ge [sflag:s28], $0x1800  }
0x19c: {  	s30 =	simm.s32 $0x0;
	[sflag:s28] =	ssyncset.done $0x0  }
0x19d: {  	s0 =	simm.s32 $0x18000;
	s1 =	simm.s32 $0x0;
	[sflag:s28] =	ssyncadd.s32 $0xFFFFE800  }
.LBB2_20:
0x19e: {  	p0 =	sne.s32 s1, $0x2F0  }
.Ltmp9:
0x19f: {  	_ = 	snop;
	(pc) =	sbr.rel @p0 .LBB2_20-.Ltmp9, $4  }
0x1a0: {  	_ = 	snop  }
0x1a1: {  	s8 =	sadd.s32 s1, s12  }
0x1a2: {  	[tilespmem:s0], [sflag:$0x3] =	stream.linear.gather [hbm4b:s8+s30], $0x80, $0x38;
	[tilespmem:$0x1B000] =	vst v63  }
0x1a3: {  	s1 =	sadd.s32 $0x10, s1;
	s0 =	sadd.s32 $0x100, s0  }
0x1a4: {  	s31 =	simm.s32 $0x300;
	s0 =	simm.s32 $0x0  }
.LBB2_22:
0x1a5: {  	s1 =	sor.u32 s13, s0  }
0x1a6: {  	s8 =	sshll.u32 s1, $0x1  }
0x1a7: {  	s9 =	sadd.s32 $0x5, s8  }
0x1a8: {  	s14 =	sshra.s32 s9, $0x1F  }
0x1a9: {  	v1 =	vmov s1;
	s14 =	sshrl.u32 s14, $0x1D  }
0x1aa: {  	v1 =	vcvt.s32.f32 v1;
	s9 =	sadd.s32 s14, s9  }
0x1ab: {  	s9 =	sshra.s32 s9, $0x3  }
0x1ac: {  	v1 =	vbroadcast v1, $0x0;
	s14 =	sadd.s32 $0xFFFFFFFF, s9  }
0x1ad: {  	p0 =	por $0x0, $0x0;
	s20 =	simm.s32 $0x20;
	s21 =	sand.u32 $0x7F00, s30;
	v2 =	vmov s14  }
0x1ae: {  	s22 =	simm.s32 $0x30;
	s21 =	sor.u32 $0x18000, s21;
	s20 =	sand.u32 $0x60, s20;
	v3 =	vmul.f32 $2.500000000e-01, v1;
	v2 =	vcvt.s32.f32 v2  }
0x1af: {  	s19 =	simm.s32 $0x1;
	s22 =	sand.u32 $0x70, s22;
	s20 =	sor.u32 s20, s21  }
0x1b0: {  	s19 =	simm.s32 @!p0 $0x0;
	s8 =	sadd.s32 $0x9, s8;
	s29 =	sor.u32 s22, s21;
	v17 =	vld [tilespmem:s20+$0x80];
	v3 =	vadd.f32 $-3.750000000e-01, v3;
	v2 =	vbroadcast v2, $0x0  }
0x1b1: {  	s28 =	simm.s32 $0x10;
	s19 =	sshll.u32 s19, $0x6;
	s15 =	sshra.s32 s8, $0x1F;
	v18 =	vld [tilespmem:s29+$0x80]  }
0x1b2: {  	s25 =	simm.s32 $0x4;
	s19 =	sadd.s32 s19, s30;
	s15 =	sshrl.u32 s15, $0x1C;
	v2 =	vsub.f32 v3, v2  }
0x1b3: {  	s19 =	sor.u32 $0x80, s19;
	s8 =	sadd.s32 s15, s8;
	s15 =	sand.u32 $0x50, s28  }
0x1b4: {  	s26 =	simm.s32 $0x2;
	v36 =	vadd.s32 s25, v6;
	v39 =	vadd.s32 s25, v7;
	v15 =	vld [tilespmem:s19+$0x18000];
	s8 =	sshra.s32 s8, $0x4;
	s15 =	sor.u32 s15, s21;
	v3 =	vsub.f32 $1.000000000e+00, v2  }
0x1b5: {  	v40 =	vadd.s32 s26, v8;
	v1 =	vmul.f32 $1.250000000e-01, v1;
	s19 =	sadd.s32 $0xFFFFFFFF, s8;
	v16 =	vld [tilespmem:s15+$0x80];
	v12 =	vmul.f32 $1.280000060e-01, v17  }
0x1b6: {  	v10 =	vmov s19;
	v14 =	vmul.f32 $1.280000060e-01, v18;
	v29 =	vmul.f32 v57, v3  }
0x1b7: {  	v41 =	vadd.s32 s26, v9;
	v26 =	vmul.f32 v59, v3;
	v3 =	vcvt.s32.f32 v10  }
0x1b8: {  	vm6 =	vlt.s32 v39, $0x5F;
	v23 =	vmul.f32 v57, v2;
	v10 =	vmul.f32 v59, v2  }
0x1b9: {  	vm7 =	vgt.s32 v40, $0x0;
	p1 =	sgt.s32 s14, $0x0;
	v2 =	vbroadcast v3, $0x0;
	v3 =	vmul.f32 $1.280000060e-01, v15  }
0x1ba: {  	vm8 =	vlt.s32 v41, $0x2F;
	s28 =	simm.s32 $0x8;
	s14 =	simm.s32 @!p1 $0x0;
	v19 =	vtrunc.f32 v12;
	v11 =	vmul.f32 $1.280000060e-01, v16  }
0x1bb: {  	v42 =	vadd.s32 s28, v6;
	p1 =	sgt.s32 s9, $0x0;
	s14 =	smin.u32 s14, $0x5F;
	v19 =	vcvt.f32.s32 v19;
	v3 =	vtrunc.f32 v3  }
0x1bc: {  	v43 =	vor.u32 s28, v7;
	s9 =	simm.s32 @!p1 $0x0;
	p1 =	sgt.s32 s19, $0x0;
	s14 =	ssub.s32 s14, s10;
	v11 =	vtrunc.f32 v11;
	v3 =	vcvt.f32.s32 v3  }
0x1bd: {  	vm9 =	vgt.s32 v42, $0x0;
	s9 =	smin.u32 s9, $0x5F;
	s19 =	simm.s32 @!p1 $0x0;
	p1 =	sgt.s32 s8, $0x0;
	v24 =	vcvt.s32.f32 v19;
	v21 =	vcvt.f32.s32 v11  }
0x1be: {  	v1 =	vadd.f32 $-4.375000000e-01, v1;
	v14 =	vtrunc.f32 v14;
	s14 =	smul.u32 $0x60, s14;
	s9 =	ssub.s32 s9, s10;
	s8 =	simm.s32 @!p1 $0x0;
	v20 =	vcvt.s32.f32 v3  }
0x1bf: {  	vm10 =	vlt.s32 v43, $0x5F;
	s9 =	smul.u32 $0x60, s9;
	s8 =	smin.u32 s8, $0x2F;
	v24 =	vmul.f32 $7.812500000e+00, v24;
	v22 =	vcvt.s32.f32 v21  }
0x1c0: {  	s8 =	ssub.s32 s8, s11;
	v1 =	vsub.f32 v1, v2;
	v2 =	vmul.f32 $7.812500000e+00, v20;
	v20 =	vcvt.f32.s32 v14  }
0x1c1: {  	v13 =	vmov s14;
	v12 =	vmov s9;
	s8 =	smul.u32 $0x30, s8;
	vm1 =	vgt.f32 v24, v17  }
0x1c2: {  	v22 =	vmul.f32 $7.812500000e+00, v22;
	vm0 =	vgt.f32 v2, v15;
	v2 =	vcvt.s32.f32 v20  }
0x1c3: {  	v11 =	vmov s8;
	v24 =	vsel vm1, $0xFFFFFFFF, v5;
	v25 =	vsel vm0, $0xFFFFFFFF, v5  }
0x1c4: {  	vm0 =	vgt.f32 v22, v16;
	v3 =	vadd.s32 v3, v25;
	v2 =	vmul.f32 $7.812500000e+00, v2  }
0x1c5: {  	v19 =	vadd.s32 v19, v24;
	v22 =	vsel vm0, $0xFFFFFFFF, v5;
	v25 =	vcvt.s32.f32 v3  }
0x1c6: {  	s20 =	smin.u32 s19, $0x2F;
	v27 =	vsub.f32 $1.000000000e+00, v1;
	v21 =	vadd.s32 v21, v22;
	vm0 =	vgt.f32 v2, v18  }
0x1c7: {  	s14 =	ssub.s32 s20, s11;
	v2 =	vadd.f32 $1.000000000e+00, v25;
	v22 =	vsel vm0, $0xFFFFFFFF, v5;
	v25 =	vcvt.s32.f32 v21  }
0x1c8: {  	s21 =	smul.u32 $0x30, s14;
	v28 =	vmul.f32 v60, v27;
	v27 =	vmul.f32 v61, v27;
	v20 =	vadd.s32 v20, v22  }
0x1c9: {  	v22 =	vcvt.s32.f32 v19;
	v2 =	vmul.f32 $7.812500000e+00, v2;
	v24 =	vadd.f32 $1.000000000e+00, v25  }
0x1ca: {  	v14 =	vmov s21;
	v30 =	vcvt.s32.f32 v20;
	v25 =	vmul.f32 v60, v1  }
0x1cb: {  	vm0 =	vle.f32 v2, v15;
	v2 =	vadd.f32 $1.000000000e+00, v22;
	v22 =	vmul.f32 $7.812500000e+00, v24  }
0x1cc: {  	v30 =	vadd.f32 $1.000000000e+00, v30;
	v24 =	vmul.f32 v61, v1;
	v15 =	vsel vm0, $0x1, v5  }
0x1cd: {  	s24 =	simm.s32 $0x0;
	s22 =	simm.s32 $0x0;
	v1 =	vadd.s32 v15, v3;
	v2 =	vmul.f32 $7.812500000e+00, v2;
	vm1 =	vle.f32 v22, v16  }
0x1ce: {  	s8 =	simm.s32 $0xC;
	v3 =	vmul.f32 $7.812500000e+00, v30;
	v16 =	vor.u32 s22, v7;
	v22 =	vor.u32 s24, v9  }
0x1cf: {  	v30 =	vadd.s32 s8, v6;
	vm0 =	vgt.s32 v1, $0x0;
	v15 =	vsel vm1, $0x1, v5  }
0x1d0: {  	vm4 =	vgt.s32 v30, $0x0;
	v1 =	vnsel vm0, $0x0, v1;
	vm0 =	vle.f32 v2, v17  }
0x1d1: {  	s29 =	simm.s32 $0x4;
	v2 =	vadd.s32 s22, v6;
	vm1 =	vle.f32 v3, v18;
	v18 =	vadd.s32 s24, v8  }
0x1d2: {  	v15 =	vadd.s32 v15, v21;
	v21 =	vadd.s32 s29, v8;
	v1 =	vmin.u32 v1, $0x7F  }
0x1d3: {  	vm2 =	vgt.s32 v2, $0x0;
	v17 =	vsel vm0, $0x1, v5;
	v3 =	vmul.u32 $0x240, v1  }
0x1d4: {  	vm0 =	vgt.s32 v18, $0x0;
	v2 =	vnsel vm2, $0x0, v2;
	vm2 =	vlt.s32 v16, $0x5F  }
0x1d5: {  	v1 =	vmul.u32 $0xC0, v1;
	v16 =	vnsel vm2, $0x5F, v16;
	v2 =	vadd.s32 v2, v3  }
0x1d6: {  	vm2 =	vgt.s32 v21, $0x0;
	v3 =	vadd.s32 v16, v3;
	v16 =	vadd.s32 v13, v2  }
0x1d7: {  	v31 =	vadd.s32 v13, v3;
	v32 =	vadd.s32 v12, v2;
	v2 =	vnsel vm0, $0x0, v18  }
0x1d8: {  	vm0 =	vlt.s32 v22, $0x2F;
	v33 =	vadd.s32 v12, v3;
	v18 =	vadd.s32 s8, v7  }
0x1d9: {  	v2 =	vadd.s32 v2, v1;
	v3 =	vnsel vm0, $0x2F, v22;
	vm0 =	vgt.s32 v15, $0x0  }
0x1da: {  	v22 =	vor.u32 s29, v9;
	v1 =	vor.u32 v3, v1;
	v34 =	vadd.s32 v14, v2  }
0x1db: {  	s9 =	simm.s32 $0x6;
	v3 =	vsel vm1, $0x1, v5;
	v37 =	vadd.s32 v11, v2;
	v2 =	vadd.s32 v17, v19  }
0x1dc: {  	v19 =	vadd.s32 s9, v8;
	vm3 =	vlt.s32 v22, $0x2F;
	v35 =	vadd.s32 v14, v1  }
0x1dd: {  	v38 =	vadd.s32 v11, v1;
	vm1 =	vgt.s32 v2, $0x0;
	v1 =	vadd.s32 v3, v20  }
0x1de: {  	v3 =	vnsel vm0, $0x0, v15;
	v20 =	vadd.s32 s9, v9;
	v2 =	vnsel vm1, $0x0, v2;
	[tilespmem:v16+s2+$0x0] =	vst.idx.add.f32.msk $0xffff, v29  }
0x1df: {  	vm0 =	vgt.s32 v1, $0x0;
	v3 =	vmin.u32 v3, $0x7F;
	vm1 =	vgt.s32 v36, $0x0;
	[tilespmem:v31+s2+$0x0] =	vst.idx.add.f32.msk $0xffff, v26  }
0x1e0: {  	vm5 =	vlt.s32 v20, $0x2F;
	v2 =	vmin.u32 v2, $0x7F;
	v1 =	vnsel vm0, $0x0, v1;
	[tilespmem:v32+s2+$0x0] =	vst.idx.add.f32.msk $0xffff, v23  }
0x1e1: {  	v17 =	vmul.u32 $0x240, v3;
	v16 =	vmul.u32 $0xC0, v3;
	vm0 =	vlt.s32 v18, $0x5F;
	[tilespmem:v33+s2+$0x0] =	vst.idx.add.f32.msk $0xffff, v10  }
0x1e2: {  	v1 =	vmin.u32 v1, $0x7F;
	v15 =	vmul.u32 $0x240, v2;
	v3 =	vmul.u32 $0xC0, v2;
	[tilespmem:v34+s23+$0x0] =	vst.idx.add.f32.msk $0xffff, v28  }
0x1e3: {  	v31 =	vnsel vm1, $0x0, v36;
	vm1 =	vgt.s32 v19, $0x0;
	v36 =	vnsel vm7, $0x0, v40;
	[tilespmem:v35+s23+$0x0] =	vst.idx.add.f32.msk $0xffff, v27  }
0x1e4: {  	p0 =	por !p0, !p0;
	v2 =	vmul.u32 $0x240, v1;
	v1 =	vmul.u32 $0xC0, v1;
	v32 =	vnsel vm8, $0x2F, v41;
	[tilespmem:v37+s23+$0x0] =	vst.idx.add.f32.msk $0xffff, v25  }
0x1e5: {  	s15 =	simm.s32 $0x70;
	s19 =	smov.u32 s30;
	s14 =	simm.s32 $0x0;
	v33 =	vnsel vm9, $0x0, v42;
	v34 =	vnsel vm10, $0x5F, v43;
	v35 =	vnsel vm6, $0x5F, v39;
	[tilespmem:v38+s23+$0x0] =	vst.idx.add.f32.msk $0xffff, v24  }
.LBB2_23:
0x1e6: {  	s20 =	simm.s32 $0x1  }
0x1e7: {  	s21 =	sadd.s32 $0xFFFFFFE0, s15;
	s22 =	sand.u32 $0x70, s15;
	v21 =	vnsel vm2, $0x0, v21;
	v22 =	vnsel vm3, $0x2F, v22;
	v30 =	vnsel vm4, $0x0, v30;
	s20 =	simm.s32 @!p0 $0x0  }
0x1e8: {  	s24 =	sadd.s32 $0xFFFFFFF0, s15;
	v18 =	vnsel vm0, $0x5F, v18;
	v19 =	vnsel vm1, $0x0, v19;
	v20 =	vnsel vm5, $0x2F, v20;
	s19 =	sadd.s32 $0x80, s19;
	s20 =	sshll.u32 s20, $0x6  }
0x1e9: {  	v31 =	vadd.s32 v31, v17;
	v17 =	vadd.s32 v35, v17;
	v35 =	vadd.s32 v36, v16;
	s21 =	sand.u32 $0x50, s21;
	s25 =	sand.u32 $0x7F00, s19;
	s20 =	sadd.s32 s20, s19  }
0x1ea: {  	v16 =	vor.u32 v32, v16;
	v32 =	vadd.s32 v33, v15;
	v15 =	vadd.s32 v34, v15;
	s24 =	sand.u32 $0x60, s24;
	s25 =	sor.u32 $0x18000, s25;
	s20 =	sor.u32 $0x80, s20  }
0x1eb: {  	v21 =	vadd.s32 v21, v3;
	v3 =	vor.u32 v22, v3;
	v22 =	vadd.s32 v30, v2;
	s22 =	sor.u32 s22, s25;
	v33 =	vld [tilespmem:s20+$0x18000];
	s20 =	sor.u32 s21, s25;
	s21 =	sor.u32 s24, s25  }
0x1ec: {  	v2 =	vadd.s32 v18, v2;
	v18 =	vadd.s32 v19, v1;
	v1 =	vor.u32 v20, v1;
	v30 =	vld [tilespmem:s20+$0x80]  }
0x1ed: {  	v20 =	vadd.s32 v13, v31;
	v34 =	vadd.s32 v13, v17;
	v31 =	vadd.s32 v12, v31;
	v19 =	vld [tilespmem:s21+$0x80]  }
0x1ee: {  	s14 =	sadd.s32 $0x4, s14;
	v17 =	vadd.s32 v12, v17;
	v37 =	vadd.s32 v14, v35;
	v38 =	vadd.s32 v14, v16;
	v36 =	vld [tilespmem:s22+$0x80]  }
0x1ef: {  	p1 =	slt.u32 s14, $0x14;
	v35 =	vadd.s32 v11, v35;
	v16 =	vadd.s32 v11, v16;
	v39 =	vadd.s32 v13, v32  }
0x1f0: {  	v41 =	vadd.s32 v13, v15;
	v32 =	vadd.s32 v12, v32;
	v40 =	vmul.f32 $1.280000060e-01, v33  }
0x1f1: {  	v15 =	vadd.s32 v12, v15;
	v43 =	vadd.s32 v14, v21;
	v42 =	vmul.f32 $1.280000060e-01, v30  }
0x1f2: {  	v40 =	vtrunc.f32 v40;
	v44 =	vmul.f32 $1.280000060e-01, v19;
	[tilespmem:v20+s2+$0x0] =	vst.idx.add.f32.msk $0xffff, v29;
	v20 =	vadd.s32 v14, v3  }
0x1f3: {  	v21 =	vadd.s32 v11, v21;
	v40 =	vcvt.f32.s32 v40;
	v45 =	vmul.f32 $1.280000060e-01, v36;
	[tilespmem:v34+s2+$0x0] =	vst.idx.add.f32.msk $0xffff, v26  }
0x1f4: {  	v3 =	vadd.s32 v11, v3;
	v34 =	vtrunc.f32 v42;
	v42 =	vtrunc.f32 v44;
	[tilespmem:v31+s2+$0x0] =	vst.idx.add.f32.msk $0xffff, v23  }
0x1f5: {  	v31 =	vcvt.s32.f32 v40;
	v44 =	vtrunc.f32 v45;
	[tilespmem:v17+s2+$0x0] =	vst.idx.add.f32.msk $0xffff, v10;
	v17 =	vadd.s32 v13, v22  }
0x1f6: {  	v34 =	vcvt.f32.s32 v34;
	v42 =	vcvt.f32.s32 v42;
	[tilespmem:v37+s23+$0x0] =	vst.idx.add.f32.msk $0xffff, v28;
	v37 =	vadd.s32 v13, v2  }
0x1f7: {  	v22 =	vadd.s32 v12, v22;
	v44 =	vcvt.f32.s32 v44;
	v31 =	vmul.f32 $7.812500000e+00, v31;
	[tilespmem:v38+s23+$0x0] =	vst.idx.add.f32.msk $0xffff, v27  }
0x1f8: {  	v2 =	vadd.s32 v12, v2;
	v38 =	vcvt.s32.f32 v34;
	v45 =	vcvt.s32.f32 v42;
	[tilespmem:v35+s23+$0x0] =	vst.idx.add.f32.msk $0xffff, v25  }
0x1f9: {  	vm0 =	vgt.f32 v31, v33;
	v31 =	vcvt.s32.f32 v44;
	[tilespmem:v16+s23+$0x0] =	vst.idx.add.f32.msk $0xffff, v24;
	v16 =	vadd.s32 v14, v18  }
0x1fa: {  	v38 =	vmul.f32 $7.812500000e+00, v38;
	v45 =	vmul.f32 $7.812500000e+00, v45;
	v35 =	vsel vm0, $0xFFFFFFFF, v5;
	[tilespmem:v39+s2+$0x0] =	vst.idx.add.f32.msk $0xffff, v29  }
0x1fb: {  	v39 =	vadd.s32 v14, v1;
	v35 =	vadd.s32 v40, v35;
	v31 =	vmul.f32 $7.812500000e+00, v31;
	[tilespmem:v41+s2+$0x0] =	vst.idx.add.f32.msk $0xffff, v26  }
0x1fc: {  	vm0 =	vgt.f32 v38, v30;
	vm1 =	vgt.f32 v45, v19;
	v40 =	vcvt.s32.f32 v35;
	[tilespmem:v32+s2+$0x0] =	vst.idx.add.f32.msk $0xffff, v23  }
0x1fd: {  	v32 =	vsel vm0, $0xFFFFFFFF, v5;
	v38 =	vsel vm1, $0xFFFFFFFF, v5;
	vm0 =	vgt.f32 v31, v36;
	[tilespmem:v15+s2+$0x0] =	vst.idx.add.f32.msk $0xffff, v10  }
0x1fe: {  	v31 =	vadd.s32 v34, v32;
	v15 =	vadd.f32 $1.000000000e+00, v40;
	v32 =	vsel vm0, $0xFFFFFFFF, v5;
	[tilespmem:v43+s23+$0x0] =	vst.idx.add.f32.msk $0xffff, v28  }
0x1ff: {  	v38 =	vadd.s32 v42, v38;
	v34 =	vcvt.s32.f32 v31;
	v32 =	vadd.s32 v44, v32;
	[tilespmem:v20+s23+$0x0] =	vst.idx.add.f32.msk $0xffff, v27  }
0x200: {  	v18 =	vadd.s32 v11, v18;
	v20 =	vcvt.s32.f32 v38;
	v15 =	vmul.f32 $7.812500000e+00, v15;
	[tilespmem:v21+s23+$0x0] =	vst.idx.add.f32.msk $0xffff, v25  }
0x201: {  	v1 =	vadd.s32 v11, v1;
	v21 =	vadd.f32 $1.000000000e+00, v34;
	v34 =	vcvt.s32.f32 v32;
	[tilespmem:v3+s23+$0x0] =	vst.idx.add.f32.msk $0xffff, v24  }
0x202: {  	v3 =	vadd.f32 $1.000000000e+00, v20;
	vm0 =	vle.f32 v15, v33;
	[tilespmem:v17+s2+$0x0] =	vst.idx.add.f32.msk $0xffff, v29  }
0x203: {  	v17 =	vmul.f32 $7.812500000e+00, v21;
	v20 =	vadd.f32 $1.000000000e+00, v34;
	v15 =	vsel vm0, $0x1, v5;
	[tilespmem:v37+s2+$0x0] =	vst.idx.add.f32.msk $0xffff, v26  }
0x204: {  	v3 =	vmul.f32 $7.812500000e+00, v3;
	v15 =	vadd.s32 v15, v35;
	[tilespmem:v22+s2+$0x0] =	vst.idx.add.f32.msk $0xffff, v23  }
0x205: {  	s8 =	sadd.s32 $0x10, s8;
	vm1 =	vle.f32 v17, v30;
	v17 =	vmul.f32 $7.812500000e+00, v20;
	vm0 =	vgt.s32 v15, $0x0;
	[tilespmem:v2+s2+$0x0] =	vst.idx.add.f32.msk $0xffff, v10  }
0x206: {  	s20 =	sadd.s32 $0xFFFFFFFC, s8;
	s21 =	sadd.s32 $0xFFFFFFF8, s8;
	s22 =	sadd.s32 $0xFFFFFFF4, s8;
	v2 =	vnsel vm0, $0x0, v15;
	v15 =	vsel vm1, $0x1, v5;
	vm1 =	vle.f32 v3, v19;
	[tilespmem:v16+s23+$0x0] =	vst.idx.add.f32.msk $0xffff, v28  }
0x207: {  	v3 =	vadd.s32 s22, v6;
	vm0 =	vle.f32 v17, v36;
	v2 =	vmin.u32 v2, $0x7F;
	[tilespmem:v39+s23+$0x0] =	vst.idx.add.f32.msk $0xffff, v27  }
0x208: {  	s9 =	sadd.s32 $0x8, s9;
	v17 =	vor.u32 s22, v7;
	vm2 =	vgt.s32 v3, $0x0;
	v16 =	vmul.u32 $0x240, v2;
	[tilespmem:v18+s23+$0x0] =	vst.idx.add.f32.msk $0xffff, v25  }
0x209: {  	s24 =	sadd.s32 $0xFFFFFFFA, s9;
	s25 =	sadd.s32 $0xFFFFFFFC, s9;
	s22 =	sadd.s32 $0xFFFFFFFE, s9;
	v3 =	vnsel vm2, $0x0, v3;
	vm2 =	vlt.s32 v17, $0x5F;
	v18 =	vsel vm1, $0x1, v5;
	[tilespmem:v1+s23+$0x0] =	vst.idx.add.f32.msk $0xffff, v24  }
0x20a: {  	v1 =	vadd.s32 v3, v16;
	v3 =	vnsel vm2, $0x5F, v17;
	v17 =	vadd.s32 s24, v8  }
0x20b: {  	v19 =	vor.u32 s24, v9;
	v3 =	vadd.s32 v3, v16;
	v16 =	vadd.s32 v13, v1  }
0x20c: {  	v2 =	vmul.u32 $0xC0, v2;
	vm1 =	vgt.s32 v17, $0x0;
	v20 =	vadd.s32 v13, v3  }
0x20d: {  	v1 =	vadd.s32 v12, v1;
	v17 =	vnsel vm1, $0x0, v17;
	vm1 =	vlt.s32 v19, $0x2F  }
0x20e: {  	v3 =	vadd.s32 v12, v3;
	v17 =	vadd.s32 v17, v2;
	v19 =	vnsel vm1, $0x2F, v19  }
0x20f: {  	v21 =	vsel vm0, $0x1, v5;
	v2 =	vor.u32 v19, v2;
	v19 =	vadd.s32 v14, v17  }
0x210: {  	v15 =	vadd.s32 v15, v31;
	v31 =	vadd.s32 s21, v6;
	[tilespmem:v16+s2+$0x0] =	vst.idx.add.f32.msk $0xffff, v29;
	v16 =	vadd.s32 v14, v2  }
0x211: {  	vm0 =	vgt.s32 v15, $0x0;
	v18 =	vadd.s32 v18, v38;
	v17 =	vadd.s32 v11, v17;
	[tilespmem:v20+s2+$0x0] =	vst.idx.add.f32.msk $0xffff, v26  }
0x212: {  	vm1 =	vgt.s32 v18, $0x0;
	[tilespmem:v1+s2+$0x0] =	vst.idx.add.f32.msk $0xffff, v23;
	v1 =	vadd.s32 v11, v2;
	v2 =	vadd.s32 v21, v32  }
0x213: {  	[tilespmem:v3+s2+$0x0] =	vst.idx.add.f32.msk $0xffff, v10;
	v3 =	vnsel vm0, $0x0, v15;
	v15 =	vnsel vm1, $0x0, v18;
	vm0 =	vgt.s32 v2, $0x0  }
0x214: {  	[tilespmem:v19+s23+$0x0] =	vst.idx.add.f32.msk $0xffff, v28;
	v3 =	vmin.u32 v3, $0x7F;
	v32 =	vmin.u32 v15, $0x7F;
	v2 =	vnsel vm0, $0x0, v2  }
0x215: {  	v33 =	vadd.s32 s21, v7;
	v34 =	vadd.s32 s25, v8;
	[tilespmem:v16+s23+$0x0] =	vst.idx.add.f32.msk $0xffff, v27;
	v35 =	vmin.u32 v2, $0x7F  }
0x216: {  	v37 =	vadd.s32 s25, v9;
	v39 =	vor.u32 s20, v7;
	v38 =	vadd.s32 s20, v6;
	[tilespmem:v17+s23+$0x0] =	vst.idx.add.f32.msk $0xffff, v25  }
0x217: {  	v30 =	vadd.s32 s8, v6;
	v22 =	vor.u32 s22, v9;
	v21 =	vadd.s32 s22, v8;
	[tilespmem:v1+s23+$0x0] =	vst.idx.add.f32.msk $0xffff, v24  }
0x218: {  	v20 =	vadd.s32 s9, v9;
	v18 =	vadd.s32 s8, v7;
	v19 =	vadd.s32 s9, v8  }
0x219: {  	v16 =	vmul.u32 $0xC0, v3;
	v15 =	vmul.u32 $0x240, v32;
	v17 =	vmul.u32 $0x240, v3  }
0x21a: {  	v3 =	vmul.u32 $0xC0, v32;
	v2 =	vmul.u32 $0x240, v35;
	v1 =	vmul.u32 $0xC0, v35  }
0x21b: {  	vm7 =	vlt.s32 v33, $0x5F;
	vm8 =	vgt.s32 v34, $0x0;
	vm6 =	vgt.s32 v31, $0x0  }
.Ltmp10:
0x21c: {  	vm9 =	vlt.s32 v37, $0x2F;
	vm11 =	vlt.s32 v39, $0x5F;
	vm10 =	vgt.s32 v38, $0x0;
	(pc) =	sbr.rel @p1 .LBB2_23-.Ltmp10, $4  }
0x21d: {  	vm4 =	vgt.s32 v30, $0x0;
	vm3 =	vlt.s32 v22, $0x2F;
	vm2 =	vgt.s32 v21, $0x0  }
0x21e: {  	vm5 =	vlt.s32 v20, $0x2F;
	vm0 =	vlt.s32 v18, $0x5F;
	vm1 =	vgt.s32 v19, $0x0  }
0x21f: {  	v36 =	vnsel vm8, $0x0, v34;
	v31 =	vnsel vm6, $0x0, v31;
	v35 =	vnsel vm7, $0x5F, v33  }
0x220: {  	s15 =	sadd.s32 $0x40, s15;
	p0 =	por !p0, !p0;
	v34 =	vnsel vm11, $0x5F, v39;
	v32 =	vnsel vm9, $0x2F, v37;
	v33 =	vnsel vm10, $0x0, v38  }
0x221: {  	s1 =	sor.u32 $0x1, s1  }
0x222: {  	v21 =	vnsel vm2, $0x0, v21;
	v22 =	vnsel vm3, $0x2F, v22;
	v30 =	vnsel vm4, $0x0, v30;
	s8 =	sshll.u32 s1, $0x1  }
0x223: {  	v18 =	vnsel vm0, $0x5F, v18;
	v19 =	vnsel vm1, $0x0, v19;
	v31 =	vadd.s32 v31, v17;
	s9 =	sadd.s32 $0x5, s8  }
0x224: {  	v17 =	vadd.s32 v35, v17;
	v36 =	vadd.s32 v36, v16;
	v16 =	vor.u32 v32, v16;
	s14 =	sshra.s32 s9, $0x1F  }
0x225: {  	v63 =	vadd.s32 v33, v15;
	v15 =	vadd.s32 v34, v15;
	v21 =	vadd.s32 v21, v3;
	s8 =	sadd.s32 $0x9, s8;
	s14 =	sshrl.u32 s14, $0x1D  }
0x226: {  	v3 =	vor.u32 v22, v3;
	v22 =	vadd.s32 v30, v2;
	v2 =	vadd.s32 v18, v2;
	s28 =	sshra.s32 s8, $0x1F;
	s9 =	sadd.s32 s14, s9  }
0x227: {  	v18 =	vadd.s32 v19, v1;
	v53 =	vadd.s32 v13, v17;
	v4 =	vadd.s32 v14, v36;
	s14 =	sshrl.u32 s28, $0x1C;
	s9 =	sshra.s32 s9, $0x3  }
0x228: {  	s29 =	sadd.s32 $0x300, s30;
	v38 =	vadd.s32 v12, v17;
	v17 =	vmov s1;
	[tilespmem:$0x1FF10] =	vst v4;
	v4 =	vadd.s32 v14, v16;
	s8 =	sadd.s32 s14, s8;
	s1 =	sadd.s32 $0xFFFFFFFF, s9  }
0x229: {  	s19 =	simm.s32 $0x1;
	v56 =	vadd.s32 v13, v2;
	v49 =	vadd.s32 v12, v2;
	v2 =	vadd.s32 v11, v18;
	[tilespmem:$0x1FF30] =	vst v4;
	s8 =	sshra.s32 s8, $0x4;
	p0 =	sgt.s32 s1, $0x0  }
0x22a: {  	v52 =	vadd.s32 v13, v15;
	v4 =	vadd.s32 v11, v36;
	[tilespmem:$0x1FF80] =	vst v2;
	v19 =	vmov s1;
	s14 =	sadd.s32 $0xFFFFFFFF, s8;
	s1 =	simm.s32 @!p0 $0x0;
	p0 =	sgt.s32 s9, $0x0  }
0x22b: {  	s20 =	simm.s32 $0x10;
	v43 =	vadd.s32 v12, v15;
	v17 =	vcvt.s32.f32 v17;
	[tilespmem:$0x1FF50] =	vst v4;
	v4 =	vadd.s32 v11, v16;
	s9 =	simm.s32 @!p0 $0x0;
	p0 =	sgt.s32 s14, $0x0  }
0x22c: {  	[tilespmem:$0x1FF60] =	vst v4;
	v4 =	vadd.s32 v14, v21;
	v15 =	vcvt.s32.f32 v19;
	v19 =	vmov s14;
	s1 =	smin.u32 s1, $0x5F;
	s14 =	simm.s32 @!p0 $0x0;
	p0 =	sgt.s32 s8, $0x0  }
0x22d: {  	v20 =	vnsel vm5, $0x2F, v20;
	v16 =	vbroadcast v17, $0x0;
	[tilespmem:$0x1FF20] =	vst v4;
	v4 =	vadd.s32 v14, v3;
	s1 =	ssub.s32 s1, s10;
	s8 =	simm.s32 @!p0 $0x0;
	p0 =	por $0x0, $0x0  }
0x22e: {  	v1 =	vor.u32 v20, v1;
	v3 =	vadd.s32 v11, v3;
	[tilespmem:$0x1FF40] =	vst v4;
	s15 =	smul.u32 $0x60, s1;
	s1 =	sand.u32 $0x7F00, s29;
	s19 =	simm.s32 @!p0 $0x0  }
0x22f: {  	v54 =	vadd.s32 v13, v31;
	s20 =	sand.u32 $0x50, s20;
	v17 =	vmul.f32 $2.500000000e-01, v16;
	v4 =	vadd.s32 v11, v21;
	[tilespmem:$0x1FF90] =	vst v3;
	s1 =	sor.u32 $0x18000, s1;
	s19 =	sshll.u32 s19, $0x6  }
0x230: {  	v44 =	vadd.s32 v14, v1;
	v1 =	vadd.s32 v11, v1;
	v16 =	vmul.f32 $1.250000000e-01, v16;
	[tilespmem:$0x1FF70] =	vst v4;
	s20 =	sor.u32 s20, s1;
	s19 =	sadd.s32 s19, s31  }
0x231: {  	v3 =	vbroadcast v15, $0x0;
	v15 =	vadd.f32 $-3.750000000e-01, v17;
	v17 =	vcvt.s32.f32 v19;
	v37 =	vld [tilespmem:s20+$0x80];
	[tilespmem:$0x1FFA0] =	vst v1;
	s22 =	sor.u32 $0x80, s19  }
0x232: {  	v42 =	vadd.s32 v12, v31;
	v55 =	vadd.s32 v13, v63;
	v58 =	vadd.s32 v13, v22;
	v31 =	vld [tilespmem:s22+$0x18000]  }
0x233: {  	v3 =	vsub.f32 v15, v3;
	v13 =	vbroadcast v17, $0x0;
	v15 =	vadd.f32 $-4.375000000e-01, v16;
	_ =	sdelay $0x1  }
0x234: {  	v48 =	vadd.s32 v14, v18;
	v21 =	vsub.f32 v15, v13;
	v13 =	vmul.f32 v57, v3  }
0x235: {  	v2 =	vsub.f32 $1.000000000e+00, v3;
	v14 =	vmul.f32 v59, v3;
	v3 =	vmul.f32 $1.280000060e-01, v37  }
0x236: {  	v46 =	vadd.s32 v12, v63;
	v50 =	vmul.f32 $1.280000060e-01, v31  }
0x237: {  	v51 =	vadd.s32 v12, v22;
	v12 =	vmul.f32 v57, v2;
	v3 =	vtrunc.f32 v3  }
0x238: {  	s29 =	simm.s32 $0x4;
	v4 =	vcvt.f32.s32 v3;
	v50 =	vtrunc.f32 v50  }
0x239: {  	v35 =	vadd.s32 s29, v6;
	v11 =	vmul.f32 v59, v2;
	v50 =	vcvt.f32.s32 v50  }
0x23a: {  	v1 =	vsub.f32 $1.000000000e+00, v21;
	v18 =	vmul.f32 v60, v21;
	v39 =	vcvt.s32.f32 v4  }
0x23b: {  	vm1 =	vgt.s32 v35, $0x0;
	s19 =	simm.s32 $0x2;
	v21 =	vmul.f32 v61, v21;
	v2 =	vcvt.s32.f32 v50  }
0x23c: {  	v63 =	vadd.s32 s19, v8;
	v17 =	vmul.f32 v61, v1;
	v61 =	vmul.f32 $7.812500000e+00, v39  }
0x23d: {  	v57 =	vnsel vm1, $0x0, v35;
	vm1 =	vgt.s32 v63, $0x0;
	v2 =	vmul.f32 $7.812500000e+00, v2  }
0x23e: {  	v34 =	vnsel vm1, $0x0, v63;
	vm1 =	vgt.f32 v61, v37  }
0x23f: {  	v61 =	vsel vm1, $0xFFFFFFFF, v5;
	vm1 =	vgt.f32 v2, v31  }
0x240: {  	v40 =	vsel vm1, $0xFFFFFFFF, v5  }
0x241: {  	v50 =	vadd.s32 v50, v40  }
0x242: {  	v2 =	vcvt.s32.f32 v50  }
0x243: {  	s14 =	smin.u32 s14, $0x2F  }
0x244: {  	s9 =	smin.u32 s9, $0x5F;
	s14 =	ssub.s32 s14, s11;
	v2 =	vadd.f32 $1.000000000e+00, v2  }
0x245: {  	s9 =	ssub.s32 s9, s10;
	s8 =	smin.u32 s8, $0x2F;
	s21 =	smul.u32 $0x30, s14  }
0x246: {  	s24 =	simm.s32 $0x0;
	s9 =	smul.u32 $0x60, s9;
	s8 =	ssub.s32 s8, s11;
	v2 =	vmul.f32 $7.812500000e+00, v2  }
0x247: {  	s25 =	simm.s32 $0x20;
	s8 =	smul.u32 $0x30, s8;
	v22 =	vmov s21;
	s21 =	simm.s32 $0x4  }
0x248: {  	v30 =	vadd.s32 s24, v6;
	s28 =	sand.u32 $0x60, s25;
	s20 =	simm.s32 $0x30;
	vm10 =	vle.f32 v2, v31;
	v31 =	vor.u32 s21, v9  }
0x249: {  	v15 =	vmov s9;
	s9 =	sand.u32 $0x70, s20;
	v20 =	vmov s8;
	s8 =	sor.u32 s28, s1;
	vm11 =	vlt.s32 v31, $0x2F  }
0x24a: {  	vm0 =	vgt.s32 v30, $0x0;
	s1 =	sor.u32 s9, s1;
	v59 =	vld [tilespmem:s8+$0x80];
	v31 =	vnsel vm11, $0x2F, v31  }
0x24b: {  	v35 =	vnsel vm0, $0x0, v30;
	v30 =	vld [tilespmem:s1+$0x80];
	[tilespmem:$0x1FFB0] =	vst v31  }
0x24c: {  	[tilespmem:v54+s2+$0x0] =	vst.idx.add.f32.msk $0xffff, v29  }
0x24d: {  	[tilespmem:v55+s2+$0x0] =	vst.idx.add.f32.msk $0xffff, v29  }
0x24e: {  	[tilespmem:v58+s2+$0x0] =	vst.idx.add.f32.msk $0xffff, v29  }
0x24f: {  	[tilespmem:v53+s2+$0x0] =	vst.idx.add.f32.msk $0xffff, v26  }
0x250: {  	[tilespmem:v52+s2+$0x0] =	vst.idx.add.f32.msk $0xffff, v26  }
0x251: {  	[tilespmem:v56+s2+$0x0] =	vst.idx.add.f32.msk $0xffff, v26  }
0x252: {  	[tilespmem:v42+s2+$0x0] =	vst.idx.add.f32.msk $0xffff, v23  }
0x253: {  	[tilespmem:v46+s2+$0x0] =	vst.idx.add.f32.msk $0xffff, v23  }
0x254: {  	[tilespmem:v51+s2+$0x0] =	vst.idx.add.f32.msk $0xffff, v23  }
0x255: {  	[tilespmem:v38+s2+$0x0] =	vst.idx.add.f32.msk $0xffff, v10  }
0x256: {  	[tilespmem:v43+s2+$0x0] =	vst.idx.add.f32.msk $0xffff, v10  }
0x257: {  	[tilespmem:v49+s2+$0x0] =	vst.idx.add.f32.msk $0xffff, v10  }
0x258: {  	v10 =	vld [tilespmem:$0x1FF10];
	_ =	sdelay $0x7  }
0x259: {  	[tilespmem:v10+s23+$0x0] =	vst.idx.add.f32.msk $0xffff, v28  }
0x25a: {  	v10 =	vld [tilespmem:$0x1FF20];
	_ =	sdelay $0x6  }
0x25b: {  	[tilespmem:v48+s23+$0x0] =	vst.idx.add.f32.msk $0xffff, v28  }
0x25c: {  	[tilespmem:v10+s23+$0x0] =	vst.idx.add.f32.msk $0xffff, v28  }
0x25d: {  	v48 =	vld [tilespmem:$0x1FF30];
	_ =	sdelay $0x7  }
0x25e: {  	[tilespmem:v48+s23+$0x0] =	vst.idx.add.f32.msk $0xffff, v27  }
0x25f: {  	v48 =	vld [tilespmem:$0x1FF40]  }
0x260: {  	v3 =	vmul.f32 $1.280000060e-01, v59  }
0x261: {  	v36 =	vadd.s32 s29, v7  }
0x262: {  	vm2 =	vlt.s32 v36, $0x5F;
	v16 =	vmul.f32 v60, v1;
	v3 =	vtrunc.f32 v3  }
0x263: {  	v1 =	vadd.s32 s19, v9;
	v3 =	vcvt.f32.s32 v3;
	v4 =	vadd.s32 v4, v61  }
0x264: {  	v60 =	vnsel vm2, $0x5F, v36;
	vm2 =	vlt.s32 v1, $0x2F;
	v41 =	vcvt.s32.f32 v4  }
0x265: {  	v32 =	vnsel vm2, $0x2F, v1;
	v1 =	vcvt.s32.f32 v3  }
0x266: {  	s26 =	simm.s32 $0x0;
	v63 =	vadd.f32 $1.000000000e+00, v41;
	[tilespmem:v44+s23+$0x0] =	vst.idx.add.f32.msk $0xffff, v27  }
0x267: {  	v47 =	vadd.s32 s26, v8;
	v1 =	vmul.f32 $7.812500000e+00, v1;
	[tilespmem:v48+s23+$0x0] =	vst.idx.add.f32.msk $0xffff, v27  }
0x268: {  	vm1 =	vgt.s32 v47, $0x0;
	v63 =	vmul.f32 $7.812500000e+00, v63;
	v44 =	vld [tilespmem:$0x1FF50]  }
0x269: {  	v36 =	vnsel vm1, $0x0, v47;
	vm1 =	vgt.f32 v1, v59  }
0x26a: {  	vm3 =	vle.f32 v63, v37;
	v63 =	vsel vm1, $0xFFFFFFFF, v5  }
0x26b: {  	v3 =	vadd.s32 v3, v63  }
0x26c: {  	v45 =	vor.u32 s24, v7;
	v37 =	vcvt.s32.f32 v3  }
0x26d: {  	v19 =	vmov s15;
	s15 =	simm.s32 $0x8;
	v1 =	vmul.f32 $1.280000060e-01, v30;
	v2 =	vsel vm3, $0x1, v5  }
0x26e: {  	v62 =	vor.u32 s15, v7;
	v2 =	vadd.s32 v2, v4;
	v4 =	vadd.f32 $1.000000000e+00, v37  }
0x26f: {  	v33 =	vor.u32 s26, v9;
	vm12 =	vlt.s32 v62, $0x5F;
	v1 =	vtrunc.f32 v1  }
0x270: {  	vm2 =	vlt.s32 v45, $0x5F;
	v1 =	vcvt.f32.s32 v1;
	v4 =	vmul.f32 $7.812500000e+00, v4;
	[tilespmem:v44+s23+$0x0] =	vst.idx.add.f32.msk $0xffff, v25  }
0x271: {  	v45 =	vnsel vm2, $0x5F, v45;
	v61 =	vadd.s32 s21, v8;
	vm6 =	vgt.s32 v2, $0x0;
	v44 =	vld [tilespmem:$0x1FF60]  }
0x272: {  	v2 =	vnsel vm6, $0x0, v2;
	vm2 =	vle.f32 v4, v59;
	v59 =	vcvt.s32.f32 v1  }
0x273: {  	v47 =	vadd.s32 s15, v6;
	v41 =	vnsel vm12, $0x5F, v62;
	v2 =	vmin.u32 v2, $0x7F  }
0x274: {  	vm3 =	vgt.s32 v61, $0x0;
	v31 =	vmul.u32 $0x240, v2;
	v37 =	vmul.f32 $7.812500000e+00, v59  }
0x275: {  	v61 =	vnsel vm3, $0x0, v61;
	v2 =	vmul.u32 $0xC0, v2;
	v4 =	vsel vm10, $0x1, v5  }
0x276: {  	v57 =	vadd.s32 v57, v31;
	v60 =	vadd.s32 v60, v31;
	vm3 =	vgt.f32 v37, v30  }
0x277: {  	v39 =	vadd.s32 v19, v57;
	v62 =	vadd.s32 v15, v57;
	v57 =	vsel vm3, $0xFFFFFFFF, v5  }
0x278: {  	v50 =	vadd.s32 v4, v50;
	v37 =	vsel vm2, $0x1, v5;
	v4 =	vadd.s32 v1, v57  }
0x279: {  	v32 =	vor.u32 v32, v2;
	v57 =	vadd.s32 v37, v3;
	v37 =	vcvt.s32.f32 v4;
	[tilespmem:v44+s23+$0x0] =	vst.idx.add.f32.msk $0xffff, v24  }
0x27a: {  	v2 =	vadd.s32 v34, v2;
	v63 =	vadd.s32 v19, v60;
	v40 =	vadd.s32 v15, v60;
	v44 =	vld [tilespmem:$0x1FF70]  }
0x27b: {  	s26 =	simm.s32 $0x50;
	p0 =	por !p0, !p0;
	s8 =	sadd.s32 $0x80, s30;
	v60 =	vadd.s32 v22, v32;
	v59 =	vadd.s32 v20, v32;
	v32 =	vadd.f32 $1.000000000e+00, v37  }
0x27c: {  	s29 =	simm.s32 $0x14;
	s25 =	sadd.s32 $0x300, s8;
	s15 =	simm.s32 $0x1;
	vm1 =	vgt.s32 v47, $0x0;
	vm13 =	vgt.s32 v50, $0x0;
	v54 =	vadd.s32 v22, v2  }
0x27d: {  	s9 =	sadd.s32 $0x80, s31;
	s14 =	sand.u32 $0x7F00, s25;
	s15 =	simm.s32 @!p0 $0x0;
	v53 =	vadd.s32 v20, v2;
	v50 =	vnsel vm13, $0x0, v50;
	v2 =	vmul.f32 $7.812500000e+00, v32  }
0x27e: {  	vm0 =	vlt.s32 v33, $0x2F;
	s19 =	sand.u32 $0x50, s26;
	s1 =	sor.u32 $0x18000, s14;
	s15 =	sshll.u32 s15, $0x6;
	v3 =	vmin.u32 v50, $0x7F;
	v50 =	vnsel vm1, $0x0, v47  }
0x27f: {  	s14 =	sor.u32 s19, s1;
	s20 =	sadd.s32 s15, s9;
	v47 =	vmul.u32 $0xC0, v3;
	vm2 =	vle.f32 v2, v30;
	v2 =	vadd.s32 s29, v6  }
0x280: {  	s22 =	simm.s32 $0x6;
	v33 =	vnsel vm0, $0x2F, v33;
	v55 =	vld [tilespmem:s14+$0x80];
	s14 =	sor.u32 $0x80, s20;
	vm14 =	vgt.s32 v2, $0x0  }
0x281: {  	s28 =	simm.s32 $0x10;
	v52 =	vadd.s32 s22, v8;
	v42 =	vor.u32 v33, v47;
	v33 =	vnsel vm14, $0x0, v2;
	v2 =	vld [tilespmem:s14+$0x18000]  }
0x282: {  	v56 =	vor.u32 s28, v7;
	vm1 =	vgt.s32 v52, $0x0;
	[tilespmem:v44+s23+$0x0] =	vst.idx.add.f32.msk $0xffff, v25  }
0x283: {  	s21 =	simm.s32 $0x8;
	v26 =	vadd.s32 s29, v7;
	v34 =	vmul.u32 $0x240, v3;
	v48 =	vnsel vm1, $0x0, v52;
	v52 =	vld [tilespmem:$0x1FF80]  }
0x284: {  	vm15 =	vlt.s32 v26, $0x5F;
	vm11 =	vlt.s32 v56, $0x5F;
	v3 =	vadd.s32 s21, v8  }
0x285: {  	s24 =	simm.s32 $0xC;
	v31 =	vadd.s32 v35, v34;
	v35 =	vadd.s32 s22, v9;
	v34 =	vadd.s32 v45, v34  }
0x286: {  	v45 =	vadd.s32 s24, v6;
	v36 =	vadd.s32 v36, v47;
	s22 =	simm.s32 $0xA;
	v47 =	vnsel vm15, $0x5F, v26  }
0x287: {  	v26 =	vmul.f32 $1.280000060e-01, v55;
	v58 =	vadd.s32 v22, v42;
	v23 =	vadd.s32 s22, v8  }
0x288: {  	v51 =	vadd.s32 v20, v42;
	vm9 =	vgt.s32 v23, $0x0;
	v1 =	vmul.f32 $1.280000060e-01, v2  }
0x289: {  	v46 =	vnsel vm9, $0x0, v23;
	v23 =	vtrunc.f32 v26;
	v30 =	vadd.s32 s28, v6  }
0x28a: {  	v23 =	vcvt.f32.s32 v23;
	vm3 =	vgt.s32 v30, $0x0;
	v1 =	vtrunc.f32 v1  }
0x28b: {  	v42 =	vnsel vm3, $0x0, v30;
	vm3 =	vgt.s32 v3, $0x0;
	v1 =	vcvt.f32.s32 v1;
	[tilespmem:v52+s23+$0x0] =	vst.idx.add.f32.msk $0xffff, v25  }
0x28c: {  	v32 =	vadd.s32 s24, v7;
	s24 =	simm.s32 $0x60;
	v26 =	vnsel vm3, $0x0, v3;
	v3 =	vcvt.s32.f32 v23;
	v52 =	vld [tilespmem:$0x1FF90]  }
0x28d: {  	v29 =	vadd.s32 v22, v36;
	s19 =	sand.u32 $0x60, s24;
	v28 =	vadd.s32 v20, v36;
	v36 =	vcvt.s32.f32 v1  }
0x28e: {  	v43 =	vor.u32 s21, v9;
	vm0 =	vgt.s32 v57, $0x0;
	s25 =	sor.u32 s19, s1;
	v3 =	vmul.f32 $7.812500000e+00, v3  }
0x28f: {  	v37 =	vadd.s32 v19, v34;
	v34 =	vadd.s32 v15, v34;
	v30 =	vld [tilespmem:s25+$0x80];
	v27 =	vmul.f32 $7.812500000e+00, v36  }
0x290: {  	vm8 =	vlt.s32 v35, $0x2F;
	s29 =	simm.s32 $0x70;
	v10 =	vsel vm2, $0x1, v5;
	vm2 =	vgt.f32 v3, v55  }
0x291: {  	v38 =	vadd.s32 s22, v9;
	s19 =	sand.u32 $0x70, s29;
	vm3 =	vgt.f32 v27, v2;
	v27 =	vsel vm2, $0xFFFFFFFF, v5  }
0x292: {  	s26 =	simm.s32 $0x18;
	vm10 =	vlt.s32 v38, $0x2F;
	s1 =	sor.u32 s19, s1;
	v27 =	vadd.s32 v23, v27;
	v23 =	vsel vm3, $0xFFFFFFFF, v5  }
0x293: {  	v49 =	vnsel vm10, $0x2F, v38;
	v38 =	vor.u32 s26, v7;
	v1 =	vadd.s32 v1, v23;
	v23 =	vld [tilespmem:s1+$0x80]  }
0x294: {  	s28 =	simm.s32 $0xC;
	v4 =	vadd.s32 v10, v4;
	v10 =	vmul.f32 $1.280000060e-01, v30;
	v25 =	vcvt.s32.f32 v27;
	[tilespmem:v52+s23+$0x0] =	vst.idx.add.f32.msk $0xffff, v24  }
0x295: {  	v35 =	vnsel vm8, $0x2F, v35;
	vm13 =	vlt.s32 v38, $0x5F;
	v3 =	vadd.s32 s28, v8;
	v52 =	vld [tilespmem:$0x1FFA0]  }
0x296: {  	v10 =	vtrunc.f32 v10;
	vm1 =	vgt.s32 v45, $0x0;
	v25 =	vadd.f32 $1.000000000e+00, v25;
	[tilespmem:v39+s2+$0x0] =	vst.idx.add.f32.msk $0xffff, v12  }
0x297: {  	v10 =	vcvt.f32.s32 v10;
	v36 =	vnsel vm1, $0x0, v45;
	vm1 =	vlt.s32 v43, $0x2F;
	[tilespmem:v63+s2+$0x0] =	vst.idx.add.f32.msk $0xffff, v11  }
0x298: {  	v45 =	vadd.s32 s26, v6;
	vm2 =	vgt.s32 v4, $0x0;
	v25 =	vmul.f32 $7.812500000e+00, v25;
	[tilespmem:v62+s2+$0x0] =	vst.idx.add.f32.msk $0xffff, v13  }
0x299: {  	v4 =	vnsel vm2, $0x0, v4;
	vm2 =	vlt.s32 v32, $0x5F;
	v44 =	vcvt.s32.f32 v10;
	[tilespmem:v40+s2+$0x0] =	vst.idx.add.f32.msk $0xffff, v14  }
0x29a: {  	vm3 =	vgt.s32 v3, $0x0;
	vm12 =	vle.f32 v25, v55;
	v25 =	vmul.f32 $1.280000060e-01, v23;
	[tilespmem:v54+s23+$0x0] =	vst.idx.add.f32.msk $0xffff, v16  }
0x29b: {  	v4 =	vmin.u32 v4, $0x7F;
	v44 =	vmul.f32 $7.812500000e+00, v44;
	[tilespmem:v60+s23+$0x0] =	vst.idx.add.f32.msk $0xffff, v17;
	v60 =	vsel vm12, $0x1, v5  }
0x29c: {  	v25 =	vtrunc.f32 v25;
	v39 =	vadd.s32 v15, v31;
	v27 =	vadd.s32 v60, v27  }
0x29d: {  	v63 =	vcvt.s32.f32 v1;
	vm14 =	vgt.s32 v27, $0x0;
	[tilespmem:v52+s23+$0x0] =	vst.idx.add.f32.msk $0xffff, v24;
	v24 =	vnsel vm2, $0x5F, v32  }
0x29e: {  	vm2 =	vgt.f32 v44, v30;
	v52 =	vmul.u32 $0x240, v4;
	v44 =	vadd.s32 v19, v31  }
0x29f: {  	v4 =	vmul.u32 $0xC0, v4;
	v32 =	vadd.f32 $1.000000000e+00, v63;
	v27 =	vnsel vm14, $0x0, v27  }
0x2a0: {  	v55 =	vsel vm2, $0xFFFFFFFF, v5;
	v31 =	vadd.s32 v36, v52;
	v24 =	vadd.s32 v24, v52  }
0x2a1: {  	v36 =	vadd.s32 v10, v55;
	v10 =	vor.u32 s28, v9;
	v40 =	vadd.s32 v48, v4  }
0x2a2: {  	v4 =	vor.u32 v35, v4;
	v32 =	vmul.f32 $7.812500000e+00, v32;
	v52 =	vcvt.f32.s32 v25  }
0x2a3: {  	[tilespmem:v53+s23+$0x0] =	vst.idx.add.f32.msk $0xffff, v18;
	vm2 =	vlt.s32 v10, $0x2F;
	v35 =	vadd.s32 v19, v31;
	v48 =	vadd.s32 v15, v31  }
0x2a4: {  	[tilespmem:v59+s23+$0x0] =	vst.idx.add.f32.msk $0xffff, v21;
	v31 =	vnsel vm11, $0x5F, v56;
	v56 =	vcvt.s32.f32 v36;
	v62 =	vadd.s32 v19, v24  }
0x2a5: {  	v63 =	vadd.s32 v15, v24;
	v10 =	vnsel vm2, $0x2F, v10;
	vm2 =	vgt.s32 v45, $0x0;
	[tilespmem:v44+s2+$0x0] =	vst.idx.add.f32.msk $0xffff, v12  }
0x2a6: {  	v24 =	vadd.f32 $1.000000000e+00, v56;
	v56 =	vnsel vm0, $0x0, v57;
	vm0 =	vle.f32 v32, v2;
	[tilespmem:v37+s2+$0x0] =	vst.idx.add.f32.msk $0xffff, v11  }
0x2a7: {  	v2 =	vmin.u32 v27, $0x7F;
	v32 =	vadd.s32 v20, v4;
	v57 =	vadd.s32 v20, v40;
	[tilespmem:v39+s2+$0x0] =	vst.idx.add.f32.msk $0xffff, v13  }
0x2a8: {  	v40 =	vadd.s32 v22, v40;
	v4 =	vadd.s32 v22, v4;
	v24 =	vmul.f32 $7.812500000e+00, v24;
	[tilespmem:v34+s2+$0x0] =	vst.idx.add.f32.msk $0xffff, v14  }
0x2a9: {  	v25 =	vmin.u32 v56, $0x7F;
	v27 =	vmul.u32 $0x240, v2;
	v2 =	vmul.u32 $0xC0, v2;
	[tilespmem:v35+s2+$0x0] =	vst.idx.add.f32.msk $0xffff, v12  }
0x2aa: {  	v37 =	vmul.u32 $0xC0, v25;
	[tilespmem:v29+s23+$0x0] =	vst.idx.add.f32.msk $0xffff, v16;
	vm15 =	vle.f32 v24, v30;
	v29 =	vsel vm0, $0x1, v5  }
0x2ab: {  	v30 =	vcvt.s32.f32 v52;
	[tilespmem:v58+s23+$0x0] =	vst.idx.add.f32.msk $0xffff, v17;
	v58 =	vadd.s32 v29, v1;
	v1 =	vadd.s32 v46, v2  }
0x2ac: {  	v24 =	vnsel vm13, $0x5F, v38;
	v2 =	vor.u32 v49, v2;
	[tilespmem:v28+s23+$0x0] =	vst.idx.add.f32.msk $0xffff, v18;
	v28 =	vadd.s32 v33, v27  }
0x2ad: {  	[tilespmem:v62+s2+$0x0] =	vst.idx.add.f32.msk $0xffff, v11;
	v27 =	vadd.s32 v47, v27;
	v59 =	vmul.f32 $7.812500000e+00, v30;
	v30 =	vadd.s32 v22, v2  }
0x2ae: {  	[tilespmem:v48+s2+$0x0] =	vst.idx.add.f32.msk $0xffff, v13;
	v29 =	vadd.s32 v20, v2;
	v2 =	vsel vm15, $0x1, v5;
	vm0 =	vgt.s32 v58, $0x0  }
0x2af: {  	[tilespmem:v63+s2+$0x0] =	vst.idx.add.f32.msk $0xffff, v14;
	v47 =	vadd.s32 v19, v28;
	v38 =	vadd.s32 v15, v28;
	v28 =	vmul.u32 $0x240, v25  }
0x2b0: {  	[tilespmem:v51+s23+$0x0] =	vst.idx.add.f32.msk $0xffff, v21;
	v39 =	vadd.s32 v19, v27;
	v34 =	vadd.s32 v15, v27;
	v25 =	vnsel vm3, $0x0, v3  }
0x2b1: {  	[tilespmem:v40+s23+$0x0] =	vst.idx.add.f32.msk $0xffff, v16;
	v3 =	vadd.s32 v41, v28;
	v41 =	vnsel vm1, $0x2F, v43;
	vm1 =	vgt.f32 v59, v23  }
0x2b2: {  	[tilespmem:v4+s23+$0x0] =	vst.idx.add.f32.msk $0xffff, v17;
	v27 =	vadd.s32 v50, v28;
	v28 =	vadd.s32 v2, v36;
	v2 =	vsel vm1, $0xFFFFFFFF, v5  }
0x2b3: {  	v63 =	vadd.s32 v61, v37;
	v60 =	vadd.s32 v19, v27;
	v35 =	vadd.s32 v52, v2;
	v2 =	vld [tilespmem:$0x1FFB0]  }
0x2b4: {  	v46 =	vadd.s32 v15, v3;
	v62 =	vadd.s32 v19, v3;
	v3 =	vnsel vm0, $0x0, v58  }
0x2b5: {  	v33 =	vadd.s32 v22, v1;
	v36 =	vadd.s32 v20, v63;
	[tilespmem:v57+s23+$0x0] =	vst.idx.add.f32.msk $0xffff, v18;
	v3 =	vmin.u32 v3, $0x7F  }
0x2b6: {  	v44 =	vadd.s32 v15, v27;
	v27 =	vnsel vm2, $0x0, v45;
	[tilespmem:v32+s23+$0x0] =	vst.idx.add.f32.msk $0xffff, v21;
	v45 =	vmul.u32 $0x240, v3  }
0x2b7: {  	s8 =	sadd.s32 $0x80, s8;
	p0 =	por !p0, !p0;
	s9 =	sadd.s32 $0x80, s9;
	vm0 =	vgt.s32 v28, $0x0;
	v43 =	vmul.u32 $0xC0, v3;
	[tilespmem:v47+s2+$0x0] =	vst.idx.add.f32.msk $0xffff, v12;
	v32 =	vadd.s32 v22, v63  }
0x2b8: {  	s15 =	simm.s32 $0x2C;
	s20 =	simm.s32 $0xE;
	s21 =	simm.s32 $0x1C;
	v3 =	vcvt.s32.f32 v35;
	v40 =	vadd.s32 v42, v45;
	[tilespmem:v60+s2+$0x0] =	vst.idx.add.f32.msk $0xffff, v12;
	v4 =	vor.u32 v2, v37  }
0x2b9: {  	s14 =	simm.s32 $0x16;
	s19 =	simm.s32 $0xB0;
	s1 =	simm.s32 $0x4;
	v37 =	vadd.s32 s20, v9;
	[tilespmem:v62+s2+$0x0] =	vst.idx.add.f32.msk $0xffff, v11;
	v2 =	vadd.s32 v20, v4;
	v47 =	vadd.s32 v22, v4  }
.LBB2_25:
0x2ba: {  	s24 =	simm.s32 $0x1  }
0x2bb: {  	s22 =	sadd.s32 $0x300, s8;
	s25 =	sadd.s32 $0xFFFFFFF0, s19;
	v4 =	vadd.s32 v31, v45;
	v48 =	vadd.s32 v20, v1;
	v49 =	vadd.s32 s21, v7;
	[tilespmem:v44+s2+$0x0] =	vst.idx.add.f32.msk $0xffff, v13;
	s24 =	simm.s32 @!p0 $0x0  }
0x2bc: {  	s26 =	sadd.s32 $0xFFFFFFF4, s15;
	s28 =	sadd.s32 $0xFFFFFFE0, s19;
	v50 =	vadd.s32 s21, v6;
	v51 =	vadd.s32 s20, v8;
	s22 =	sand.u32 $0x7F00, s22;
	v45 =	vadd.s32 v19, v4;
	[tilespmem:v46+s2+$0x0] =	vst.idx.add.f32.msk $0xffff, v14  }
0x2bd: {  	s20 =	sadd.s32 $0xFFFFFFFA, s14;
	v42 =	vadd.s32 s26, v6;
	s21 =	sand.u32 $0x50, s28;
	v44 =	vadd.s32 v15, v4;
	vm2 =	vgt.s32 v51, $0x0;
	s28 =	sor.u32 $0x18000, s22;
	[tilespmem:v32+s23+$0x0] =	vst.idx.add.f32.msk $0xffff, v16  }
0x2be: {  	v31 =	vor.u32 s26, v7;
	v4 =	vadd.s32 v26, v43;
	vm1 =	vgt.s32 v42, $0x0;
	s22 =	sadd.s32 $0xFFFFFFFC, s15;
	s26 =	sor.u32 s21, s28;
	s21 =	sand.u32 $0x60, s25;
	[tilespmem:v47+s23+$0x0] =	vst.idx.add.f32.msk $0xffff, v17  }
0x2bf: {  	vm3 =	vlt.s32 v37, $0x2F;
	v26 =	vadd.s32 s20, v8;
	v32 =	vor.u32 s20, v9;
	s20 =	sadd.s32 $0xFFFFFFF8, s15;
	s25 =	sor.u32 s21, s28;
	s21 =	sand.u32 $0x70, s19;
	[tilespmem:v39+s2+$0x0] =	vst.idx.add.f32.msk $0xffff, v11  }
0x2c0: {  	s29 =	sshll.u32 s24, $0x6;
	s24 =	sadd.s32 $0xFFFFFFFE, s14;
	v52 =	vadd.s32 v22, v4;
	v1 =	vadd.s32 s20, v6;
	v39 =	vor.u32 s22, v7;
	s28 =	sor.u32 s21, s28;
	[tilespmem:v36+s23+$0x0] =	vst.idx.add.f32.msk $0xffff, v18  }
0x2c1: {  	s1 =	sadd.s32 $0x4, s1;
	v41 =	vor.u32 v41, v43;
	s21 =	sadd.s32 s29, s9;
	vm4 =	vgt.s32 v1, $0x0;
	v36 =	vadd.s32 s20, v7;
	s20 =	smov.u32 s14;
	[tilespmem:v38+s2+$0x0] =	vst.idx.add.f32.msk $0xffff, v13  }
0x2c2: {  	p1 =	slt.u32 s1, $0x14;
	v53 =	vadd.s32 v22, v41;
	s29 =	sadd.s32 $0xFFFFFFFC, s14;
	s21 =	sor.u32 $0x80, s21;
	v1 =	vnsel vm4, $0x0, v1;
	vm4 =	vlt.s32 v36, $0x5F;
	[tilespmem:v2+s23+$0x0] =	vst.idx.add.f32.msk $0xffff, v21  }
0x2c3: {  	v54 =	vadd.s32 v20, v41;
	v38 =	vnsel vm4, $0x5F, v36;
	v2 =	vadd.s32 s29, v8;
	v46 =	vld [tilespmem:s21+$0x18000];
	s21 =	smov.u32 s15  }
0x2c4: {  	v56 =	vnsel vm3, $0x2F, v37;
	v43 =	vadd.s32 s29, v9;
	vm4 =	vgt.s32 v2, $0x0;
	v55 =	vld [tilespmem:s26+$0x80]  }
0x2c5: {  	vm3 =	vlt.s32 v43, $0x2F;
	v41 =	vnsel vm4, $0x0, v2;
	v2 =	vadd.s32 v20, v4;
	v47 =	vld [tilespmem:s25+$0x80]  }
0x2c6: {  	v36 =	vnsel vm1, $0x0, v42;
	v42 =	vnsel vm3, $0x2F, v43;
	v43 =	vadd.s32 s24, v8;
	[tilespmem:v34+s2+$0x0] =	vst.idx.add.f32.msk $0xffff, v14  }
0x2c7: {  	v3 =	vadd.f32 $1.000000000e+00, v3;
	vm1 =	vlt.s32 v32, $0x2F;
	vm4 =	vgt.s32 v26, $0x0  }
0x2c8: {  	vm3 =	vlt.s32 v31, $0x5F;
	v4 =	vmul.f32 $1.280000060e-01, v46;
	v34 =	vld [tilespmem:s28+$0x80]  }
0x2c9: {  	v37 =	vadd.s32 s22, v6;
	v26 =	vnsel vm4, $0x0, v26;
	[tilespmem:v33+s23+$0x0] =	vst.idx.add.f32.msk $0xffff, v16  }
0x2ca: {  	v57 =	vadd.s32 v15, v40;
	v33 =	vmul.f32 $1.280000060e-01, v55;
	v4 =	vtrunc.f32 v4;
	[tilespmem:v30+s23+$0x0] =	vst.idx.add.f32.msk $0xffff, v17  }
0x2cb: {  	v30 =	vmul.f32 $1.280000060e-01, v47;
	v4 =	vcvt.f32.s32 v4;
	[tilespmem:v48+s23+$0x0] =	vst.idx.add.f32.msk $0xffff, v18;
	v48 =	vnsel vm2, $0x0, v51  }
0x2cc: {  	v3 =	vmul.f32 $7.812500000e+00, v3;
	v33 =	vtrunc.f32 v33;
	vm2 =	vgt.s32 v50, $0x0;
	[tilespmem:v29+s23+$0x0] =	vst.idx.add.f32.msk $0xffff, v21  }
0x2cd: {  	vm4 =	vlt.s32 v49, $0x5F;
	v30 =	vtrunc.f32 v30;
	v29 =	vcvt.s32.f32 v4  }
0x2ce: {  	v33 =	vcvt.f32.s32 v33;
	v50 =	vnsel vm2, $0x0, v50;
	v30 =	vcvt.f32.s32 v30  }
0x2cf: {  	vm2 =	vle.f32 v3, v23;
	v3 =	vnsel vm4, $0x5F, v49;
	v23 =	vmovc v34;
	v29 =	vmul.f32 $7.812500000e+00, v29  }
0x2d0: {  	v51 =	vsel vm2, $0x1, v5;
	v34 =	vcvt.s32.f32 v33;
	v49 =	vcvt.s32.f32 v30  }
0x2d1: {  	v35 =	vadd.s32 v51, v35;
	vm2 =	vgt.f32 v29, v46;
	v29 =	vadd.s32 v19, v40  }
0x2d2: {  	v34 =	vmul.f32 $7.812500000e+00, v34;
	v40 =	vsel vm2, $0xFFFFFFFF, v5;
	vm2 =	vgt.s32 v35, $0x0  }
0x2d3: {  	v4 =	vadd.s32 v4, v40;
	v40 =	vmul.f32 $7.812500000e+00, v49;
	v35 =	vnsel vm2, $0x0, v35  }
0x2d4: {  	vm2 =	vgt.f32 v34, v55;
	v49 =	vcvt.s32.f32 v4;
	v34 =	vmin.u32 v35, $0x7F  }
0x2d5: {  	v51 =	vmul.f32 $1.280000060e-01, v23;
	v35 =	vsel vm2, $0xFFFFFFFF, v5;
	v58 =	vmul.u32 $0x240, v34  }
0x2d6: {  	v33 =	vadd.s32 v33, v35;
	vm2 =	vgt.f32 v40, v47;
	[tilespmem:v29+s2+$0x0] =	vst.idx.add.f32.msk $0xffff, v12;
	v29 =	vmul.u32 $0xC0, v34  }
0x2d7: {  	v35 =	vtrunc.f32 v51;
	v34 =	vcvt.s32.f32 v33;
	[tilespmem:v45+s2+$0x0] =	vst.idx.add.f32.msk $0xffff, v11;
	v40 =	vadd.s32 v50, v58  }
0x2d8: {  	vm4 =	vgt.s32 v43, $0x0;
	v45 =	vsel vm2, $0xFFFFFFFF, v5;
	v3 =	vadd.s32 v3, v58;
	[tilespmem:v57+s2+$0x0] =	vst.idx.add.f32.msk $0xffff, v13  }
0x2d9: {  	vm2 =	vgt.s32 v37, $0x0;
	v50 =	vor.u32 s24, v9;
	v34 =	vadd.f32 $1.000000000e+00, v34;
	[tilespmem:v44+s2+$0x0] =	vst.idx.add.f32.msk $0xffff, v14  }
0x2da: {  	v45 =	vadd.s32 v30, v45;
	vm5 =	vlt.s32 v50, $0x2F;
	v30 =	vadd.s32 v19, v40;
	[tilespmem:v52+s23+$0x0] =	vst.idx.add.f32.msk $0xffff, v16  }
0x2db: {  	v40 =	vadd.s32 v15, v40;
	v50 =	vnsel vm5, $0x2F, v50;
	v34 =	vmul.f32 $7.812500000e+00, v34;
	[tilespmem:v53+s23+$0x0] =	vst.idx.add.f32.msk $0xffff, v17  }
0x2dc: {  	v44 =	vcvt.s32.f32 v45;
	vm5 =	vlt.s32 v39, $0x5F;
	[tilespmem:v2+s23+$0x0] =	vst.idx.add.f32.msk $0xffff, v18;
	v2 =	vadd.s32 v19, v3  }
0x2dd: {  	vm6 =	vle.f32 v34, v55;
	v34 =	vadd.s32 v48, v29;
	v29 =	vor.u32 v56, v29  }
0x2de: {  	v48 =	vadd.f32 $1.000000000e+00, v49;
	v3 =	vadd.s32 v15, v3;
	v49 =	vsel vm6, $0x1, v5;
	[tilespmem:v54+s23+$0x0] =	vst.idx.add.f32.msk $0xffff, v21  }
0x2df: {  	v31 =	vnsel vm3, $0x5F, v31;
	v44 =	vadd.f32 $1.000000000e+00, v44;
	v33 =	vadd.s32 v49, v33  }
0x2e0: {  	v28 =	vnsel vm0, $0x0, v28;
	v48 =	vmul.f32 $7.812500000e+00, v48;
	vm3 =	vgt.s32 v33, $0x0  }
0x2e1: {  	v35 =	vcvt.f32.s32 v35;
	v44 =	vmul.f32 $7.812500000e+00, v44;
	v33 =	vnsel vm3, $0x0, v33  }
0x2e2: {  	v28 =	vmin.u32 v28, $0x7F;
	vm3 =	vle.f32 v48, v46;
	v33 =	vmin.u32 v33, $0x7F  }
0x2e3: {  	vm0 =	vle.f32 v44, v47;
	v46 =	vmul.u32 $0x240, v33;
	v33 =	vmul.u32 $0xC0, v33  }
0x2e4: {  	v47 =	vnsel vm5, $0x5F, v39;
	v48 =	vadd.s32 v20, v29;
	v44 =	vsel vm3, $0x1, v5  }
0x2e5: {  	v51 =	vmul.u32 $0xC0, v28;
	v49 =	vcvt.s32.f32 v35;
	v1 =	vadd.s32 v1, v46;
	[tilespmem:v30+s2+$0x0] =	vst.idx.add.f32.msk $0xffff, v12  }
0x2e6: {  	v53 =	vadd.s32 v20, v34;
	v30 =	vadd.s32 v38, v46;
	v52 =	vadd.s32 v19, v1  }
0x2e7: {  	v28 =	vmul.u32 $0x240, v28;
	v38 =	vadd.s32 v15, v1;
	v39 =	vadd.s32 v19, v30  }
0x2e8: {  	v49 =	vmul.f32 $7.812500000e+00, v49;
	v4 =	vadd.s32 v44, v4;
	[tilespmem:v2+s2+$0x0] =	vst.idx.add.f32.msk $0xffff, v11;
	v2 =	vadd.s32 v22, v34  }
0x2e9: {  	v54 =	vnsel vm4, $0x0, v43;
	v43 =	vadd.s32 v24, v28;
	v34 =	vadd.s32 v15, v30;
	[tilespmem:v40+s2+$0x0] =	vst.idx.add.f32.msk $0xffff, v13  }
0x2ea: {  	v24 =	vmovc v47;
	v1 =	vadd.s32 v41, v33;
	v40 =	vor.u32 v42, v33;
	v42 =	vadd.s32 v22, v29  }
0x2eb: {  	v27 =	vadd.s32 v27, v28;
	v33 =	vadd.s32 v22, v1;
	v30 =	vadd.s32 v22, v40  }
0x2ec: {  	v28 =	vsel vm0, $0x1, v5;
	v44 =	vadd.s32 v15, v27;
	v29 =	vadd.s32 v20, v40;
	[tilespmem:v3+s2+$0x0] =	vst.idx.add.f32.msk $0xffff, v14  }
0x2ed: {  	v28 =	vadd.s32 v28, v45;
	vm0 =	vgt.s32 v4, $0x0;
	v46 =	vadd.s32 v15, v43;
	[tilespmem:v2+s23+$0x0] =	vst.idx.add.f32.msk $0xffff, v16  }
0x2ee: {  	v41 =	vnsel vm1, $0x2F, v32;
	vm1 =	vgt.f32 v49, v23;
	v40 =	vadd.s32 v19, v27  }
0x2ef: {  	v55 =	vadd.s32 v25, v51;
	v49 =	vadd.s32 v19, v43;
	v2 =	vsel vm1, $0xFFFFFFFF, v5;
	[tilespmem:v42+s23+$0x0] =	vst.idx.add.f32.msk $0xffff, v17  }
.Ltmp11:
0x2f0: {  	v3 =	vnsel vm0, $0x0, v4;
	v4 =	vor.u32 v10, v51;
	v35 =	vadd.s32 v35, v2;
	[tilespmem:v53+s23+$0x0] =	vst.idx.add.f32.msk $0xffff, v18;
	(pc) =	sbr.rel @p1 .LBB2_25-.Ltmp11, $4  }
0x2f1: {  	v27 =	vnsel vm2, $0x0, v37;
	v10 =	vmovc v50;
	v3 =	vmin.u32 v3, $0x7F;
	v2 =	vadd.s32 v20, v4;
	[tilespmem:v48+s23+$0x0] =	vst.idx.add.f32.msk $0xffff, v21  }
0x2f2: {  	v25 =	vmovc v54;
	v32 =	vadd.s32 v22, v55;
	v45 =	vmul.u32 $0x240, v3;
	v43 =	vmul.u32 $0xC0, v3;
	[tilespmem:v52+s2+$0x0] =	vst.idx.add.f32.msk $0xffff, v12  }
0x2f3: {  	s8 =	sadd.s32 $0x80, s8;
	p0 =	por !p0, !p0;
	s9 =	sadd.s32 $0x80, s9;
	v37 =	vadd.s32 s14, v9;
	v47 =	vadd.s32 v22, v4;
	v3 =	vcvt.s32.f32 v35;
	[tilespmem:v40+s2+$0x0] =	vst.idx.add.f32.msk $0xffff, v12  }
0x2f4: {  	s19 =	sadd.s32 $0x40, s19;
	s15 =	sadd.s32 $0x10, s15;
	s14 =	sadd.s32 $0x8, s14;
	vm0 =	vgt.s32 v28, $0x0;
	v40 =	vadd.s32 v36, v45;
	v36 =	vadd.s32 v20, v55;
	[tilespmem:v49+s2+$0x0] =	vst.idx.add.f32.msk $0xffff, v11  }
0x2f5: {  	_ =	sdelay $0x3  }
0x2f6: {  	[tilespmem:v44+s2+$0x0] =	vst.idx.add.f32.msk $0xffff, v13  }
0x2f7: {  	[tilespmem:v39+s2+$0x0] =	vst.idx.add.f32.msk $0xffff, v11  }
0x2f8: {  	[tilespmem:v46+s2+$0x0] =	vst.idx.add.f32.msk $0xffff, v14  }
0x2f9: {  	v3 =	vadd.f32 $1.000000000e+00, v3;
	[tilespmem:v38+s2+$0x0] =	vst.idx.add.f32.msk $0xffff, v13  }
0x2fa: {  	[tilespmem:v32+s23+$0x0] =	vst.idx.add.f32.msk $0xffff, v16  }
0x2fb: {  	v3 =	vmul.f32 $7.812500000e+00, v3;
	[tilespmem:v34+s2+$0x0] =	vst.idx.add.f32.msk $0xffff, v14  }
0x2fc: {  	v1 =	vadd.s32 v20, v1;
	[tilespmem:v47+s23+$0x0] =	vst.idx.add.f32.msk $0xffff, v17  }
0x2fd: {  	v4 =	vadd.s32 v31, v45;
	[tilespmem:v33+s23+$0x0] =	vst.idx.add.f32.msk $0xffff, v16;
	vm1 =	vle.f32 v3, v23  }
0x2fe: {  	v48 =	vadd.s32 s21, v6;
	v47 =	vadd.s32 v19, v40;
	[tilespmem:v36+s23+$0x0] =	vst.idx.add.f32.msk $0xffff, v18;
	v3 =	vsel vm1, $0x1, v5  }
0x2ff: {  	v49 =	vadd.s32 s20, v8;
	v31 =	vadd.s32 v19, v4;
	[tilespmem:v30+s23+$0x0] =	vst.idx.add.f32.msk $0xffff, v17;
	v3 =	vadd.s32 v3, v35  }
0x300: {  	v50 =	vadd.s32 v15, v40;
	v26 =	vadd.s32 v26, v43;
	[tilespmem:v2+s23+$0x0] =	vst.idx.add.f32.msk $0xffff, v21;
	vm12 =	vgt.s32 v3, $0x0  }
0x301: {  	v51 =	vor.u32 v41, v43;
	v4 =	vadd.s32 v15, v4;
	[tilespmem:v1+s23+$0x0] =	vst.idx.add.f32.msk $0xffff, v18;
	v1 =	vnsel vm12, $0x0, v3  }
0x302: {  	v52 =	vadd.s32 v22, v51;
	[tilespmem:v29+s23+$0x0] =	vst.idx.add.f32.msk $0xffff, v21;
	v3 =	vadd.s32 v22, v26;
	v1 =	vmin.u32 v1, $0x7F  }
0x303: {  	vm13 =	vgt.s32 v48, $0x0;
	v2 =	vadd.s32 s21, v7;
	[tilespmem:v47+s2+$0x0] =	vst.idx.add.f32.msk $0xffff, v12;
	v53 =	vmul.u32 $0x240, v1  }
0x304: {  	v54 =	vadd.s32 v20, v26;
	v55 =	vnsel vm13, $0x0, v48;
	vm2 =	vlt.s32 v2, $0x5F;
	[tilespmem:v31+s2+$0x0] =	vst.idx.add.f32.msk $0xffff, v11  }
0x305: {  	v30 =	vadd.s32 v20, v51;
	v2 =	vnsel vm2, $0x5F, v2;
	[tilespmem:v50+s2+$0x0] =	vst.idx.add.f32.msk $0xffff, v13;
	v26 =	vadd.s32 v55, v53  }
0x306: {  	vm15 =	vlt.s32 v37, $0x2F;
	[tilespmem:v4+s2+$0x0] =	vst.idx.add.f32.msk $0xffff, v14;
	v2 =	vadd.s32 v2, v53;
	v4 =	vadd.s32 v19, v26  }
0x307: {  	vm14 =	vgt.s32 v49, $0x0;
	v1 =	vmul.u32 $0xC0, v1;
	[tilespmem:v3+s23+$0x0] =	vst.idx.add.f32.msk $0xffff, v16;
	v3 =	vadd.s32 v19, v2  }
0x308: {  	v28 =	vnsel vm0, $0x0, v28;
	v57 =	vnsel vm14, $0x0, v49;
	v26 =	vadd.s32 v15, v26;
	[tilespmem:v52+s23+$0x0] =	vst.idx.add.f32.msk $0xffff, v17  }
0x309: {  	v56 =	vnsel vm15, $0x2F, v37;
	v58 =	vadd.s32 v57, v1;
	v2 =	vadd.s32 v15, v2;
	[tilespmem:v54+s23+$0x0] =	vst.idx.add.f32.msk $0xffff, v18  }
0x30a: {  	v28 =	vmin.u32 v28, $0x7F;
	v1 =	vor.u32 v56, v1;
	v59 =	vadd.s32 v22, v58;
	[tilespmem:v30+s23+$0x0] =	vst.idx.add.f32.msk $0xffff, v21  }
0x30b: {  	v60 =	vadd.s32 v22, v1;
	[tilespmem:v4+s2+$0x0] =	vst.idx.add.f32.msk $0xffff, v12;
	v4 =	vmul.u32 $0x240, v28  }
0x30c: {  	v23 =	vadd.s32 v20, v58;
	[tilespmem:v3+s2+$0x0] =	vst.idx.add.f32.msk $0xffff, v11  }
0x30d: {  	v1 =	vadd.s32 v20, v1;
	[tilespmem:v26+s2+$0x0] =	vst.idx.add.f32.msk $0xffff, v13;
	v3 =	vadd.s32 v27, v4  }
0x30e: {  	v4 =	vadd.s32 v24, v4;
	[tilespmem:v2+s2+$0x0] =	vst.idx.add.f32.msk $0xffff, v14;
	v2 =	vadd.s32 v19, v3  }
0x30f: {  	v61 =	vmul.u32 $0xC0, v28;
	v62 =	vadd.s32 v19, v4;
	[tilespmem:v59+s23+$0x0] =	vst.idx.add.f32.msk $0xffff, v16  }
0x310: {  	v3 =	vadd.s32 v15, v3;
	[tilespmem:v60+s23+$0x0] =	vst.idx.add.f32.msk $0xffff, v17  }
0x311: {  	v63 =	vadd.s32 v25, v61;
	v4 =	vadd.s32 v15, v4;
	[tilespmem:v23+s23+$0x0] =	vst.idx.add.f32.msk $0xffff, v18  }
0x312: {  	v10 =	vor.u32 v10, v61;
	[tilespmem:v1+s23+$0x0] =	vst.idx.add.f32.msk $0xffff, v21;
	v1 =	vadd.s32 v22, v63  }
0x313: {  	[tilespmem:v2+s2+$0x0] =	vst.idx.add.f32.msk $0xffff, v12;
	v2 =	vadd.s32 v22, v10  }
0x314: {  	[tilespmem:v62+s2+$0x0] =	vst.idx.add.f32.msk $0xffff, v11;
	v11 =	vadd.s32 v20, v63  }
0x315: {  	v10 =	vadd.s32 v20, v10;
	[tilespmem:v3+s2+$0x0] =	vst.idx.add.f32.msk $0xffff, v13  }
0x316: {  	[tilespmem:v4+s2+$0x0] =	vst.idx.add.f32.msk $0xffff, v14  }
0x317: {  	[tilespmem:v1+s23+$0x0] =	vst.idx.add.f32.msk $0xffff, v16  }
0x318: {  	[tilespmem:v2+s23+$0x0] =	vst.idx.add.f32.msk $0xffff, v17  }
0x319: {  	p0 =	slt.u32 s0, $0xE;
	[tilespmem:v11+s23+$0x0] =	vst.idx.add.f32.msk $0xffff, v18  }
.Ltmp12:
0x31a: {  	[tilespmem:v10+s23+$0x0] =	vst.idx.add.f32.msk $0xffff, v21;
	(pc) =	sbr.rel @p0 .LBB2_22-.Ltmp12, $4  }
0x31b: {  	v57 =	vld [tilespmem:$0x1FFC0]  }
0x31c: {  	v59 =	vld [tilespmem:$0x1FFD0]  }
0x31d: {  	s1 =	sadd.s32 $0x2, s0;
	v60 =	vld [tilespmem:$0x1FFE0]  }
0x31e: {  	s30 =	sadd.s32 $0x600, s30;
	s31 =	sadd.s32 $0x600, s31;
	s0 =	smov.u32 s1;
	v61 =	vld [tilespmem:$0x1FFF0]  }
0x31f: {  	s0 =	rddreg [dreg:$0x4];
	s29 =	simm.s32 $0x80;
	s1 =	simm.s32 $0x400  }
0x320: {  	[hbm4b:s0+s29] =	stream.strided.scatter [tilespmem:s2], [sflag:$0x1], $0x12000, s1, s29, $0x38;
	[tilespmem:$0x1B000] =	vst v63  }
0x321: {  	s30 =	rddreg [dreg:$0x5];
	s31 =	simm.s32 $0x1  }
0x322: {  	[hbm4b:s30+s29] =	stream.strided.scatter [tilespmem:s23], [sflag:$0x2], $0x6000, s1, s29, $0x38;
	[tilespmem:$0x1B000] =	vst v63  }
0x323: {  	_ =	swait.ge [sflag:s31], $0x12000  }
0x324: {  	[sflag:s31] =	ssyncset.done $0x0  }
0x325: {  	s0 =	simm.s32 $0x40;
	[sflag:s31] =	ssyncadd.s32 $0xFFFEE000  }
0x326: {  	[tilespmem:s0+$0xFFFFFFC0] =	vst v0  }
0x327: {  	[tilespmem:s0+$0x30] =	vst v0  }
0x328: {  	[tilespmem:s0+$0x20] =	vst v0  }
0x329: {  	[tilespmem:s0+$0x10] =	vst v0  }
0x32a: {  	[tilespmem:s0+$0x0] =	vst v0  }
0x32b: {  	[tilespmem:s0+$0xFFFFFFF0] =	vst v0  }
0x32c: {  	s1 =	simm.s32 $0x0;
	[tilespmem:s0+$0xFFFFFFE0] =	vst v0  }
.LBB2_28:
0x32d: {  	s1 =	sadd.s32 $0x8, s1;
	[tilespmem:s0+$0xFFFFFFD0] =	vst v0;
	s0 =	sadd.s32 $0x80, s0  }
0x32e: {  	[tilespmem:s0+$0xFFFFFFC0] =	vst v0;
	p0 =	slt.u32 s1, $0x11F8  }
0x32f: {  	[tilespmem:s0+$0x30] =	vst v0  }
.Ltmp13:
0x330: {  	[tilespmem:s0+$0x20] =	vst v0;
	(pc) =	sbr.rel @p0 .LBB2_28-.Ltmp13, $4  }
0x331: {  	[tilespmem:s0+$0x10] =	vst v0  }
0x332: {  	[tilespmem:s0+$0x0] =	vst v0  }
0x333: {  	[tilespmem:s0+$0xFFFFFFF0] =	vst v0  }
0x334: {  	[tilespmem:s0+$0xFFFFFFE0] =	vst v0  }
0x335: {  	[tilespmem:s0+$0xFFFFFFD0] =	vst v0;
	s31 =	simm.s32 $0x2  }
0x336: {  	_ =	swait.ge [sflag:s31], $0x6000  }
0x337: {  	[sflag:s31] =	ssyncset.done $0x0  }
0x338: {  	s0 =	simm.s32 $0x12040;
	[sflag:s31] =	ssyncadd.s32 $0xFFFFA000  }
0x339: {  	[tilespmem:s0+$0xFFFFFFC0] =	vst v0  }
0x33a: {  	[tilespmem:s0+$0x30] =	vst v0  }
0x33b: {  	[tilespmem:s0+$0x20] =	vst v0  }
0x33c: {  	[tilespmem:s0+$0x10] =	vst v0  }
0x33d: {  	[tilespmem:s0+$0x0] =	vst v0  }
0x33e: {  	[tilespmem:s0+$0xFFFFFFF0] =	vst v0  }
0x33f: {  	s1 =	simm.s32 $0x0;
	s28 =	simm.s32 $0x3;
	[tilespmem:s0+$0xFFFFFFE0] =	vst v0  }
.LBB2_30:
0x340: {  	s1 =	sadd.s32 $0x8, s1;
	[tilespmem:s0+$0xFFFFFFD0] =	vst v0;
	s0 =	sadd.s32 $0x80, s0  }
0x341: {  	[tilespmem:s0+$0xFFFFFFC0] =	vst v0;
	p0 =	slt.u32 s1, $0x5F8  }
0x342: {  	[tilespmem:s0+$0x30] =	vst v0  }
.Ltmp14:
0x343: {  	[tilespmem:s0+$0x20] =	vst v0;
	(pc) =	sbr.rel @p0 .LBB2_30-.Ltmp14, $4  }
0x344: {  	[tilespmem:s0+$0x10] =	vst v0  }
0x345: {  	[tilespmem:s0+$0x0] =	vst v0  }
0x346: {  	[tilespmem:s0+$0xFFFFFFF0] =	vst v0  }
0x347: {  	[tilespmem:s0+$0xFFFFFFE0] =	vst v0  }
0x348: {  	[tilespmem:s0+$0xFFFFFFD0] =	vst v0  }
0x349: {  	_ =	swait.ge [sflag:s28], $0x1800  }
0x34a: {  	s31 =	simm.s32 $0x0;
	[sflag:s28] =	ssyncset.done $0x0  }
0x34b: {  	s0 =	simm.s32 $0x300;
	s30 =	simm.s32 $0x0;
	[sflag:s28] =	ssyncadd.s32 $0xFFFFE800  }
.LBB2_32:
0x34c: {  	s8 =	sor.u32 s18, s31  }
0x34d: {  	s1 =	sshll.u32 s8, $0x1  }
0x34e: {  	s9 =	sadd.s32 $0x5, s1  }
0x34f: {  	s14 =	sshra.s32 s9, $0x1F  }
0x350: {  	v1 =	vmov s8;
	s14 =	sshrl.u32 s14, $0x1D  }
0x351: {  	s19 =	sand.u32 $0x7F00, s30;
	v1 =	vcvt.s32.f32 v1;
	s9 =	sadd.s32 s14, s9  }
0x352: {  	s22 =	simm.s32 $0x0;
	s26 =	simm.s32 $0x10;
	s9 =	sshra.s32 s9, $0x3  }
0x353: {  	s24 =	simm.s32 $0x20;
	s15 =	sadd.s32 $0x9, s1;
	v1 =	vbroadcast v1, $0x0;
	s14 =	sadd.s32 $0xFFFFFFFF, s9  }
0x354: {  	s19 =	sor.u32 $0x18000, s19;
	s1 =	simm.s32 $0x30;
	s20 =	sshra.s32 s15, $0x1F;
	v2 =	vmov s14  }
0x355: {  	s25 =	sand.u32 $0x40, s22;
	s21 =	sand.u32 $0x70, s1;
	s20 =	sshrl.u32 s20, $0x1C;
	v3 =	vmul.f32 $2.500000000e-01, v1;
	v2 =	vcvt.s32.f32 v2  }
0x356: {  	s21 =	sor.u32 s21, s19;
	s15 =	sadd.s32 s20, s15;
	s20 =	sor.u32 s25, s19  }
0x357: {  	s25 =	sand.u32 $0x60, s24;
	s24 =	simm.s32 $0x2;
	v3 =	vadd.f32 $-3.750000000e-01, v3;
	p0 =	sgt.s32 s14, $0x0;
	v2 =	vbroadcast v2, $0x0  }
0x358: {  	s15 =	sshra.s32 s15, $0x4;
	v22 =	vld [tilespmem:s20+$0x0];
	s20 =	simm.s32 $0x0;
	s14 =	simm.s32 @!p0 $0x0  }
0x359: {  	s22 =	sadd.s32 $0xFFFFFFFF, s15;
	p0 =	sgt.s32 s9, $0x0;
	s14 =	smin.u32 s14, $0x5F;
	v2 =	vsub.f32 v3, v2  }
0x35a: {  	v1 =	vmul.f32 $1.250000000e-01, v1;
	s9 =	simm.s32 @!p0 $0x0;
	s14 =	ssub.s32 s14, s16;
	v3 =	vld [tilespmem:s21+$0x0];
	s21 =	sand.u32 $0x50, s26  }
0x35b: {  	v44 =	vadd.s32 s24, v8;
	v36 =	vadd.s32 s20, v6;
	p0 =	sgt.s32 s22, $0x0;
	s14 =	smul.u32 $0x60, s14;
	s21 =	sor.u32 s21, s19;
	v4 =	vsub.f32 $1.000000000e+00, v2  }
0x35c: {  	vm9 =	vgt.s32 v44, $0x0;
	v10 =	vmov s22;
	v1 =	vadd.f32 $-4.375000000e-01, v1;
	s9 =	smin.u32 s9, $0x5F;
	s22 =	simm.s32 @!p0 $0x0;
	s19 =	sor.u32 s25, s19;
	v23 =	vld [tilespmem:s21+$0x0]  }
0x35d: {  	s9 =	ssub.s32 s9, s16;
	s26 =	smin.u32 s22, $0x2F;
	s22 =	simm.s32 $0x4;
	v21 =	vmov s14;
	v24 =	vld [tilespmem:s19+$0x0];
	v11 =	vmul.f32 v59, v2;
	v12 =	vmul.f32 v57, v4  }
0x35e: {  	s9 =	smul.u32 $0x60, s9;
	v42 =	vadd.s32 s22, v6;
	v14 =	vmul.f32 v59, v4;
	v4 =	vcvt.s32.f32 v10  }
0x35f: {  	v43 =	vadd.s32 s22, v7;
	v10 =	vmul.f32 v57, v2;
	v13 =	vmul.f32 $1.280000060e-01, v3  }
0x360: {  	v20 =	vmov s9;
	v2 =	vbroadcast v4, $0x0;
	v4 =	vmul.f32 $1.280000060e-01, v22  }
0x361: {  	vm7 =	vgt.s32 v42, $0x0;
	v13 =	vtrunc.f32 v13;
	v15 =	vmul.f32 $1.280000060e-01, v23  }
0x362: {  	s21 =	simm.s32 $0x0;
	vm8 =	vlt.s32 v43, $0x5F;
	v16 =	vmul.f32 $1.280000060e-01, v24;
	v13 =	vcvt.f32.s32 v13  }
0x363: {  	s14 =	ssub.s32 s26, s17;
	v39 =	vadd.s32 s21, v8;
	v4 =	vtrunc.f32 v4;
	v15 =	vtrunc.f32 v15  }
0x364: {  	p0 =	sgt.s32 s15, $0x0;
	s14 =	smul.u32 $0x30, s14;
	v40 =	vor.u32 s21, v9;
	v4 =	vcvt.f32.s32 v4;
	v17 =	vcvt.s32.f32 v13  }
0x365: {  	s15 =	simm.s32 @!p0 $0x0;
	v1 =	vsub.f32 v1, v2;
	v16 =	vtrunc.f32 v16;
	v2 =	vcvt.f32.s32 v15  }
0x366: {  	s15 =	smin.u32 s15, $0x2F;
	v18 =	vmov s14;
	v16 =	vcvt.f32.s32 v16;
	v15 =	vmul.f32 $7.812500000e+00, v17  }
0x367: {  	s19 =	ssub.s32 s15, s17;
	vm5 =	vgt.s32 v39, $0x0;
	vm6 =	vlt.s32 v40, $0x2F;
	v17 =	vcvt.s32.f32 v4  }
0x368: {  	s9 =	smul.u32 $0x30, s19;
	v19 =	vcvt.s32.f32 v2;
	v26 =	vcvt.s32.f32 v16;
	vm0 =	vgt.f32 v15, v3  }
0x369: {  	v15 =	vsub.f32 $1.000000000e+00, v1;
	v17 =	vmul.f32 $7.812500000e+00, v17;
	v25 =	vsel vm0, $0xFFFFFFFF, v5  }
0x36a: {  	v27 =	vmul.f32 $7.812500000e+00, v19;
	v19 =	vmov s9;
	v25 =	vadd.s32 v13, v25  }
0x36b: {  	v13 =	vmul.f32 v60, v15;
	vm0 =	vgt.f32 v17, v22;
	v28 =	vcvt.s32.f32 v25  }
0x36c: {  	v17 =	vmul.f32 $7.812500000e+00, v26;
	vm1 =	vgt.f32 v27, v23;
	v26 =	vsel vm0, $0xFFFFFFFF, v5  }
0x36d: {  	v15 =	vmul.f32 v61, v15;
	v4 =	vadd.s32 v4, v26;
	v28 =	vadd.f32 $1.000000000e+00, v28  }
0x36e: {  	v27 =	vsel vm1, $0xFFFFFFFF, v5;
	vm0 =	vgt.f32 v17, v24;
	v26 =	vcvt.s32.f32 v4  }
0x36f: {  	v2 =	vadd.s32 v2, v27;
	v17 =	vsel vm0, $0xFFFFFFFF, v5;
	v27 =	vmul.f32 $7.812500000e+00, v28  }
0x370: {  	v28 =	vadd.s32 v16, v17;
	v17 =	vcvt.s32.f32 v2;
	v26 =	vadd.f32 $1.000000000e+00, v26  }
0x371: {  	v16 =	vmul.f32 v60, v1;
	v29 =	vcvt.s32.f32 v28;
	vm0 =	vle.f32 v27, v3  }
0x372: {  	s25 =	simm.s32 $0x8;
	v3 =	vadd.f32 $1.000000000e+00, v17;
	v26 =	vmul.f32 $7.812500000e+00, v26;
	v17 =	vsel vm0, $0x1, v5  }
0x373: {  	v27 =	vadd.f32 $1.000000000e+00, v29;
	v29 =	vor.u32 s25, v7;
	v25 =	vadd.s32 v17, v25  }
0x374: {  	s26 =	simm.s32 $0x4;
	v17 =	vmul.f32 v61, v1;
	v1 =	vmul.f32 $7.812500000e+00, v3;
	vm1 =	vle.f32 v26, v22  }
0x375: {  	v26 =	vor.u32 s26, v9;
	vm4 =	vlt.s32 v29, $0x5F;
	vm0 =	vgt.s32 v25, $0x0  }
0x376: {  	s9 =	simm.s32 $0xC;
	v3 =	vmul.f32 $7.812500000e+00, v27;
	v27 =	vadd.s32 s24, v9;
	v22 =	vnsel vm0, $0x0, v25  }
0x377: {  	vm0 =	vle.f32 v1, v23;
	v1 =	vmin.u32 v22, $0x7F;
	v22 =	vadd.s32 s9, v6  }
0x378: {  	s14 =	simm.s32 $0x6;
	v25 =	vadd.s32 s9, v7;
	v23 =	vmul.u32 $0x240, v1;
	vm2 =	vgt.s32 v22, $0x0  }
0x379: {  	vm3 =	vle.f32 v3, v24;
	v24 =	vadd.s32 s14, v8;
	v3 =	vnsel vm2, $0x0, v22  }
0x37a: {  	v1 =	vmul.u32 $0xC0, v1;
	vm2 =	vlt.s32 v25, $0x5F;
	v3 =	vadd.s32 v3, v23  }
0x37b: {  	v22 =	vnsel vm2, $0x5F, v25;
	vm2 =	vgt.s32 v24, $0x0;
	v25 =	vadd.s32 s26, v8  }
0x37c: {  	v22 =	vadd.s32 v22, v23;
	v30 =	vadd.s32 v21, v3;
	v23 =	vadd.s32 s14, v9  }
0x37d: {  	v32 =	vadd.s32 v20, v3;
	v3 =	vnsel vm2, $0x0, v24;
	v24 =	vsel vm3, $0x1, v5  }
0x37e: {  	v31 =	vadd.s32 v21, v22;
	vm2 =	vlt.s32 v23, $0x2F;
	v33 =	vadd.s32 v20, v22  }
0x37f: {  	v3 =	vadd.s32 v3, v1;
	v22 =	vnsel vm2, $0x2F, v23;
	v23 =	vsel vm1, $0x1, v5  }
0x380: {  	v34 =	vadd.s32 v18, v3;
	v37 =	vadd.s32 v19, v3;
	v3 =	vadd.s32 v24, v28  }
0x381: {  	v28 =	vadd.s32 s25, v6;
	vm2 =	vlt.s32 v27, $0x2F;
	v1 =	vor.u32 v22, v1  }
0x382: {  	v22 =	vsel vm0, $0x1, v5;
	v4 =	vadd.s32 v23, v4;
	vm3 =	vgt.s32 v28, $0x0  }
0x383: {  	v35 =	vadd.s32 v18, v1;
	vm0 =	vgt.s32 v4, $0x0;
	v2 =	vadd.s32 v22, v2  }
0x384: {  	v38 =	vadd.s32 v19, v1;
	v1 =	vnsel vm0, $0x0, v4;
	vm0 =	vgt.s32 v2, $0x0  }
0x385: {  	v4 =	vor.u32 s20, v7;
	[tilespmem:v30+s2+$0x0] =	vst.idx.add.f32.msk $0xffff, v12;
	v30 =	vnsel vm9, $0x0, v44;
	v1 =	vmin.u32 v1, $0x7F  }
0x386: {  	v2 =	vnsel vm0, $0x0, v2;
	vm0 =	vgt.s32 v3, $0x0;
	[tilespmem:v31+s2+$0x0] =	vst.idx.add.f32.msk $0xffff, v14;
	vm1 =	vlt.s32 v4, $0x5F  }
0x387: {  	v2 =	vmin.u32 v2, $0x7F;
	v3 =	vnsel vm0, $0x0, v3;
	v23 =	vmul.u32 $0x240, v1;
	[tilespmem:v32+s2+$0x0] =	vst.idx.add.f32.msk $0xffff, v10  }
0x388: {  	v24 =	vmul.u32 $0xC0, v1;
	vm0 =	vgt.s32 v36, $0x0;
	v31 =	vnsel vm1, $0x5F, v4;
	[tilespmem:v33+s2+$0x0] =	vst.idx.add.f32.msk $0xffff, v11  }
0x389: {  	vm1 =	vlt.s32 v26, $0x2F;
	v32 =	vnsel vm7, $0x0, v42;
	v41 =	vmin.u32 v3, $0x7F;
	[tilespmem:v34+s23+$0x0] =	vst.idx.add.f32.msk $0xffff, v13  }
0x38a: {  	v22 =	vmul.u32 $0x240, v2;
	v2 =	vmul.u32 $0xC0, v2;
	v36 =	vnsel vm0, $0x0, v36;
	[tilespmem:v35+s23+$0x0] =	vst.idx.add.f32.msk $0xffff, v15  }
0x38b: {  	vm0 =	vgt.s32 v25, $0x0;
	v33 =	vnsel vm8, $0x5F, v43;
	v3 =	vmul.u32 $0x240, v41;
	[tilespmem:v37+s23+$0x0] =	vst.idx.add.f32.msk $0xffff, v16  }
0x38c: {  	s15 =	simm.s32 $0x0;
	s19 =	sadd.s32 $0x80, s30;
	v1 =	vmul.u32 $0xC0, v41;
	v34 =	vnsel vm5, $0x0, v39;
	v35 =	vnsel vm6, $0x2F, v40;
	[tilespmem:v38+s23+$0x0] =	vst.idx.add.f32.msk $0xffff, v17  }
.LBB2_33:
0x38d: {  	s20 =	sand.u32 $0x7F00, s19;
	v4 =	vnsel vm2, $0x2F, v27;
	v27 =	vnsel vm3, $0x0, v28;
	v28 =	vnsel vm4, $0x5F, v29;
	s1 =	sadd.s32 $0x40, s1  }
0x38e: {  	v29 =	vadd.s32 v36, v23;
	v25 =	vnsel vm0, $0x0, v25;
	v26 =	vnsel vm1, $0x2F, v26;
	s20 =	sor.u32 $0x18000, s20;
	s21 =	sadd.s32 $0xFFFFFFE0, s1;
	s22 =	sand.u32 $0x70, s1  }
0x38f: {  	v23 =	vadd.s32 v31, v23;
	v31 =	vadd.s32 v34, v24;
	v24 =	vor.u32 v35, v24;
	s24 =	sadd.s32 $0xFFFFFFD0, s1;
	s25 =	sadd.s32 $0xFFFFFFF0, s1;
	s22 =	sor.u32 s22, s20  }
0x390: {  	v32 =	vadd.s32 v32, v22;
	v22 =	vadd.s32 v33, v22;
	v30 =	vadd.s32 v30, v2;
	s24 =	sand.u32 $0x40, s24;
	s21 =	sand.u32 $0x50, s21;
	s25 =	sand.u32 $0x60, s25;
	v34 =	vld [tilespmem:s22+$0x0]  }
0x391: {  	v2 =	vor.u32 v4, v2;
	v4 =	vadd.s32 v27, v3;
	v3 =	vadd.s32 v28, v3;
	s22 =	sor.u32 s24, s20;
	s21 =	sor.u32 s21, s20;
	s20 =	sor.u32 s25, s20  }
0x392: {  	v28 =	vadd.s32 v21, v29;
	v25 =	vadd.s32 v25, v1;
	v26 =	vor.u32 v26, v1;
	v27 =	vld [tilespmem:s22+$0x0]  }
0x393: {  	v35 =	vadd.s32 v21, v23;
	v29 =	vadd.s32 v20, v29;
	v23 =	vadd.s32 v20, v23;
	v33 =	vld [tilespmem:s21+$0x0]  }
0x394: {  	s15 =	sadd.s32 $0x4, s15;
	v36 =	vadd.s32 v18, v31;
	v37 =	vadd.s32 v18, v24;
	v31 =	vadd.s32 v19, v31;
	v1 =	vld [tilespmem:s20+$0x0]  }
0x395: {  	p0 =	slt.u32 s15, $0x14;
	v24 =	vadd.s32 v19, v24;
	v39 =	vadd.s32 v21, v32;
	v38 =	vmul.f32 $1.280000060e-01, v34  }
0x396: {  	v40 =	vadd.s32 v21, v22;
	v32 =	vadd.s32 v20, v32;
	v22 =	vadd.s32 v20, v22  }
0x397: {  	v41 =	vmul.f32 $1.280000060e-01, v27;
	v38 =	vtrunc.f32 v38;
	[tilespmem:v28+s2+$0x0] =	vst.idx.add.f32.msk $0xffff, v12;
	v28 =	vadd.s32 v18, v30  }
0x398: {  	v42 =	vmul.f32 $1.280000060e-01, v33;
	v38 =	vcvt.f32.s32 v38;
	[tilespmem:v35+s2+$0x0] =	vst.idx.add.f32.msk $0xffff, v14;
	v35 =	vadd.s32 v18, v2  }
0x399: {  	v41 =	vtrunc.f32 v41;
	v43 =	vmul.f32 $1.280000060e-01, v1;
	[tilespmem:v29+s2+$0x0] =	vst.idx.add.f32.msk $0xffff, v10;
	v29 =	vadd.s32 v19, v30  }
0x39a: {  	v2 =	vadd.s32 v19, v2;
	v30 =	vtrunc.f32 v42;
	v42 =	vcvt.s32.f32 v38;
	[tilespmem:v23+s2+$0x0] =	vst.idx.add.f32.msk $0xffff, v11  }
0x39b: {  	v23 =	vcvt.f32.s32 v41;
	v41 =	vtrunc.f32 v43;
	[tilespmem:v36+s23+$0x0] =	vst.idx.add.f32.msk $0xffff, v13;
	v36 =	vadd.s32 v21, v4  }
0x39c: {  	v30 =	vcvt.f32.s32 v30;
	v42 =	vmul.f32 $7.812500000e+00, v42;
	[tilespmem:v37+s23+$0x0] =	vst.idx.add.f32.msk $0xffff, v15;
	v37 =	vadd.s32 v21, v3  }
0x39d: {  	v4 =	vadd.s32 v20, v4;
	v43 =	vcvt.s32.f32 v23;
	v41 =	vcvt.f32.s32 v41;
	[tilespmem:v31+s23+$0x0] =	vst.idx.add.f32.msk $0xffff, v16  }
0x39e: {  	v3 =	vadd.s32 v20, v3;
	v31 =	vcvt.s32.f32 v30;
	vm0 =	vgt.f32 v42, v34;
	[tilespmem:v24+s23+$0x0] =	vst.idx.add.f32.msk $0xffff, v17  }
0x39f: {  	v24 =	vmul.f32 $7.812500000e+00, v43;
	v42 =	vcvt.s32.f32 v41;
	v43 =	vsel vm0, $0xFFFFFFFF, v5;
	[tilespmem:v39+s2+$0x0] =	vst.idx.add.f32.msk $0xffff, v12  }
0x3a0: {  	v31 =	vmul.f32 $7.812500000e+00, v31;
	v39 =	vadd.s32 v18, v25;
	v38 =	vadd.s32 v38, v43;
	[tilespmem:v40+s2+$0x0] =	vst.idx.add.f32.msk $0xffff, v14  }
0x3a1: {  	vm0 =	vgt.f32 v24, v27;
	v24 =	vmul.f32 $7.812500000e+00, v42;
	v40 =	vcvt.s32.f32 v38;
	[tilespmem:v32+s2+$0x0] =	vst.idx.add.f32.msk $0xffff, v10  }
0x3a2: {  	v32 =	vsel vm0, $0xFFFFFFFF, v5;
	vm0 =	vgt.f32 v31, v33;
	[tilespmem:v22+s2+$0x0] =	vst.idx.add.f32.msk $0xffff, v11;
	v22 =	vadd.s32 v18, v26  }
0x3a3: {  	v31 =	vsel vm0, $0xFFFFFFFF, v5;
	vm0 =	vgt.f32 v24, v1;
	v24 =	vadd.f32 $1.000000000e+00, v40;
	[tilespmem:v28+s23+$0x0] =	vst.idx.add.f32.msk $0xffff, v13  }
0x3a4: {  	v23 =	vadd.s32 v23, v32;
	v28 =	vadd.s32 v30, v31;
	v30 =	vsel vm0, $0xFFFFFFFF, v5;
	[tilespmem:v35+s23+$0x0] =	vst.idx.add.f32.msk $0xffff, v15  }
0x3a5: {  	v31 =	vcvt.s32.f32 v23;
	v30 =	vadd.s32 v41, v30;
	v24 =	vmul.f32 $7.812500000e+00, v24;
	[tilespmem:v29+s23+$0x0] =	vst.idx.add.f32.msk $0xffff, v16  }
0x3a6: {  	v29 =	vcvt.s32.f32 v28;
	v32 =	vcvt.s32.f32 v30;
	[tilespmem:v2+s23+$0x0] =	vst.idx.add.f32.msk $0xffff, v17;
	v2 =	vadd.s32 v19, v25  }
0x3a7: {  	v25 =	vadd.f32 $1.000000000e+00, v31;
	vm0 =	vle.f32 v24, v34;
	[tilespmem:v36+s2+$0x0] =	vst.idx.add.f32.msk $0xffff, v12;
	v24 =	vadd.s32 v19, v26  }
0x3a8: {  	v26 =	vadd.f32 $1.000000000e+00, v29;
	v29 =	vadd.f32 $1.000000000e+00, v32;
	v31 =	vsel vm0, $0x1, v5;
	[tilespmem:v37+s2+$0x0] =	vst.idx.add.f32.msk $0xffff, v14  }
0x3a9: {  	v25 =	vmul.f32 $7.812500000e+00, v25;
	v31 =	vadd.s32 v31, v38;
	[tilespmem:v4+s2+$0x0] =	vst.idx.add.f32.msk $0xffff, v10  }
0x3aa: {  	v4 =	vmul.f32 $7.812500000e+00, v26;
	v26 =	vmul.f32 $7.812500000e+00, v29;
	vm1 =	vgt.s32 v31, $0x0;
	[tilespmem:v3+s2+$0x0] =	vst.idx.add.f32.msk $0xffff, v11  }
0x3ab: {  	s9 =	sadd.s32 $0x10, s9;
	vm0 =	vle.f32 v25, v27;
	v3 =	vnsel vm1, $0x0, v31;
	[tilespmem:v39+s23+$0x0] =	vst.idx.add.f32.msk $0xffff, v13  }
0x3ac: {  	s24 =	sadd.s32 $0xFFFFFFF4, s9;
	s21 =	sadd.s32 $0xFFFFFFF8, s9;
	s20 =	sadd.s32 $0xFFFFFFFC, s9;
	vm1 =	vle.f32 v4, v33;
	v4 =	vadd.s32 s9, v6;
	v3 =	vmin.u32 v3, $0x7F;
	[tilespmem:v22+s23+$0x0] =	vst.idx.add.f32.msk $0xffff, v15  }
0x3ad: {  	v25 =	vadd.s32 s9, v7;
	vm3 =	vgt.s32 v4, $0x0;
	v22 =	vmul.u32 $0x240, v3;
	[tilespmem:v2+s23+$0x0] =	vst.idx.add.f32.msk $0xffff, v16  }
0x3ae: {  	s14 =	sadd.s32 $0x8, s14;
	vm2 =	vle.f32 v26, v1;
	v1 =	vnsel vm3, $0x0, v4;
	vm3 =	vlt.s32 v25, $0x5F;
	[tilespmem:v24+s23+$0x0] =	vst.idx.add.f32.msk $0xffff, v17  }
0x3af: {  	s26 =	sadd.s32 $0xFFFFFFFA, s14;
	s25 =	sadd.s32 $0xFFFFFFFE, s14;
	s22 =	sadd.s32 $0xFFFFFFFC, s14;
	v4 =	vadd.s32 s14, v8;
	v2 =	vnsel vm3, $0x5F, v25;
	v1 =	vadd.s32 v1, v22  }
0x3b0: {  	v24 =	vadd.s32 s14, v9;
	v2 =	vadd.s32 v2, v22;
	v22 =	vadd.s32 v21, v1  }
0x3b1: {  	v3 =	vmul.u32 $0xC0, v3;
	vm3 =	vgt.s32 v4, $0x0;
	v25 =	vadd.s32 v21, v2  }
0x3b2: {  	v4 =	vnsel vm3, $0x0, v4;
	vm3 =	vlt.s32 v24, $0x2F;
	v1 =	vadd.s32 v20, v1  }
0x3b3: {  	v2 =	vadd.s32 v20, v2;
	v4 =	vadd.s32 v4, v3;
	v24 =	vnsel vm3, $0x2F, v24  }
0x3b4: {  	v26 =	vsel vm0, $0x1, v5;
	v3 =	vor.u32 v24, v3;
	v24 =	vadd.s32 v18, v4  }
0x3b5: {  	v27 =	vsel vm1, $0x1, v5;
	v29 =	vsel vm2, $0x1, v5;
	[tilespmem:v22+s2+$0x0] =	vst.idx.add.f32.msk $0xffff, v12;
	v22 =	vadd.s32 v18, v3  }
0x3b6: {  	v31 =	vadd.s32 s24, v6;
	v23 =	vadd.s32 v26, v23;
	v4 =	vadd.s32 v19, v4;
	[tilespmem:v25+s2+$0x0] =	vst.idx.add.f32.msk $0xffff, v14  }
0x3b7: {  	vm0 =	vgt.s32 v23, $0x0;
	v25 =	vadd.s32 v27, v28;
	[tilespmem:v1+s2+$0x0] =	vst.idx.add.f32.msk $0xffff, v10;
	v1 =	vadd.s32 v19, v3  }
0x3b8: {  	v3 =	vnsel vm0, $0x0, v23;
	vm0 =	vgt.s32 v25, $0x0;
	v23 =	vadd.s32 v29, v30;
	[tilespmem:v2+s2+$0x0] =	vst.idx.add.f32.msk $0xffff, v11  }
0x3b9: {  	v2 =	vmin.u32 v3, $0x7F;
	v3 =	vnsel vm0, $0x0, v25;
	vm0 =	vgt.s32 v23, $0x0;
	[tilespmem:v24+s23+$0x0] =	vst.idx.add.f32.msk $0xffff, v13  }
0x3ba: {  	v30 =	vor.u32 s24, v7;
	v3 =	vmin.u32 v3, $0x7F;
	v23 =	vnsel vm0, $0x0, v23;
	[tilespmem:v22+s23+$0x0] =	vst.idx.add.f32.msk $0xffff, v15  }
0x3bb: {  	v32 =	vadd.s32 s26, v8;
	v33 =	vor.u32 s26, v9;
	v34 =	vmin.u32 v23, $0x7F;
	[tilespmem:v4+s23+$0x0] =	vst.idx.add.f32.msk $0xffff, v16  }
0x3bc: {  	v37 =	vadd.s32 s21, v7;
	v38 =	vadd.s32 s22, v8;
	v4 =	vadd.s32 s21, v6;
	[tilespmem:v1+s23+$0x0] =	vst.idx.add.f32.msk $0xffff, v17  }
0x3bd: {  	v27 =	vadd.s32 s22, v9;
	v28 =	vadd.s32 s20, v6;
	v29 =	vor.u32 s20, v7  }
0x3be: {  	v26 =	vor.u32 s25, v9;
	v25 =	vadd.s32 s25, v8;
	v23 =	vmul.u32 $0x240, v2  }
0x3bf: {  	v24 =	vmul.u32 $0xC0, v2;
	v22 =	vmul.u32 $0x240, v3;
	v2 =	vmul.u32 $0xC0, v3  }
0x3c0: {  	vm0 =	vgt.s32 v31, $0x0;
	v3 =	vmul.u32 $0x240, v34;
	v1 =	vmul.u32 $0xC0, v34  }
0x3c1: {  	vm6 =	vgt.s32 v32, $0x0;
	vm7 =	vlt.s32 v33, $0x2F;
	vm5 =	vlt.s32 v30, $0x5F  }
.Ltmp15:
0x3c2: {  	vm9 =	vlt.s32 v37, $0x5F;
	vm10 =	vgt.s32 v38, $0x0;
	vm8 =	vgt.s32 v4, $0x0;
	(pc) =	sbr.rel @p0 .LBB2_33-.Ltmp15, $4  }
0x3c3: {  	vm2 =	vlt.s32 v27, $0x2F;
	vm3 =	vgt.s32 v28, $0x0;
	vm4 =	vlt.s32 v29, $0x5F  }
0x3c4: {  	vm1 =	vlt.s32 v26, $0x2F;
	v36 =	vnsel vm0, $0x0, v31;
	vm0 =	vgt.s32 v25, $0x0  }
0x3c5: {  	v35 =	vnsel vm7, $0x2F, v33;
	v31 =	vnsel vm5, $0x5F, v30;
	v34 =	vnsel vm6, $0x0, v32  }
0x3c6: {  	s19 =	sadd.s32 $0x80, s19;
	v33 =	vnsel vm9, $0x5F, v37;
	v30 =	vnsel vm10, $0x0, v38;
	v32 =	vnsel vm8, $0x0, v4  }
0x3c7: {  	s1 =	simm.s32 $0x30;
	s9 =	sand.u32 $0x7F00, s0  }
0x3c8: {  	s9 =	sor.u32 $0x18000, s9;
	s14 =	sand.u32 $0x70, s1  }
0x3c9: {  	s15 =	simm.s32 $0x0;
	s14 =	sor.u32 s14, s9  }
0x3ca: {  	v27 =	vnsel vm2, $0x2F, v27;
	s20 =	sand.u32 $0x40, s15;
	v4 =	vld [tilespmem:s14+$0x0]  }
0x3cb: {  	v28 =	vnsel vm3, $0x0, v28;
	v29 =	vnsel vm4, $0x5F, v29;
	v36 =	vadd.s32 v36, v23;
	s21 =	simm.s32 $0x10;
	s14 =	sor.u32 s20, s9  }
0x3cc: {  	v25 =	vnsel vm0, $0x0, v25;
	v26 =	vnsel vm1, $0x2F, v26;
	v23 =	vadd.s32 v31, v23;
	s22 =	sand.u32 $0x50, s21;
	v37 =	vld [tilespmem:s14+$0x0]  }
0x3cd: {  	v31 =	vadd.s32 v34, v24;
	v24 =	vor.u32 v35, v24;
	v32 =	vadd.s32 v32, v22;
	s14 =	sor.u32 s22, s9  }
0x3ce: {  	v22 =	vadd.s32 v33, v22;
	v62 =	vadd.s32 v30, v2;
	v27 =	vor.u32 v27, v2;
	v63 =	vld [tilespmem:s14+$0x0]  }
0x3cf: {  	v2 =	vadd.s32 v28, v3;
	v3 =	vadd.s32 v29, v3;
	v58 =	vmul.f32 $1.280000060e-01, v4  }
0x3d0: {  	v38 =	vadd.s32 v21, v36;
	v25 =	vadd.s32 v25, v1;
	v26 =	vor.u32 v26, v1  }
0x3d1: {  	v39 =	vadd.s32 v21, v23;
	v29 =	vmul.f32 $1.280000060e-01, v37;
	v28 =	vtrunc.f32 v58  }
0x3d2: {  	v36 =	vadd.s32 v20, v36;
	v40 =	vadd.s32 v20, v23;
	v33 =	vcvt.f32.s32 v28  }
0x3d3: {  	v41 =	vadd.s32 v18, v31;
	v1 =	vtrunc.f32 v29;
	v29 =	vmul.f32 $1.280000060e-01, v63  }
0x3d4: {  	s24 =	simm.s32 $0x20;
	v43 =	vadd.s32 v21, v32;
	v42 =	vcvt.f32.s32 v1;
	v23 =	vcvt.s32.f32 v33  }
0x3d5: {  	v30 =	vadd.s32 v18, v24;
	s14 =	sand.u32 $0x60, s24;
	v1 =	vadd.s32 v19, v24;
	v24 =	vtrunc.f32 v29  }
0x3d6: {  	v44 =	vadd.s32 v21, v22;
	s9 =	sor.u32 s14, s9;
	v29 =	vcvt.s32.f32 v42;
	v23 =	vmul.f32 $7.812500000e+00, v23  }
0x3d7: {  	v32 =	vadd.s32 v20, v32;
	v47 =	vadd.s32 v21, v2;
	v45 =	vld [tilespmem:s9+$0x0];
	v24 =	vcvt.f32.s32 v24  }
0x3d8: {  	v49 =	vadd.s32 v21, v3;
	[tilespmem:v38+s2+$0x0] =	vst.idx.add.f32.msk $0xffff, v12;
	vm0 =	vgt.f32 v23, v4;
	v23 =	vmul.f32 $7.812500000e+00, v29  }
0x3d9: {  	s8 =	sor.u32 $0x1, s8;
	[tilespmem:v43+s2+$0x0] =	vst.idx.add.f32.msk $0xffff, v12;
	v28 =	vadd.s32 v19, v31;
	v31 =	vcvt.s32.f32 v24;
	v29 =	vsel vm0, $0xFFFFFFFF, v5  }
0x3da: {  	s25 =	sshll.u32 s8, $0x1;
	v46 =	vadd.s32 v33, v29;
	v33 =	vadd.s32 v20, v22;
	vm0 =	vgt.f32 v23, v37  }
0x3db: {  	s26 =	sadd.s32 $0x5, s25;
	[tilespmem:v39+s2+$0x0] =	vst.idx.add.f32.msk $0xffff, v14;
	v23 =	vmul.f32 $7.812500000e+00, v31;
	v22 =	vcvt.s32.f32 v46;
	v29 =	vsel vm0, $0xFFFFFFFF, v5  }
0x3dc: {  	v48 =	vmov s8;
	s15 =	sshra.s32 s26, $0x1F;
	[tilespmem:v44+s2+$0x0] =	vst.idx.add.f32.msk $0xffff, v14;
	v52 =	vmul.f32 $1.280000060e-01, v45;
	v31 =	vadd.s32 v42, v29  }
0x3dd: {  	s8 =	sshrl.u32 s15, $0x1D;
	[tilespmem:v47+s2+$0x0] =	vst.idx.add.f32.msk $0xffff, v12;
	vm0 =	vgt.f32 v23, v63;
	v22 =	vadd.f32 $1.000000000e+00, v22;
	v23 =	vcvt.s32.f32 v31  }
0x3de: {  	v34 =	vadd.s32 v19, v62;
	v21 =	vcvt.s32.f32 v48;
	s8 =	sadd.s32 s8, s26;
	[tilespmem:v36+s2+$0x0] =	vst.idx.add.f32.msk $0xffff, v10;
	v29 =	vadd.s32 v20, v2  }
0x3df: {  	s8 =	sshra.s32 s8, $0x3;
	[tilespmem:v49+s2+$0x0] =	vst.idx.add.f32.msk $0xffff, v14;
	v2 =	vtrunc.f32 v52;
	v22 =	vmul.f32 $7.812500000e+00, v22;
	v23 =	vadd.f32 $1.000000000e+00, v23  }
0x3e0: {  	v54 =	vadd.s32 v18, v27;
	v55 =	vadd.s32 v19, v27;
	s14 =	sadd.s32 $0xFFFFFFFF, s8;
	[tilespmem:v32+s2+$0x0] =	vst.idx.add.f32.msk $0xffff, v10;
	v42 =	vcvt.f32.s32 v2  }
0x3e1: {  	[tilespmem:v40+s2+$0x0] =	vst.idx.add.f32.msk $0xffff, v11;
	v2 =	vmov s14;
	vm2 =	vle.f32 v22, v4;
	v22 =	vmul.f32 $7.812500000e+00, v23  }
0x3e2: {  	[tilespmem:v41+s23+$0x0] =	vst.idx.add.f32.msk $0xffff, v13;
	v23 =	vcvt.s32.f32 v2;
	v2 =	vadd.s32 v20, v3;
	v3 =	vadd.s32 v18, v62  }
0x3e3: {  	v50 =	vadd.s32 v18, v25;
	v21 =	vbroadcast v21, $0x0;
	[tilespmem:v30+s23+$0x0] =	vst.idx.add.f32.msk $0xffff, v15;
	v4 =	vsel vm0, $0xFFFFFFFF, v5  }
0x3e4: {  	v35 =	vadd.s32 v18, v26;
	[tilespmem:v28+s23+$0x0] =	vst.idx.add.f32.msk $0xffff, v16;
	v4 =	vadd.s32 v24, v4  }
0x3e5: {  	s9 =	sadd.s32 $0x9, s25;
	[tilespmem:v33+s2+$0x0] =	vst.idx.add.f32.msk $0xffff, v11;
	v24 =	vcvt.s32.f32 v42;
	vm0 =	vle.f32 v22, v37;
	v22 =	vmul.f32 $2.500000000e-01, v21  }
0x3e6: {  	v51 =	vadd.s32 v19, v26;
	v38 =	vadd.s32 v19, v25;
	s19 =	sshra.s32 s9, $0x1F;
	[tilespmem:v29+s2+$0x0] =	vst.idx.add.f32.msk $0xffff, v10;
	v53 =	vcvt.s32.f32 v4  }
0x3e7: {  	s21 =	simm.s32 $0x0;
	s26 =	simm.s32 $0x4;
	s15 =	sshrl.u32 s19, $0x1C;
	v23 =	vbroadcast v23, $0x0;
	v20 =	vmul.f32 $7.812500000e+00, v24;
	v22 =	vadd.f32 $-3.750000000e-01, v22;
	[tilespmem:v3+s23+$0x0] =	vst.idx.add.f32.msk $0xffff, v13  }
0x3e8: {  	s9 =	sadd.s32 s15, s9;
	v10 =	vadd.s32 s26, v8;
	v24 =	vadd.f32 $1.000000000e+00, v53;
	v53 =	vadd.s32 s21, v6;
	[tilespmem:v2+s2+$0x0] =	vst.idx.add.f32.msk $0xffff, v11  }
0x3e9: {  	s25 =	simm.s32 $0x8;
	p0 =	sgt.s32 s14, $0x0;
	s9 =	sshra.s32 s9, $0x4;
	vm1 =	vgt.f32 v20, v45;
	v3 =	vsel vm0, $0x1, v5;
	v22 =	vsub.f32 v22, v23;
	[tilespmem:v54+s23+$0x0] =	vst.idx.add.f32.msk $0xffff, v15  }
0x3ea: {  	s15 =	sadd.s32 $0xFFFFFFFF, s9;
	s14 =	simm.s32 @!p0 $0x0;
	p0 =	sgt.s32 s8, $0x0;
	v20 =	vsel vm1, $0xFFFFFFFF, v5;
	v23 =	vmul.f32 $7.812500000e+00, v24;
	v3 =	vadd.s32 v3, v31;
	[tilespmem:v50+s23+$0x0] =	vst.idx.add.f32.msk $0xffff, v13  }
0x3eb: {  	s22 =	simm.s32 $0x0;
	s8 =	simm.s32 @!p0 $0x0;
	v13 =	vor.u32 s25, v7;
	v42 =	vadd.s32 v42, v20;
	v20 =	vmov s15;
	[tilespmem:v34+s23+$0x0] =	vst.idx.add.f32.msk $0xffff, v16  }
0x3ec: {  	s19 =	simm.s32 $0x2;
	s14 =	smin.u32 s14, $0x5F;
	s8 =	smin.u32 s8, $0x5F;
	vm0 =	vgt.s32 v3, $0x0;
	[tilespmem:v35+s23+$0x0] =	vst.idx.add.f32.msk $0xffff, v15;
	vm1 =	vle.f32 v23, v63;
	v23 =	vcvt.s32.f32 v42  }
0x3ed: {  	p0 =	sgt.s32 s15, $0x0;
	s14 =	ssub.s32 s14, s16;
	s8 =	ssub.s32 s8, s16;
	v15 =	vadd.s32 s25, v6;
	v18 =	vcvt.s32.f32 v20;
	v20 =	vmul.f32 $1.250000000e-01, v21;
	[tilespmem:v55+s23+$0x0] =	vst.idx.add.f32.msk $0xffff, v17  }
0x3ee: {  	s14 =	smul.u32 $0x60, s14;
	s15 =	simm.s32 @!p0 $0x0;
	p0 =	sgt.s32 s9, $0x0;
	v21 =	vsub.f32 $1.000000000e+00, v22;
	v55 =	vor.u32 s22, v9;
	[tilespmem:v38+s23+$0x0] =	vst.idx.add.f32.msk $0xffff, v16;
	v16 =	vadd.s32 s19, v9  }
0x3ef: {  	s8 =	smul.u32 $0x60, s8;
	s15 =	smin.u32 s15, $0x2F;
	s9 =	simm.s32 @!p0 $0x0;
	vm6 =	vlt.s32 v55, $0x2F;
	vm4 =	vlt.s32 v16, $0x2F;
	v19 =	vadd.f32 $1.000000000e+00, v23  }
0x3f0: {  	s20 =	ssub.s32 s15, s17;
	s9 =	smin.u32 s9, $0x2F;
	v18 =	vbroadcast v18, $0x0;
	v24 =	vadd.f32 $-4.375000000e-01, v20;
	v23 =	vmov s14  }
0x3f1: {  	v20 =	vmov s8;
	s9 =	ssub.s32 s9, s17;
	s8 =	smul.u32 $0x30, s20;
	v25 =	vmul.f32 $7.812500000e+00, v19;
	v19 =	vmul.f32 v57, v21  }
0x3f2: {  	s9 =	smul.u32 $0x30, s9;
	v56 =	vsub.f32 v24, v18;
	v18 =	vmul.f32 v59, v21;
	v21 =	vmul.f32 v57, v22  }
0x3f3: {  	v24 =	vsel vm2, $0x1, v5;
	v22 =	vmul.f32 v59, v22;
	v27 =	vmov s8;
	s8 =	simm.s32 $0xC  }
0x3f4: {  	v58 =	vadd.s32 v24, v46;
	v24 =	vmov s9;
	v62 =	vadd.s32 s8, v6  }
0x3f5: {  	vm3 =	vle.f32 v25, v45;
	v26 =	vsub.f32 $1.000000000e+00, v56;
	vm2 =	vgt.s32 v58, $0x0  }
0x3f6: {  	s9 =	simm.s32 $0x6;
	v12 =	vmul.f32 v60, v56;
	v45 =	vadd.s32 s8, v7;
	v14 =	vmul.f32 v61, v56  }
0x3f7: {  	s24 =	simm.s32 $0x4;
	v46 =	vadd.s32 s9, v8;
	v39 =	vnsel vm2, $0x0, v58;
	vm2 =	vgt.s32 v62, $0x0  }
0x3f8: {  	v31 =	vsel vm3, $0x1, v5;
	v58 =	vadd.s32 s24, v6;
	vm3 =	vgt.s32 v15, $0x0  }
0x3f9: {  	v25 =	vmul.f32 v60, v26;
	v26 =	vmul.f32 v61, v26;
	v39 =	vmin.u32 v39, $0x7F  }
0x3fa: {  	v30 =	vnsel vm2, $0x0, v62;
	vm2 =	vlt.s32 v45, $0x5F;
	v63 =	vmul.u32 $0x240, v39  }
0x3fb: {  	v31 =	vadd.s32 v31, v42;
	v62 =	vadd.s32 s24, v7;
	vm7 =	vgt.s32 v58, $0x0  }
0x3fc: {  	v47 =	vmul.u32 $0xC0, v39;
	v28 =	vadd.s32 v30, v63;
	v30 =	vnsel vm2, $0x5F, v45  }
0x3fd: {  	[tilespmem:v1+s23+$0x0] =	vst.idx.add.f32.msk $0xffff, v17;
	vm8 =	vlt.s32 v62, $0x5F;
	vm2 =	vgt.s32 v46, $0x0;
	v1 =	vadd.s32 v30, v63  }
0x3fe: {  	v30 =	vadd.s32 s9, v9;
	v36 =	vnsel vm2, $0x0, v46;
	v33 =	vadd.s32 v23, v28  }
0x3ff: {  	v52 =	vadd.s32 v20, v28;
	v63 =	vadd.s32 s19, v8;
	vm2 =	vlt.s32 v30, $0x2F  }
0x400: {  	v49 =	vadd.s32 v23, v1;
	v41 =	vadd.s32 v20, v1;
	v1 =	vadd.s32 v36, v47  }
0x401: {  	vm9 =	vgt.s32 v63, $0x0;
	v30 =	vnsel vm2, $0x2F, v30;
	v36 =	vadd.s32 v24, v1  }
0x402: {  	vm2 =	vlt.s32 v13, $0x5F;
	v28 =	vor.u32 v30, v47;
	v30 =	vsel vm1, $0x1, v5  }
0x403: {  	v4 =	vadd.s32 v30, v4;
	v30 =	vadd.s32 v27, v1;
	v32 =	vadd.s32 v27, v28  }
0x404: {  	v54 =	vadd.s32 v24, v28;
	v1 =	vnsel vm0, $0x0, v3;
	vm0 =	vgt.s32 v4, $0x0  }
0x405: {  	v1 =	vmin.u32 v1, $0x7F;
	[tilespmem:v33+s2+$0x0] =	vst.idx.add.f32.msk $0xffff, v19;
	v33 =	vnsel vm6, $0x2F, v55;
	v3 =	vnsel vm0, $0x0, v4  }
0x406: {  	[tilespmem:v51+s23+$0x0] =	vst.idx.add.f32.msk $0xffff, v17;
	vm0 =	vgt.s32 v31, $0x0;
	v4 =	vor.u32 s21, v7;
	v28 =	vmul.u32 $0x240, v1  }
0x407: {  	v29 =	vmul.u32 $0xC0, v1;
	[tilespmem:v49+s2+$0x0] =	vst.idx.add.f32.msk $0xffff, v18;
	v3 =	vmin.u32 v3, $0x7F;
	v2 =	vnsel vm0, $0x0, v31  }
0x408: {  	v31 =	vadd.s32 s22, v8;
	vm0 =	vgt.s32 v53, $0x0;
	[tilespmem:v52+s2+$0x0] =	vst.idx.add.f32.msk $0xffff, v21;
	vm1 =	vlt.s32 v4, $0x5F  }
0x409: {  	v56 =	vmin.u32 v2, $0x7F;
	v2 =	vor.u32 s26, v9;
	v17 =	vmul.u32 $0x240, v3;
	[tilespmem:v41+s2+$0x0] =	vst.idx.add.f32.msk $0xffff, v22  }
0x40a: {  	v11 =	vmul.u32 $0xC0, v3;
	vm5 =	vgt.s32 v31, $0x0;
	v34 =	vnsel vm0, $0x0, v53;
	[tilespmem:v30+s23+$0x0] =	vst.idx.add.f32.msk $0xffff, v25  }
0x40b: {  	v35 =	vnsel vm1, $0x5F, v4;
	vm1 =	vgt.s32 v10, $0x0;
	v3 =	vmul.u32 $0x240, v56;
	[tilespmem:v32+s23+$0x0] =	vst.idx.add.f32.msk $0xffff, v26  }
0x40c: {  	v1 =	vmul.u32 $0xC0, v56;
	vm0 =	vlt.s32 v2, $0x2F;
	v30 =	vnsel vm9, $0x0, v63;
	[tilespmem:v36+s23+$0x0] =	vst.idx.add.f32.msk $0xffff, v12  }
0x40d: {  	s15 =	sadd.s32 $0x80, s0;
	s14 =	simm.s32 $0x0;
	v32 =	vnsel vm7, $0x0, v58;
	v36 =	vnsel vm5, $0x0, v31;
	v31 =	vnsel vm8, $0x5F, v62;
	[tilespmem:v54+s23+$0x0] =	vst.idx.add.f32.msk $0xffff, v14  }
.LBB2_35:
0x40e: {  	s19 =	sand.u32 $0x7F00, s15;
	v4 =	vnsel vm4, $0x2F, v16;
	v15 =	vnsel vm3, $0x0, v15;
	v13 =	vnsel vm2, $0x5F, v13;
	s1 =	sadd.s32 $0x40, s1  }
0x40f: {  	v16 =	vadd.s32 v34, v28;
	v10 =	vnsel vm1, $0x0, v10;
	v2 =	vnsel vm0, $0x2F, v2;
	s19 =	sor.u32 $0x18000, s19;
	s20 =	sadd.s32 $0xFFFFFFE0, s1;
	s21 =	sand.u32 $0x70, s1  }
0x410: {  	v28 =	vadd.s32 v35, v28;
	v34 =	vadd.s32 v36, v29;
	v29 =	vor.u32 v33, v29;
	s22 =	sadd.s32 $0xFFFFFFD0, s1;
	s24 =	sadd.s32 $0xFFFFFFF0, s1;
	s21 =	sor.u32 s21, s19  }
0x411: {  	v32 =	vadd.s32 v32, v17;
	v17 =	vadd.s32 v31, v17;
	v30 =	vadd.s32 v30, v11;
	s22 =	sand.u32 $0x40, s22;
	s20 =	sand.u32 $0x50, s20;
	s24 =	sand.u32 $0x60, s24;
	v33 =	vld [tilespmem:s21+$0x0]  }
0x412: {  	v4 =	vor.u32 v4, v11;
	v11 =	vadd.s32 v15, v3;
	v3 =	vadd.s32 v13, v3;
	s21 =	sor.u32 s22, s19;
	s20 =	sor.u32 s20, s19;
	s19 =	sor.u32 s24, s19  }
0x413: {  	v15 =	vadd.s32 v23, v16;
	v10 =	vadd.s32 v10, v1;
	v2 =	vor.u32 v2, v1;
	v13 =	vld [tilespmem:s21+$0x0]  }
0x414: {  	v35 =	vadd.s32 v23, v28;
	v16 =	vadd.s32 v20, v16;
	v28 =	vadd.s32 v20, v28;
	v31 =	vld [tilespmem:s20+$0x0]  }
0x415: {  	s14 =	sadd.s32 $0x4, s14;
	v36 =	vadd.s32 v27, v34;
	v37 =	vadd.s32 v27, v29;
	v34 =	vadd.s32 v24, v34;
	v1 =	vld [tilespmem:s19+$0x0]  }
0x416: {  	p0 =	slt.u32 s14, $0x14;
	v29 =	vadd.s32 v24, v29;
	v39 =	vadd.s32 v23, v32;
	v38 =	vmul.f32 $1.280000060e-01, v33  }
0x417: {  	v40 =	vadd.s32 v23, v17;
	v32 =	vadd.s32 v20, v32;
	v17 =	vadd.s32 v20, v17  }
0x418: {  	v41 =	vmul.f32 $1.280000060e-01, v13;
	v38 =	vtrunc.f32 v38;
	[tilespmem:v15+s2+$0x0] =	vst.idx.add.f32.msk $0xffff, v19;
	v15 =	vadd.s32 v27, v30  }
0x419: {  	v42 =	vmul.f32 $1.280000060e-01, v31;
	v38 =	vcvt.f32.s32 v38;
	[tilespmem:v35+s2+$0x0] =	vst.idx.add.f32.msk $0xffff, v18;
	v35 =	vadd.s32 v27, v4  }
0x41a: {  	v41 =	vtrunc.f32 v41;
	v43 =	vmul.f32 $1.280000060e-01, v1;
	[tilespmem:v16+s2+$0x0] =	vst.idx.add.f32.msk $0xffff, v21;
	v16 =	vadd.s32 v24, v30  }
0x41b: {  	v4 =	vadd.s32 v24, v4;
	v30 =	vtrunc.f32 v42;
	v42 =	vcvt.s32.f32 v38;
	[tilespmem:v28+s2+$0x0] =	vst.idx.add.f32.msk $0xffff, v22  }
0x41c: {  	v28 =	vcvt.f32.s32 v41;
	v41 =	vtrunc.f32 v43;
	[tilespmem:v36+s23+$0x0] =	vst.idx.add.f32.msk $0xffff, v25;
	v36 =	vadd.s32 v23, v11  }
0x41d: {  	v30 =	vcvt.f32.s32 v30;
	v42 =	vmul.f32 $7.812500000e+00, v42;
	[tilespmem:v37+s23+$0x0] =	vst.idx.add.f32.msk $0xffff, v26;
	v37 =	vadd.s32 v23, v3  }
0x41e: {  	v11 =	vadd.s32 v20, v11;
	v43 =	vcvt.s32.f32 v28;
	v41 =	vcvt.f32.s32 v41;
	[tilespmem:v34+s23+$0x0] =	vst.idx.add.f32.msk $0xffff, v12  }
0x41f: {  	v3 =	vadd.s32 v20, v3;
	v34 =	vcvt.s32.f32 v30;
	vm0 =	vgt.f32 v42, v33;
	[tilespmem:v29+s23+$0x0] =	vst.idx.add.f32.msk $0xffff, v14  }
0x420: {  	v29 =	vmul.f32 $7.812500000e+00, v43;
	v42 =	vcvt.s32.f32 v41;
	v43 =	vsel vm0, $0xFFFFFFFF, v5;
	[tilespmem:v39+s2+$0x0] =	vst.idx.add.f32.msk $0xffff, v19  }
0x421: {  	v34 =	vmul.f32 $7.812500000e+00, v34;
	v39 =	vadd.s32 v27, v10;
	v38 =	vadd.s32 v38, v43;
	[tilespmem:v40+s2+$0x0] =	vst.idx.add.f32.msk $0xffff, v18  }
0x422: {  	vm0 =	vgt.f32 v29, v13;
	v29 =	vmul.f32 $7.812500000e+00, v42;
	v40 =	vcvt.s32.f32 v38;
	[tilespmem:v32+s2+$0x0] =	vst.idx.add.f32.msk $0xffff, v21  }
0x423: {  	v32 =	vsel vm0, $0xFFFFFFFF, v5;
	vm0 =	vgt.f32 v34, v31;
	[tilespmem:v17+s2+$0x0] =	vst.idx.add.f32.msk $0xffff, v22;
	v17 =	vadd.s32 v27, v2  }
0x424: {  	v34 =	vsel vm0, $0xFFFFFFFF, v5;
	vm0 =	vgt.f32 v29, v1;
	v29 =	vadd.f32 $1.000000000e+00, v40;
	[tilespmem:v15+s23+$0x0] =	vst.idx.add.f32.msk $0xffff, v25  }
0x425: {  	v15 =	vadd.s32 v28, v32;
	v28 =	vadd.s32 v30, v34;
	v30 =	vsel vm0, $0xFFFFFFFF, v5;
	[tilespmem:v35+s23+$0x0] =	vst.idx.add.f32.msk $0xffff, v26  }
0x426: {  	v32 =	vcvt.s32.f32 v15;
	v30 =	vadd.s32 v41, v30;
	v29 =	vmul.f32 $7.812500000e+00, v29;
	[tilespmem:v16+s23+$0x0] =	vst.idx.add.f32.msk $0xffff, v12  }
0x427: {  	v16 =	vcvt.s32.f32 v28;
	v34 =	vcvt.s32.f32 v30;
	[tilespmem:v4+s23+$0x0] =	vst.idx.add.f32.msk $0xffff, v14;
	v4 =	vadd.s32 v24, v10  }
0x428: {  	v2 =	vadd.s32 v24, v2;
	v10 =	vadd.f32 $1.000000000e+00, v32;
	vm0 =	vle.f32 v29, v33;
	[tilespmem:v36+s2+$0x0] =	vst.idx.add.f32.msk $0xffff, v19  }
0x429: {  	v16 =	vadd.f32 $1.000000000e+00, v16;
	v29 =	vadd.f32 $1.000000000e+00, v34;
	v32 =	vsel vm0, $0x1, v5;
	[tilespmem:v37+s2+$0x0] =	vst.idx.add.f32.msk $0xffff, v18  }
0x42a: {  	v10 =	vmul.f32 $7.812500000e+00, v10;
	v32 =	vadd.s32 v32, v38;
	[tilespmem:v11+s2+$0x0] =	vst.idx.add.f32.msk $0xffff, v21  }
0x42b: {  	v11 =	vmul.f32 $7.812500000e+00, v16;
	v16 =	vmul.f32 $7.812500000e+00, v29;
	vm1 =	vgt.s32 v32, $0x0;
	[tilespmem:v3+s2+$0x0] =	vst.idx.add.f32.msk $0xffff, v22  }
0x42c: {  	s8 =	sadd.s32 $0x10, s8;
	vm0 =	vle.f32 v10, v13;
	v3 =	vnsel vm1, $0x0, v32;
	[tilespmem:v39+s23+$0x0] =	vst.idx.add.f32.msk $0xffff, v25  }
0x42d: {  	s21 =	sadd.s32 $0xFFFFFFF4, s8;
	s20 =	sadd.s32 $0xFFFFFFF8, s8;
	s19 =	sadd.s32 $0xFFFFFFFC, s8;
	v10 =	vadd.s32 s8, v6;
	vm1 =	vle.f32 v11, v31;
	v3 =	vmin.u32 v3, $0x7F;
	[tilespmem:v17+s23+$0x0] =	vst.idx.add.f32.msk $0xffff, v26  }
0x42e: {  	v13 =	vadd.s32 s8, v7;
	vm3 =	vgt.s32 v10, $0x0;
	v11 =	vmul.u32 $0x240, v3;
	[tilespmem:v4+s23+$0x0] =	vst.idx.add.f32.msk $0xffff, v12  }
0x42f: {  	s9 =	sadd.s32 $0x8, s9;
	vm2 =	vle.f32 v16, v1;
	v1 =	vnsel vm3, $0x0, v10;
	vm3 =	vlt.s32 v13, $0x5F;
	[tilespmem:v2+s23+$0x0] =	vst.idx.add.f32.msk $0xffff, v14  }
0x430: {  	s25 =	sadd.s32 $0xFFFFFFFA, s9;
	s22 =	sadd.s32 $0xFFFFFFFC, s9;
	s24 =	sadd.s32 $0xFFFFFFFE, s9;
	v4 =	vadd.s32 s9, v8;
	v2 =	vnsel vm3, $0x5F, v13;
	v1 =	vadd.s32 v1, v11  }
0x431: {  	v2 =	vadd.s32 v2, v11;
	v11 =	vadd.s32 s9, v9;
	v10 =	vadd.s32 v23, v1  }
0x432: {  	v3 =	vmul.u32 $0xC0, v3;
	vm3 =	vgt.s32 v4, $0x0;
	v13 =	vadd.s32 v23, v2  }
0x433: {  	v4 =	vnsel vm3, $0x0, v4;
	v1 =	vadd.s32 v20, v1;
	vm3 =	vlt.s32 v11, $0x2F  }
0x434: {  	v2 =	vadd.s32 v20, v2;
	v4 =	vadd.s32 v4, v3;
	v11 =	vnsel vm3, $0x2F, v11  }
0x435: {  	v16 =	vsel vm0, $0x1, v5;
	v3 =	vor.u32 v11, v3;
	v11 =	vadd.s32 v27, v4  }
0x436: {  	v17 =	vsel vm1, $0x1, v5;
	v29 =	vsel vm2, $0x1, v5;
	[tilespmem:v10+s2+$0x0] =	vst.idx.add.f32.msk $0xffff, v19;
	v10 =	vadd.s32 v27, v3  }
0x437: {  	v31 =	vadd.s32 s21, v6;
	v15 =	vadd.s32 v16, v15;
	v4 =	vadd.s32 v24, v4;
	[tilespmem:v13+s2+$0x0] =	vst.idx.add.f32.msk $0xffff, v18  }
0x438: {  	vm0 =	vgt.s32 v15, $0x0;
	v13 =	vadd.s32 v17, v28;
	[tilespmem:v1+s2+$0x0] =	vst.idx.add.f32.msk $0xffff, v21;
	v1 =	vadd.s32 v24, v3  }
0x439: {  	v3 =	vnsel vm0, $0x0, v15;
	vm0 =	vgt.s32 v13, $0x0;
	v15 =	vadd.s32 v29, v30;
	[tilespmem:v2+s2+$0x0] =	vst.idx.add.f32.msk $0xffff, v22  }
0x43a: {  	v3 =	vmin.u32 v3, $0x7F;
	v2 =	vnsel vm0, $0x0, v13;
	vm0 =	vgt.s32 v15, $0x0;
	[tilespmem:v11+s23+$0x0] =	vst.idx.add.f32.msk $0xffff, v25  }
0x43b: {  	v30 =	vor.u32 s21, v7;
	v11 =	vmin.u32 v2, $0x7F;
	v2 =	vnsel vm0, $0x0, v15;
	[tilespmem:v10+s23+$0x0] =	vst.idx.add.f32.msk $0xffff, v26  }
0x43c: {  	v33 =	vor.u32 s25, v9;
	v32 =	vadd.s32 s25, v8;
	v34 =	vmin.u32 v2, $0x7F;
	[tilespmem:v4+s23+$0x0] =	vst.idx.add.f32.msk $0xffff, v12  }
0x43d: {  	v37 =	vadd.s32 s20, v7;
	v38 =	vadd.s32 s22, v8;
	v4 =	vadd.s32 s20, v6;
	[tilespmem:v1+s23+$0x0] =	vst.idx.add.f32.msk $0xffff, v14  }
0x43e: {  	v16 =	vadd.s32 s22, v9;
	v13 =	vor.u32 s19, v7;
	v15 =	vadd.s32 s19, v6  }
0x43f: {  	v28 =	vmul.u32 $0x240, v3;
	v10 =	vadd.s32 s24, v8;
	v2 =	vor.u32 s24, v9  }
0x440: {  	v29 =	vmul.u32 $0xC0, v3;
	v17 =	vmul.u32 $0x240, v11;
	v11 =	vmul.u32 $0xC0, v11  }
0x441: {  	vm0 =	vgt.s32 v31, $0x0;
	v3 =	vmul.u32 $0x240, v34;
	v1 =	vmul.u32 $0xC0, v34  }
0x442: {  	vm7 =	vlt.s32 v33, $0x2F;
	vm6 =	vgt.s32 v32, $0x0;
	vm5 =	vlt.s32 v30, $0x5F  }
.Ltmp16:
0x443: {  	vm9 =	vlt.s32 v37, $0x5F;
	vm10 =	vgt.s32 v38, $0x0;
	vm8 =	vgt.s32 v4, $0x0;
	(pc) =	sbr.rel @p0 .LBB2_35-.Ltmp16, $4  }
0x444: {  	vm4 =	vlt.s32 v16, $0x2F;
	vm2 =	vlt.s32 v13, $0x5F;
	vm3 =	vgt.s32 v15, $0x0  }
0x445: {  	vm1 =	vgt.s32 v10, $0x0;
	v34 =	vnsel vm0, $0x0, v31;
	vm0 =	vlt.s32 v2, $0x2F  }
0x446: {  	v33 =	vnsel vm7, $0x2F, v33;
	v36 =	vnsel vm6, $0x0, v32;
	v35 =	vnsel vm5, $0x5F, v30  }
0x447: {  	s15 =	sadd.s32 $0x80, s15;
	v30 =	vnsel vm10, $0x0, v38;
	v31 =	vnsel vm9, $0x5F, v37;
	v32 =	vnsel vm8, $0x0, v4  }
0x448: {  	v4 =	vadd.s32 v34, v28  }
0x449: {  	v32 =	vadd.s32 v32, v17;
	v34 =	vadd.s32 v23, v4  }
0x44a: {  	v48 =	vadd.s32 v35, v28;
	v15 =	vnsel vm3, $0x0, v15;
	v53 =	vadd.s32 v23, v32  }
0x44b: {  	v35 =	vadd.s32 v23, v48;
	v15 =	vadd.s32 v15, v3  }
0x44c: {  	v63 =	vadd.s32 v23, v15  }
0x44d: {  	v4 =	vadd.s32 v20, v4  }
0x44e: {  	v36 =	vadd.s32 v36, v29;
	v28 =	vadd.s32 v20, v48;
	[tilespmem:v34+s2+$0x0] =	vst.idx.add.f32.msk $0xffff, v19  }
0x44f: {  	v49 =	vor.u32 v33, v29;
	v50 =	vadd.s32 v27, v36;
	[tilespmem:v53+s2+$0x0] =	vst.idx.add.f32.msk $0xffff, v19  }
0x450: {  	v51 =	vadd.s32 v27, v49;
	[tilespmem:v35+s2+$0x0] =	vst.idx.add.f32.msk $0xffff, v18  }
0x451: {  	v52 =	vadd.s32 v24, v36;
	[tilespmem:v63+s2+$0x0] =	vst.idx.add.f32.msk $0xffff, v19  }
0x452: {  	v29 =	vadd.s32 v24, v49;
	[tilespmem:v4+s2+$0x0] =	vst.idx.add.f32.msk $0xffff, v21;
	v4 =	vadd.s32 v31, v17  }
0x453: {  	[tilespmem:v28+s2+$0x0] =	vst.idx.add.f32.msk $0xffff, v22;
	v54 =	vadd.s32 v23, v4  }
0x454: {  	v55 =	vadd.s32 v20, v32;
	[tilespmem:v50+s23+$0x0] =	vst.idx.add.f32.msk $0xffff, v25  }
0x455: {  	v16 =	vnsel vm4, $0x2F, v16;
	v30 =	vadd.s32 v30, v11;
	v4 =	vadd.s32 v20, v4;
	[tilespmem:v51+s23+$0x0] =	vst.idx.add.f32.msk $0xffff, v26  }
0x456: {  	v11 =	vor.u32 v16, v11;
	v56 =	vadd.s32 v27, v30;
	[tilespmem:v52+s23+$0x0] =	vst.idx.add.f32.msk $0xffff, v12  }
0x457: {  	v58 =	vadd.s32 v27, v11;
	[tilespmem:v29+s23+$0x0] =	vst.idx.add.f32.msk $0xffff, v14  }
0x458: {  	v13 =	vnsel vm2, $0x5F, v13;
	v62 =	vadd.s32 v24, v30;
	[tilespmem:v54+s2+$0x0] =	vst.idx.add.f32.msk $0xffff, v18  }
0x459: {  	v3 =	vadd.s32 v13, v3;
	v11 =	vadd.s32 v24, v11;
	[tilespmem:v55+s2+$0x0] =	vst.idx.add.f32.msk $0xffff, v21  }
0x45a: {  	[tilespmem:v4+s2+$0x0] =	vst.idx.add.f32.msk $0xffff, v22;
	v4 =	vadd.s32 v23, v3  }
0x45b: {  	v10 =	vnsel vm1, $0x0, v10;
	v15 =	vadd.s32 v20, v15;
	[tilespmem:v56+s23+$0x0] =	vst.idx.add.f32.msk $0xffff, v25  }
0x45c: {  	v2 =	vnsel vm0, $0x2F, v2;
	v10 =	vadd.s32 v10, v1;
	v3 =	vadd.s32 v20, v3;
	[tilespmem:v58+s23+$0x0] =	vst.idx.add.f32.msk $0xffff, v26  }
0x45d: {  	v1 =	vor.u32 v2, v1;
	v2 =	vadd.s32 v27, v10;
	[tilespmem:v62+s23+$0x0] =	vst.idx.add.f32.msk $0xffff, v12  }
0x45e: {  	[tilespmem:v11+s23+$0x0] =	vst.idx.add.f32.msk $0xffff, v14;
	v11 =	vadd.s32 v27, v1  }
0x45f: {  	v10 =	vadd.s32 v24, v10;
	[tilespmem:v4+s2+$0x0] =	vst.idx.add.f32.msk $0xffff, v18  }
0x460: {  	p0 =	slt.u32 s31, $0xE;
	v1 =	vadd.s32 v24, v1;
	[tilespmem:v15+s2+$0x0] =	vst.idx.add.f32.msk $0xffff, v21  }
.Ltmp17:
0x461: {  	[tilespmem:v3+s2+$0x0] =	vst.idx.add.f32.msk $0xffff, v22;
	(pc) =	sbr.rel @p0 .LBB2_32-.Ltmp17, $4  }
0x462: {  	[tilespmem:v2+s23+$0x0] =	vst.idx.add.f32.msk $0xffff, v25  }
0x463: {  	[tilespmem:v11+s23+$0x0] =	vst.idx.add.f32.msk $0xffff, v26  }
0x464: {  	s1 =	sadd.s32 $0x2, s31;
	[tilespmem:v10+s23+$0x0] =	vst.idx.add.f32.msk $0xffff, v12  }
0x465: {  	s30 =	sadd.s32 $0x600, s30;
	s0 =	sadd.s32 $0x600, s0;
	s31 =	smov.u32 s1;
	[tilespmem:v1+s23+$0x0] =	vst.idx.add.f32.msk $0xffff, v14  }
0x466: {  	s0 =	rddreg [dreg:$0x6];
	s1 =	simm.s32 $0x400  }
0x467: {  	[hbm4b:s0+s29] =	stream.strided.scatter [tilespmem:s2], [sflag:$0x1], $0x12000, s1, s29, $0x38;
	[tilespmem:$0x1B000] =	vst v63  }
0x468: {  	s25 =	rddreg [dreg:$0x7];
	s26 =	simm.s32 $0x1  }
0x469: {  	[hbm4b:s25+s29] =	stream.strided.scatter [tilespmem:s23], [sflag:$0x2], $0x6000, s1, s29, $0x38;
	[tilespmem:$0x1B000] =	vst v63  }
0x46a: {  	_ =	swait.ge [sflag:s26], $0x12000  }
0x46b: {  	[sflag:s26] =	ssyncset.done $0x0  }
0x46c: {  	s30 =	simm.s32 $0x2;
	[sflag:s26] =	ssyncadd.s32 $0xFFFEE000  }
0x46d: {  	_ =	swait.ge [sflag:s30], $0x6000  }
0x46e: {  	s8 =	rddreg [dreg:$0x9]  }
0x46f: {  	s31 =	rddreg [dreg:$0x8];
	s8 =	sadd.s32 $0x1, s8  }
0x470: {  	p0 =	sne.s32 s8, s31  }
.Ltmp18:
0x471: {  	_ = 	snop;
	(pc) =	sbr.rel @p0 .LBB2_1-.Ltmp18, $3  }
0x472: {  	_ =	sdelay $0x1  }
0x473: {  	[sflag:s30] =	ssyncset.done $0x0  }
0x474: {  	[sflag:s30] =	ssyncadd.s32 $0xFFFFA000  }
0x475: {  	_ =	sfence.sel $0x180000  }
0x476: {  	[bflag:$0x0] =	sbarrier.arrive $0xFFFF  }
0x477: {  	_ =	strace $0x90000047  }
0x478: {  	s0 =	stileid.u32;
	[bflag:$0x2] =	sbarrier.arrive $0xFFFF  }
0x479: {  	p0 =	sne.s32 s0, $0x0;
	s0 =	rddreg [dreg:$0x1]  }
0x47a: {  	s0 =	sadd.s32 @!p0 $0x100000, s0  }
0x47b: {  	[sflag:s0] =	ssyncadd.tile.s32 @!p0 $0x1;
	_ =	shalt  }
.Lfunc_end2:
_tile_overlayer_lowered:
.L_overlay_start_2:
0x47c: {  	(tag) =	ssettag $0x2  }
0x47d: {  	s0 =	rddreg [dreg:$0x0];
	s2 =	stileid.u32  }
0x47e: {  	s1 =	rddreg [dreg:$0x1];
	p0 =	sne.s32 s2, $0x0  }
0x47f: {  	s3 =	rddreg [dreg:$0x2];
	[bflag:$0x3] =	sbarrier.arrive $0xFFFF;
	s2 =	simm.s32 @!p0 $0x1C04  }
0x480: {  	[timem:s3], [sflag:s2] =	dma.local @!p0 [hbm:s0], s1  }
0x481: {  	s0 =	simm.s32 @!p0 $0x4  }
0x482: {  	_ =	swait.ge @!p0 [sflag:s0], s1  }
0x483: {  	s1 =	ssub.s32 @!p0 $0x0, s1;
	[sflag:s0] =	ssyncset.done @!p0 $0x0  }
0x484: {  	[sflag:s0] =	ssyncadd.s32 @!p0 s1  }
0x485: {  	[bflag:$0x3] =	sbarrier.arrive $0xFFFF  }
0x486: {  	_ =	shalt  }

</sc_bundles>
